<compile_context>
chip_gen: v7x
topology: tpu7x:2x2x1
jax: 0.10.2.dev20260603
libtpu: 0.0.44.dev20260713+nightly
codegen_flags: <defaults>
</compile_context>

<pallas_src>
import functools

import jax
import jax.numpy as jnp
from jax import lax
from jax.experimental import pallas as pl
from jax.experimental.pallas import tpu as pltpu
from jax.experimental.pallas import tpu_sc as plsc

_NUM_CORES = 2
_NUM_SUBCORES = 16
_NUM_WORKERS = _NUM_CORES * _NUM_SUBCORES

_V_TILE = 4096

_LANES = 128
_SUBL = 8


def _flat_geom(vocab):
    nmain = (vocab // _LANES) * _LANES
    gstride = ((nmain // _LANES) + 1) * _LANES * _SUBL
    return nmain, gstride


@functools.lru_cache(maxsize=None)
def _make_flatten(vocab, nrows, row0, interpret=False):
    nmain, gstride = _flat_geom(vocab)
    nvreg = nmain // _LANES

    def body(in_ref, out_ref):
        x = in_ref[...]
        main = (
            x[:, :nmain]
            .reshape(_SUBL, nvreg, _LANES)
            .transpose(1, 0, 2)
            .reshape(nmain * _SUBL)
        )
        out_ref[pl.ds(0, nmain * _SUBL)] = main
        side = jnp.pad(
            x[:, nmain:], ((0, 0), (0, _LANES - (vocab - nmain)))
        ).reshape(_SUBL * _LANES)
        out_ref[pl.ds(nmain * _SUBL, _SUBL * _LANES)] = side

    g0 = row0 // _SUBL
    return pl.pallas_call(
        body,
        grid=(nrows // _SUBL,),
        in_specs=[pl.BlockSpec((_SUBL, vocab), lambda j: (j + g0, 0))],
        out_specs=pl.BlockSpec((gstride,), lambda j: (j,)),
        out_shape=jax.ShapeDtypeStruct(((nrows // _SUBL) * gstride,), jnp.float32),
        interpret=interpret,
    )


@functools.lru_cache(maxsize=None)
def _make_gather_t(vocab, embed, batch):
    assert embed % _NUM_WORKERS == 0
    nmain, gstride = _flat_geom(vocab)
    k_per_w = embed // _NUM_WORKERS
    n_chunks = batch // 128
    assert batch % 128 == 0
    mesh = plsc.VectorSubcoreMesh(core_axis_name="c", subcore_axis_name="s")

    def body(table_hbm, idx_hbm, out_hbm, idx_v, fidx_v, rows_v, sem):
        wid = lax.axis_index("s") * _NUM_CORES + lax.axis_index("c")
        k0 = wid * k_per_w
        pltpu.sync_copy(idx_hbm, idx_v)
        for kk in range(k_per_w):
            k = k0 + kk
            base = (k // _SUBL) * gstride + (k % _SUBL) * _LANES
            for i in range(batch // 16):
                iv = idx_v[pl.ds(i * 16, 16)]
                main_f = ((iv >> 7) << 10) + (iv & 127)
                side_f = nmain * _SUBL + (iv - nmain)
                fidx_v[kk, pl.ds(i * 16, 16)] = base + jnp.where(
                    iv < nmain, main_f, side_f
                )
        for kk in range(k_per_w):
            for c in range(n_chunks):
                pltpu.async_copy(
                    table_hbm.at[fidx_v.at[kk, pl.ds(c * 128, 128)]],
                    rows_v.at[kk, pl.ds(c * 128, 128)],
                    sem,
                )
        for kk in range(k_per_w):
            for c in range(n_chunks):
                pltpu.make_async_copy(
                    table_hbm.at[fidx_v.at[kk, pl.ds(c * 128, 128)]],
                    rows_v.at[kk, pl.ds(c * 128, 128)],
                    sem,
                ).wait()
        for kk in range(k_per_w):
            pltpu.sync_copy(rows_v.at[kk], out_hbm.at[k0 + kk])

    return pl.kernel(
        body,
        out_type=jax.ShapeDtypeStruct((embed, batch), jnp.float32),
        mesh=mesh,
        scratch_types=[
            pltpu.VMEM((batch,), jnp.int32),
            pltpu.VMEM((k_per_w, batch), jnp.int32),
            pltpu.VMEM((k_per_w, batch), jnp.float32),
            pltpu.SemaphoreType.DMA,
        ],
        compiler_params=pltpu.CompilerParams(use_tc_tiling_on_sc=False),
    )


def _proj_body(wt_ref, xt_ref, b_ref, out_ref):
    acc = lax.dot_general(
        wt_ref[...],
        xt_ref[...],
        dimension_numbers=(((0,), (0,)), ((), ())),
        preferred_element_type=jnp.float32,
    )
    ones = jnp.ones((1, acc.shape[1]), jnp.float32)
    out_ref[...] = acc + lax.dot_general(
        b_ref[...],
        ones,
        dimension_numbers=(((0,), (0,)), ((), ())),
        preferred_element_type=jnp.float32,
    )


@functools.lru_cache(maxsize=None)
def _make_proj(batch, embed, vocab, v_tile=_V_TILE, interpret=False):
    grid = (pl.cdiv(vocab, v_tile),)
    return pl.pallas_call(
        _proj_body,
        grid=grid,
        in_specs=[
            pl.BlockSpec((embed, v_tile), lambda j: (0, j)),
            pl.BlockSpec((embed, batch), lambda j: (0, 0)),
            pl.BlockSpec((1, v_tile), lambda j: (0, j)),
        ],
        out_specs=pl.BlockSpec((v_tile, batch), lambda j: (j, 0)),
        out_shape=jax.ShapeDtypeStruct((vocab, batch), jnp.float32),
        compiler_params=pltpu.CompilerParams(vmem_limit_bytes=100 * 1024 * 1024),
        interpret=interpret,
    )


def kernel(input_ids, token_embedding, head_w, head_b):
    vocab, embed = token_embedding.shape
    (batch,) = input_ids.shape
    idx = input_ids.astype(jnp.int32)
    table_flat = _make_flatten(vocab, embed, 0)(token_embedding.T)
    xt = _make_gather_t(vocab, embed, batch)(table_flat, idx)
    proj = _make_proj(batch, embed, vocab)
    out_t = proj(
        head_w.T,
        xt,
        head_b.reshape(1, vocab),
    )
    return out_t.T

# --- scband reference (transcript-rebuilt; emitter-appended) ---
"""Pipeline reference for scband-dummy-model-16020228014160 (READ-ONLY COPY).

The authoritative reference and input builder live on the scoring server;
editing this copy changes nothing except your own understanding.
"""

import jax, jax.numpy as jnp
import numpy as np

VOCAB = 100000
EMBED = 64
BATCH = 1024

def setup_inputs(seed: int = 0) -> dict:
    key = jax.random.key(seed)
    k1, k2, k3 = jax.random.split(key, 3)
    input_ids = jax.random.randint(k1, (BATCH,), 0, VOCAB, dtype=jnp.int64) if jax.config.jax_enable_x64 else jax.random.randint(k1, (BATCH,), 0, VOCAB, dtype=jnp.int32)
    # learned parameters per init_kwargs
    token_embedding = jax.random.normal(k2, (VOCAB, EMBED), dtype=jnp.float32) * 0.02
    head_w = jax.random.normal(k3, (VOCAB, EMBED), dtype=jnp.float32) * 0.02  # torch Linear weight: [out, in]
    head_b = jnp.zeros((VOCAB,), dtype=jnp.float32)
    return {"input_ids": input_ids, "token_embedding": token_embedding, "head_w": head_w, "head_b": head_b}

def reference(input_ids, token_embedding, head_w, head_b):
    # x = self.token_embedding(input_ids)
    x = jnp.take(token_embedding, input_ids, axis=0)  # [B, EMBED]
    # logits = self.head(x)
    logits = x @ head_w.T + head_b  # [B, VOCAB]
    return logits

if __name__ == "__main__":
    import jax
    _d = setup_inputs()
    print(jax.jit(kernel)(*tuple(_d.values())))

</pallas_src>

<mosaic_0001>
#map = affine_map<(d0, d1) -> (0)>
#map1 = affine_map<(d0, d1) -> (0, 0)>
module attributes {stable_mosaic.version = 14 : i64} {
  func.func @body(%arg0: i32, %arg1: i32, %arg2: memref<6406144xf32, #tpu.memory_space<hbm>>, %arg3: memref<1024xi32, #tpu.memory_space<hbm>>, %arg4: memref<64x1024xf32, #tpu.memory_space<hbm>>, %arg5: memref<1024xi32, #tpu.memory_space<vmem>>, %arg6: memref<2x1024xi32, #tpu.memory_space<vmem>>, %arg7: memref<2x1024xf32, #tpu.memory_space<vmem>>, %arg8: memref<!tpu.dma_semaphore, #tpu.memory_space<semaphore_mem>>) attributes {dimension_semantics = [#tpu.dimension_semantics<core_parallel>, #tpu.dimension_semantics<subcore_parallel>], iteration_bounds = array<i64: 2, 16>, scalar_prefetch = 0 : i64, scratch_operands = 4 : i64, tpu.core_type = #tpu.core_type<sc_vector_subcore>, window_params = [{transform_indices = #map}, {transform_indices = #map}, {transform_indices = #map1}]} {
    %mul3A = arith.constant 2 : i32
    %mul3A_0 = arith.muli %arg1, %mul3A : i32
    %add3A = arith.addi %mul3A_0, %arg0 : i32
    %mul3A_1 = arith.constant 2 : i32
    %mul3A_2 = arith.muli %add3A, %mul3A_1 : i32
    "tpu.region"() ({
      %run_scoped3A_4374 = tpu.sem_alloc : memref<!tpu.dma_semaphore, #tpu.memory_space<semaphore_mem>>
      tpu.enqueue_dma source(%arg3 : memref<1024xi32, #tpu.memory_space<hbm>>) target(%arg5 : memref<1024xi32, #tpu.memory_space<vmem>>) target_semaphore(%run_scoped3A_4374 : memref<!tpu.dma_semaphore, #tpu.memory_space<semaphore_mem>>)
      tpu.wait_dma2 semaphore(%run_scoped3A_4374 : memref<!tpu.dma_semaphore, #tpu.memory_space<semaphore_mem>>) src(%arg3 : memref<1024xi32, #tpu.memory_space<hbm>>) dst(%arg5 : memref<1024xi32, #tpu.memory_space<vmem>>)
      tpu.yield
    }) : () -> ()
    %add3A_3 = arith.constant 0 : i32
    %add3A_4 = arith.addi %mul3A_2, %add3A_3 : i32
    %jit3A = arith.constant 8 : i32
    %div3A = arith.divsi %add3A_4, %jit3A : i32
    %sign3A = arith.constant 0 : i32
    %sign3A_5 = arith.cmpi sgt, %add3A_4, %sign3A : i32
    %sign3A_6 = arith.extui %sign3A_5 : i1 to i32
    %sign3A_7 = arith.constant 0 : i32
    %sign3A_8 = arith.cmpi slt, %add3A_4, %sign3A_7 : i32
    %sign3A_9 = arith.extui %sign3A_8 : i1 to i32
    %sign3A_10 = arith.subi %sign3A_6, %sign3A_9 : i32
    %sign3A_11 = arith.constant 0 : i32
    %sign3A_12 = arith.cmpi sgt, %jit3A, %sign3A_11 : i32
    %sign3A_13 = arith.extui %sign3A_12 : i1 to i32
    %sign3A_14 = arith.constant 0 : i32
    %sign3A_15 = arith.cmpi slt, %jit3A, %sign3A_14 : i32
    %sign3A_16 = arith.extui %sign3A_15 : i1 to i32
    %sign3A_17 = arith.subi %sign3A_13, %sign3A_16 : i32
    %ne3A = arith.cmpi ne, %sign3A_10, %sign3A_17 : i32
    %rem3A = arith.remsi %add3A_4, %jit3A : i32
    %ne3A_18 = arith.constant 0 : i32
    %ne3A_19 = arith.cmpi ne, %rem3A, %ne3A_18 : i32
    %and3A = arith.andi %ne3A, %ne3A_19 : i1
    %sub3A = arith.constant 1 : i32
    %sub3A_20 = arith.subi %div3A, %sub3A : i32
    %select_n3A = arith.select %and3A, %sub3A_20, %div3A : i32
    %mul3A_21 = arith.constant 800768 : i32
    %mul3A_22 = arith.muli %select_n3A, %mul3A_21 : i32
    %jit3A_23 = arith.constant 8 : i32
    %eq3A = arith.constant 0 : i32
    %eq3A_24 = arith.cmpi eq, %jit3A_23, %eq3A : i32
    %jit3A_25 = arith.constant 1 : i32
    %select_n3A_26 = arith.select %eq3A_24, %jit3A_25, %jit3A_23 : i32
    %rem3A_27 = arith.remsi %add3A_4, %select_n3A_26 : i32
    %ne3A_28 = arith.constant 0 : i32
    %ne3A_29 = arith.cmpi ne, %rem3A_27, %ne3A_28 : i32
    %lt3A = arith.constant 0 : i32
    %lt3A_30 = arith.cmpi slt, %rem3A_27, %lt3A : i32
    %lt3A_31 = arith.constant 0 : i32
    %lt3A_32 = arith.cmpi slt, %select_n3A_26, %lt3A_31 : i32
    %ne3A_33 = arith.xori %lt3A_30, %lt3A_32 : i1
    %and3A_34 = arith.andi %ne3A_33, %ne3A_29 : i1
    %add3A_35 = arith.addi %rem3A_27, %select_n3A_26 : i32
    %select_n3A_36 = arith.select %and3A_34, %add3A_35, %rem3A_27 : i32
    %mul3A_37 = arith.constant 128 : i32
    %mul3A_38 = arith.muli %select_n3A_36, %mul3A_37 : i32
    %add3A_39 = arith.addi %mul3A_22, %mul3A_38 : i32
    %get3A = arith.constant 0 : index
    %get3A_40 = tpu.vector_load %arg5[%get3A] {strides = array<i32>} : memref<1024xi32, #tpu.memory_space<vmem>>, vector<16xi32>,
    %get3A_41 = vector.shape_cast %get3A_40 : vector<16xi32> to vector<16xi32>
    %shift_right_arithmetic3A = arith.constant 7 : i32
    %shift_right_arithmetic3A_42 = vector.broadcast %shift_right_arithmetic3A : i32 to vector<16xi32>
    %shift_right_arithmetic3A_43 = arith.shrsi %get3A_41, %shift_right_arithmetic3A_42 : vector<16xi32>
    %shift_left3A = arith.constant 10 : i32
    %shift_left3A_44 = vector.broadcast %shift_left3A : i32 to vector<16xi32>
    %shift_left3A_45 = arith.shli %shift_right_arithmetic3A_43, %shift_left3A_44 : vector<16xi32>
    %and3A_46 = arith.constant 127 : i32
    %and3A_47 = vector.broadcast %and3A_46 : i32 to vector<16xi32>
    %and3A_48 = arith.andi %get3A_41, %and3A_47 : vector<16xi32>
    %add3A_49 = arith.addi %shift_left3A_45, %and3A_48 : vector<16xi32>
    %sub3A_50 = arith.constant 99968 : i32
    %sub3A_51 = vector.broadcast %sub3A_50 : i32 to vector<16xi32>
    %sub3A_52 = arith.subi %get3A_41, %sub3A_51 : vector<16xi32>
    %add3A_53 = arith.constant 799744 : i32
    %add3A_54 = vector.broadcast %add3A_53 : i32 to vector<16xi32>
    %add3A_55 = arith.addi %add3A_54, %sub3A_52 : vector<16xi32>
    %lt3A_56 = arith.constant 99968 : i32
    %lt3A_57 = vector.broadcast %lt3A_56 : i32 to vector<16xi32>
    %lt3A_58 = arith.cmpi slt, %get3A_41, %lt3A_57 : vector<16xi32>
    %select_n3A_59 = arith.select %lt3A_58, %add3A_49, %add3A_55 : vector<16xi1>, vector<16xi32>
    %add3A_60 = vector.broadcast %add3A_39 : i32 to vector<16xi32>
    %add3A_61 = arith.addi %add3A_60, %select_n3A_59 : vector<16xi32>
    %swap3A = arith.constant 0 : i32
    %swap3A_62 = arith.index_cast %swap3A : i32 to index
    %swap3A_63 = arith.constant 0 : index
    %swap3A_64 = tpu.vector_load %arg6[%swap3A_62, %swap3A_63] {strides = array<i32>} : memref<2x1024xi32, #tpu.memory_space<vmem>>, vector<1x16xi32>,
    %swap3A_65 = vector.shape_cast %swap3A_64 : vector<1x16xi32> to vector<16xi32>
    %swap3A_66 = vector.shape_cast %add3A_61 : vector<16xi32> to vector<1x16xi32>
    tpu.vector_store %arg6[%swap3A_62, %swap3A_63], %swap3A_66 {strides = array<i32>} : memref<2x1024xi32, #tpu.memory_space<vmem>>, vector<1x16xi32>,
    %get3A_67 = arith.constant 16 : index
    %get3A_68 = tpu.vector_load %arg5[%get3A_67] {strides = array<i32>} : memref<1024xi32, #tpu.memory_space<vmem>>, vector<16xi32>,
    %get3A_69 = vector.shape_cast %get3A_68 : vector<16xi32> to vector<16xi32>
    %shift_right_arithmetic3A_70 = arith.constant 7 : i32
    %shift_right_arithmetic3A_71 = vector.broadcast %shift_right_arithmetic3A_70 : i32 to vector<16xi32>
    %shift_right_arithmetic3A_72 = arith.shrsi %get3A_69, %shift_right_arithmetic3A_71 : vector<16xi32>
    %shift_left3A_73 = arith.constant 10 : i32
    %shift_left3A_74 = vector.broadcast %shift_left3A_73 : i32 to vector<16xi32>
    %shift_left3A_75 = arith.shli %shift_right_arithmetic3A_72, %shift_left3A_74 : vector<16xi32>
    %and3A_76 = arith.constant 127 : i32
    %and3A_77 = vector.broadcast %and3A_76 : i32 to vector<16xi32>
    %and3A_78 = arith.andi %get3A_69, %and3A_77 : vector<16xi32>
    %add3A_79 = arith.addi %shift_left3A_75, %and3A_78 : vector<16xi32>
    %sub3A_80 = arith.constant 99968 : i32
    %sub3A_81 = vector.broadcast %sub3A_80 : i32 to vector<16xi32>
    %sub3A_82 = arith.subi %get3A_69, %sub3A_81 : vector<16xi32>
    %add3A_83 = arith.constant 799744 : i32
    %add3A_84 = vector.broadcast %add3A_83 : i32 to vector<16xi32>
    %add3A_85 = arith.addi %add3A_84, %sub3A_82 : vector<16xi32>
    %lt3A_86 = arith.constant 99968 : i32
    %lt3A_87 = vector.broadcast %lt3A_86 : i32 to vector<16xi32>
    %lt3A_88 = arith.cmpi slt, %get3A_69, %lt3A_87 : vector<16xi32>
    %select_n3A_89 = arith.select %lt3A_88, %add3A_79, %add3A_85 : vector<16xi1>, vector<16xi32>
    %add3A_90 = vector.broadcast %add3A_39 : i32 to vector<16xi32>
    %add3A_91 = arith.addi %add3A_90, %select_n3A_89 : vector<16xi32>
    %swap3A_92 = arith.constant 0 : i32
    %swap3A_93 = arith.index_cast %swap3A_92 : i32 to index
    %swap3A_94 = arith.constant 16 : index
    %swap3A_95 = tpu.vector_load %arg6[%swap3A_93, %swap3A_94] {strides = array<i32>} : memref<2x1024xi32, #tpu.memory_space<vmem>>, vector<1x16xi32>,
    %swap3A_96 = vector.shape_cast %swap3A_95 : vector<1x16xi32> to vector<16xi32>
    %swap3A_97 = vector.shape_cast %add3A_91 : vector<16xi32> to vector<1x16xi32>
    tpu.vector_store %arg6[%swap3A_93, %swap3A_94], %swap3A_97 {strides = array<i32>} : memref<2x1024xi32, #tpu.memory_space<vmem>>, vector<1x16xi32>,
    %get3A_98 = arith.constant 32 : index
    %get3A_99 = tpu.vector_load %arg5[%get3A_98] {strides = array<i32>} : memref<1024xi32, #tpu.memory_space<vmem>>, vector<16xi32>,
    %get3A_100 = vector.shape_cast %get3A_99 : vector<16xi32> to vector<16xi32>
    %shift_right_arithmetic3A_101 = arith.constant 7 : i32
    %shift_right_arithmetic3A_102 = vector.broadcast %shift_right_arithmetic3A_101 : i32 to vector<16xi32>
    %shift_right_arithmetic3A_103 = arith.shrsi %get3A_100, %shift_right_arithmetic3A_102 : vector<16xi32>
    %shift_left3A_104 = arith.constant 10 : i32
    %shift_left3A_105 = vector.broadcast %shift_left3A_104 : i32 to vector<16xi32>
    %shift_left3A_106 = arith.shli %shift_right_arithmetic3A_103, %shift_left3A_105 : vector<16xi32>
    %and3A_107 = arith.constant 127 : i32
    %and3A_108 = vector.broadcast %and3A_107 : i32 to vector<16xi32>
    %and3A_109 = arith.andi %get3A_100, %and3A_108 : vector<16xi32>
    %add3A_110 = arith.addi %shift_left3A_106, %and3A_109 : vector<16xi32>
    %sub3A_111 = arith.constant 99968 : i32
    %sub3A_112 = vector.broadcast %sub3A_111 : i32 to vector<16xi32>
    %sub3A_113 = arith.subi %get3A_100, %sub3A_112 : vector<16xi32>
    %add3A_114 = arith.constant 799744 : i32
    %add3A_115 = vector.broadcast %add3A_114 : i32 to vector<16xi32>
    %add3A_116 = arith.addi %add3A_115, %sub3A_113 : vector<16xi32>
    %lt3A_117 = arith.constant 99968 : i32
    %lt3A_118 = vector.broadcast %lt3A_117 : i32 to vector<16xi32>
    %lt3A_119 = arith.cmpi slt, %get3A_100, %lt3A_118 : vector<16xi32>
    %select_n3A_120 = arith.select %lt3A_119, %add3A_110, %add3A_116 : vector<16xi1>, vector<16xi32>
    %add3A_121 = vector.broadcast %add3A_39 : i32 to vector<16xi32>
    %add3A_122 = arith.addi %add3A_121, %select_n3A_120 : vector<16xi32>
    %swap3A_123 = arith.constant 0 : i32
    %swap3A_124 = arith.index_cast %swap3A_123 : i32 to index
    %swap3A_125 = arith.constant 32 : index
    %swap3A_126 = tpu.vector_load %arg6[%swap3A_124, %swap3A_125] {strides = array<i32>} : memref<2x1024xi32, #tpu.memory_space<vmem>>, vector<1x16xi32>,
    %swap3A_127 = vector.shape_cast %swap3A_126 : vector<1x16xi32> to vector<16xi32>
    %swap3A_128 = vector.shape_cast %add3A_122 : vector<16xi32> to vector<1x16xi32>
    tpu.vector_store %arg6[%swap3A_124, %swap3A_125], %swap3A_128 {strides = array<i32>} : memref<2x1024xi32, #tpu.memory_space<vmem>>, vector<1x16xi32>,
    %get3A_129 = arith.constant 48 : index
    %get3A_130 = tpu.vector_load %arg5[%get3A_129] {strides = array<i32>} : memref<1024xi32, #tpu.memory_space<vmem>>, vector<16xi32>,
    %get3A_131 = vector.shape_cast %get3A_130 : vector<16xi32> to vector<16xi32>
    %shift_right_arithmetic3A_132 = arith.constant 7 : i32
    %shift_right_arithmetic3A_133 = vector.broadcast %shift_right_arithmetic3A_132 : i32 to vector<16xi32>
    %shift_right_arithmetic3A_134 = arith.shrsi %get3A_131, %shift_right_arithmetic3A_133 : vector<16xi32>
    %shift_left3A_135 = arith.constant 10 : i32
    %shift_left3A_136 = vector.broadcast %shift_left3A_135 : i32 to vector<16xi32>
    %shift_left3A_137 = arith.shli %shift_right_arithmetic3A_134, %shift_left3A_136 : vector<16xi32>
    %and3A_138 = arith.constant 127 : i32
    %and3A_139 = vector.broadcast %and3A_138 : i32 to vector<16xi32>
    %and3A_140 = arith.andi %get3A_131, %and3A_139 : vector<16xi32>
    %add3A_141 = arith.addi %shift_left3A_137, %and3A_140 : vector<16xi32>
    %sub3A_142 = arith.constant 99968 : i32
    %sub3A_143 = vector.broadcast %sub3A_142 : i32 to vector<16xi32>
    %sub3A_144 = arith.subi %get3A_131, %sub3A_143 : vector<16xi32>
    %add3A_145 = arith.constant 799744 : i32
    %add3A_146 = vector.broadcast %add3A_145 : i32 to vector<16xi32>
    %add3A_147 = arith.addi %add3A_146, %sub3A_144 : vector<16xi32>
    %lt3A_148 = arith.constant 99968 : i32
    %lt3A_149 = vector.broadcast %lt3A_148 : i32 to vector<16xi32>
    %lt3A_150 = arith.cmpi slt, %get3A_131, %lt3A_149 : vector<16xi32>
    %select_n3A_151 = arith.select %lt3A_150, %add3A_141, %add3A_147 : vector<16xi1>, vector<16xi32>
    %add3A_152 = vector.broadcast %add3A_39 : i32 to vector<16xi32>
    %add3A_153 = arith.addi %add3A_152, %select_n3A_151 : vector<16xi32>
    %swap3A_154 = arith.constant 0 : i32
    %swap3A_155 = arith.index_cast %swap3A_154 : i32 to index
    %swap3A_156 = arith.constant 48 : index
    %swap3A_157 = tpu.vector_load %arg6[%swap3A_155, %swap3A_156] {strides = array<i32>} : memref<2x1024xi32, #tpu.memory_space<vmem>>, vector<1x16xi32>,
    %swap3A_158 = vector.shape_cast %swap3A_157 : vector<1x16xi32> to vector<16xi32>
    %swap3A_159 = vector.shape_cast %add3A_153 : vector<16xi32> to vector<1x16xi32>
    tpu.vector_store %arg6[%swap3A_155, %swap3A_156], %swap3A_159 {strides = array<i32>} : memref<2x1024xi32, #tpu.memory_space<vmem>>, vector<1x16xi32>,
    %get3A_160 = arith.constant 64 : index
    %get3A_161 = tpu.vector_load %arg5[%get3A_160] {strides = array<i32>} : memref<1024xi32, #tpu.memory_space<vmem>>, vector<16xi32>,
    %get3A_162 = vector.shape_cast %get3A_161 : vector<16xi32> to vector<16xi32>
    %shift_right_arithmetic3A_163 = arith.constant 7 : i32
    %shift_right_arithmetic3A_164 = vector.broadcast %shift_right_arithmetic3A_163 : i32 to vector<16xi32>
    %shift_right_arithmetic3A_165 = arith.shrsi %get3A_162, %shift_right_arithmetic3A_164 : vector<16xi32>
    %shift_left3A_166 = arith.constant 10 : i32
    %shift_left3A_167 = vector.broadcast %shift_left3A_166 : i32 to vector<16xi32>
    %shift_left3A_168 = arith.shli %shift_right_arithmetic3A_165, %shift_left3A_167 : vector<16xi32>
    %and3A_169 = arith.constant 127 : i32
    %and3A_170 = vector.broadcast %and3A_169 : i32 to vector<16xi32>
    %and3A_171 = arith.andi %get3A_162, %and3A_170 : vector<16xi32>
    %add3A_172 = arith.addi %shift_left3A_168, %and3A_171 : vector<16xi32>
    %sub3A_173 = arith.constant 99968 : i32
    %sub3A_174 = vector.broadcast %sub3A_173 : i32 to vector<16xi32>
    %sub3A_175 = arith.subi %get3A_162, %sub3A_174 : vector<16xi32>
    %add3A_176 = arith.constant 799744 : i32
    %add3A_177 = vector.broadcast %add3A_176 : i32 to vector<16xi32>
    %add3A_178 = arith.addi %add3A_177, %sub3A_175 : vector<16xi32>
    %lt3A_179 = arith.constant 99968 : i32
    %lt3A_180 = vector.broadcast %lt3A_179 : i32 to vector<16xi32>
    %lt3A_181 = arith.cmpi slt, %get3A_162, %lt3A_180 : vector<16xi32>
    %select_n3A_182 = arith.select %lt3A_181, %add3A_172, %add3A_178 : vector<16xi1>, vector<16xi32>
    %add3A_183 = vector.broadcast %add3A_39 : i32 to vector<16xi32>
    %add3A_184 = arith.addi %add3A_183, %select_n3A_182 : vector<16xi32>
    %swap3A_185 = arith.constant 0 : i32
    %swap3A_186 = arith.index_cast %swap3A_185 : i32 to index
    %swap3A_187 = arith.constant 64 : index
    %swap3A_188 = tpu.vector_load %arg6[%swap3A_186, %swap3A_187] {strides = array<i32>} : memref<2x1024xi32, #tpu.memory_space<vmem>>, vector<1x16xi32>,
    %swap3A_189 = vector.shape_cast %swap3A_188 : vector<1x16xi32> to vector<16xi32>
    %swap3A_190 = vector.shape_cast %add3A_184 : vector<16xi32> to vector<1x16xi32>
    tpu.vector_store %arg6[%swap3A_186, %swap3A_187], %swap3A_190 {strides = array<i32>} : memref<2x1024xi32, #tpu.memory_space<vmem>>, vector<1x16xi32>,
    %get3A_191 = arith.constant 80 : index
    %get3A_192 = tpu.vector_load %arg5[%get3A_191] {strides = array<i32>} : memref<1024xi32, #tpu.memory_space<vmem>>, vector<16xi32>,
    %get3A_193 = vector.shape_cast %get3A_192 : vector<16xi32> to vector<16xi32>
    %shift_right_arithmetic3A_194 = arith.constant 7 : i32
    %shift_right_arithmetic3A_195 = vector.broadcast %shift_right_arithmetic3A_194 : i32 to vector<16xi32>
    %shift_right_arithmetic3A_196 = arith.shrsi %get3A_193, %shift_right_arithmetic3A_195 : vector<16xi32>
    %shift_left3A_197 = arith.constant 10 : i32
    %shift_left3A_198 = vector.broadcast %shift_left3A_197 : i32 to vector<16xi32>
    %shift_left3A_199 = arith.shli %shift_right_arithmetic3A_196, %shift_left3A_198 : vector<16xi32>
    %and3A_200 = arith.constant 127 : i32
    %and3A_201 = vector.broadcast %and3A_200 : i32 to vector<16xi32>
    %and3A_202 = arith.andi %get3A_193, %and3A_201 : vector<16xi32>
    %add3A_203 = arith.addi %shift_left3A_199, %and3A_202 : vector<16xi32>
    %sub3A_204 = arith.constant 99968 : i32
    %sub3A_205 = vector.broadcast %sub3A_204 : i32 to vector<16xi32>
    %sub3A_206 = arith.subi %get3A_193, %sub3A_205 : vector<16xi32>
    %add3A_207 = arith.constant 799744 : i32
    %add3A_208 = vector.broadcast %add3A_207 : i32 to vector<16xi32>
    %add3A_209 = arith.addi %add3A_208, %sub3A_206 : vector<16xi32>
    %lt3A_210 = arith.constant 99968 : i32
    %lt3A_211 = vector.broadcast %lt3A_210 : i32 to vector<16xi32>
    %lt3A_212 = arith.cmpi slt, %get3A_193, %lt3A_211 : vector<16xi32>
    %select_n3A_213 = arith.select %lt3A_212, %add3A_203, %add3A_209 : vector<16xi1>, vector<16xi32>
    %add3A_214 = vector.broadcast %add3A_39 : i32 to vector<16xi32>
    %add3A_215 = arith.addi %add3A_214, %select_n3A_213 : vector<16xi32>
    %swap3A_216 = arith.constant 0 : i32
    %swap3A_217 = arith.index_cast %swap3A_216 : i32 to index
    %swap3A_218 = arith.constant 80 : index
    %swap3A_219 = tpu.vector_load %arg6[%swap3A_217, %swap3A_218] {strides = array<i32>} : memref<2x1024xi32, #tpu.memory_space<vmem>>, vector<1x16xi32>,
    %swap3A_220 = vector.shape_cast %swap3A_219 : vector<1x16xi32> to vector<16xi32>
    %swap3A_221 = vector.shape_cast %add3A_215 : vector<16xi32> to vector<1x16xi32>
    tpu.vector_store %arg6[%swap3A_217, %swap3A_218], %swap3A_221 {strides = array<i32>} : memref<2x1024xi32, #tpu.memory_space<vmem>>, vector<1x16xi32>,
    %get3A_222 = arith.constant 96 : index
    %get3A_223 = tpu.vector_load %arg5[%get3A_222] {strides = array<i32>} : memref<1024xi32, #tpu.memory_space<vmem>>, vector<16xi32>,
    %get3A_224 = vector.shape_cast %get3A_223 : vector<16xi32> to vector<16xi32>
    %shift_right_arithmetic3A_225 = arith.constant 7 : i32
    %shift_right_arithmetic3A_226 = vector.broadcast %shift_right_arithmetic3A_225 : i32 to vector<16xi32>
    %shift_right_arithmetic3A_227 = arith.shrsi %get3A_224, %shift_right_arithmetic3A_226 : vector<16xi32>
    %shift_left3A_228 = arith.constant 10 : i32
    %shift_left3A_229 = vector.broadcast %shift_left3A_228 : i32 to vector<16xi32>
    %shift_left3A_230 = arith.shli %shift_right_arithmetic3A_227, %shift_left3A_229 : vector<16xi32>
    %and3A_231 = arith.constant 127 : i32
    %and3A_232 = vector.broadcast %and3A_231 : i32 to vector<16xi32>
    %and3A_233 = arith.andi %get3A_224, %and3A_232 : vector<16xi32>
    %add3A_234 = arith.addi %shift_left3A_230, %and3A_233 : vector<16xi32>
    %sub3A_235 = arith.constant 99968 : i32
    %sub3A_236 = vector.broadcast %sub3A_235 : i32 to vector<16xi32>
    %sub3A_237 = arith.subi %get3A_224, %sub3A_236 : vector<16xi32>
    %add3A_238 = arith.constant 799744 : i32
    %add3A_239 = vector.broadcast %add3A_238 : i32 to vector<16xi32>
    %add3A_240 = arith.addi %add3A_239, %sub3A_237 : vector<16xi32>
    %lt3A_241 = arith.constant 99968 : i32
    %lt3A_242 = vector.broadcast %lt3A_241 : i32 to vector<16xi32>
    %lt3A_243 = arith.cmpi slt, %get3A_224, %lt3A_242 : vector<16xi32>
    %select_n3A_244 = arith.select %lt3A_243, %add3A_234, %add3A_240 : vector<16xi1>, vector<16xi32>
    %add3A_245 = vector.broadcast %add3A_39 : i32 to vector<16xi32>
    %add3A_246 = arith.addi %add3A_245, %select_n3A_244 : vector<16xi32>
    %swap3A_247 = arith.constant 0 : i32
    %swap3A_248 = arith.index_cast %swap3A_247 : i32 to index
    %swap3A_249 = arith.constant 96 : index
    %swap3A_250 = tpu.vector_load %arg6[%swap3A_248, %swap3A_249] {strides = array<i32>} : memref<2x1024xi32, #tpu.memory_space<vmem>>, vector<1x16xi32>,
    %swap3A_251 = vector.shape_cast %swap3A_250 : vector<1x16xi32> to vector<16xi32>
    %swap3A_252 = vector.shape_cast %add3A_246 : vector<16xi32> to vector<1x16xi32>
    tpu.vector_store %arg6[%swap3A_248, %swap3A_249], %swap3A_252 {strides = array<i32>} : memref<2x1024xi32, #tpu.memory_space<vmem>>, vector<1x16xi32>,
    %get3A_253 = arith.constant 112 : index
    %get3A_254 = tpu.vector_load %arg5[%get3A_253] {strides = array<i32>} : memref<1024xi32, #tpu.memory_space<vmem>>, vector<16xi32>,
    %get3A_255 = vector.shape_cast %get3A_254 : vector<16xi32> to vector<16xi32>
    %shift_right_arithmetic3A_256 = arith.constant 7 : i32
    %shift_right_arithmetic3A_257 = vector.broadcast %shift_right_arithmetic3A_256 : i32 to vector<16xi32>
    %shift_right_arithmetic3A_258 = arith.shrsi %get3A_255, %shift_right_arithmetic3A_257 : vector<16xi32>
    %shift_left3A_259 = arith.constant 10 : i32
    %shift_left3A_260 = vector.broadcast %shift_left3A_259 : i32 to vector<16xi32>
    %shift_left3A_261 = arith.shli %shift_right_arithmetic3A_258, %shift_left3A_260 : vector<16xi32>
    %and3A_262 = arith.constant 127 : i32
    %and3A_263 = vector.broadcast %and3A_262 : i32 to vector<16xi32>
    %and3A_264 = arith.andi %get3A_255, %and3A_263 : vector<16xi32>
    %add3A_265 = arith.addi %shift_left3A_261, %and3A_264 : vector<16xi32>
    %sub3A_266 = arith.constant 99968 : i32
    %sub3A_267 = vector.broadcast %sub3A_266 : i32 to vector<16xi32>
    %sub3A_268 = arith.subi %get3A_255, %sub3A_267 : vector<16xi32>
    %add3A_269 = arith.constant 799744 : i32
    %add3A_270 = vector.broadcast %add3A_269 : i32 to vector<16xi32>
    %add3A_271 = arith.addi %add3A_270, %sub3A_268 : vector<16xi32>
    %lt3A_272 = arith.constant 99968 : i32
    %lt3A_273 = vector.broadcast %lt3A_272 : i32 to vector<16xi32>
    %lt3A_274 = arith.cmpi slt, %get3A_255, %lt3A_273 : vector<16xi32>
    %select_n3A_275 = arith.select %lt3A_274, %add3A_265, %add3A_271 : vector<16xi1>, vector<16xi32>
    %add3A_276 = vector.broadcast %add3A_39 : i32 to vector<16xi32>
    %add3A_277 = arith.addi %add3A_276, %select_n3A_275 : vector<16xi32>
    %swap3A_278 = arith.constant 0 : i32
    %swap3A_279 = arith.index_cast %swap3A_278 : i32 to index
    %swap3A_280 = arith.constant 112 : index
    %swap3A_281 = tpu.vector_load %arg6[%swap3A_279, %swap3A_280] {strides = array<i32>} : memref<2x1024xi32, #tpu.memory_space<vmem>>, vector<1x16xi32>,
    %swap3A_282 = vector.shape_cast %swap3A_281 : vector<1x16xi32> to vector<16xi32>
    %swap3A_283 = vector.shape_cast %add3A_277 : vector<16xi32> to vector<1x16xi32>
    tpu.vector_store %arg6[%swap3A_279, %swap3A_280], %swap3A_283 {strides = array<i32>} : memref<2x1024xi32, #tpu.memory_space<vmem>>, vector<1x16xi32>,
    %get3A_284 = arith.constant 128 : index
    %get3A_285 = tpu.vector_load %arg5[%get3A_284] {strides = array<i32>} : memref<1024xi32, #tpu.memory_space<vmem>>, vector<16xi32>,
    %get3A_286 = vector.shape_cast %get3A_285 : vector<16xi32> to vector<16xi32>
    %shift_right_arithmetic3A_287 = arith.constant 7 : i32
    %shift_right_arithmetic3A_288 = vector.broadcast %shift_right_arithmetic3A_287 : i32 to vector<16xi32>
    %shift_right_arithmetic3A_289 = arith.shrsi %get3A_286, %shift_right_arithmetic3A_288 : vector<16xi32>
    %shift_left3A_290 = arith.constant 10 : i32
    %shift_left3A_291 = vector.broadcast %shift_left3A_290 : i32 to vector<16xi32>
    %shift_left3A_292 = arith.shli %shift_right_arithmetic3A_289, %shift_left3A_291 : vector<16xi32>
    %and3A_293 = arith.constant 127 : i32
    %and3A_294 = vector.broadcast %and3A_293 : i32 to vector<16xi32>
    %and3A_295 = arith.andi %get3A_286, %and3A_294 : vector<16xi32>
    %add3A_296 = arith.addi %shift_left3A_292, %and3A_295 : vector<16xi32>
    %sub3A_297 = arith.constant 99968 : i32
    %sub3A_298 = vector.broadcast %sub3A_297 : i32 to vector<16xi32>
    %sub3A_299 = arith.subi %get3A_286, %sub3A_298 : vector<16xi32>
    %add3A_300 = arith.constant 799744 : i32
    %add3A_301 = vector.broadcast %add3A_300 : i32 to vector<16xi32>
    %add3A_302 = arith.addi %add3A_301, %sub3A_299 : vector<16xi32>
    %lt3A_303 = arith.constant 99968 : i32
    %lt3A_304 = vector.broadcast %lt3A_303 : i32 to vector<16xi32>
    %lt3A_305 = arith.cmpi slt, %get3A_286, %lt3A_304 : vector<16xi32>
    %select_n3A_306 = arith.select %lt3A_305, %add3A_296, %add3A_302 : vector<16xi1>, vector<16xi32>
    %add3A_307 = vector.broadcast %add3A_39 : i32 to vector<16xi32>
    %add3A_308 = arith.addi %add3A_307, %select_n3A_306 : vector<16xi32>
    %swap3A_309 = arith.constant 0 : i32
    %swap3A_310 = arith.index_cast %swap3A_309 : i32 to index
    %swap3A_311 = arith.constant 128 : index
    %swap3A_312 = tpu.vector_load %arg6[%swap3A_310, %swap3A_311] {strides = array<i32>} : memref<2x1024xi32, #tpu.memory_space<vmem>>, vector<1x16xi32>,
    %swap3A_313 = vector.shape_cast %swap3A_312 : vector<1x16xi32> to vector<16xi32>
    %swap3A_314 = vector.shape_cast %add3A_308 : vector<16xi32> to vector<1x16xi32>
    tpu.vector_store %arg6[%swap3A_310, %swap3A_311], %swap3A_314 {strides = array<i32>} : memref<2x1024xi32, #tpu.memory_space<vmem>>, vector<1x16xi32>,
    %get3A_315 = arith.constant 144 : index
    %get3A_316 = tpu.vector_load %arg5[%get3A_315] {strides = array<i32>} : memref<1024xi32, #tpu.memory_space<vmem>>, vector<16xi32>,
    %get3A_317 = vector.shape_cast %get3A_316 : vector<16xi32> to vector<16xi32>
    %shift_right_arithmetic3A_318 = arith.constant 7 : i32
    %shift_right_arithmetic3A_319 = vector.broadcast %shift_right_arithmetic3A_318 : i32 to vector<16xi32>
    %shift_right_arithmetic3A_320 = arith.shrsi %get3A_317, %shift_right_arithmetic3A_319 : vector<16xi32>
    %shift_left3A_321 = arith.constant 10 : i32
    %shift_left3A_322 = vector.broadcast %shift_left3A_321 : i32 to vector<16xi32>
    %shift_left3A_323 = arith.shli %shift_right_arithmetic3A_320, %shift_left3A_322 : vector<16xi32>
    %and3A_324 = arith.constant 127 : i32
    %and3A_325 = vector.broadcast %and3A_324 : i32 to vector<16xi32>
    %and3A_326 = arith.andi %get3A_317, %and3A_325 : vector<16xi32>
    %add3A_327 = arith.addi %shift_left3A_323, %and3A_326 : vector<16xi32>
    %sub3A_328 = arith.constant 99968 : i32
    %sub3A_329 = vector.broadcast %sub3A_328 : i32 to vector<16xi32>
    %sub3A_330 = arith.subi %get3A_317, %sub3A_329 : vector<16xi32>
    %add3A_331 = arith.constant 799744 : i32
    %add3A_332 = vector.broadcast %add3A_331 : i32 to vector<16xi32>
    %add3A_333 = arith.addi %add3A_332, %sub3A_330 : vector<16xi32>
    %lt3A_334 = arith.constant 99968 : i32
    %lt3A_335 = vector.broadcast %lt3A_334 : i32 to vector<16xi32>
    %lt3A_336 = arith.cmpi slt, %get3A_317, %lt3A_335 : vector<16xi32>
    %select_n3A_337 = arith.select %lt3A_336, %add3A_327, %add3A_333 : vector<16xi1>, vector<16xi32>
    %add3A_338 = vector.broadcast %add3A_39 : i32 to vector<16xi32>
    %add3A_339 = arith.addi %add3A_338, %select_n3A_337 : vector<16xi32>
    %swap3A_340 = arith.constant 0 : i32
    %swap3A_341 = arith.index_cast %swap3A_340 : i32 to index
    %swap3A_342 = arith.constant 144 : index
    %swap3A_343 = tpu.vector_load %arg6[%swap3A_341, %swap3A_342] {strides = array<i32>} : memref<2x1024xi32, #tpu.memory_space<vmem>>, vector<1x16xi32>,
    %swap3A_344 = vector.shape_cast %swap3A_343 : vector<1x16xi32> to vector<16xi32>
    %swap3A_345 = vector.shape_cast %add3A_339 : vector<16xi32> to vector<1x16xi32>
    tpu.vector_store %arg6[%swap3A_341, %swap3A_342], %swap3A_345 {strides = array<i32>} : memref<2x1024xi32, #tpu.memory_space<vmem>>, vector<1x16xi32>,
    %get3A_346 = arith.constant 160 : index
    %get3A_347 = tpu.vector_load %arg5[%get3A_346] {strides = array<i32>} : memref<1024xi32, #tpu.memory_space<vmem>>, vector<16xi32>,
    %get3A_348 = vector.shape_cast %get3A_347 : vector<16xi32> to vector<16xi32>
    %shift_right_arithmetic3A_349 = arith.constant 7 : i32
    %shift_right_arithmetic3A_350 = vector.broadcast %shift_right_arithmetic3A_349 : i32 to vector<16xi32>
    %shift_right_arithmetic3A_351 = arith.shrsi %get3A_348, %shift_right_arithmetic3A_350 : vector<16xi32>
    %shift_left3A_352 = arith.constant 10 : i32
    %shift_left3A_353 = vector.broadcast %shift_left3A_352 : i32 to vector<16xi32>
    %shift_left3A_354 = arith.shli %shift_right_arithmetic3A_351, %shift_left3A_353 : vector<16xi32>
    %and3A_355 = arith.constant 127 : i32
    %and3A_356 = vector.broadcast %and3A_355 : i32 to vector<16xi32>
    %and3A_357 = arith.andi %get3A_348, %and3A_356 : vector<16xi32>
    %add3A_358 = arith.addi %shift_left3A_354, %and3A_357 : vector<16xi32>
    %sub3A_359 = arith.constant 99968 : i32
    %sub3A_360 = vector.broadcast %sub3A_359 : i32 to vector<16xi32>
    %sub3A_361 = arith.subi %get3A_348, %sub3A_360 : vector<16xi32>
    %add3A_362 = arith.constant 799744 : i32
    %add3A_363 = vector.broadcast %add3A_362 : i32 to vector<16xi32>
    %add3A_364 = arith.addi %add3A_363, %sub3A_361 : vector<16xi32>
    %lt3A_365 = arith.constant 99968 : i32
    %lt3A_366 = vector.broadcast %lt3A_365 : i32 to vector<16xi32>
    %lt3A_367 = arith.cmpi slt, %get3A_348, %lt3A_366 : vector<16xi32>
    %select_n3A_368 = arith.select %lt3A_367, %add3A_358, %add3A_364 : vector<16xi1>, vector<16xi32>
    %add3A_369 = vector.broadcast %add3A_39 : i32 to vector<16xi32>
    %add3A_370 = arith.addi %add3A_369, %select_n3A_368 : vector<16xi32>
    %swap3A_371 = arith.constant 0 : i32
    %swap3A_372 = arith.index_cast %swap3A_371 : i32 to index
    %swap3A_373 = arith.constant 160 : index
    %swap3A_374 = tpu.vector_load %arg6[%swap3A_372, %swap3A_373] {strides = array<i32>} : memref<2x1024xi32, #tpu.memory_space<vmem>>, vector<1x16xi32>,
    %swap3A_375 = vector.shape_cast %swap3A_374 : vector<1x16xi32> to vector<16xi32>
    %swap3A_376 = vector.shape_cast %add3A_370 : vector<16xi32> to vector<1x16xi32>
    tpu.vector_store %arg6[%swap3A_372, %swap3A_373], %swap3A_376 {strides = array<i32>} : memref<2x1024xi32, #tpu.memory_space<vmem>>, vector<1x16xi32>,
    %get3A_377 = arith.constant 176 : index
    %get3A_378 = tpu.vector_load %arg5[%get3A_377] {strides = array<i32>} : memref<1024xi32, #tpu.memory_space<vmem>>, vector<16xi32>,
    %get3A_379 = vector.shape_cast %get3A_378 : vector<16xi32> to vector<16xi32>
    %shift_right_arithmetic3A_380 = arith.constant 7 : i32
    %shift_right_arithmetic3A_381 = vector.broadcast %shift_right_arithmetic3A_380 : i32 to vector<16xi32>
    %shift_right_arithmetic3A_382 = arith.shrsi %get3A_379, %shift_right_arithmetic3A_381 : vector<16xi32>
    %shift_left3A_383 = arith.constant 10 : i32
    %shift_left3A_384 = vector.broadcast %shift_left3A_383 : i32 to vector<16xi32>
    %shift_left3A_385 = arith.shli %shift_right_arithmetic3A_382, %shift_left3A_384 : vector<16xi32>
    %and3A_386 = arith.constant 127 : i32
    %and3A_387 = vector.broadcast %and3A_386 : i32 to vector<16xi32>
    %and3A_388 = arith.andi %get3A_379, %and3A_387 : vector<16xi32>
    %add3A_389 = arith.addi %shift_left3A_385, %and3A_388 : vector<16xi32>
    %sub3A_390 = arith.constant 99968 : i32
    %sub3A_391 = vector.broadcast %sub3A_390 : i32 to vector<16xi32>
    %sub3A_392 = arith.subi %get3A_379, %sub3A_391 : vector<16xi32>
    %add3A_393 = arith.constant 799744 : i32
    %add3A_394 = vector.broadcast %add3A_393 : i32 to vector<16xi32>
    %add3A_395 = arith.addi %add3A_394, %sub3A_392 : vector<16xi32>
    %lt3A_396 = arith.constant 99968 : i32
    %lt3A_397 = vector.broadcast %lt3A_396 : i32 to vector<16xi32>
    %lt3A_398 = arith.cmpi slt, %get3A_379, %lt3A_397 : vector<16xi32>
    %select_n3A_399 = arith.select %lt3A_398, %add3A_389, %add3A_395 : vector<16xi1>, vector<16xi32>
    %add3A_400 = vector.broadcast %add3A_39 : i32 to vector<16xi32>
    %add3A_401 = arith.addi %add3A_400, %select_n3A_399 : vector<16xi32>
    %swap3A_402 = arith.constant 0 : i32
    %swap3A_403 = arith.index_cast %swap3A_402 : i32 to index
    %swap3A_404 = arith.constant 176 : index
    %swap3A_405 = tpu.vector_load %arg6[%swap3A_403, %swap3A_404] {strides = array<i32>} : memref<2x1024xi32, #tpu.memory_space<vmem>>, vector<1x16xi32>,
    %swap3A_406 = vector.shape_cast %swap3A_405 : vector<1x16xi32> to vector<16xi32>
    %swap3A_407 = vector.shape_cast %add3A_401 : vector<16xi32> to vector<1x16xi32>
    tpu.vector_store %arg6[%swap3A_403, %swap3A_404], %swap3A_407 {strides = array<i32>} : memref<2x1024xi32, #tpu.memory_space<vmem>>, vector<1x16xi32>,
    %get3A_408 = arith.constant 192 : index
    %get3A_409 = tpu.vector_load %arg5[%get3A_408] {strides = array<i32>} : memref<1024xi32, #tpu.memory_space<vmem>>, vector<16xi32>,
    %get3A_410 = vector.shape_cast %get3A_409 : vector<16xi32> to vector<16xi32>
    %shift_right_arithmetic3A_411 = arith.constant 7 : i32
    %shift_right_arithmetic3A_412 = vector.broadcast %shift_right_arithmetic3A_411 : i32 to vector<16xi32>
    %shift_right_arithmetic3A_413 = arith.shrsi %get3A_410, %shift_right_arithmetic3A_412 : vector<16xi32>
    %shift_left3A_414 = arith.constant 10 : i32
    %shift_left3A_415 = vector.broadcast %shift_left3A_414 : i32 to vector<16xi32>
    %shift_left3A_416 = arith.shli %shift_right_arithmetic3A_413, %shift_left3A_415 : vector<16xi32>
    %and3A_417 = arith.constant 127 : i32
    %and3A_418 = vector.broadcast %and3A_417 : i32 to vector<16xi32>
    %and3A_419 = arith.andi %get3A_410, %and3A_418 : vector<16xi32>
    %add3A_420 = arith.addi %shift_left3A_416, %and3A_419 : vector<16xi32>
    %sub3A_421 = arith.constant 99968 : i32
    %sub3A_422 = vector.broadcast %sub3A_421 : i32 to vector<16xi32>
    %sub3A_423 = arith.subi %get3A_410, %sub3A_422 : vector<16xi32>
    %add3A_424 = arith.constant 799744 : i32
    %add3A_425 = vector.broadcast %add3A_424 : i32 to vector<16xi32>
    %add3A_426 = arith.addi %add3A_425, %sub3A_423 : vector<16xi32>
    %lt3A_427 = arith.constant 99968 : i32
    %lt3A_428 = vector.broadcast %lt3A_427 : i32 to vector<16xi32>
    %lt3A_429 = arith.cmpi slt, %get3A_410, %lt3A_428 : vector<16xi32>
    %select_n3A_430 = arith.select %lt3A_429, %add3A_420, %add3A_426 : vector<16xi1>, vector<16xi32>
    %add3A_431 = vector.broadcast %add3A_39 : i32 to vector<16xi32>
    %add3A_432 = arith.addi %add3A_431, %select_n3A_430 : vector<16xi32>
    %swap3A_433 = arith.constant 0 : i32
    %swap3A_434 = arith.index_cast %swap3A_433 : i32 to index
    %swap3A_435 = arith.constant 192 : index
    %swap3A_436 = tpu.vector_load %arg6[%swap3A_434, %swap3A_435] {strides = array<i32>} : memref<2x1024xi32, #tpu.memory_space<vmem>>, vector<1x16xi32>,
    %swap3A_437 = vector.shape_cast %swap3A_436 : vector<1x16xi32> to vector<16xi32>
    %swap3A_438 = vector.shape_cast %add3A_432 : vector<16xi32> to vector<1x16xi32>
    tpu.vector_store %arg6[%swap3A_434, %swap3A_435], %swap3A_438 {strides = array<i32>} : memref<2x1024xi32, #tpu.memory_space<vmem>>, vector<1x16xi32>,
    %get3A_439 = arith.constant 208 : index
    %get3A_440 = tpu.vector_load %arg5[%get3A_439] {strides = array<i32>} : memref<1024xi32, #tpu.memory_space<vmem>>, vector<16xi32>,
    %get3A_441 = vector.shape_cast %get3A_440 : vector<16xi32> to vector<16xi32>
    %shift_right_arithmetic3A_442 = arith.constant 7 : i32
    %shift_right_arithmetic3A_443 = vector.broadcast %shift_right_arithmetic3A_442 : i32 to vector<16xi32>
    %shift_right_arithmetic3A_444 = arith.shrsi %get3A_441, %shift_right_arithmetic3A_443 : vector<16xi32>
    %shift_left3A_445 = arith.constant 10 : i32
    %shift_left3A_446 = vector.broadcast %shift_left3A_445 : i32 to vector<16xi32>
    %shift_left3A_447 = arith.shli %shift_right_arithmetic3A_444, %shift_left3A_446 : vector<16xi32>
    %and3A_448 = arith.constant 127 : i32
    %and3A_449 = vector.broadcast %and3A_448 : i32 to vector<16xi32>
    %and3A_450 = arith.andi %get3A_441, %and3A_449 : vector<16xi32>
    %add3A_451 = arith.addi %shift_left3A_447, %and3A_450 : vector<16xi32>
    %sub3A_452 = arith.constant 99968 : i32
    %sub3A_453 = vector.broadcast %sub3A_452 : i32 to vector<16xi32>
    %sub3A_454 = arith.subi %get3A_441, %sub3A_453 : vector<16xi32>
    %add3A_455 = arith.constant 799744 : i32
    %add3A_456 = vector.broadcast %add3A_455 : i32 to vector<16xi32>
    %add3A_457 = arith.addi %add3A_456, %sub3A_454 : vector<16xi32>
    %lt3A_458 = arith.constant 99968 : i32
    %lt3A_459 = vector.broadcast %lt3A_458 : i32 to vector<16xi32>
    %lt3A_460 = arith.cmpi slt, %get3A_441, %lt3A_459 : vector<16xi32>
    %select_n3A_461 = arith.select %lt3A_460, %add3A_451, %add3A_457 : vector<16xi1>, vector<16xi32>
    %add3A_462 = vector.broadcast %add3A_39 : i32 to vector<16xi32>
    %add3A_463 = arith.addi %add3A_462, %select_n3A_461 : vector<16xi32>
    %swap3A_464 = arith.constant 0 : i32
    %swap3A_465 = arith.index_cast %swap3A_464 : i32 to index
    %swap3A_466 = arith.constant 208 : index
    %swap3A_467 = tpu.vector_load %arg6[%swap3A_465, %swap3A_466] {strides = array<i32>} : memref<2x1024xi32, #tpu.memory_space<vmem>>, vector<1x16xi32>,
    %swap3A_468 = vector.shape_cast %swap3A_467 : vector<1x16xi32> to vector<16xi32>
    %swap3A_469 = vector.shape_cast %add3A_463 : vector<16xi32> to vector<1x16xi32>
    tpu.vector_store %arg6[%swap3A_465, %swap3A_466], %swap3A_469 {strides = array<i32>} : memref<2x1024xi32, #tpu.memory_space<vmem>>, vector<1x16xi32>,
    %get3A_470 = arith.constant 224 : index
    %get3A_471 = tpu.vector_load %arg5[%get3A_470] {strides = array<i32>} : memref<1024xi32, #tpu.memory_space<vmem>>, vector<16xi32>,
    %get3A_472 = vector.shape_cast %get3A_471 : vector<16xi32> to vector<16xi32>
    %shift_right_arithmetic3A_473 = arith.constant 7 : i32
    %shift_right_arithmetic3A_474 = vector.broadcast %shift_right_arithmetic3A_473 : i32 to vector<16xi32>
    %shift_right_arithmetic3A_475 = arith.shrsi %get3A_472, %shift_right_arithmetic3A_474 : vector<16xi32>
    %shift_left3A_476 = arith.constant 10 : i32
    %shift_left3A_477 = vector.broadcast %shift_left3A_476 : i32 to vector<16xi32>
    %shift_left3A_478 = arith.shli %shift_right_arithmetic3A_475, %shift_left3A_477 : vector<16xi32>
    %and3A_479 = arith.constant 127 : i32
    %and3A_480 = vector.broadcast %and3A_479 : i32 to vector<16xi32>
    %and3A_481 = arith.andi %get3A_472, %and3A_480 : vector<16xi32>
    %add3A_482 = arith.addi %shift_left3A_478, %and3A_481 : vector<16xi32>
    %sub3A_483 = arith.constant 99968 : i32
    %sub3A_484 = vector.broadcast %sub3A_483 : i32 to vector<16xi32>
    %sub3A_485 = arith.subi %get3A_472, %sub3A_484 : vector<16xi32>
    %add3A_486 = arith.constant 799744 : i32
    %add3A_487 = vector.broadcast %add3A_486 : i32 to vector<16xi32>
    %add3A_488 = arith.addi %add3A_487, %sub3A_485 : vector<16xi32>
    %lt3A_489 = arith.constant 99968 : i32
    %lt3A_490 = vector.broadcast %lt3A_489 : i32 to vector<16xi32>
    %lt3A_491 = arith.cmpi slt, %get3A_472, %lt3A_490 : vector<16xi32>
    %select_n3A_492 = arith.select %lt3A_491, %add3A_482, %add3A_488 : vector<16xi1>, vector<16xi32>
    %add3A_493 = vector.broadcast %add3A_39 : i32 to vector<16xi32>
    %add3A_494 = arith.addi %add3A_493, %select_n3A_492 : vector<16xi32>
    %swap3A_495 = arith.constant 0 : i32
    %swap3A_496 = arith.index_cast %swap3A_495 : i32 to index
    %swap3A_497 = arith.constant 224 : index
    %swap3A_498 = tpu.vector_load %arg6[%swap3A_496, %swap3A_497] {strides = array<i32>} : memref<2x1024xi32, #tpu.memory_space<vmem>>, vector<1x16xi32>,
    %swap3A_499 = vector.shape_cast %swap3A_498 : vector<1x16xi32> to vector<16xi32>
    %swap3A_500 = vector.shape_cast %add3A_494 : vector<16xi32> to vector<1x16xi32>
    tpu.vector_store %arg6[%swap3A_496, %swap3A_497], %swap3A_500 {strides = array<i32>} : memref<2x1024xi32, #tpu.memory_space<vmem>>, vector<1x16xi32>,
    %get3A_501 = arith.constant 240 : index
    %get3A_502 = tpu.vector_load %arg5[%get3A_501] {strides = array<i32>} : memref<1024xi32, #tpu.memory_space<vmem>>, vector<16xi32>,
    %get3A_503 = vector.shape_cast %get3A_502 : vector<16xi32> to vector<16xi32>
    %shift_right_arithmetic3A_504 = arith.constant 7 : i32
    %shift_right_arithmetic3A_505 = vector.broadcast %shift_right_arithmetic3A_504 : i32 to vector<16xi32>
    %shift_right_arithmetic3A_506 = arith.shrsi %get3A_503, %shift_right_arithmetic3A_505 : vector<16xi32>
    %shift_left3A_507 = arith.constant 10 : i32
    %shift_left3A_508 = vector.broadcast %shift_left3A_507 : i32 to vector<16xi32>
    %shift_left3A_509 = arith.shli %shift_right_arithmetic3A_506, %shift_left3A_508 : vector<16xi32>
    %and3A_510 = arith.constant 127 : i32
    %and3A_511 = vector.broadcast %and3A_510 : i32 to vector<16xi32>
    %and3A_512 = arith.andi %get3A_503, %and3A_511 : vector<16xi32>
    %add3A_513 = arith.addi %shift_left3A_509, %and3A_512 : vector<16xi32>
    %sub3A_514 = arith.constant 99968 : i32
    %sub3A_515 = vector.broadcast %sub3A_514 : i32 to vector<16xi32>
    %sub3A_516 = arith.subi %get3A_503, %sub3A_515 : vector<16xi32>
    %add3A_517 = arith.constant 799744 : i32
    %add3A_518 = vector.broadcast %add3A_517 : i32 to vector<16xi32>
    %add3A_519 = arith.addi %add3A_518, %sub3A_516 : vector<16xi32>
    %lt3A_520 = arith.constant 99968 : i32
    %lt3A_521 = vector.broadcast %lt3A_520 : i32 to vector<16xi32>
    %lt3A_522 = arith.cmpi slt, %get3A_503, %lt3A_521 : vector<16xi32>
    %select_n3A_523 = arith.select %lt3A_522, %add3A_513, %add3A_519 : vector<16xi1>, vector<16xi32>
    %add3A_524 = vector.broadcast %add3A_39 : i32 to vector<16xi32>
    %add3A_525 = arith.addi %add3A_524, %select_n3A_523 : vector<16xi32>
    %swap3A_526 = arith.constant 0 : i32
    %swap3A_527 = arith.index_cast %swap3A_526 : i32 to index
    %swap3A_528 = arith.constant 240 : index
    %swap3A_529 = tpu.vector_load %arg6[%swap3A_527, %swap3A_528] {strides = array<i32>} : memref<2x1024xi32, #tpu.memory_space<vmem>>, vector<1x16xi32>,
    %swap3A_530 = vector.shape_cast %swap3A_529 : vector<1x16xi32> to vector<16xi32>
    %swap3A_531 = vector.shape_cast %add3A_525 : vector<16xi32> to vector<1x16xi32>
    tpu.vector_store %arg6[%swap3A_527, %swap3A_528], %swap3A_531 {strides = array<i32>} : memref<2x1024xi32, #tpu.memory_space<vmem>>, vector<1x16xi32>,
    %get3A_532 = arith.constant 256 : index
    %get3A_533 = tpu.vector_load %arg5[%get3A_532] {strides = array<i32>} : memref<1024xi32, #tpu.memory_space<vmem>>, vector<16xi32>,
    %get3A_534 = vector.shape_cast %get3A_533 : vector<16xi32> to vector<16xi32>
    %shift_right_arithmetic3A_535 = arith.constant 7 : i32
    %shift_right_arithmetic3A_536 = vector.broadcast %shift_right_arithmetic3A_535 : i32 to vector<16xi32>
    %shift_right_arithmetic3A_537 = arith.shrsi %get3A_534, %shift_right_arithmetic3A_536 : vector<16xi32>
    %shift_left3A_538 = arith.constant 10 : i32
    %shift_left3A_539 = vector.broadcast %shift_left3A_538 : i32 to vector<16xi32>
    %shift_left3A_540 = arith.shli %shift_right_arithmetic3A_537, %shift_left3A_539 : vector<16xi32>
    %and3A_541 = arith.constant 127 : i32
    %and3A_542 = vector.broadcast %and3A_541 : i32 to vector<16xi32>
    %and3A_543 = arith.andi %get3A_534, %and3A_542 : vector<16xi32>
    %add3A_544 = arith.addi %shift_left3A_540, %and3A_543 : vector<16xi32>
    %sub3A_545 = arith.constant 99968 : i32
    %sub3A_546 = vector.broadcast %sub3A_545 : i32 to vector<16xi32>
    %sub3A_547 = arith.subi %get3A_534, %sub3A_546 : vector<16xi32>
    %add3A_548 = arith.constant 799744 : i32
    %add3A_549 = vector.broadcast %add3A_548 : i32 to vector<16xi32>
    %add3A_550 = arith.addi %add3A_549, %sub3A_547 : vector<16xi32>
    %lt3A_551 = arith.constant 99968 : i32
    %lt3A_552 = vector.broadcast %lt3A_551 : i32 to vector<16xi32>
    %lt3A_553 = arith.cmpi slt, %get3A_534, %lt3A_552 : vector<16xi32>
    %select_n3A_554 = arith.select %lt3A_553, %add3A_544, %add3A_550 : vector<16xi1>, vector<16xi32>
    %add3A_555 = vector.broadcast %add3A_39 : i32 to vector<16xi32>
    %add3A_556 = arith.addi %add3A_555, %select_n3A_554 : vector<16xi32>
    %swap3A_557 = arith.constant 0 : i32
    %swap3A_558 = arith.index_cast %swap3A_557 : i32 to index
    %swap3A_559 = arith.constant 256 : index
    %swap3A_560 = tpu.vector_load %arg6[%swap3A_558, %swap3A_559] {strides = array<i32>} : memref<2x1024xi32, #tpu.memory_space<vmem>>, vector<1x16xi32>,
    %swap3A_561 = vector.shape_cast %swap3A_560 : vector<1x16xi32> to vector<16xi32>
    %swap3A_562 = vector.shape_cast %add3A_556 : vector<16xi32> to vector<1x16xi32>
    tpu.vector_store %arg6[%swap3A_558, %swap3A_559], %swap3A_562 {strides = array<i32>} : memref<2x1024xi32, #tpu.memory_space<vmem>>, vector<1x16xi32>,
    %get3A_563 = arith.constant 272 : index
    %get3A_564 = tpu.vector_load %arg5[%get3A_563] {strides = array<i32>} : memref<1024xi32, #tpu.memory_space<vmem>>, vector<16xi32>,
    %get3A_565 = vector.shape_cast %get3A_564 : vector<16xi32> to vector<16xi32>
    %shift_right_arithmetic3A_566 = arith.constant 7 : i32
    %shift_right_arithmetic3A_567 = vector.broadcast %shift_right_arithmetic3A_566 : i32 to vector<16xi32>
    %shift_right_arithmetic3A_568 = arith.shrsi %get3A_565, %shift_right_arithmetic3A_567 : vector<16xi32>
    %shift_left3A_569 = arith.constant 10 : i32
    %shift_left3A_570 = vector.broadcast %shift_left3A_569 : i32 to vector<16xi32>
    %shift_left3A_571 = arith.shli %shift_right_arithmetic3A_568, %shift_left3A_570 : vector<16xi32>
    %and3A_572 = arith.constant 127 : i32
    %and3A_573 = vector.broadcast %and3A_572 : i32 to vector<16xi32>
    %and3A_574 = arith.andi %get3A_565, %and3A_573 : vector<16xi32>
    %add3A_575 = arith.addi %shift_left3A_571, %and3A_574 : vector<16xi32>
    %sub3A_576 = arith.constant 99968 : i32
    %sub3A_577 = vector.broadcast %sub3A_576 : i32 to vector<16xi32>
    %sub3A_578 = arith.subi %get3A_565, %sub3A_577 : vector<16xi32>
    %add3A_579 = arith.constant 799744 : i32
    %add3A_580 = vector.broadcast %add3A_579 : i32 to vector<16xi32>
    %add3A_581 = arith.addi %add3A_580, %sub3A_578 : vector<16xi32>
    %lt3A_582 = arith.constant 99968 : i32
    %lt3A_583 = vector.broadcast %lt3A_582 : i32 to vector<16xi32>
    %lt3A_584 = arith.cmpi slt, %get3A_565, %lt3A_583 : vector<16xi32>
    %select_n3A_585 = arith.select %lt3A_584, %add3A_575, %add3A_581 : vector<16xi1>, vector<16xi32>
    %add3A_586 = vector.broadcast %add3A_39 : i32 to vector<16xi32>
    %add3A_587 = arith.addi %add3A_586, %select_n3A_585 : vector<16xi32>
    %swap3A_588 = arith.constant 0 : i32
    %swap3A_589 = arith.index_cast %swap3A_588 : i32 to index
    %swap3A_590 = arith.constant 272 : index
    %swap3A_591 = tpu.vector_load %arg6[%swap3A_589, %swap3A_590] {strides = array<i32>} : memref<2x1024xi32, #tpu.memory_space<vmem>>, vector<1x16xi32>,
    %swap3A_592 = vector.shape_cast %swap3A_591 : vector<1x16xi32> to vector<16xi32>
    %swap3A_593 = vector.shape_cast %add3A_587 : vector<16xi32> to vector<1x16xi32>
    tpu.vector_store %arg6[%swap3A_589, %swap3A_590], %swap3A_593 {strides = array<i32>} : memref<2x1024xi32, #tpu.memory_space<vmem>>, vector<1x16xi32>,
    %get3A_594 = arith.constant 288 : index
    %get3A_595 = tpu.vector_load %arg5[%get3A_594] {strides = array<i32>} : memref<1024xi32, #tpu.memory_space<vmem>>, vector<16xi32>,
    %get3A_596 = vector.shape_cast %get3A_595 : vector<16xi32> to vector<16xi32>
    %shift_right_arithmetic3A_597 = arith.constant 7 : i32
    %shift_right_arithmetic3A_598 = vector.broadcast %shift_right_arithmetic3A_597 : i32 to vector<16xi32>
    %shift_right_arithmetic3A_599 = arith.shrsi %get3A_596, %shift_right_arithmetic3A_598 : vector<16xi32>
    %shift_left3A_600 = arith.constant 10 : i32
    %shift_left3A_601 = vector.broadcast %shift_left3A_600 : i32 to vector<16xi32>
    %shift_left3A_602 = arith.shli %shift_right_arithmetic3A_599, %shift_left3A_601 : vector<16xi32>
    %and3A_603 = arith.constant 127 : i32
    %and3A_604 = vector.broadcast %and3A_603 : i32 to vector<16xi32>
    %and3A_605 = arith.andi %get3A_596, %and3A_604 : vector<16xi32>
    %add3A_606 = arith.addi %shift_left3A_602, %and3A_605 : vector<16xi32>
    %sub3A_607 = arith.constant 99968 : i32
    %sub3A_608 = vector.broadcast %sub3A_607 : i32 to vector<16xi32>
    %sub3A_609 = arith.subi %get3A_596, %sub3A_608 : vector<16xi32>
    %add3A_610 = arith.constant 799744 : i32
    %add3A_611 = vector.broadcast %add3A_610 : i32 to vector<16xi32>
    %add3A_612 = arith.addi %add3A_611, %sub3A_609 : vector<16xi32>
    %lt3A_613 = arith.constant 99968 : i32
    %lt3A_614 = vector.broadcast %lt3A_613 : i32 to vector<16xi32>
    %lt3A_615 = arith.cmpi slt, %get3A_596, %lt3A_614 : vector<16xi32>
    %select_n3A_616 = arith.select %lt3A_615, %add3A_606, %add3A_612 : vector<16xi1>, vector<16xi32>
    %add3A_617 = vector.broadcast %add3A_39 : i32 to vector<16xi32>
    %add3A_618 = arith.addi %add3A_617, %select_n3A_616 : vector<16xi32>
    %swap3A_619 = arith.constant 0 : i32
    %swap3A_620 = arith.index_cast %swap3A_619 : i32 to index
    %swap3A_621 = arith.constant 288 : index
    %swap3A_622 = tpu.vector_load %arg6[%swap3A_620, %swap3A_621] {strides = array<i32>} : memref<2x1024xi32, #tpu.memory_space<vmem>>, vector<1x16xi32>,
    %swap3A_623 = vector.shape_cast %swap3A_622 : vector<1x16xi32> to vector<16xi32>
    %swap3A_624 = vector.shape_cast %add3A_618 : vector<16xi32> to vector<1x16xi32>
    tpu.vector_store %arg6[%swap3A_620, %swap3A_621], %swap3A_624 {strides = array<i32>} : memref<2x1024xi32, #tpu.memory_space<vmem>>, vector<1x16xi32>,
    %get3A_625 = arith.constant 304 : index
    %get3A_626 = tpu.vector_load %arg5[%get3A_625] {strides = array<i32>} : memref<1024xi32, #tpu.memory_space<vmem>>, vector<16xi32>,
    %get3A_627 = vector.shape_cast %get3A_626 : vector<16xi32> to vector<16xi32>
    %shift_right_arithmetic3A_628 = arith.constant 7 : i32
    %shift_right_arithmetic3A_629 = vector.broadcast %shift_right_arithmetic3A_628 : i32 to vector<16xi32>
    %shift_right_arithmetic3A_630 = arith.shrsi %get3A_627, %shift_right_arithmetic3A_629 : vector<16xi32>
    %shift_left3A_631 = arith.constant 10 : i32
    %shift_left3A_632 = vector.broadcast %shift_left3A_631 : i32 to vector<16xi32>
    %shift_left3A_633 = arith.shli %shift_right_arithmetic3A_630, %shift_left3A_632 : vector<16xi32>
    %and3A_634 = arith.constant 127 : i32
    %and3A_635 = vector.broadcast %and3A_634 : i32 to vector<16xi32>
    %and3A_636 = arith.andi %get3A_627, %and3A_635 : vector<16xi32>
    %add3A_637 = arith.addi %shift_left3A_633, %and3A_636 : vector<16xi32>
    %sub3A_638 = arith.constant 99968 : i32
    %sub3A_639 = vector.broadcast %sub3A_638 : i32 to vector<16xi32>
    %sub3A_640 = arith.subi %get3A_627, %sub3A_639 : vector<16xi32>
    %add3A_641 = arith.constant 799744 : i32
    %add3A_642 = vector.broadcast %add3A_641 : i32 to vector<16xi32>
    %add3A_643 = arith.addi %add3A_642, %sub3A_640 : vector<16xi32>
    %lt3A_644 = arith.constant 99968 : i32
    %lt3A_645 = vector.broadcast %lt3A_644 : i32 to vector<16xi32>
    %lt3A_646 = arith.cmpi slt, %get3A_627, %lt3A_645 : vector<16xi32>
    %select_n3A_647 = arith.select %lt3A_646, %add3A_637, %add3A_643 : vector<16xi1>, vector<16xi32>
    %add3A_648 = vector.broadcast %add3A_39 : i32 to vector<16xi32>
    %add3A_649 = arith.addi %add3A_648, %select_n3A_647 : vector<16xi32>
    %swap3A_650 = arith.constant 0 : i32
    %swap3A_651 = arith.index_cast %swap3A_650 : i32 to index
    %swap3A_652 = arith.constant 304 : index
    %swap3A_653 = tpu.vector_load %arg6[%swap3A_651, %swap3A_652] {strides = array<i32>} : memref<2x1024xi32, #tpu.memory_space<vmem>>, vector<1x16xi32>,
    %swap3A_654 = vector.shape_cast %swap3A_653 : vector<1x16xi32> to vector<16xi32>
    %swap3A_655 = vector.shape_cast %add3A_649 : vector<16xi32> to vector<1x16xi32>
    tpu.vector_store %arg6[%swap3A_651, %swap3A_652], %swap3A_655 {strides = array<i32>} : memref<2x1024xi32, #tpu.memory_space<vmem>>, vector<1x16xi32>,
    %get3A_656 = arith.constant 320 : index
    %get3A_657 = tpu.vector_load %arg5[%get3A_656] {strides = array<i32>} : memref<1024xi32, #tpu.memory_space<vmem>>, vector<16xi32>,
    %get3A_658 = vector.shape_cast %get3A_657 : vector<16xi32> to vector<16xi32>
    %shift_right_arithmetic3A_659 = arith.constant 7 : i32
    %shift_right_arithmetic3A_660 = vector.broadcast %shift_right_arithmetic3A_659 : i32 to vector<16xi32>
    %shift_right_arithmetic3A_661 = arith.shrsi %get3A_658, %shift_right_arithmetic3A_660 : vector<16xi32>
    %shift_left3A_662 = arith.constant 10 : i32
    %shift_left3A_663 = vector.broadcast %shift_left3A_662 : i32 to vector<16xi32>
    %shift_left3A_664 = arith.shli %shift_right_arithmetic3A_661, %shift_left3A_663 : vector<16xi32>
    %and3A_665 = arith.constant 127 : i32
    %and3A_666 = vector.broadcast %and3A_665 : i32 to vector<16xi32>
    %and3A_667 = arith.andi %get3A_658, %and3A_666 : vector<16xi32>
    %add3A_668 = arith.addi %shift_left3A_664, %and3A_667 : vector<16xi32>
    %sub3A_669 = arith.constant 99968 : i32
    %sub3A_670 = vector.broadcast %sub3A_669 : i32 to vector<16xi32>
    %sub3A_671 = arith.subi %get3A_658, %sub3A_670 : vector<16xi32>
    %add3A_672 = arith.constant 799744 : i32
    %add3A_673 = vector.broadcast %add3A_672 : i32 to vector<16xi32>
    %add3A_674 = arith.addi %add3A_673, %sub3A_671 : vector<16xi32>
    %lt3A_675 = arith.constant 99968 : i32
    %lt3A_676 = vector.broadcast %lt3A_675 : i32 to vector<16xi32>
    %lt3A_677 = arith.cmpi slt, %get3A_658, %lt3A_676 : vector<16xi32>
    %select_n3A_678 = arith.select %lt3A_677, %add3A_668, %add3A_674 : vector<16xi1>, vector<16xi32>
    %add3A_679 = vector.broadcast %add3A_39 : i32 to vector<16xi32>
    %add3A_680 = arith.addi %add3A_679, %select_n3A_678 : vector<16xi32>
    %swap3A_681 = arith.constant 0 : i32
    %swap3A_682 = arith.index_cast %swap3A_681 : i32 to index
    %swap3A_683 = arith.constant 320 : index
    %swap3A_684 = tpu.vector_load %arg6[%swap3A_682, %swap3A_683] {strides = array<i32>} : memref<2x1024xi32, #tpu.memory_space<vmem>>, vector<1x16xi32>,
    %swap3A_685 = vector.shape_cast %swap3A_684 : vector<1x16xi32> to vector<16xi32>
    %swap3A_686 = vector.shape_cast %add3A_680 : vector<16xi32> to vector<1x16xi32>
    tpu.vector_store %arg6[%swap3A_682, %swap3A_683], %swap3A_686 {strides = array<i32>} : memref<2x1024xi32, #tpu.memory_space<vmem>>, vector<1x16xi32>,
    %get3A_687 = arith.constant 336 : index
    %get3A_688 = tpu.vector_load %arg5[%get3A_687] {strides = array<i32>} : memref<1024xi32, #tpu.memory_space<vmem>>, vector<16xi32>,
    %get3A_689 = vector.shape_cast %get3A_688 : vector<16xi32> to vector<16xi32>
    %shift_right_arithmetic3A_690 = arith.constant 7 : i32
    %shift_right_arithmetic3A_691 = vector.broadcast %shift_right_arithmetic3A_690 : i32 to vector<16xi32>
    %shift_right_arithmetic3A_692 = arith.shrsi %get3A_689, %shift_right_arithmetic3A_691 : vector<16xi32>
    %shift_left3A_693 = arith.constant 10 : i32
    %shift_left3A_694 = vector.broadcast %shift_left3A_693 : i32 to vector<16xi32>
    %shift_left3A_695 = arith.shli %shift_right_arithmetic3A_692, %shift_left3A_694 : vector<16xi32>
    %and3A_696 = arith.constant 127 : i32
    %and3A_697 = vector.broadcast %and3A_696 : i32 to vector<16xi32>
    %and3A_698 = arith.andi %get3A_689, %and3A_697 : vector<16xi32>
    %add3A_699 = arith.addi %shift_left3A_695, %and3A_698 : vector<16xi32>
    %sub3A_700 = arith.constant 99968 : i32
    %sub3A_701 = vector.broadcast %sub3A_700 : i32 to vector<16xi32>
    %sub3A_702 = arith.subi %get3A_689, %sub3A_701 : vector<16xi32>
    %add3A_703 = arith.constant 799744 : i32
    %add3A_704 = vector.broadcast %add3A_703 : i32 to vector<16xi32>
    %add3A_705 = arith.addi %add3A_704, %sub3A_702 : vector<16xi32>
    %lt3A_706 = arith.constant 99968 : i32
    %lt3A_707 = vector.broadcast %lt3A_706 : i32 to vector<16xi32>
    %lt3A_708 = arith.cmpi slt, %get3A_689, %lt3A_707 : vector<16xi32>
    %select_n3A_709 = arith.select %lt3A_708, %add3A_699, %add3A_705 : vector<16xi1>, vector<16xi32>
    %add3A_710 = vector.broadcast %add3A_39 : i32 to vector<16xi32>
    %add3A_711 = arith.addi %add3A_710, %select_n3A_709 : vector<16xi32>
    %swap3A_712 = arith.constant 0 : i32
    %swap3A_713 = arith.index_cast %swap3A_712 : i32 to index
    %swap3A_714 = arith.constant 336 : index
    %swap3A_715 = tpu.vector_load %arg6[%swap3A_713, %swap3A_714] {strides = array<i32>} : memref<2x1024xi32, #tpu.memory_space<vmem>>, vector<1x16xi32>,
    %swap3A_716 = vector.shape_cast %swap3A_715 : vector<1x16xi32> to vector<16xi32>
    %swap3A_717 = vector.shape_cast %add3A_711 : vector<16xi32> to vector<1x16xi32>
    tpu.vector_store %arg6[%swap3A_713, %swap3A_714], %swap3A_717 {strides = array<i32>} : memref<2x1024xi32, #tpu.memory_space<vmem>>, vector<1x16xi32>,
    %get3A_718 = arith.constant 352 : index
    %get3A_719 = tpu.vector_load %arg5[%get3A_718] {strides = array<i32>} : memref<1024xi32, #tpu.memory_space<vmem>>, vector<16xi32>,
    %get3A_720 = vector.shape_cast %get3A_719 : vector<16xi32> to vector<16xi32>
    %shift_right_arithmetic3A_721 = arith.constant 7 : i32
    %shift_right_arithmetic3A_722 = vector.broadcast %shift_right_arithmetic3A_721 : i32 to vector<16xi32>
    %shift_right_arithmetic3A_723 = arith.shrsi %get3A_720, %shift_right_arithmetic3A_722 : vector<16xi32>
    %shift_left3A_724 = arith.constant 10 : i32
    %shift_left3A_725 = vector.broadcast %shift_left3A_724 : i32 to vector<16xi32>
    %shift_left3A_726 = arith.shli %shift_right_arithmetic3A_723, %shift_left3A_725 : vector<16xi32>
    %and3A_727 = arith.constant 127 : i32
    %and3A_728 = vector.broadcast %and3A_727 : i32 to vector<16xi32>
    %and3A_729 = arith.andi %get3A_720, %and3A_728 : vector<16xi32>
    %add3A_730 = arith.addi %shift_left3A_726, %and3A_729 : vector<16xi32>
    %sub3A_731 = arith.constant 99968 : i32
    %sub3A_732 = vector.broadcast %sub3A_731 : i32 to vector<16xi32>
    %sub3A_733 = arith.subi %get3A_720, %sub3A_732 : vector<16xi32>
    %add3A_734 = arith.constant 799744 : i32
    %add3A_735 = vector.broadcast %add3A_734 : i32 to vector<16xi32>
    %add3A_736 = arith.addi %add3A_735, %sub3A_733 : vector<16xi32>
    %lt3A_737 = arith.constant 99968 : i32
    %lt3A_738 = vector.broadcast %lt3A_737 : i32 to vector<16xi32>
    %lt3A_739 = arith.cmpi slt, %get3A_720, %lt3A_738 : vector<16xi32>
    %select_n3A_740 = arith.select %lt3A_739, %add3A_730, %add3A_736 : vector<16xi1>, vector<16xi32>
    %add3A_741 = vector.broadcast %add3A_39 : i32 to vector<16xi32>
    %add3A_742 = arith.addi %add3A_741, %select_n3A_740 : vector<16xi32>
    %swap3A_743 = arith.constant 0 : i32
    %swap3A_744 = arith.index_cast %swap3A_743 : i32 to index
    %swap3A_745 = arith.constant 352 : index
    %swap3A_746 = tpu.vector_load %arg6[%swap3A_744, %swap3A_745] {strides = array<i32>} : memref<2x1024xi32, #tpu.memory_space<vmem>>, vector<1x16xi32>,
    %swap3A_747 = vector.shape_cast %swap3A_746 : vector<1x16xi32> to vector<16xi32>
    %swap3A_748 = vector.shape_cast %add3A_742 : vector<16xi32> to vector<1x16xi32>
    tpu.vector_store %arg6[%swap3A_744, %swap3A_745], %swap3A_748 {strides = array<i32>} : memref<2x1024xi32, #tpu.memory_space<vmem>>, vector<1x16xi32>,
    %get3A_749 = arith.constant 368 : index
    %get3A_750 = tpu.vector_load %arg5[%get3A_749] {strides = array<i32>} : memref<1024xi32, #tpu.memory_space<vmem>>, vector<16xi32>,
    %get3A_751 = vector.shape_cast %get3A_750 : vector<16xi32> to vector<16xi32>
    %shift_right_arithmetic3A_752 = arith.constant 7 : i32
    %shift_right_arithmetic3A_753 = vector.broadcast %shift_right_arithmetic3A_752 : i32 to vector<16xi32>
    %shift_right_arithmetic3A_754 = arith.shrsi %get3A_751, %shift_right_arithmetic3A_753 : vector<16xi32>
    %shift_left3A_755 = arith.constant 10 : i32
    %shift_left3A_756 = vector.broadcast %shift_left3A_755 : i32 to vector<16xi32>
    %shift_left3A_757 = arith.shli %shift_right_arithmetic3A_754, %shift_left3A_756 : vector<16xi32>
    %and3A_758 = arith.constant 127 : i32
    %and3A_759 = vector.broadcast %and3A_758 : i32 to vector<16xi32>
    %and3A_760 = arith.andi %get3A_751, %and3A_759 : vector<16xi32>
    %add3A_761 = arith.addi %shift_left3A_757, %and3A_760 : vector<16xi32>
    %sub3A_762 = arith.constant 99968 : i32
    %sub3A_763 = vector.broadcast %sub3A_762 : i32 to vector<16xi32>
    %sub3A_764 = arith.subi %get3A_751, %sub3A_763 : vector<16xi32>
    %add3A_765 = arith.constant 799744 : i32
    %add3A_766 = vector.broadcast %add3A_765 : i32 to vector<16xi32>
    %add3A_767 = arith.addi %add3A_766, %sub3A_764 : vector<16xi32>
    %lt3A_768 = arith.constant 99968 : i32
    %lt3A_769 = vector.broadcast %lt3A_768 : i32 to vector<16xi32>
    %lt3A_770 = arith.cmpi slt, %get3A_751, %lt3A_769 : vector<16xi32>
    %select_n3A_771 = arith.select %lt3A_770, %add3A_761, %add3A_767 : vector<16xi1>, vector<16xi32>
    %add3A_772 = vector.broadcast %add3A_39 : i32 to vector<16xi32>
    %add3A_773 = arith.addi %add3A_772, %select_n3A_771 : vector<16xi32>
    %swap3A_774 = arith.constant 0 : i32
    %swap3A_775 = arith.index_cast %swap3A_774 : i32 to index
    %swap3A_776 = arith.constant 368 : index
    %swap3A_777 = tpu.vector_load %arg6[%swap3A_775, %swap3A_776] {strides = array<i32>} : memref<2x1024xi32, #tpu.memory_space<vmem>>, vector<1x16xi32>,
    %swap3A_778 = vector.shape_cast %swap3A_777 : vector<1x16xi32> to vector<16xi32>
    %swap3A_779 = vector.shape_cast %add3A_773 : vector<16xi32> to vector<1x16xi32>
    tpu.vector_store %arg6[%swap3A_775, %swap3A_776], %swap3A_779 {strides = array<i32>} : memref<2x1024xi32, #tpu.memory_space<vmem>>, vector<1x16xi32>,
    %get3A_780 = arith.constant 384 : index
    %get3A_781 = tpu.vector_load %arg5[%get3A_780] {strides = array<i32>} : memref<1024xi32, #tpu.memory_space<vmem>>, vector<16xi32>,
    %get3A_782 = vector.shape_cast %get3A_781 : vector<16xi32> to vector<16xi32>
    %shift_right_arithmetic3A_783 = arith.constant 7 : i32
    %shift_right_arithmetic3A_784 = vector.broadcast %shift_right_arithmetic3A_783 : i32 to vector<16xi32>
    %shift_right_arithmetic3A_785 = arith.shrsi %get3A_782, %shift_right_arithmetic3A_784 : vector<16xi32>
    %shift_left3A_786 = arith.constant 10 : i32
    %shift_left3A_787 = vector.broadcast %shift_left3A_786 : i32 to vector<16xi32>
    %shift_left3A_788 = arith.shli %shift_right_arithmetic3A_785, %shift_left3A_787 : vector<16xi32>
    %and3A_789 = arith.constant 127 : i32
    %and3A_790 = vector.broadcast %and3A_789 : i32 to vector<16xi32>
    %and3A_791 = arith.andi %get3A_782, %and3A_790 : vector<16xi32>
    %add3A_792 = arith.addi %shift_left3A_788, %and3A_791 : vector<16xi32>
    %sub3A_793 = arith.constant 99968 : i32
    %sub3A_794 = vector.broadcast %sub3A_793 : i32 to vector<16xi32>
    %sub3A_795 = arith.subi %get3A_782, %sub3A_794 : vector<16xi32>
    %add3A_796 = arith.constant 799744 : i32
    %add3A_797 = vector.broadcast %add3A_796 : i32 to vector<16xi32>
    %add3A_798 = arith.addi %add3A_797, %sub3A_795 : vector<16xi32>
    %lt3A_799 = arith.constant 99968 : i32
    %lt3A_800 = vector.broadcast %lt3A_799 : i32 to vector<16xi32>
    %lt3A_801 = arith.cmpi slt, %get3A_782, %lt3A_800 : vector<16xi32>
    %select_n3A_802 = arith.select %lt3A_801, %add3A_792, %add3A_798 : vector<16xi1>, vector<16xi32>
    %add3A_803 = vector.broadcast %add3A_39 : i32 to vector<16xi32>
    %add3A_804 = arith.addi %add3A_803, %select_n3A_802 : vector<16xi32>
    %swap3A_805 = arith.constant 0 : i32
    %swap3A_806 = arith.index_cast %swap3A_805 : i32 to index
    %swap3A_807 = arith.constant 384 : index
    %swap3A_808 = tpu.vector_load %arg6[%swap3A_806, %swap3A_807] {strides = array<i32>} : memref<2x1024xi32, #tpu.memory_space<vmem>>, vector<1x16xi32>,
    %swap3A_809 = vector.shape_cast %swap3A_808 : vector<1x16xi32> to vector<16xi32>
    %swap3A_810 = vector.shape_cast %add3A_804 : vector<16xi32> to vector<1x16xi32>
    tpu.vector_store %arg6[%swap3A_806, %swap3A_807], %swap3A_810 {strides = array<i32>} : memref<2x1024xi32, #tpu.memory_space<vmem>>, vector<1x16xi32>,
    %get3A_811 = arith.constant 400 : index
    %get3A_812 = tpu.vector_load %arg5[%get3A_811] {strides = array<i32>} : memref<1024xi32, #tpu.memory_space<vmem>>, vector<16xi32>,
    %get3A_813 = vector.shape_cast %get3A_812 : vector<16xi32> to vector<16xi32>
    %shift_right_arithmetic3A_814 = arith.constant 7 : i32
    %shift_right_arithmetic3A_815 = vector.broadcast %shift_right_arithmetic3A_814 : i32 to vector<16xi32>
    %shift_right_arithmetic3A_816 = arith.shrsi %get3A_813, %shift_right_arithmetic3A_815 : vector<16xi32>
    %shift_left3A_817 = arith.constant 10 : i32
    %shift_left3A_818 = vector.broadcast %shift_left3A_817 : i32 to vector<16xi32>
    %shift_left3A_819 = arith.shli %shift_right_arithmetic3A_816, %shift_left3A_818 : vector<16xi32>
    %and3A_820 = arith.constant 127 : i32
    %and3A_821 = vector.broadcast %and3A_820 : i32 to vector<16xi32>
    %and3A_822 = arith.andi %get3A_813, %and3A_821 : vector<16xi32>
    %add3A_823 = arith.addi %shift_left3A_819, %and3A_822 : vector<16xi32>
    %sub3A_824 = arith.constant 99968 : i32
    %sub3A_825 = vector.broadcast %sub3A_824 : i32 to vector<16xi32>
    %sub3A_826 = arith.subi %get3A_813, %sub3A_825 : vector<16xi32>
    %add3A_827 = arith.constant 799744 : i32
    %add3A_828 = vector.broadcast %add3A_827 : i32 to vector<16xi32>
    %add3A_829 = arith.addi %add3A_828, %sub3A_826 : vector<16xi32>
    %lt3A_830 = arith.constant 99968 : i32
    %lt3A_831 = vector.broadcast %lt3A_830 : i32 to vector<16xi32>
    %lt3A_832 = arith.cmpi slt, %get3A_813, %lt3A_831 : vector<16xi32>
    %select_n3A_833 = arith.select %lt3A_832, %add3A_823, %add3A_829 : vector<16xi1>, vector<16xi32>
    %add3A_834 = vector.broadcast %add3A_39 : i32 to vector<16xi32>
    %add3A_835 = arith.addi %add3A_834, %select_n3A_833 : vector<16xi32>
    %swap3A_836 = arith.constant 0 : i32
    %swap3A_837 = arith.index_cast %swap3A_836 : i32 to index
    %swap3A_838 = arith.constant 400 : index
    %swap3A_839 = tpu.vector_load %arg6[%swap3A_837, %swap3A_838] {strides = array<i32>} : memref<2x1024xi32, #tpu.memory_space<vmem>>, vector<1x16xi32>,
    %swap3A_840 = vector.shape_cast %swap3A_839 : vector<1x16xi32> to vector<16xi32>
    %swap3A_841 = vector.shape_cast %add3A_835 : vector<16xi32> to vector<1x16xi32>
    tpu.vector_store %arg6[%swap3A_837, %swap3A_838], %swap3A_841 {strides = array<i32>} : memref<2x1024xi32, #tpu.memory_space<vmem>>, vector<1x16xi32>,
    %get3A_842 = arith.constant 416 : index
    %get3A_843 = tpu.vector_load %arg5[%get3A_842] {strides = array<i32>} : memref<1024xi32, #tpu.memory_space<vmem>>, vector<16xi32>,
    %get3A_844 = vector.shape_cast %get3A_843 : vector<16xi32> to vector<16xi32>
    %shift_right_arithmetic3A_845 = arith.constant 7 : i32
    %shift_right_arithmetic3A_846 = vector.broadcast %shift_right_arithmetic3A_845 : i32 to vector<16xi32>
    %shift_right_arithmetic3A_847 = arith.shrsi %get3A_844, %shift_right_arithmetic3A_846 : vector<16xi32>
    %shift_left3A_848 = arith.constant 10 : i32
    %shift_left3A_849 = vector.broadcast %shift_left3A_848 : i32 to vector<16xi32>
    %shift_left3A_850 = arith.shli %shift_right_arithmetic3A_847, %shift_left3A_849 : vector<16xi32>
    %and3A_851 = arith.constant 127 : i32
    %and3A_852 = vector.broadcast %and3A_851 : i32 to vector<16xi32>
    %and3A_853 = arith.andi %get3A_844, %and3A_852 : vector<16xi32>
    %add3A_854 = arith.addi %shift_left3A_850, %and3A_853 : vector<16xi32>
    %sub3A_855 = arith.constant 99968 : i32
    %sub3A_856 = vector.broadcast %sub3A_855 : i32 to vector<16xi32>
    %sub3A_857 = arith.subi %get3A_844, %sub3A_856 : vector<16xi32>
    %add3A_858 = arith.constant 799744 : i32
    %add3A_859 = vector.broadcast %add3A_858 : i32 to vector<16xi32>
    %add3A_860 = arith.addi %add3A_859, %sub3A_857 : vector<16xi32>
    %lt3A_861 = arith.constant 99968 : i32
    %lt3A_862 = vector.broadcast %lt3A_861 : i32 to vector<16xi32>
    %lt3A_863 = arith.cmpi slt, %get3A_844, %lt3A_862 : vector<16xi32>
    %select_n3A_864 = arith.select %lt3A_863, %add3A_854, %add3A_860 : vector<16xi1>, vector<16xi32>
    %add3A_865 = vector.broadcast %add3A_39 : i32 to vector<16xi32>
    %add3A_866 = arith.addi %add3A_865, %select_n3A_864 : vector<16xi32>
    %swap3A_867 = arith.constant 0 : i32
    %swap3A_868 = arith.index_cast %swap3A_867 : i32 to index
    %swap3A_869 = arith.constant 416 : index
    %swap3A_870 = tpu.vector_load %arg6[%swap3A_868, %swap3A_869] {strides = array<i32>} : memref<2x1024xi32, #tpu.memory_space<vmem>>, vector<1x16xi32>,
    %swap3A_871 = vector.shape_cast %swap3A_870 : vector<1x16xi32> to vector<16xi32>
    %swap3A_872 = vector.shape_cast %add3A_866 : vector<16xi32> to vector<1x16xi32>
    tpu.vector_store %arg6[%swap3A_868, %swap3A_869], %swap3A_872 {strides = array<i32>} : memref<2x1024xi32, #tpu.memory_space<vmem>>, vector<1x16xi32>,
    %get3A_873 = arith.constant 432 : index
    %get3A_874 = tpu.vector_load %arg5[%get3A_873] {strides = array<i32>} : memref<1024xi32, #tpu.memory_space<vmem>>, vector<16xi32>,
    %get3A_875 = vector.shape_cast %get3A_874 : vector<16xi32> to vector<16xi32>
    %shift_right_arithmetic3A_876 = arith.constant 7 : i32
    %shift_right_arithmetic3A_877 = vector.broadcast %shift_right_arithmetic3A_876 : i32 to vector<16xi32>
    %shift_right_arithmetic3A_878 = arith.shrsi %get3A_875, %shift_right_arithmetic3A_877 : vector<16xi32>
    %shift_left3A_879 = arith.constant 10 : i32
    %shift_left3A_880 = vector.broadcast %shift_left3A_879 : i32 to vector<16xi32>
    %shift_left3A_881 = arith.shli %shift_right_arithmetic3A_878, %shift_left3A_880 : vector<16xi32>
    %and3A_882 = arith.constant 127 : i32
    %and3A_883 = vector.broadcast %and3A_882 : i32 to vector<16xi32>
    %and3A_884 = arith.andi %get3A_875, %and3A_883 : vector<16xi32>
    %add3A_885 = arith.addi %shift_left3A_881, %and3A_884 : vector<16xi32>
    %sub3A_886 = arith.constant 99968 : i32
    %sub3A_887 = vector.broadcast %sub3A_886 : i32 to vector<16xi32>
    %sub3A_888 = arith.subi %get3A_875, %sub3A_887 : vector<16xi32>
    %add3A_889 = arith.constant 799744 : i32
    %add3A_890 = vector.broadcast %add3A_889 : i32 to vector<16xi32>
    %add3A_891 = arith.addi %add3A_890, %sub3A_888 : vector<16xi32>
    %lt3A_892 = arith.constant 99968 : i32
    %lt3A_893 = vector.broadcast %lt3A_892 : i32 to vector<16xi32>
    %lt3A_894 = arith.cmpi slt, %get3A_875, %lt3A_893 : vector<16xi32>
    %select_n3A_895 = arith.select %lt3A_894, %add3A_885, %add3A_891 : vector<16xi1>, vector<16xi32>
    %add3A_896 = vector.broadcast %add3A_39 : i32 to vector<16xi32>
    %add3A_897 = arith.addi %add3A_896, %select_n3A_895 : vector<16xi32>
    %swap3A_898 = arith.constant 0 : i32
    %swap3A_899 = arith.index_cast %swap3A_898 : i32 to index
    %swap3A_900 = arith.constant 432 : index
    %swap3A_901 = tpu.vector_load %arg6[%swap3A_899, %swap3A_900] {strides = array<i32>} : memref<2x1024xi32, #tpu.memory_space<vmem>>, vector<1x16xi32>,
    %swap3A_902 = vector.shape_cast %swap3A_901 : vector<1x16xi32> to vector<16xi32>
    %swap3A_903 = vector.shape_cast %add3A_897 : vector<16xi32> to vector<1x16xi32>
    tpu.vector_store %arg6[%swap3A_899, %swap3A_900], %swap3A_903 {strides = array<i32>} : memref<2x1024xi32, #tpu.memory_space<vmem>>, vector<1x16xi32>,
    %get3A_904 = arith.constant 448 : index
    %get3A_905 = tpu.vector_load %arg5[%get3A_904] {strides = array<i32>} : memref<1024xi32, #tpu.memory_space<vmem>>, vector<16xi32>,
    %get3A_906 = vector.shape_cast %get3A_905 : vector<16xi32> to vector<16xi32>
    %shift_right_arithmetic3A_907 = arith.constant 7 : i32
    %shift_right_arithmetic3A_908 = vector.broadcast %shift_right_arithmetic3A_907 : i32 to vector<16xi32>
    %shift_right_arithmetic3A_909 = arith.shrsi %get3A_906, %shift_right_arithmetic3A_908 : vector<16xi32>
    %shift_left3A_910 = arith.constant 10 : i32
    %shift_left3A_911 = vector.broadcast %shift_left3A_910 : i32 to vector<16xi32>
    %shift_left3A_912 = arith.shli %shift_right_arithmetic3A_909, %shift_left3A_911 : vector<16xi32>
    %and3A_913 = arith.constant 127 : i32
    %and3A_914 = vector.broadcast %and3A_913 : i32 to vector<16xi32>
    %and3A_915 = arith.andi %get3A_906, %and3A_914 : vector<16xi32>
    %add3A_916 = arith.addi %shift_left3A_912, %and3A_915 : vector<16xi32>
    %sub3A_917 = arith.constant 99968 : i32
    %sub3A_918 = vector.broadcast %sub3A_917 : i32 to vector<16xi32>
    %sub3A_919 = arith.subi %get3A_906, %sub3A_918 : vector<16xi32>
    %add3A_920 = arith.constant 799744 : i32
    %add3A_921 = vector.broadcast %add3A_920 : i32 to vector<16xi32>
    %add3A_922 = arith.addi %add3A_921, %sub3A_919 : vector<16xi32>
    %lt3A_923 = arith.constant 99968 : i32
    %lt3A_924 = vector.broadcast %lt3A_923 : i32 to vector<16xi32>
    %lt3A_925 = arith.cmpi slt, %get3A_906, %lt3A_924 : vector<16xi32>
    %select_n3A_926 = arith.select %lt3A_925, %add3A_916, %add3A_922 : vector<16xi1>, vector<16xi32>
    %add3A_927 = vector.broadcast %add3A_39 : i32 to vector<16xi32>
    %add3A_928 = arith.addi %add3A_927, %select_n3A_926 : vector<16xi32>
    %swap3A_929 = arith.constant 0 : i32
    %swap3A_930 = arith.index_cast %swap3A_929 : i32 to index
    %swap3A_931 = arith.constant 448 : index
    %swap3A_932 = tpu.vector_load %arg6[%swap3A_930, %swap3A_931] {strides = array<i32>} : memref<2x1024xi32, #tpu.memory_space<vmem>>, vector<1x16xi32>,
    %swap3A_933 = vector.shape_cast %swap3A_932 : vector<1x16xi32> to vector<16xi32>
    %swap3A_934 = vector.shape_cast %add3A_928 : vector<16xi32> to vector<1x16xi32>
    tpu.vector_store %arg6[%swap3A_930, %swap3A_931], %swap3A_934 {strides = array<i32>} : memref<2x1024xi32, #tpu.memory_space<vmem>>, vector<1x16xi32>,
    %get3A_935 = arith.constant 464 : index
    %get3A_936 = tpu.vector_load %arg5[%get3A_935] {strides = array<i32>} : memref<1024xi32, #tpu.memory_space<vmem>>, vector<16xi32>,
    %get3A_937 = vector.shape_cast %get3A_936 : vector<16xi32> to vector<16xi32>
    %shift_right_arithmetic3A_938 = arith.constant 7 : i32
    %shift_right_arithmetic3A_939 = vector.broadcast %shift_right_arithmetic3A_938 : i32 to vector<16xi32>
    %shift_right_arithmetic3A_940 = arith.shrsi %get3A_937, %shift_right_arithmetic3A_939 : vector<16xi32>
    %shift_left3A_941 = arith.constant 10 : i32
    %shift_left3A_942 = vector.broadcast %shift_left3A_941 : i32 to vector<16xi32>
    %shift_left3A_943 = arith.shli %shift_right_arithmetic3A_940, %shift_left3A_942 : vector<16xi32>
    %and3A_944 = arith.constant 127 : i32
    %and3A_945 = vector.broadcast %and3A_944 : i32 to vector<16xi32>
    %and3A_946 = arith.andi %get3A_937, %and3A_945 : vector<16xi32>
    %add3A_947 = arith.addi %shift_left3A_943, %and3A_946 : vector<16xi32>
    %sub3A_948 = arith.constant 99968 : i32
    %sub3A_949 = vector.broadcast %sub3A_948 : i32 to vector<16xi32>
    %sub3A_950 = arith.subi %get3A_937, %sub3A_949 : vector<16xi32>
    %add3A_951 = arith.constant 799744 : i32
    %add3A_952 = vector.broadcast %add3A_951 : i32 to vector<16xi32>
    %add3A_953 = arith.addi %add3A_952, %sub3A_950 : vector<16xi32>
    %lt3A_954 = arith.constant 99968 : i32
    %lt3A_955 = vector.broadcast %lt3A_954 : i32 to vector<16xi32>
    %lt3A_956 = arith.cmpi slt, %get3A_937, %lt3A_955 : vector<16xi32>
    %select_n3A_957 = arith.select %lt3A_956, %add3A_947, %add3A_953 : vector<16xi1>, vector<16xi32>
    %add3A_958 = vector.broadcast %add3A_39 : i32 to vector<16xi32>
    %add3A_959 = arith.addi %add3A_958, %select_n3A_957 : vector<16xi32>
    %swap3A_960 = arith.constant 0 : i32
    %swap3A_961 = arith.index_cast %swap3A_960 : i32 to index
    %swap3A_962 = arith.constant 464 : index
    %swap3A_963 = tpu.vector_load %arg6[%swap3A_961, %swap3A_962] {strides = array<i32>} : memref<2x1024xi32, #tpu.memory_space<vmem>>, vector<1x16xi32>,
    %swap3A_964 = vector.shape_cast %swap3A_963 : vector<1x16xi32> to vector<16xi32>
    %swap3A_965 = vector.shape_cast %add3A_959 : vector<16xi32> to vector<1x16xi32>
    tpu.vector_store %arg6[%swap3A_961, %swap3A_962], %swap3A_965 {strides = array<i32>} : memref<2x1024xi32, #tpu.memory_space<vmem>>, vector<1x16xi32>,
    %get3A_966 = arith.constant 480 : index
    %get3A_967 = tpu.vector_load %arg5[%get3A_966] {strides = array<i32>} : memref<1024xi32, #tpu.memory_space<vmem>>, vector<16xi32>,
    %get3A_968 = vector.shape_cast %get3A_967 : vector<16xi32> to vector<16xi32>
    %shift_right_arithmetic3A_969 = arith.constant 7 : i32
    %shift_right_arithmetic3A_970 = vector.broadcast %shift_right_arithmetic3A_969 : i32 to vector<16xi32>
    %shift_right_arithmetic3A_971 = arith.shrsi %get3A_968, %shift_right_arithmetic3A_970 : vector<16xi32>
    %shift_left3A_972 = arith.constant 10 : i32
    %shift_left3A_973 = vector.broadcast %shift_left3A_972 : i32 to vector<16xi32>
    %shift_left3A_974 = arith.shli %shift_right_arithmetic3A_971, %shift_left3A_973 : vector<16xi32>
    %and3A_975 = arith.constant 127 : i32
    %and3A_976 = vector.broadcast %and3A_975 : i32 to vector<16xi32>
    %and3A_977 = arith.andi %get3A_968, %and3A_976 : vector<16xi32>
    %add3A_978 = arith.addi %shift_left3A_974, %and3A_977 : vector<16xi32>
    %sub3A_979 = arith.constant 99968 : i32
    %sub3A_980 = vector.broadcast %sub3A_979 : i32 to vector<16xi32>
    %sub3A_981 = arith.subi %get3A_968, %sub3A_980 : vector<16xi32>
    %add3A_982 = arith.constant 799744 : i32
    %add3A_983 = vector.broadcast %add3A_982 : i32 to vector<16xi32>
    %add3A_984 = arith.addi %add3A_983, %sub3A_981 : vector<16xi32>
    %lt3A_985 = arith.constant 99968 : i32
    %lt3A_986 = vector.broadcast %lt3A_985 : i32 to vector<16xi32>
    %lt3A_987 = arith.cmpi slt, %get3A_968, %lt3A_986 : vector<16xi32>
    %select_n3A_988 = arith.select %lt3A_987, %add3A_978, %add3A_984 : vector<16xi1>, vector<16xi32>
    %add3A_989 = vector.broadcast %add3A_39 : i32 to vector<16xi32>
    %add3A_990 = arith.addi %add3A_989, %select_n3A_988 : vector<16xi32>
    %swap3A_991 = arith.constant 0 : i32
    %swap3A_992 = arith.index_cast %swap3A_991 : i32 to index
    %swap3A_993 = arith.constant 480 : index
    %swap3A_994 = tpu.vector_load %arg6[%swap3A_992, %swap3A_993] {strides = array<i32>} : memref<2x1024xi32, #tpu.memory_space<vmem>>, vector<1x16xi32>,
    %swap3A_995 = vector.shape_cast %swap3A_994 : vector<1x16xi32> to vector<16xi32>
    %swap3A_996 = vector.shape_cast %add3A_990 : vector<16xi32> to vector<1x16xi32>
    tpu.vector_store %arg6[%swap3A_992, %swap3A_993], %swap3A_996 {strides = array<i32>} : memref<2x1024xi32, #tpu.memory_space<vmem>>, vector<1x16xi32>,
    %get3A_997 = arith.constant 496 : index
    %get3A_998 = tpu.vector_load %arg5[%get3A_997] {strides = array<i32>} : memref<1024xi32, #tpu.memory_space<vmem>>, vector<16xi32>,
    %get3A_999 = vector.shape_cast %get3A_998 : vector<16xi32> to vector<16xi32>
    %shift_right_arithmetic3A_1000 = arith.constant 7 : i32
    %shift_right_arithmetic3A_1001 = vector.broadcast %shift_right_arithmetic3A_1000 : i32 to vector<16xi32>
    %shift_right_arithmetic3A_1002 = arith.shrsi %get3A_999, %shift_right_arithmetic3A_1001 : vector<16xi32>
    %shift_left3A_1003 = arith.constant 10 : i32
    %shift_left3A_1004 = vector.broadcast %shift_left3A_1003 : i32 to vector<16xi32>
    %shift_left3A_1005 = arith.shli %shift_right_arithmetic3A_1002, %shift_left3A_1004 : vector<16xi32>
    %and3A_1006 = arith.constant 127 : i32
    %and3A_1007 = vector.broadcast %and3A_1006 : i32 to vector<16xi32>
    %and3A_1008 = arith.andi %get3A_999, %and3A_1007 : vector<16xi32>
    %add3A_1009 = arith.addi %shift_left3A_1005, %and3A_1008 : vector<16xi32>
    %sub3A_1010 = arith.constant 99968 : i32
    %sub3A_1011 = vector.broadcast %sub3A_1010 : i32 to vector<16xi32>
    %sub3A_1012 = arith.subi %get3A_999, %sub3A_1011 : vector<16xi32>
    %add3A_1013 = arith.constant 799744 : i32
    %add3A_1014 = vector.broadcast %add3A_1013 : i32 to vector<16xi32>
    %add3A_1015 = arith.addi %add3A_1014, %sub3A_1012 : vector<16xi32>
    %lt3A_1016 = arith.constant 99968 : i32
    %lt3A_1017 = vector.broadcast %lt3A_1016 : i32 to vector<16xi32>
    %lt3A_1018 = arith.cmpi slt, %get3A_999, %lt3A_1017 : vector<16xi32>
    %select_n3A_1019 = arith.select %lt3A_1018, %add3A_1009, %add3A_1015 : vector<16xi1>, vector<16xi32>
    %add3A_1020 = vector.broadcast %add3A_39 : i32 to vector<16xi32>
    %add3A_1021 = arith.addi %add3A_1020, %select_n3A_1019 : vector<16xi32>
    %swap3A_1022 = arith.constant 0 : i32
    %swap3A_1023 = arith.index_cast %swap3A_1022 : i32 to index
    %swap3A_1024 = arith.constant 496 : index
    %swap3A_1025 = tpu.vector_load %arg6[%swap3A_1023, %swap3A_1024] {strides = array<i32>} : memref<2x1024xi32, #tpu.memory_space<vmem>>, vector<1x16xi32>,
    %swap3A_1026 = vector.shape_cast %swap3A_1025 : vector<1x16xi32> to vector<16xi32>
    %swap3A_1027 = vector.shape_cast %add3A_1021 : vector<16xi32> to vector<1x16xi32>
    tpu.vector_store %arg6[%swap3A_1023, %swap3A_1024], %swap3A_1027 {strides = array<i32>} : memref<2x1024xi32, #tpu.memory_space<vmem>>, vector<1x16xi32>,
    %get3A_1028 = arith.constant 512 : index
    %get3A_1029 = tpu.vector_load %arg5[%get3A_1028] {strides = array<i32>} : memref<1024xi32, #tpu.memory_space<vmem>>, vector<16xi32>,
    %get3A_1030 = vector.shape_cast %get3A_1029 : vector<16xi32> to vector<16xi32>
    %shift_right_arithmetic3A_1031 = arith.constant 7 : i32
    %shift_right_arithmetic3A_1032 = vector.broadcast %shift_right_arithmetic3A_1031 : i32 to vector<16xi32>
    %shift_right_arithmetic3A_1033 = arith.shrsi %get3A_1030, %shift_right_arithmetic3A_1032 : vector<16xi32>
    %shift_left3A_1034 = arith.constant 10 : i32
    %shift_left3A_1035 = vector.broadcast %shift_left3A_1034 : i32 to vector<16xi32>
    %shift_left3A_1036 = arith.shli %shift_right_arithmetic3A_1033, %shift_left3A_1035 : vector<16xi32>
    %and3A_1037 = arith.constant 127 : i32
    %and3A_1038 = vector.broadcast %and3A_1037 : i32 to vector<16xi32>
    %and3A_1039 = arith.andi %get3A_1030, %and3A_1038 : vector<16xi32>
    %add3A_1040 = arith.addi %shift_left3A_1036, %and3A_1039 : vector<16xi32>
    %sub3A_1041 = arith.constant 99968 : i32
    %sub3A_1042 = vector.broadcast %sub3A_1041 : i32 to vector<16xi32>
    %sub3A_1043 = arith.subi %get3A_1030, %sub3A_1042 : vector<16xi32>
    %add3A_1044 = arith.constant 799744 : i32
    %add3A_1045 = vector.broadcast %add3A_1044 : i32 to vector<16xi32>
    %add3A_1046 = arith.addi %add3A_1045, %sub3A_1043 : vector<16xi32>
    %lt3A_1047 = arith.constant 99968 : i32
    %lt3A_1048 = vector.broadcast %lt3A_1047 : i32 to vector<16xi32>
    %lt3A_1049 = arith.cmpi slt, %get3A_1030, %lt3A_1048 : vector<16xi32>
    %select_n3A_1050 = arith.select %lt3A_1049, %add3A_1040, %add3A_1046 : vector<16xi1>, vector<16xi32>
    %add3A_1051 = vector.broadcast %add3A_39 : i32 to vector<16xi32>
    %add3A_1052 = arith.addi %add3A_1051, %select_n3A_1050 : vector<16xi32>
    %swap3A_1053 = arith.constant 0 : i32
    %swap3A_1054 = arith.index_cast %swap3A_1053 : i32 to index
    %swap3A_1055 = arith.constant 512 : index
    %swap3A_1056 = tpu.vector_load %arg6[%swap3A_1054, %swap3A_1055] {strides = array<i32>} : memref<2x1024xi32, #tpu.memory_space<vmem>>, vector<1x16xi32>,
    %swap3A_1057 = vector.shape_cast %swap3A_1056 : vector<1x16xi32> to vector<16xi32>
    %swap3A_1058 = vector.shape_cast %add3A_1052 : vector<16xi32> to vector<1x16xi32>
    tpu.vector_store %arg6[%swap3A_1054, %swap3A_1055], %swap3A_1058 {strides = array<i32>} : memref<2x1024xi32, #tpu.memory_space<vmem>>, vector<1x16xi32>,
    %get3A_1059 = arith.constant 528 : index
    %get3A_1060 = tpu.vector_load %arg5[%get3A_1059] {strides = array<i32>} : memref<1024xi32, #tpu.memory_space<vmem>>, vector<16xi32>,
    %get3A_1061 = vector.shape_cast %get3A_1060 : vector<16xi32> to vector<16xi32>
    %shift_right_arithmetic3A_1062 = arith.constant 7 : i32
    %shift_right_arithmetic3A_1063 = vector.broadcast %shift_right_arithmetic3A_1062 : i32 to vector<16xi32>
    %shift_right_arithmetic3A_1064 = arith.shrsi %get3A_1061, %shift_right_arithmetic3A_1063 : vector<16xi32>
    %shift_left3A_1065 = arith.constant 10 : i32
    %shift_left3A_1066 = vector.broadcast %shift_left3A_1065 : i32 to vector<16xi32>
    %shift_left3A_1067 = arith.shli %shift_right_arithmetic3A_1064, %shift_left3A_1066 : vector<16xi32>
    %and3A_1068 = arith.constant 127 : i32
    %and3A_1069 = vector.broadcast %and3A_1068 : i32 to vector<16xi32>
    %and3A_1070 = arith.andi %get3A_1061, %and3A_1069 : vector<16xi32>
    %add3A_1071 = arith.addi %shift_left3A_1067, %and3A_1070 : vector<16xi32>
    %sub3A_1072 = arith.constant 99968 : i32
    %sub3A_1073 = vector.broadcast %sub3A_1072 : i32 to vector<16xi32>
    %sub3A_1074 = arith.subi %get3A_1061, %sub3A_1073 : vector<16xi32>
    %add3A_1075 = arith.constant 799744 : i32
    %add3A_1076 = vector.broadcast %add3A_1075 : i32 to vector<16xi32>
    %add3A_1077 = arith.addi %add3A_1076, %sub3A_1074 : vector<16xi32>
    %lt3A_1078 = arith.constant 99968 : i32
    %lt3A_1079 = vector.broadcast %lt3A_1078 : i32 to vector<16xi32>
    %lt3A_1080 = arith.cmpi slt, %get3A_1061, %lt3A_1079 : vector<16xi32>
    %select_n3A_1081 = arith.select %lt3A_1080, %add3A_1071, %add3A_1077 : vector<16xi1>, vector<16xi32>
    %add3A_1082 = vector.broadcast %add3A_39 : i32 to vector<16xi32>
    %add3A_1083 = arith.addi %add3A_1082, %select_n3A_1081 : vector<16xi32>
    %swap3A_1084 = arith.constant 0 : i32
    %swap3A_1085 = arith.index_cast %swap3A_1084 : i32 to index
    %swap3A_1086 = arith.constant 528 : index
    %swap3A_1087 = tpu.vector_load %arg6[%swap3A_1085, %swap3A_1086] {strides = array<i32>} : memref<2x1024xi32, #tpu.memory_space<vmem>>, vector<1x16xi32>,
    %swap3A_1088 = vector.shape_cast %swap3A_1087 : vector<1x16xi32> to vector<16xi32>
    %swap3A_1089 = vector.shape_cast %add3A_1083 : vector<16xi32> to vector<1x16xi32>
    tpu.vector_store %arg6[%swap3A_1085, %swap3A_1086], %swap3A_1089 {strides = array<i32>} : memref<2x1024xi32, #tpu.memory_space<vmem>>, vector<1x16xi32>,
    %get3A_1090 = arith.constant 544 : index
    %get3A_1091 = tpu.vector_load %arg5[%get3A_1090] {strides = array<i32>} : memref<1024xi32, #tpu.memory_space<vmem>>, vector<16xi32>,
    %get3A_1092 = vector.shape_cast %get3A_1091 : vector<16xi32> to vector<16xi32>
    %shift_right_arithmetic3A_1093 = arith.constant 7 : i32
    %shift_right_arithmetic3A_1094 = vector.broadcast %shift_right_arithmetic3A_1093 : i32 to vector<16xi32>
    %shift_right_arithmetic3A_1095 = arith.shrsi %get3A_1092, %shift_right_arithmetic3A_1094 : vector<16xi32>
    %shift_left3A_1096 = arith.constant 10 : i32
    %shift_left3A_1097 = vector.broadcast %shift_left3A_1096 : i32 to vector<16xi32>
    %shift_left3A_1098 = arith.shli %shift_right_arithmetic3A_1095, %shift_left3A_1097 : vector<16xi32>
    %and3A_1099 = arith.constant 127 : i32
    %and3A_1100 = vector.broadcast %and3A_1099 : i32 to vector<16xi32>
    %and3A_1101 = arith.andi %get3A_1092, %and3A_1100 : vector<16xi32>
    %add3A_1102 = arith.addi %shift_left3A_1098, %and3A_1101 : vector<16xi32>
    %sub3A_1103 = arith.constant 99968 : i32
    %sub3A_1104 = vector.broadcast %sub3A_1103 : i32 to vector<16xi32>
    %sub3A_1105 = arith.subi %get3A_1092, %sub3A_1104 : vector<16xi32>
    %add3A_1106 = arith.constant 799744 : i32
    %add3A_1107 = vector.broadcast %add3A_1106 : i32 to vector<16xi32>
    %add3A_1108 = arith.addi %add3A_1107, %sub3A_1105 : vector<16xi32>
    %lt3A_1109 = arith.constant 99968 : i32
    %lt3A_1110 = vector.broadcast %lt3A_1109 : i32 to vector<16xi32>
    %lt3A_1111 = arith.cmpi slt, %get3A_1092, %lt3A_1110 : vector<16xi32>
    %select_n3A_1112 = arith.select %lt3A_1111, %add3A_1102, %add3A_1108 : vector<16xi1>, vector<16xi32>
    %add3A_1113 = vector.broadcast %add3A_39 : i32 to vector<16xi32>
    %add3A_1114 = arith.addi %add3A_1113, %select_n3A_1112 : vector<16xi32>
    %swap3A_1115 = arith.constant 0 : i32
    %swap3A_1116 = arith.index_cast %swap3A_1115 : i32 to index
    %swap3A_1117 = arith.constant 544 : index
    %swap3A_1118 = tpu.vector_load %arg6[%swap3A_1116, %swap3A_1117] {strides = array<i32>} : memref<2x1024xi32, #tpu.memory_space<vmem>>, vector<1x16xi32>,
    %swap3A_1119 = vector.shape_cast %swap3A_1118 : vector<1x16xi32> to vector<16xi32>
    %swap3A_1120 = vector.shape_cast %add3A_1114 : vector<16xi32> to vector<1x16xi32>
    tpu.vector_store %arg6[%swap3A_1116, %swap3A_1117], %swap3A_1120 {strides = array<i32>} : memref<2x1024xi32, #tpu.memory_space<vmem>>, vector<1x16xi32>,
    %get3A_1121 = arith.constant 560 : index
    %get3A_1122 = tpu.vector_load %arg5[%get3A_1121] {strides = array<i32>} : memref<1024xi32, #tpu.memory_space<vmem>>, vector<16xi32>,
    %get3A_1123 = vector.shape_cast %get3A_1122 : vector<16xi32> to vector<16xi32>
    %shift_right_arithmetic3A_1124 = arith.constant 7 : i32
    %shift_right_arithmetic3A_1125 = vector.broadcast %shift_right_arithmetic3A_1124 : i32 to vector<16xi32>
    %shift_right_arithmetic3A_1126 = arith.shrsi %get3A_1123, %shift_right_arithmetic3A_1125 : vector<16xi32>
    %shift_left3A_1127 = arith.constant 10 : i32
    %shift_left3A_1128 = vector.broadcast %shift_left3A_1127 : i32 to vector<16xi32>
    %shift_left3A_1129 = arith.shli %shift_right_arithmetic3A_1126, %shift_left3A_1128 : vector<16xi32>
    %and3A_1130 = arith.constant 127 : i32
    %and3A_1131 = vector.broadcast %and3A_1130 : i32 to vector<16xi32>
    %and3A_1132 = arith.andi %get3A_1123, %and3A_1131 : vector<16xi32>
    %add3A_1133 = arith.addi %shift_left3A_1129, %and3A_1132 : vector<16xi32>
    %sub3A_1134 = arith.constant 99968 : i32
    %sub3A_1135 = vector.broadcast %sub3A_1134 : i32 to vector<16xi32>
    %sub3A_1136 = arith.subi %get3A_1123, %sub3A_1135 : vector<16xi32>
    %add3A_1137 = arith.constant 799744 : i32
    %add3A_1138 = vector.broadcast %add3A_1137 : i32 to vector<16xi32>
    %add3A_1139 = arith.addi %add3A_1138, %sub3A_1136 : vector<16xi32>
    %lt3A_1140 = arith.constant 99968 : i32
    %lt3A_1141 = vector.broadcast %lt3A_1140 : i32 to vector<16xi32>
    %lt3A_1142 = arith.cmpi slt, %get3A_1123, %lt3A_1141 : vector<16xi32>
    %select_n3A_1143 = arith.select %lt3A_1142, %add3A_1133, %add3A_1139 : vector<16xi1>, vector<16xi32>
    %add3A_1144 = vector.broadcast %add3A_39 : i32 to vector<16xi32>
    %add3A_1145 = arith.addi %add3A_1144, %select_n3A_1143 : vector<16xi32>
    %swap3A_1146 = arith.constant 0 : i32
    %swap3A_1147 = arith.index_cast %swap3A_1146 : i32 to index
    %swap3A_1148 = arith.constant 560 : index
    %swap3A_1149 = tpu.vector_load %arg6[%swap3A_1147, %swap3A_1148] {strides = array<i32>} : memref<2x1024xi32, #tpu.memory_space<vmem>>, vector<1x16xi32>,
    %swap3A_1150 = vector.shape_cast %swap3A_1149 : vector<1x16xi32> to vector<16xi32>
    %swap3A_1151 = vector.shape_cast %add3A_1145 : vector<16xi32> to vector<1x16xi32>
    tpu.vector_store %arg6[%swap3A_1147, %swap3A_1148], %swap3A_1151 {strides = array<i32>} : memref<2x1024xi32, #tpu.memory_space<vmem>>, vector<1x16xi32>,
    %get3A_1152 = arith.constant 576 : index
    %get3A_1153 = tpu.vector_load %arg5[%get3A_1152] {strides = array<i32>} : memref<1024xi32, #tpu.memory_space<vmem>>, vector<16xi32>,
    %get3A_1154 = vector.shape_cast %get3A_1153 : vector<16xi32> to vector<16xi32>
    %shift_right_arithmetic3A_1155 = arith.constant 7 : i32
    %shift_right_arithmetic3A_1156 = vector.broadcast %shift_right_arithmetic3A_1155 : i32 to vector<16xi32>
    %shift_right_arithmetic3A_1157 = arith.shrsi %get3A_1154, %shift_right_arithmetic3A_1156 : vector<16xi32>
    %shift_left3A_1158 = arith.constant 10 : i32
    %shift_left3A_1159 = vector.broadcast %shift_left3A_1158 : i32 to vector<16xi32>
    %shift_left3A_1160 = arith.shli %shift_right_arithmetic3A_1157, %shift_left3A_1159 : vector<16xi32>
    %and3A_1161 = arith.constant 127 : i32
    %and3A_1162 = vector.broadcast %and3A_1161 : i32 to vector<16xi32>
    %and3A_1163 = arith.andi %get3A_1154, %and3A_1162 : vector<16xi32>
    %add3A_1164 = arith.addi %shift_left3A_1160, %and3A_1163 : vector<16xi32>
    %sub3A_1165 = arith.constant 99968 : i32
    %sub3A_1166 = vector.broadcast %sub3A_1165 : i32 to vector<16xi32>
    %sub3A_1167 = arith.subi %get3A_1154, %sub3A_1166 : vector<16xi32>
    %add3A_1168 = arith.constant 799744 : i32
    %add3A_1169 = vector.broadcast %add3A_1168 : i32 to vector<16xi32>
    %add3A_1170 = arith.addi %add3A_1169, %sub3A_1167 : vector<16xi32>
    %lt3A_1171 = arith.constant 99968 : i32
    %lt3A_1172 = vector.broadcast %lt3A_1171 : i32 to vector<16xi32>
    %lt3A_1173 = arith.cmpi slt, %get3A_1154, %lt3A_1172 : vector<16xi32>
    %select_n3A_1174 = arith.select %lt3A_1173, %add3A_1164, %add3A_1170 : vector<16xi1>, vector<16xi32>
    %add3A_1175 = vector.broadcast %add3A_39 : i32 to vector<16xi32>
    %add3A_1176 = arith.addi %add3A_1175, %select_n3A_1174 : vector<16xi32>
    %swap3A_1177 = arith.constant 0 : i32
    %swap3A_1178 = arith.index_cast %swap3A_1177 : i32 to index
    %swap3A_1179 = arith.constant 576 : index
    %swap3A_1180 = tpu.vector_load %arg6[%swap3A_1178, %swap3A_1179] {strides = array<i32>} : memref<2x1024xi32, #tpu.memory_space<vmem>>, vector<1x16xi32>,
    %swap3A_1181 = vector.shape_cast %swap3A_1180 : vector<1x16xi32> to vector<16xi32>
    %swap3A_1182 = vector.shape_cast %add3A_1176 : vector<16xi32> to vector<1x16xi32>
    tpu.vector_store %arg6[%swap3A_1178, %swap3A_1179], %swap3A_1182 {strides = array<i32>} : memref<2x1024xi32, #tpu.memory_space<vmem>>, vector<1x16xi32>,
    %get3A_1183 = arith.constant 592 : index
    %get3A_1184 = tpu.vector_load %arg5[%get3A_1183] {strides = array<i32>} : memref<1024xi32, #tpu.memory_space<vmem>>, vector<16xi32>,
    %get3A_1185 = vector.shape_cast %get3A_1184 : vector<16xi32> to vector<16xi32>
    %shift_right_arithmetic3A_1186 = arith.constant 7 : i32
    %shift_right_arithmetic3A_1187 = vector.broadcast %shift_right_arithmetic3A_1186 : i32 to vector<16xi32>
    %shift_right_arithmetic3A_1188 = arith.shrsi %get3A_1185, %shift_right_arithmetic3A_1187 : vector<16xi32>
    %shift_left3A_1189 = arith.constant 10 : i32
    %shift_left3A_1190 = vector.broadcast %shift_left3A_1189 : i32 to vector<16xi32>
    %shift_left3A_1191 = arith.shli %shift_right_arithmetic3A_1188, %shift_left3A_1190 : vector<16xi32>
    %and3A_1192 = arith.constant 127 : i32
    %and3A_1193 = vector.broadcast %and3A_1192 : i32 to vector<16xi32>
    %and3A_1194 = arith.andi %get3A_1185, %and3A_1193 : vector<16xi32>
    %add3A_1195 = arith.addi %shift_left3A_1191, %and3A_1194 : vector<16xi32>
    %sub3A_1196 = arith.constant 99968 : i32
    %sub3A_1197 = vector.broadcast %sub3A_1196 : i32 to vector<16xi32>
    %sub3A_1198 = arith.subi %get3A_1185, %sub3A_1197 : vector<16xi32>
    %add3A_1199 = arith.constant 799744 : i32
    %add3A_1200 = vector.broadcast %add3A_1199 : i32 to vector<16xi32>
    %add3A_1201 = arith.addi %add3A_1200, %sub3A_1198 : vector<16xi32>
    %lt3A_1202 = arith.constant 99968 : i32
    %lt3A_1203 = vector.broadcast %lt3A_1202 : i32 to vector<16xi32>
    %lt3A_1204 = arith.cmpi slt, %get3A_1185, %lt3A_1203 : vector<16xi32>
    %select_n3A_1205 = arith.select %lt3A_1204, %add3A_1195, %add3A_1201 : vector<16xi1>, vector<16xi32>
    %add3A_1206 = vector.broadcast %add3A_39 : i32 to vector<16xi32>
    %add3A_1207 = arith.addi %add3A_1206, %select_n3A_1205 : vector<16xi32>
    %swap3A_1208 = arith.constant 0 : i32
    %swap3A_1209 = arith.index_cast %swap3A_1208 : i32 to index
    %swap3A_1210 = arith.constant 592 : index
    %swap3A_1211 = tpu.vector_load %arg6[%swap3A_1209, %swap3A_1210] {strides = array<i32>} : memref<2x1024xi32, #tpu.memory_space<vmem>>, vector<1x16xi32>,
    %swap3A_1212 = vector.shape_cast %swap3A_1211 : vector<1x16xi32> to vector<16xi32>
    %swap3A_1213 = vector.shape_cast %add3A_1207 : vector<16xi32> to vector<1x16xi32>
    tpu.vector_store %arg6[%swap3A_1209, %swap3A_1210], %swap3A_1213 {strides = array<i32>} : memref<2x1024xi32, #tpu.memory_space<vmem>>, vector<1x16xi32>,
    %get3A_1214 = arith.constant 608 : index
    %get3A_1215 = tpu.vector_load %arg5[%get3A_1214] {strides = array<i32>} : memref<1024xi32, #tpu.memory_space<vmem>>, vector<16xi32>,
    %get3A_1216 = vector.shape_cast %get3A_1215 : vector<16xi32> to vector<16xi32>
    %shift_right_arithmetic3A_1217 = arith.constant 7 : i32
    %shift_right_arithmetic3A_1218 = vector.broadcast %shift_right_arithmetic3A_1217 : i32 to vector<16xi32>
    %shift_right_arithmetic3A_1219 = arith.shrsi %get3A_1216, %shift_right_arithmetic3A_1218 : vector<16xi32>
    %shift_left3A_1220 = arith.constant 10 : i32
    %shift_left3A_1221 = vector.broadcast %shift_left3A_1220 : i32 to vector<16xi32>
    %shift_left3A_1222 = arith.shli %shift_right_arithmetic3A_1219, %shift_left3A_1221 : vector<16xi32>
    %and3A_1223 = arith.constant 127 : i32
    %and3A_1224 = vector.broadcast %and3A_1223 : i32 to vector<16xi32>
    %and3A_1225 = arith.andi %get3A_1216, %and3A_1224 : vector<16xi32>
    %add3A_1226 = arith.addi %shift_left3A_1222, %and3A_1225 : vector<16xi32>
    %sub3A_1227 = arith.constant 99968 : i32
    %sub3A_1228 = vector.broadcast %sub3A_1227 : i32 to vector<16xi32>
    %sub3A_1229 = arith.subi %get3A_1216, %sub3A_1228 : vector<16xi32>
    %add3A_1230 = arith.constant 799744 : i32
    %add3A_1231 = vector.broadcast %add3A_1230 : i32 to vector<16xi32>
    %add3A_1232 = arith.addi %add3A_1231, %sub3A_1229 : vector<16xi32>
    %lt3A_1233 = arith.constant 99968 : i32
    %lt3A_1234 = vector.broadcast %lt3A_1233 : i32 to vector<16xi32>
    %lt3A_1235 = arith.cmpi slt, %get3A_1216, %lt3A_1234 : vector<16xi32>
    %select_n3A_1236 = arith.select %lt3A_1235, %add3A_1226, %add3A_1232 : vector<16xi1>, vector<16xi32>
    %add3A_1237 = vector.broadcast %add3A_39 : i32 to vector<16xi32>
    %add3A_1238 = arith.addi %add3A_1237, %select_n3A_1236 : vector<16xi32>
    %swap3A_1239 = arith.constant 0 : i32
    %swap3A_1240 = arith.index_cast %swap3A_1239 : i32 to index
    %swap3A_1241 = arith.constant 608 : index
    %swap3A_1242 = tpu.vector_load %arg6[%swap3A_1240, %swap3A_1241] {strides = array<i32>} : memref<2x1024xi32, #tpu.memory_space<vmem>>, vector<1x16xi32>,
    %swap3A_1243 = vector.shape_cast %swap3A_1242 : vector<1x16xi32> to vector<16xi32>
    %swap3A_1244 = vector.shape_cast %add3A_1238 : vector<16xi32> to vector<1x16xi32>
    tpu.vector_store %arg6[%swap3A_1240, %swap3A_1241], %swap3A_1244 {strides = array<i32>} : memref<2x1024xi32, #tpu.memory_space<vmem>>, vector<1x16xi32>,
    %get3A_1245 = arith.constant 624 : index
    %get3A_1246 = tpu.vector_load %arg5[%get3A_1245] {strides = array<i32>} : memref<1024xi32, #tpu.memory_space<vmem>>, vector<16xi32>,
    %get3A_1247 = vector.shape_cast %get3A_1246 : vector<16xi32> to vector<16xi32>
    %shift_right_arithmetic3A_1248 = arith.constant 7 : i32
    %shift_right_arithmetic3A_1249 = vector.broadcast %shift_right_arithmetic3A_1248 : i32 to vector<16xi32>
    %shift_right_arithmetic3A_1250 = arith.shrsi %get3A_1247, %shift_right_arithmetic3A_1249 : vector<16xi32>
    %shift_left3A_1251 = arith.constant 10 : i32
    %shift_left3A_1252 = vector.broadcast %shift_left3A_1251 : i32 to vector<16xi32>
    %shift_left3A_1253 = arith.shli %shift_right_arithmetic3A_1250, %shift_left3A_1252 : vector<16xi32>
    %and3A_1254 = arith.constant 127 : i32
    %and3A_1255 = vector.broadcast %and3A_1254 : i32 to vector<16xi32>
    %and3A_1256 = arith.andi %get3A_1247, %and3A_1255 : vector<16xi32>
    %add3A_1257 = arith.addi %shift_left3A_1253, %and3A_1256 : vector<16xi32>
    %sub3A_1258 = arith.constant 99968 : i32
    %sub3A_1259 = vector.broadcast %sub3A_1258 : i32 to vector<16xi32>
    %sub3A_1260 = arith.subi %get3A_1247, %sub3A_1259 : vector<16xi32>
    %add3A_1261 = arith.constant 799744 : i32
    %add3A_1262 = vector.broadcast %add3A_1261 : i32 to vector<16xi32>
    %add3A_1263 = arith.addi %add3A_1262, %sub3A_1260 : vector<16xi32>
    %lt3A_1264 = arith.constant 99968 : i32
    %lt3A_1265 = vector.broadcast %lt3A_1264 : i32 to vector<16xi32>
    %lt3A_1266 = arith.cmpi slt, %get3A_1247, %lt3A_1265 : vector<16xi32>
    %select_n3A_1267 = arith.select %lt3A_1266, %add3A_1257, %add3A_1263 : vector<16xi1>, vector<16xi32>
    %add3A_1268 = vector.broadcast %add3A_39 : i32 to vector<16xi32>
    %add3A_1269 = arith.addi %add3A_1268, %select_n3A_1267 : vector<16xi32>
    %swap3A_1270 = arith.constant 0 : i32
    %swap3A_1271 = arith.index_cast %swap3A_1270 : i32 to index
    %swap3A_1272 = arith.constant 624 : index
    %swap3A_1273 = tpu.vector_load %arg6[%swap3A_1271, %swap3A_1272] {strides = array<i32>} : memref<2x1024xi32, #tpu.memory_space<vmem>>, vector<1x16xi32>,
    %swap3A_1274 = vector.shape_cast %swap3A_1273 : vector<1x16xi32> to vector<16xi32>
    %swap3A_1275 = vector.shape_cast %add3A_1269 : vector<16xi32> to vector<1x16xi32>
    tpu.vector_store %arg6[%swap3A_1271, %swap3A_1272], %swap3A_1275 {strides = array<i32>} : memref<2x1024xi32, #tpu.memory_space<vmem>>, vector<1x16xi32>,
    %get3A_1276 = arith.constant 640 : index
    %get3A_1277 = tpu.vector_load %arg5[%get3A_1276] {strides = array<i32>} : memref<1024xi32, #tpu.memory_space<vmem>>, vector<16xi32>,
    %get3A_1278 = vector.shape_cast %get3A_1277 : vector<16xi32> to vector<16xi32>
    %shift_right_arithmetic3A_1279 = arith.constant 7 : i32
    %shift_right_arithmetic3A_1280 = vector.broadcast %shift_right_arithmetic3A_1279 : i32 to vector<16xi32>
    %shift_right_arithmetic3A_1281 = arith.shrsi %get3A_1278, %shift_right_arithmetic3A_1280 : vector<16xi32>
    %shift_left3A_1282 = arith.constant 10 : i32
    %shift_left3A_1283 = vector.broadcast %shift_left3A_1282 : i32 to vector<16xi32>
    %shift_left3A_1284 = arith.shli %shift_right_arithmetic3A_1281, %shift_left3A_1283 : vector<16xi32>
    %and3A_1285 = arith.constant 127 : i32
    %and3A_1286 = vector.broadcast %and3A_1285 : i32 to vector<16xi32>
    %and3A_1287 = arith.andi %get3A_1278, %and3A_1286 : vector<16xi32>
    %add3A_1288 = arith.addi %shift_left3A_1284, %and3A_1287 : vector<16xi32>
    %sub3A_1289 = arith.constant 99968 : i32
    %sub3A_1290 = vector.broadcast %sub3A_1289 : i32 to vector<16xi32>
    %sub3A_1291 = arith.subi %get3A_1278, %sub3A_1290 : vector<16xi32>
    %add3A_1292 = arith.constant 799744 : i32
    %add3A_1293 = vector.broadcast %add3A_1292 : i32 to vector<16xi32>
    %add3A_1294 = arith.addi %add3A_1293, %sub3A_1291 : vector<16xi32>
    %lt3A_1295 = arith.constant 99968 : i32
    %lt3A_1296 = vector.broadcast %lt3A_1295 : i32 to vector<16xi32>
    %lt3A_1297 = arith.cmpi slt, %get3A_1278, %lt3A_1296 : vector<16xi32>
    %select_n3A_1298 = arith.select %lt3A_1297, %add3A_1288, %add3A_1294 : vector<16xi1>, vector<16xi32>
    %add3A_1299 = vector.broadcast %add3A_39 : i32 to vector<16xi32>
    %add3A_1300 = arith.addi %add3A_1299, %select_n3A_1298 : vector<16xi32>
    %swap3A_1301 = arith.constant 0 : i32
    %swap3A_1302 = arith.index_cast %swap3A_1301 : i32 to index
    %swap3A_1303 = arith.constant 640 : index
    %swap3A_1304 = tpu.vector_load %arg6[%swap3A_1302, %swap3A_1303] {strides = array<i32>} : memref<2x1024xi32, #tpu.memory_space<vmem>>, vector<1x16xi32>,
    %swap3A_1305 = vector.shape_cast %swap3A_1304 : vector<1x16xi32> to vector<16xi32>
    %swap3A_1306 = vector.shape_cast %add3A_1300 : vector<16xi32> to vector<1x16xi32>
    tpu.vector_store %arg6[%swap3A_1302, %swap3A_1303], %swap3A_1306 {strides = array<i32>} : memref<2x1024xi32, #tpu.memory_space<vmem>>, vector<1x16xi32>,
    %get3A_1307 = arith.constant 656 : index
    %get3A_1308 = tpu.vector_load %arg5[%get3A_1307] {strides = array<i32>} : memref<1024xi32, #tpu.memory_space<vmem>>, vector<16xi32>,
    %get3A_1309 = vector.shape_cast %get3A_1308 : vector<16xi32> to vector<16xi32>
    %shift_right_arithmetic3A_1310 = arith.constant 7 : i32
    %shift_right_arithmetic3A_1311 = vector.broadcast %shift_right_arithmetic3A_1310 : i32 to vector<16xi32>
    %shift_right_arithmetic3A_1312 = arith.shrsi %get3A_1309, %shift_right_arithmetic3A_1311 : vector<16xi32>
    %shift_left3A_1313 = arith.constant 10 : i32
    %shift_left3A_1314 = vector.broadcast %shift_left3A_1313 : i32 to vector<16xi32>
    %shift_left3A_1315 = arith.shli %shift_right_arithmetic3A_1312, %shift_left3A_1314 : vector<16xi32>
    %and3A_1316 = arith.constant 127 : i32
    %and3A_1317 = vector.broadcast %and3A_1316 : i32 to vector<16xi32>
    %and3A_1318 = arith.andi %get3A_1309, %and3A_1317 : vector<16xi32>
    %add3A_1319 = arith.addi %shift_left3A_1315, %and3A_1318 : vector<16xi32>
    %sub3A_1320 = arith.constant 99968 : i32
    %sub3A_1321 = vector.broadcast %sub3A_1320 : i32 to vector<16xi32>
    %sub3A_1322 = arith.subi %get3A_1309, %sub3A_1321 : vector<16xi32>
    %add3A_1323 = arith.constant 799744 : i32
    %add3A_1324 = vector.broadcast %add3A_1323 : i32 to vector<16xi32>
    %add3A_1325 = arith.addi %add3A_1324, %sub3A_1322 : vector<16xi32>
    %lt3A_1326 = arith.constant 99968 : i32
    %lt3A_1327 = vector.broadcast %lt3A_1326 : i32 to vector<16xi32>
    %lt3A_1328 = arith.cmpi slt, %get3A_1309, %lt3A_1327 : vector<16xi32>
    %select_n3A_1329 = arith.select %lt3A_1328, %add3A_1319, %add3A_1325 : vector<16xi1>, vector<16xi32>
    %add3A_1330 = vector.broadcast %add3A_39 : i32 to vector<16xi32>
    %add3A_1331 = arith.addi %add3A_1330, %select_n3A_1329 : vector<16xi32>
    %swap3A_1332 = arith.constant 0 : i32
    %swap3A_1333 = arith.index_cast %swap3A_1332 : i32 to index
    %swap3A_1334 = arith.constant 656 : index
    %swap3A_1335 = tpu.vector_load %arg6[%swap3A_1333, %swap3A_1334] {strides = array<i32>} : memref<2x1024xi32, #tpu.memory_space<vmem>>, vector<1x16xi32>,
    %swap3A_1336 = vector.shape_cast %swap3A_1335 : vector<1x16xi32> to vector<16xi32>
    %swap3A_1337 = vector.shape_cast %add3A_1331 : vector<16xi32> to vector<1x16xi32>
    tpu.vector_store %arg6[%swap3A_1333, %swap3A_1334], %swap3A_1337 {strides = array<i32>} : memref<2x1024xi32, #tpu.memory_space<vmem>>, vector<1x16xi32>,
    %get3A_1338 = arith.constant 672 : index
    %get3A_1339 = tpu.vector_load %arg5[%get3A_1338] {strides = array<i32>} : memref<1024xi32, #tpu.memory_space<vmem>>, vector<16xi32>,
    %get3A_1340 = vector.shape_cast %get3A_1339 : vector<16xi32> to vector<16xi32>
    %shift_right_arithmetic3A_1341 = arith.constant 7 : i32
    %shift_right_arithmetic3A_1342 = vector.broadcast %shift_right_arithmetic3A_1341 : i32 to vector<16xi32>
    %shift_right_arithmetic3A_1343 = arith.shrsi %get3A_1340, %shift_right_arithmetic3A_1342 : vector<16xi32>
    %shift_left3A_1344 = arith.constant 10 : i32
    %shift_left3A_1345 = vector.broadcast %shift_left3A_1344 : i32 to vector<16xi32>
    %shift_left3A_1346 = arith.shli %shift_right_arithmetic3A_1343, %shift_left3A_1345 : vector<16xi32>
    %and3A_1347 = arith.constant 127 : i32
    %and3A_1348 = vector.broadcast %and3A_1347 : i32 to vector<16xi32>
    %and3A_1349 = arith.andi %get3A_1340, %and3A_1348 : vector<16xi32>
    %add3A_1350 = arith.addi %shift_left3A_1346, %and3A_1349 : vector<16xi32>
    %sub3A_1351 = arith.constant 99968 : i32
    %sub3A_1352 = vector.broadcast %sub3A_1351 : i32 to vector<16xi32>
    %sub3A_1353 = arith.subi %get3A_1340, %sub3A_1352 : vector<16xi32>
    %add3A_1354 = arith.constant 799744 : i32
    %add3A_1355 = vector.broadcast %add3A_1354 : i32 to vector<16xi32>
    %add3A_1356 = arith.addi %add3A_1355, %sub3A_1353 : vector<16xi32>
    %lt3A_1357 = arith.constant 99968 : i32
    %lt3A_1358 = vector.broadcast %lt3A_1357 : i32 to vector<16xi32>
    %lt3A_1359 = arith.cmpi slt, %get3A_1340, %lt3A_1358 : vector<16xi32>
    %select_n3A_1360 = arith.select %lt3A_1359, %add3A_1350, %add3A_1356 : vector<16xi1>, vector<16xi32>
    %add3A_1361 = vector.broadcast %add3A_39 : i32 to vector<16xi32>
    %add3A_1362 = arith.addi %add3A_1361, %select_n3A_1360 : vector<16xi32>
    %swap3A_1363 = arith.constant 0 : i32
    %swap3A_1364 = arith.index_cast %swap3A_1363 : i32 to index
    %swap3A_1365 = arith.constant 672 : index
    %swap3A_1366 = tpu.vector_load %arg6[%swap3A_1364, %swap3A_1365] {strides = array<i32>} : memref<2x1024xi32, #tpu.memory_space<vmem>>, vector<1x16xi32>,
    %swap3A_1367 = vector.shape_cast %swap3A_1366 : vector<1x16xi32> to vector<16xi32>
    %swap3A_1368 = vector.shape_cast %add3A_1362 : vector<16xi32> to vector<1x16xi32>
    tpu.vector_store %arg6[%swap3A_1364, %swap3A_1365], %swap3A_1368 {strides = array<i32>} : memref<2x1024xi32, #tpu.memory_space<vmem>>, vector<1x16xi32>,
    %get3A_1369 = arith.constant 688 : index
    %get3A_1370 = tpu.vector_load %arg5[%get3A_1369] {strides = array<i32>} : memref<1024xi32, #tpu.memory_space<vmem>>, vector<16xi32>,
    %get3A_1371 = vector.shape_cast %get3A_1370 : vector<16xi32> to vector<16xi32>
    %shift_right_arithmetic3A_1372 = arith.constant 7 : i32
    %shift_right_arithmetic3A_1373 = vector.broadcast %shift_right_arithmetic3A_1372 : i32 to vector<16xi32>
    %shift_right_arithmetic3A_1374 = arith.shrsi %get3A_1371, %shift_right_arithmetic3A_1373 : vector<16xi32>
    %shift_left3A_1375 = arith.constant 10 : i32
    %shift_left3A_1376 = vector.broadcast %shift_left3A_1375 : i32 to vector<16xi32>
    %shift_left3A_1377 = arith.shli %shift_right_arithmetic3A_1374, %shift_left3A_1376 : vector<16xi32>
    %and3A_1378 = arith.constant 127 : i32
    %and3A_1379 = vector.broadcast %and3A_1378 : i32 to vector<16xi32>
    %and3A_1380 = arith.andi %get3A_1371, %and3A_1379 : vector<16xi32>
    %add3A_1381 = arith.addi %shift_left3A_1377, %and3A_1380 : vector<16xi32>
    %sub3A_1382 = arith.constant 99968 : i32
    %sub3A_1383 = vector.broadcast %sub3A_1382 : i32 to vector<16xi32>
    %sub3A_1384 = arith.subi %get3A_1371, %sub3A_1383 : vector<16xi32>
    %add3A_1385 = arith.constant 799744 : i32
    %add3A_1386 = vector.broadcast %add3A_1385 : i32 to vector<16xi32>
    %add3A_1387 = arith.addi %add3A_1386, %sub3A_1384 : vector<16xi32>
    %lt3A_1388 = arith.constant 99968 : i32
    %lt3A_1389 = vector.broadcast %lt3A_1388 : i32 to vector<16xi32>
    %lt3A_1390 = arith.cmpi slt, %get3A_1371, %lt3A_1389 : vector<16xi32>
    %select_n3A_1391 = arith.select %lt3A_1390, %add3A_1381, %add3A_1387 : vector<16xi1>, vector<16xi32>
    %add3A_1392 = vector.broadcast %add3A_39 : i32 to vector<16xi32>
    %add3A_1393 = arith.addi %add3A_1392, %select_n3A_1391 : vector<16xi32>
    %swap3A_1394 = arith.constant 0 : i32
    %swap3A_1395 = arith.index_cast %swap3A_1394 : i32 to index
    %swap3A_1396 = arith.constant 688 : index
    %swap3A_1397 = tpu.vector_load %arg6[%swap3A_1395, %swap3A_1396] {strides = array<i32>} : memref<2x1024xi32, #tpu.memory_space<vmem>>, vector<1x16xi32>,
    %swap3A_1398 = vector.shape_cast %swap3A_1397 : vector<1x16xi32> to vector<16xi32>
    %swap3A_1399 = vector.shape_cast %add3A_1393 : vector<16xi32> to vector<1x16xi32>
    tpu.vector_store %arg6[%swap3A_1395, %swap3A_1396], %swap3A_1399 {strides = array<i32>} : memref<2x1024xi32, #tpu.memory_space<vmem>>, vector<1x16xi32>,
    %get3A_1400 = arith.constant 704 : index
    %get3A_1401 = tpu.vector_load %arg5[%get3A_1400] {strides = array<i32>} : memref<1024xi32, #tpu.memory_space<vmem>>, vector<16xi32>,
    %get3A_1402 = vector.shape_cast %get3A_1401 : vector<16xi32> to vector<16xi32>
    %shift_right_arithmetic3A_1403 = arith.constant 7 : i32
    %shift_right_arithmetic3A_1404 = vector.broadcast %shift_right_arithmetic3A_1403 : i32 to vector<16xi32>
    %shift_right_arithmetic3A_1405 = arith.shrsi %get3A_1402, %shift_right_arithmetic3A_1404 : vector<16xi32>
    %shift_left3A_1406 = arith.constant 10 : i32
    %shift_left3A_1407 = vector.broadcast %shift_left3A_1406 : i32 to vector<16xi32>
    %shift_left3A_1408 = arith.shli %shift_right_arithmetic3A_1405, %shift_left3A_1407 : vector<16xi32>
    %and3A_1409 = arith.constant 127 : i32
    %and3A_1410 = vector.broadcast %and3A_1409 : i32 to vector<16xi32>
    %and3A_1411 = arith.andi %get3A_1402, %and3A_1410 : vector<16xi32>
    %add3A_1412 = arith.addi %shift_left3A_1408, %and3A_1411 : vector<16xi32>
    %sub3A_1413 = arith.constant 99968 : i32
    %sub3A_1414 = vector.broadcast %sub3A_1413 : i32 to vector<16xi32>
    %sub3A_1415 = arith.subi %get3A_1402, %sub3A_1414 : vector<16xi32>
    %add3A_1416 = arith.constant 799744 : i32
    %add3A_1417 = vector.broadcast %add3A_1416 : i32 to vector<16xi32>
    %add3A_1418 = arith.addi %add3A_1417, %sub3A_1415 : vector<16xi32>
    %lt3A_1419 = arith.constant 99968 : i32
    %lt3A_1420 = vector.broadcast %lt3A_1419 : i32 to vector<16xi32>
    %lt3A_1421 = arith.cmpi slt, %get3A_1402, %lt3A_1420 : vector<16xi32>
    %select_n3A_1422 = arith.select %lt3A_1421, %add3A_1412, %add3A_1418 : vector<16xi1>, vector<16xi32>
    %add3A_1423 = vector.broadcast %add3A_39 : i32 to vector<16xi32>
    %add3A_1424 = arith.addi %add3A_1423, %select_n3A_1422 : vector<16xi32>
    %swap3A_1425 = arith.constant 0 : i32
    %swap3A_1426 = arith.index_cast %swap3A_1425 : i32 to index
    %swap3A_1427 = arith.constant 704 : index
    %swap3A_1428 = tpu.vector_load %arg6[%swap3A_1426, %swap3A_1427] {strides = array<i32>} : memref<2x1024xi32, #tpu.memory_space<vmem>>, vector<1x16xi32>,
    %swap3A_1429 = vector.shape_cast %swap3A_1428 : vector<1x16xi32> to vector<16xi32>
    %swap3A_1430 = vector.shape_cast %add3A_1424 : vector<16xi32> to vector<1x16xi32>
    tpu.vector_store %arg6[%swap3A_1426, %swap3A_1427], %swap3A_1430 {strides = array<i32>} : memref<2x1024xi32, #tpu.memory_space<vmem>>, vector<1x16xi32>,
    %get3A_1431 = arith.constant 720 : index
    %get3A_1432 = tpu.vector_load %arg5[%get3A_1431] {strides = array<i32>} : memref<1024xi32, #tpu.memory_space<vmem>>, vector<16xi32>,
    %get3A_1433 = vector.shape_cast %get3A_1432 : vector<16xi32> to vector<16xi32>
    %shift_right_arithmetic3A_1434 = arith.constant 7 : i32
    %shift_right_arithmetic3A_1435 = vector.broadcast %shift_right_arithmetic3A_1434 : i32 to vector<16xi32>
    %shift_right_arithmetic3A_1436 = arith.shrsi %get3A_1433, %shift_right_arithmetic3A_1435 : vector<16xi32>
    %shift_left3A_1437 = arith.constant 10 : i32
    %shift_left3A_1438 = vector.broadcast %shift_left3A_1437 : i32 to vector<16xi32>
    %shift_left3A_1439 = arith.shli %shift_right_arithmetic3A_1436, %shift_left3A_1438 : vector<16xi32>
    %and3A_1440 = arith.constant 127 : i32
    %and3A_1441 = vector.broadcast %and3A_1440 : i32 to vector<16xi32>
    %and3A_1442 = arith.andi %get3A_1433, %and3A_1441 : vector<16xi32>
    %add3A_1443 = arith.addi %shift_left3A_1439, %and3A_1442 : vector<16xi32>
    %sub3A_1444 = arith.constant 99968 : i32
    %sub3A_1445 = vector.broadcast %sub3A_1444 : i32 to vector<16xi32>
    %sub3A_1446 = arith.subi %get3A_1433, %sub3A_1445 : vector<16xi32>
    %add3A_1447 = arith.constant 799744 : i32
    %add3A_1448 = vector.broadcast %add3A_1447 : i32 to vector<16xi32>
    %add3A_1449 = arith.addi %add3A_1448, %sub3A_1446 : vector<16xi32>
    %lt3A_1450 = arith.constant 99968 : i32
    %lt3A_1451 = vector.broadcast %lt3A_1450 : i32 to vector<16xi32>
    %lt3A_1452 = arith.cmpi slt, %get3A_1433, %lt3A_1451 : vector<16xi32>
    %select_n3A_1453 = arith.select %lt3A_1452, %add3A_1443, %add3A_1449 : vector<16xi1>, vector<16xi32>
    %add3A_1454 = vector.broadcast %add3A_39 : i32 to vector<16xi32>
    %add3A_1455 = arith.addi %add3A_1454, %select_n3A_1453 : vector<16xi32>
    %swap3A_1456 = arith.constant 0 : i32
    %swap3A_1457 = arith.index_cast %swap3A_1456 : i32 to index
    %swap3A_1458 = arith.constant 720 : index
    %swap3A_1459 = tpu.vector_load %arg6[%swap3A_1457, %swap3A_1458] {strides = array<i32>} : memref<2x1024xi32, #tpu.memory_space<vmem>>, vector<1x16xi32>,
    %swap3A_1460 = vector.shape_cast %swap3A_1459 : vector<1x16xi32> to vector<16xi32>
    %swap3A_1461 = vector.shape_cast %add3A_1455 : vector<16xi32> to vector<1x16xi32>
    tpu.vector_store %arg6[%swap3A_1457, %swap3A_1458], %swap3A_1461 {strides = array<i32>} : memref<2x1024xi32, #tpu.memory_space<vmem>>, vector<1x16xi32>,
    %get3A_1462 = arith.constant 736 : index
    %get3A_1463 = tpu.vector_load %arg5[%get3A_1462] {strides = array<i32>} : memref<1024xi32, #tpu.memory_space<vmem>>, vector<16xi32>,
    %get3A_1464 = vector.shape_cast %get3A_1463 : vector<16xi32> to vector<16xi32>
    %shift_right_arithmetic3A_1465 = arith.constant 7 : i32
    %shift_right_arithmetic3A_1466 = vector.broadcast %shift_right_arithmetic3A_1465 : i32 to vector<16xi32>
    %shift_right_arithmetic3A_1467 = arith.shrsi %get3A_1464, %shift_right_arithmetic3A_1466 : vector<16xi32>
    %shift_left3A_1468 = arith.constant 10 : i32
    %shift_left3A_1469 = vector.broadcast %shift_left3A_1468 : i32 to vector<16xi32>
    %shift_left3A_1470 = arith.shli %shift_right_arithmetic3A_1467, %shift_left3A_1469 : vector<16xi32>
    %and3A_1471 = arith.constant 127 : i32
    %and3A_1472 = vector.broadcast %and3A_1471 : i32 to vector<16xi32>
    %and3A_1473 = arith.andi %get3A_1464, %and3A_1472 : vector<16xi32>
    %add3A_1474 = arith.addi %shift_left3A_1470, %and3A_1473 : vector<16xi32>
    %sub3A_1475 = arith.constant 99968 : i32
    %sub3A_1476 = vector.broadcast %sub3A_1475 : i32 to vector<16xi32>
    %sub3A_1477 = arith.subi %get3A_1464, %sub3A_1476 : vector<16xi32>
    %add3A_1478 = arith.constant 799744 : i32
    %add3A_1479 = vector.broadcast %add3A_1478 : i32 to vector<16xi32>
    %add3A_1480 = arith.addi %add3A_1479, %sub3A_1477 : vector<16xi32>
    %lt3A_1481 = arith.constant 99968 : i32
    %lt3A_1482 = vector.broadcast %lt3A_1481 : i32 to vector<16xi32>
    %lt3A_1483 = arith.cmpi slt, %get3A_1464, %lt3A_1482 : vector<16xi32>
    %select_n3A_1484 = arith.select %lt3A_1483, %add3A_1474, %add3A_1480 : vector<16xi1>, vector<16xi32>
    %add3A_1485 = vector.broadcast %add3A_39 : i32 to vector<16xi32>
    %add3A_1486 = arith.addi %add3A_1485, %select_n3A_1484 : vector<16xi32>
    %swap3A_1487 = arith.constant 0 : i32
    %swap3A_1488 = arith.index_cast %swap3A_1487 : i32 to index
    %swap3A_1489 = arith.constant 736 : index
    %swap3A_1490 = tpu.vector_load %arg6[%swap3A_1488, %swap3A_1489] {strides = array<i32>} : memref<2x1024xi32, #tpu.memory_space<vmem>>, vector<1x16xi32>,
    %swap3A_1491 = vector.shape_cast %swap3A_1490 : vector<1x16xi32> to vector<16xi32>
    %swap3A_1492 = vector.shape_cast %add3A_1486 : vector<16xi32> to vector<1x16xi32>
    tpu.vector_store %arg6[%swap3A_1488, %swap3A_1489], %swap3A_1492 {strides = array<i32>} : memref<2x1024xi32, #tpu.memory_space<vmem>>, vector<1x16xi32>,
    %get3A_1493 = arith.constant 752 : index
    %get3A_1494 = tpu.vector_load %arg5[%get3A_1493] {strides = array<i32>} : memref<1024xi32, #tpu.memory_space<vmem>>, vector<16xi32>,
    %get3A_1495 = vector.shape_cast %get3A_1494 : vector<16xi32> to vector<16xi32>
    %shift_right_arithmetic3A_1496 = arith.constant 7 : i32
    %shift_right_arithmetic3A_1497 = vector.broadcast %shift_right_arithmetic3A_1496 : i32 to vector<16xi32>
    %shift_right_arithmetic3A_1498 = arith.shrsi %get3A_1495, %shift_right_arithmetic3A_1497 : vector<16xi32>
    %shift_left3A_1499 = arith.constant 10 : i32
    %shift_left3A_1500 = vector.broadcast %shift_left3A_1499 : i32 to vector<16xi32>
    %shift_left3A_1501 = arith.shli %shift_right_arithmetic3A_1498, %shift_left3A_1500 : vector<16xi32>
    %and3A_1502 = arith.constant 127 : i32
    %and3A_1503 = vector.broadcast %and3A_1502 : i32 to vector<16xi32>
    %and3A_1504 = arith.andi %get3A_1495, %and3A_1503 : vector<16xi32>
    %add3A_1505 = arith.addi %shift_left3A_1501, %and3A_1504 : vector<16xi32>
    %sub3A_1506 = arith.constant 99968 : i32
    %sub3A_1507 = vector.broadcast %sub3A_1506 : i32 to vector<16xi32>
    %sub3A_1508 = arith.subi %get3A_1495, %sub3A_1507 : vector<16xi32>
    %add3A_1509 = arith.constant 799744 : i32
    %add3A_1510 = vector.broadcast %add3A_1509 : i32 to vector<16xi32>
    %add3A_1511 = arith.addi %add3A_1510, %sub3A_1508 : vector<16xi32>
    %lt3A_1512 = arith.constant 99968 : i32
    %lt3A_1513 = vector.broadcast %lt3A_1512 : i32 to vector<16xi32>
    %lt3A_1514 = arith.cmpi slt, %get3A_1495, %lt3A_1513 : vector<16xi32>
    %select_n3A_1515 = arith.select %lt3A_1514, %add3A_1505, %add3A_1511 : vector<16xi1>, vector<16xi32>
    %add3A_1516 = vector.broadcast %add3A_39 : i32 to vector<16xi32>
    %add3A_1517 = arith.addi %add3A_1516, %select_n3A_1515 : vector<16xi32>
    %swap3A_1518 = arith.constant 0 : i32
    %swap3A_1519 = arith.index_cast %swap3A_1518 : i32 to index
    %swap3A_1520 = arith.constant 752 : index
    %swap3A_1521 = tpu.vector_load %arg6[%swap3A_1519, %swap3A_1520] {strides = array<i32>} : memref<2x1024xi32, #tpu.memory_space<vmem>>, vector<1x16xi32>,
    %swap3A_1522 = vector.shape_cast %swap3A_1521 : vector<1x16xi32> to vector<16xi32>
    %swap3A_1523 = vector.shape_cast %add3A_1517 : vector<16xi32> to vector<1x16xi32>
    tpu.vector_store %arg6[%swap3A_1519, %swap3A_1520], %swap3A_1523 {strides = array<i32>} : memref<2x1024xi32, #tpu.memory_space<vmem>>, vector<1x16xi32>,
    %get3A_1524 = arith.constant 768 : index
    %get3A_1525 = tpu.vector_load %arg5[%get3A_1524] {strides = array<i32>} : memref<1024xi32, #tpu.memory_space<vmem>>, vector<16xi32>,
    %get3A_1526 = vector.shape_cast %get3A_1525 : vector<16xi32> to vector<16xi32>
    %shift_right_arithmetic3A_1527 = arith.constant 7 : i32
    %shift_right_arithmetic3A_1528 = vector.broadcast %shift_right_arithmetic3A_1527 : i32 to vector<16xi32>
    %shift_right_arithmetic3A_1529 = arith.shrsi %get3A_1526, %shift_right_arithmetic3A_1528 : vector<16xi32>
    %shift_left3A_1530 = arith.constant 10 : i32
    %shift_left3A_1531 = vector.broadcast %shift_left3A_1530 : i32 to vector<16xi32>
    %shift_left3A_1532 = arith.shli %shift_right_arithmetic3A_1529, %shift_left3A_1531 : vector<16xi32>
    %and3A_1533 = arith.constant 127 : i32
    %and3A_1534 = vector.broadcast %and3A_1533 : i32 to vector<16xi32>
    %and3A_1535 = arith.andi %get3A_1526, %and3A_1534 : vector<16xi32>
    %add3A_1536 = arith.addi %shift_left3A_1532, %and3A_1535 : vector<16xi32>
    %sub3A_1537 = arith.constant 99968 : i32
    %sub3A_1538 = vector.broadcast %sub3A_1537 : i32 to vector<16xi32>
    %sub3A_1539 = arith.subi %get3A_1526, %sub3A_1538 : vector<16xi32>
    %add3A_1540 = arith.constant 799744 : i32
    %add3A_1541 = vector.broadcast %add3A_1540 : i32 to vector<16xi32>
    %add3A_1542 = arith.addi %add3A_1541, %sub3A_1539 : vector<16xi32>
    %lt3A_1543 = arith.constant 99968 : i32
    %lt3A_1544 = vector.broadcast %lt3A_1543 : i32 to vector<16xi32>
    %lt3A_1545 = arith.cmpi slt, %get3A_1526, %lt3A_1544 : vector<16xi32>
    %select_n3A_1546 = arith.select %lt3A_1545, %add3A_1536, %add3A_1542 : vector<16xi1>, vector<16xi32>
    %add3A_1547 = vector.broadcast %add3A_39 : i32 to vector<16xi32>
    %add3A_1548 = arith.addi %add3A_1547, %select_n3A_1546 : vector<16xi32>
    %swap3A_1549 = arith.constant 0 : i32
    %swap3A_1550 = arith.index_cast %swap3A_1549 : i32 to index
    %swap3A_1551 = arith.constant 768 : index
    %swap3A_1552 = tpu.vector_load %arg6[%swap3A_1550, %swap3A_1551] {strides = array<i32>} : memref<2x1024xi32, #tpu.memory_space<vmem>>, vector<1x16xi32>,
    %swap3A_1553 = vector.shape_cast %swap3A_1552 : vector<1x16xi32> to vector<16xi32>
    %swap3A_1554 = vector.shape_cast %add3A_1548 : vector<16xi32> to vector<1x16xi32>
    tpu.vector_store %arg6[%swap3A_1550, %swap3A_1551], %swap3A_1554 {strides = array<i32>} : memref<2x1024xi32, #tpu.memory_space<vmem>>, vector<1x16xi32>,
    %get3A_1555 = arith.constant 784 : index
    %get3A_1556 = tpu.vector_load %arg5[%get3A_1555] {strides = array<i32>} : memref<1024xi32, #tpu.memory_space<vmem>>, vector<16xi32>,
    %get3A_1557 = vector.shape_cast %get3A_1556 : vector<16xi32> to vector<16xi32>
    %shift_right_arithmetic3A_1558 = arith.constant 7 : i32
    %shift_right_arithmetic3A_1559 = vector.broadcast %shift_right_arithmetic3A_1558 : i32 to vector<16xi32>
    %shift_right_arithmetic3A_1560 = arith.shrsi %get3A_1557, %shift_right_arithmetic3A_1559 : vector<16xi32>
    %shift_left3A_1561 = arith.constant 10 : i32
    %shift_left3A_1562 = vector.broadcast %shift_left3A_1561 : i32 to vector<16xi32>
    %shift_left3A_1563 = arith.shli %shift_right_arithmetic3A_1560, %shift_left3A_1562 : vector<16xi32>
    %and3A_1564 = arith.constant 127 : i32
    %and3A_1565 = vector.broadcast %and3A_1564 : i32 to vector<16xi32>
    %and3A_1566 = arith.andi %get3A_1557, %and3A_1565 : vector<16xi32>
    %add3A_1567 = arith.addi %shift_left3A_1563, %and3A_1566 : vector<16xi32>
    %sub3A_1568 = arith.constant 99968 : i32
    %sub3A_1569 = vector.broadcast %sub3A_1568 : i32 to vector<16xi32>
    %sub3A_1570 = arith.subi %get3A_1557, %sub3A_1569 : vector<16xi32>
    %add3A_1571 = arith.constant 799744 : i32
    %add3A_1572 = vector.broadcast %add3A_1571 : i32 to vector<16xi32>
    %add3A_1573 = arith.addi %add3A_1572, %sub3A_1570 : vector<16xi32>
    %lt3A_1574 = arith.constant 99968 : i32
    %lt3A_1575 = vector.broadcast %lt3A_1574 : i32 to vector<16xi32>
    %lt3A_1576 = arith.cmpi slt, %get3A_1557, %lt3A_1575 : vector<16xi32>
    %select_n3A_1577 = arith.select %lt3A_1576, %add3A_1567, %add3A_1573 : vector<16xi1>, vector<16xi32>
    %add3A_1578 = vector.broadcast %add3A_39 : i32 to vector<16xi32>
    %add3A_1579 = arith.addi %add3A_1578, %select_n3A_1577 : vector<16xi32>
    %swap3A_1580 = arith.constant 0 : i32
    %swap3A_1581 = arith.index_cast %swap3A_1580 : i32 to index
    %swap3A_1582 = arith.constant 784 : index
    %swap3A_1583 = tpu.vector_load %arg6[%swap3A_1581, %swap3A_1582] {strides = array<i32>} : memref<2x1024xi32, #tpu.memory_space<vmem>>, vector<1x16xi32>,
    %swap3A_1584 = vector.shape_cast %swap3A_1583 : vector<1x16xi32> to vector<16xi32>
    %swap3A_1585 = vector.shape_cast %add3A_1579 : vector<16xi32> to vector<1x16xi32>
    tpu.vector_store %arg6[%swap3A_1581, %swap3A_1582], %swap3A_1585 {strides = array<i32>} : memref<2x1024xi32, #tpu.memory_space<vmem>>, vector<1x16xi32>,
    %get3A_1586 = arith.constant 800 : index
    %get3A_1587 = tpu.vector_load %arg5[%get3A_1586] {strides = array<i32>} : memref<1024xi32, #tpu.memory_space<vmem>>, vector<16xi32>,
    %get3A_1588 = vector.shape_cast %get3A_1587 : vector<16xi32> to vector<16xi32>
    %shift_right_arithmetic3A_1589 = arith.constant 7 : i32
    %shift_right_arithmetic3A_1590 = vector.broadcast %shift_right_arithmetic3A_1589 : i32 to vector<16xi32>
    %shift_right_arithmetic3A_1591 = arith.shrsi %get3A_1588, %shift_right_arithmetic3A_1590 : vector<16xi32>
    %shift_left3A_1592 = arith.constant 10 : i32
    %shift_left3A_1593 = vector.broadcast %shift_left3A_1592 : i32 to vector<16xi32>
    %shift_left3A_1594 = arith.shli %shift_right_arithmetic3A_1591, %shift_left3A_1593 : vector<16xi32>
    %and3A_1595 = arith.constant 127 : i32
    %and3A_1596 = vector.broadcast %and3A_1595 : i32 to vector<16xi32>
    %and3A_1597 = arith.andi %get3A_1588, %and3A_1596 : vector<16xi32>
    %add3A_1598 = arith.addi %shift_left3A_1594, %and3A_1597 : vector<16xi32>
    %sub3A_1599 = arith.constant 99968 : i32
    %sub3A_1600 = vector.broadcast %sub3A_1599 : i32 to vector<16xi32>
    %sub3A_1601 = arith.subi %get3A_1588, %sub3A_1600 : vector<16xi32>
    %add3A_1602 = arith.constant 799744 : i32
    %add3A_1603 = vector.broadcast %add3A_1602 : i32 to vector<16xi32>
    %add3A_1604 = arith.addi %add3A_1603, %sub3A_1601 : vector<16xi32>
    %lt3A_1605 = arith.constant 99968 : i32
    %lt3A_1606 = vector.broadcast %lt3A_1605 : i32 to vector<16xi32>
    %lt3A_1607 = arith.cmpi slt, %get3A_1588, %lt3A_1606 : vector<16xi32>
    %select_n3A_1608 = arith.select %lt3A_1607, %add3A_1598, %add3A_1604 : vector<16xi1>, vector<16xi32>
    %add3A_1609 = vector.broadcast %add3A_39 : i32 to vector<16xi32>
    %add3A_1610 = arith.addi %add3A_1609, %select_n3A_1608 : vector<16xi32>
    %swap3A_1611 = arith.constant 0 : i32
    %swap3A_1612 = arith.index_cast %swap3A_1611 : i32 to index
    %swap3A_1613 = arith.constant 800 : index
    %swap3A_1614 = tpu.vector_load %arg6[%swap3A_1612, %swap3A_1613] {strides = array<i32>} : memref<2x1024xi32, #tpu.memory_space<vmem>>, vector<1x16xi32>,
    %swap3A_1615 = vector.shape_cast %swap3A_1614 : vector<1x16xi32> to vector<16xi32>
    %swap3A_1616 = vector.shape_cast %add3A_1610 : vector<16xi32> to vector<1x16xi32>
    tpu.vector_store %arg6[%swap3A_1612, %swap3A_1613], %swap3A_1616 {strides = array<i32>} : memref<2x1024xi32, #tpu.memory_space<vmem>>, vector<1x16xi32>,
    %get3A_1617 = arith.constant 816 : index
    %get3A_1618 = tpu.vector_load %arg5[%get3A_1617] {strides = array<i32>} : memref<1024xi32, #tpu.memory_space<vmem>>, vector<16xi32>,
    %get3A_1619 = vector.shape_cast %get3A_1618 : vector<16xi32> to vector<16xi32>
    %shift_right_arithmetic3A_1620 = arith.constant 7 : i32
    %shift_right_arithmetic3A_1621 = vector.broadcast %shift_right_arithmetic3A_1620 : i32 to vector<16xi32>
    %shift_right_arithmetic3A_1622 = arith.shrsi %get3A_1619, %shift_right_arithmetic3A_1621 : vector<16xi32>
    %shift_left3A_1623 = arith.constant 10 : i32
    %shift_left3A_1624 = vector.broadcast %shift_left3A_1623 : i32 to vector<16xi32>
    %shift_left3A_1625 = arith.shli %shift_right_arithmetic3A_1622, %shift_left3A_1624 : vector<16xi32>
    %and3A_1626 = arith.constant 127 : i32
    %and3A_1627 = vector.broadcast %and3A_1626 : i32 to vector<16xi32>
    %and3A_1628 = arith.andi %get3A_1619, %and3A_1627 : vector<16xi32>
    %add3A_1629 = arith.addi %shift_left3A_1625, %and3A_1628 : vector<16xi32>
    %sub3A_1630 = arith.constant 99968 : i32
    %sub3A_1631 = vector.broadcast %sub3A_1630 : i32 to vector<16xi32>
    %sub3A_1632 = arith.subi %get3A_1619, %sub3A_1631 : vector<16xi32>
    %add3A_1633 = arith.constant 799744 : i32
    %add3A_1634 = vector.broadcast %add3A_1633 : i32 to vector<16xi32>
    %add3A_1635 = arith.addi %add3A_1634, %sub3A_1632 : vector<16xi32>
    %lt3A_1636 = arith.constant 99968 : i32
    %lt3A_1637 = vector.broadcast %lt3A_1636 : i32 to vector<16xi32>
    %lt3A_1638 = arith.cmpi slt, %get3A_1619, %lt3A_1637 : vector<16xi32>
    %select_n3A_1639 = arith.select %lt3A_1638, %add3A_1629, %add3A_1635 : vector<16xi1>, vector<16xi32>
    %add3A_1640 = vector.broadcast %add3A_39 : i32 to vector<16xi32>
    %add3A_1641 = arith.addi %add3A_1640, %select_n3A_1639 : vector<16xi32>
    %swap3A_1642 = arith.constant 0 : i32
    %swap3A_1643 = arith.index_cast %swap3A_1642 : i32 to index
    %swap3A_1644 = arith.constant 816 : index
    %swap3A_1645 = tpu.vector_load %arg6[%swap3A_1643, %swap3A_1644] {strides = array<i32>} : memref<2x1024xi32, #tpu.memory_space<vmem>>, vector<1x16xi32>,
    %swap3A_1646 = vector.shape_cast %swap3A_1645 : vector<1x16xi32> to vector<16xi32>
    %swap3A_1647 = vector.shape_cast %add3A_1641 : vector<16xi32> to vector<1x16xi32>
    tpu.vector_store %arg6[%swap3A_1643, %swap3A_1644], %swap3A_1647 {strides = array<i32>} : memref<2x1024xi32, #tpu.memory_space<vmem>>, vector<1x16xi32>,
    %get3A_1648 = arith.constant 832 : index
    %get3A_1649 = tpu.vector_load %arg5[%get3A_1648] {strides = array<i32>} : memref<1024xi32, #tpu.memory_space<vmem>>, vector<16xi32>,
    %get3A_1650 = vector.shape_cast %get3A_1649 : vector<16xi32> to vector<16xi32>
    %shift_right_arithmetic3A_1651 = arith.constant 7 : i32
    %shift_right_arithmetic3A_1652 = vector.broadcast %shift_right_arithmetic3A_1651 : i32 to vector<16xi32>
    %shift_right_arithmetic3A_1653 = arith.shrsi %get3A_1650, %shift_right_arithmetic3A_1652 : vector<16xi32>
    %shift_left3A_1654 = arith.constant 10 : i32
    %shift_left3A_1655 = vector.broadcast %shift_left3A_1654 : i32 to vector<16xi32>
    %shift_left3A_1656 = arith.shli %shift_right_arithmetic3A_1653, %shift_left3A_1655 : vector<16xi32>
    %and3A_1657 = arith.constant 127 : i32
    %and3A_1658 = vector.broadcast %and3A_1657 : i32 to vector<16xi32>
    %and3A_1659 = arith.andi %get3A_1650, %and3A_1658 : vector<16xi32>
    %add3A_1660 = arith.addi %shift_left3A_1656, %and3A_1659 : vector<16xi32>
    %sub3A_1661 = arith.constant 99968 : i32
    %sub3A_1662 = vector.broadcast %sub3A_1661 : i32 to vector<16xi32>
    %sub3A_1663 = arith.subi %get3A_1650, %sub3A_1662 : vector<16xi32>
    %add3A_1664 = arith.constant 799744 : i32
    %add3A_1665 = vector.broadcast %add3A_1664 : i32 to vector<16xi32>
    %add3A_1666 = arith.addi %add3A_1665, %sub3A_1663 : vector<16xi32>
    %lt3A_1667 = arith.constant 99968 : i32
    %lt3A_1668 = vector.broadcast %lt3A_1667 : i32 to vector<16xi32>
    %lt3A_1669 = arith.cmpi slt, %get3A_1650, %lt3A_1668 : vector<16xi32>
    %select_n3A_1670 = arith.select %lt3A_1669, %add3A_1660, %add3A_1666 : vector<16xi1>, vector<16xi32>
    %add3A_1671 = vector.broadcast %add3A_39 : i32 to vector<16xi32>
    %add3A_1672 = arith.addi %add3A_1671, %select_n3A_1670 : vector<16xi32>
    %swap3A_1673 = arith.constant 0 : i32
    %swap3A_1674 = arith.index_cast %swap3A_1673 : i32 to index
    %swap3A_1675 = arith.constant 832 : index
    %swap3A_1676 = tpu.vector_load %arg6[%swap3A_1674, %swap3A_1675] {strides = array<i32>} : memref<2x1024xi32, #tpu.memory_space<vmem>>, vector<1x16xi32>,
    %swap3A_1677 = vector.shape_cast %swap3A_1676 : vector<1x16xi32> to vector<16xi32>
    %swap3A_1678 = vector.shape_cast %add3A_1672 : vector<16xi32> to vector<1x16xi32>
    tpu.vector_store %arg6[%swap3A_1674, %swap3A_1675], %swap3A_1678 {strides = array<i32>} : memref<2x1024xi32, #tpu.memory_space<vmem>>, vector<1x16xi32>,
    %get3A_1679 = arith.constant 848 : index
    %get3A_1680 = tpu.vector_load %arg5[%get3A_1679] {strides = array<i32>} : memref<1024xi32, #tpu.memory_space<vmem>>, vector<16xi32>,
    %get3A_1681 = vector.shape_cast %get3A_1680 : vector<16xi32> to vector<16xi32>
    %shift_right_arithmetic3A_1682 = arith.constant 7 : i32
    %shift_right_arithmetic3A_1683 = vector.broadcast %shift_right_arithmetic3A_1682 : i32 to vector<16xi32>
    %shift_right_arithmetic3A_1684 = arith.shrsi %get3A_1681, %shift_right_arithmetic3A_1683 : vector<16xi32>
    %shift_left3A_1685 = arith.constant 10 : i32
    %shift_left3A_1686 = vector.broadcast %shift_left3A_1685 : i32 to vector<16xi32>
    %shift_left3A_1687 = arith.shli %shift_right_arithmetic3A_1684, %shift_left3A_1686 : vector<16xi32>
    %and3A_1688 = arith.constant 127 : i32
    %and3A_1689 = vector.broadcast %and3A_1688 : i32 to vector<16xi32>
    %and3A_1690 = arith.andi %get3A_1681, %and3A_1689 : vector<16xi32>
    %add3A_1691 = arith.addi %shift_left3A_1687, %and3A_1690 : vector<16xi32>
    %sub3A_1692 = arith.constant 99968 : i32
    %sub3A_1693 = vector.broadcast %sub3A_1692 : i32 to vector<16xi32>
    %sub3A_1694 = arith.subi %get3A_1681, %sub3A_1693 : vector<16xi32>
    %add3A_1695 = arith.constant 799744 : i32
    %add3A_1696 = vector.broadcast %add3A_1695 : i32 to vector<16xi32>
    %add3A_1697 = arith.addi %add3A_1696, %sub3A_1694 : vector<16xi32>
    %lt3A_1698 = arith.constant 99968 : i32
    %lt3A_1699 = vector.broadcast %lt3A_1698 : i32 to vector<16xi32>
    %lt3A_1700 = arith.cmpi slt, %get3A_1681, %lt3A_1699 : vector<16xi32>
    %select_n3A_1701 = arith.select %lt3A_1700, %add3A_1691, %add3A_1697 : vector<16xi1>, vector<16xi32>
    %add3A_1702 = vector.broadcast %add3A_39 : i32 to vector<16xi32>
    %add3A_1703 = arith.addi %add3A_1702, %select_n3A_1701 : vector<16xi32>
    %swap3A_1704 = arith.constant 0 : i32
    %swap3A_1705 = arith.index_cast %swap3A_1704 : i32 to index
    %swap3A_1706 = arith.constant 848 : index
    %swap3A_1707 = tpu.vector_load %arg6[%swap3A_1705, %swap3A_1706] {strides = array<i32>} : memref<2x1024xi32, #tpu.memory_space<vmem>>, vector<1x16xi32>,
    %swap3A_1708 = vector.shape_cast %swap3A_1707 : vector<1x16xi32> to vector<16xi32>
    %swap3A_1709 = vector.shape_cast %add3A_1703 : vector<16xi32> to vector<1x16xi32>
    tpu.vector_store %arg6[%swap3A_1705, %swap3A_1706], %swap3A_1709 {strides = array<i32>} : memref<2x1024xi32, #tpu.memory_space<vmem>>, vector<1x16xi32>,
    %get3A_1710 = arith.constant 864 : index
    %get3A_1711 = tpu.vector_load %arg5[%get3A_1710] {strides = array<i32>} : memref<1024xi32, #tpu.memory_space<vmem>>, vector<16xi32>,
    %get3A_1712 = vector.shape_cast %get3A_1711 : vector<16xi32> to vector<16xi32>
    %shift_right_arithmetic3A_1713 = arith.constant 7 : i32
    %shift_right_arithmetic3A_1714 = vector.broadcast %shift_right_arithmetic3A_1713 : i32 to vector<16xi32>
    %shift_right_arithmetic3A_1715 = arith.shrsi %get3A_1712, %shift_right_arithmetic3A_1714 : vector<16xi32>
    %shift_left3A_1716 = arith.constant 10 : i32
    %shift_left3A_1717 = vector.broadcast %shift_left3A_1716 : i32 to vector<16xi32>
    %shift_left3A_1718 = arith.shli %shift_right_arithmetic3A_1715, %shift_left3A_1717 : vector<16xi32>
    %and3A_1719 = arith.constant 127 : i32
    %and3A_1720 = vector.broadcast %and3A_1719 : i32 to vector<16xi32>
    %and3A_1721 = arith.andi %get3A_1712, %and3A_1720 : vector<16xi32>
    %add3A_1722 = arith.addi %shift_left3A_1718, %and3A_1721 : vector<16xi32>
    %sub3A_1723 = arith.constant 99968 : i32
    %sub3A_1724 = vector.broadcast %sub3A_1723 : i32 to vector<16xi32>
    %sub3A_1725 = arith.subi %get3A_1712, %sub3A_1724 : vector<16xi32>
    %add3A_1726 = arith.constant 799744 : i32
    %add3A_1727 = vector.broadcast %add3A_1726 : i32 to vector<16xi32>
    %add3A_1728 = arith.addi %add3A_1727, %sub3A_1725 : vector<16xi32>
    %lt3A_1729 = arith.constant 99968 : i32
    %lt3A_1730 = vector.broadcast %lt3A_1729 : i32 to vector<16xi32>
    %lt3A_1731 = arith.cmpi slt, %get3A_1712, %lt3A_1730 : vector<16xi32>
    %select_n3A_1732 = arith.select %lt3A_1731, %add3A_1722, %add3A_1728 : vector<16xi1>, vector<16xi32>
    %add3A_1733 = vector.broadcast %add3A_39 : i32 to vector<16xi32>
    %add3A_1734 = arith.addi %add3A_1733, %select_n3A_1732 : vector<16xi32>
    %swap3A_1735 = arith.constant 0 : i32
    %swap3A_1736 = arith.index_cast %swap3A_1735 : i32 to index
    %swap3A_1737 = arith.constant 864 : index
    %swap3A_1738 = tpu.vector_load %arg6[%swap3A_1736, %swap3A_1737] {strides = array<i32>} : memref<2x1024xi32, #tpu.memory_space<vmem>>, vector<1x16xi32>,
    %swap3A_1739 = vector.shape_cast %swap3A_1738 : vector<1x16xi32> to vector<16xi32>
    %swap3A_1740 = vector.shape_cast %add3A_1734 : vector<16xi32> to vector<1x16xi32>
    tpu.vector_store %arg6[%swap3A_1736, %swap3A_1737], %swap3A_1740 {strides = array<i32>} : memref<2x1024xi32, #tpu.memory_space<vmem>>, vector<1x16xi32>,
    %get3A_1741 = arith.constant 880 : index
    %get3A_1742 = tpu.vector_load %arg5[%get3A_1741] {strides = array<i32>} : memref<1024xi32, #tpu.memory_space<vmem>>, vector<16xi32>,
    %get3A_1743 = vector.shape_cast %get3A_1742 : vector<16xi32> to vector<16xi32>
    %shift_right_arithmetic3A_1744 = arith.constant 7 : i32
    %shift_right_arithmetic3A_1745 = vector.broadcast %shift_right_arithmetic3A_1744 : i32 to vector<16xi32>
    %shift_right_arithmetic3A_1746 = arith.shrsi %get3A_1743, %shift_right_arithmetic3A_1745 : vector<16xi32>
    %shift_left3A_1747 = arith.constant 10 : i32
    %shift_left3A_1748 = vector.broadcast %shift_left3A_1747 : i32 to vector<16xi32>
    %shift_left3A_1749 = arith.shli %shift_right_arithmetic3A_1746, %shift_left3A_1748 : vector<16xi32>
    %and3A_1750 = arith.constant 127 : i32
    %and3A_1751 = vector.broadcast %and3A_1750 : i32 to vector<16xi32>
    %and3A_1752 = arith.andi %get3A_1743, %and3A_1751 : vector<16xi32>
    %add3A_1753 = arith.addi %shift_left3A_1749, %and3A_1752 : vector<16xi32>
    %sub3A_1754 = arith.constant 99968 : i32
    %sub3A_1755 = vector.broadcast %sub3A_1754 : i32 to vector<16xi32>
    %sub3A_1756 = arith.subi %get3A_1743, %sub3A_1755 : vector<16xi32>
    %add3A_1757 = arith.constant 799744 : i32
    %add3A_1758 = vector.broadcast %add3A_1757 : i32 to vector<16xi32>
    %add3A_1759 = arith.addi %add3A_1758, %sub3A_1756 : vector<16xi32>
    %lt3A_1760 = arith.constant 99968 : i32
    %lt3A_1761 = vector.broadcast %lt3A_1760 : i32 to vector<16xi32>
    %lt3A_1762 = arith.cmpi slt, %get3A_1743, %lt3A_1761 : vector<16xi32>
    %select_n3A_1763 = arith.select %lt3A_1762, %add3A_1753, %add3A_1759 : vector<16xi1>, vector<16xi32>
    %add3A_1764 = vector.broadcast %add3A_39 : i32 to vector<16xi32>
    %add3A_1765 = arith.addi %add3A_1764, %select_n3A_1763 : vector<16xi32>
    %swap3A_1766 = arith.constant 0 : i32
    %swap3A_1767 = arith.index_cast %swap3A_1766 : i32 to index
    %swap3A_1768 = arith.constant 880 : index
    %swap3A_1769 = tpu.vector_load %arg6[%swap3A_1767, %swap3A_1768] {strides = array<i32>} : memref<2x1024xi32, #tpu.memory_space<vmem>>, vector<1x16xi32>,
    %swap3A_1770 = vector.shape_cast %swap3A_1769 : vector<1x16xi32> to vector<16xi32>
    %swap3A_1771 = vector.shape_cast %add3A_1765 : vector<16xi32> to vector<1x16xi32>
    tpu.vector_store %arg6[%swap3A_1767, %swap3A_1768], %swap3A_1771 {strides = array<i32>} : memref<2x1024xi32, #tpu.memory_space<vmem>>, vector<1x16xi32>,
    %get3A_1772 = arith.constant 896 : index
    %get3A_1773 = tpu.vector_load %arg5[%get3A_1772] {strides = array<i32>} : memref<1024xi32, #tpu.memory_space<vmem>>, vector<16xi32>,
    %get3A_1774 = vector.shape_cast %get3A_1773 : vector<16xi32> to vector<16xi32>
    %shift_right_arithmetic3A_1775 = arith.constant 7 : i32
    %shift_right_arithmetic3A_1776 = vector.broadcast %shift_right_arithmetic3A_1775 : i32 to vector<16xi32>
    %shift_right_arithmetic3A_1777 = arith.shrsi %get3A_1774, %shift_right_arithmetic3A_1776 : vector<16xi32>
    %shift_left3A_1778 = arith.constant 10 : i32
    %shift_left3A_1779 = vector.broadcast %shift_left3A_1778 : i32 to vector<16xi32>
    %shift_left3A_1780 = arith.shli %shift_right_arithmetic3A_1777, %shift_left3A_1779 : vector<16xi32>
    %and3A_1781 = arith.constant 127 : i32
    %and3A_1782 = vector.broadcast %and3A_1781 : i32 to vector<16xi32>
    %and3A_1783 = arith.andi %get3A_1774, %and3A_1782 : vector<16xi32>
    %add3A_1784 = arith.addi %shift_left3A_1780, %and3A_1783 : vector<16xi32>
    %sub3A_1785 = arith.constant 99968 : i32
    %sub3A_1786 = vector.broadcast %sub3A_1785 : i32 to vector<16xi32>
    %sub3A_1787 = arith.subi %get3A_1774, %sub3A_1786 : vector<16xi32>
    %add3A_1788 = arith.constant 799744 : i32
    %add3A_1789 = vector.broadcast %add3A_1788 : i32 to vector<16xi32>
    %add3A_1790 = arith.addi %add3A_1789, %sub3A_1787 : vector<16xi32>
    %lt3A_1791 = arith.constant 99968 : i32
    %lt3A_1792 = vector.broadcast %lt3A_1791 : i32 to vector<16xi32>
    %lt3A_1793 = arith.cmpi slt, %get3A_1774, %lt3A_1792 : vector<16xi32>
    %select_n3A_1794 = arith.select %lt3A_1793, %add3A_1784, %add3A_1790 : vector<16xi1>, vector<16xi32>
    %add3A_1795 = vector.broadcast %add3A_39 : i32 to vector<16xi32>
    %add3A_1796 = arith.addi %add3A_1795, %select_n3A_1794 : vector<16xi32>
    %swap3A_1797 = arith.constant 0 : i32
    %swap3A_1798 = arith.index_cast %swap3A_1797 : i32 to index
    %swap3A_1799 = arith.constant 896 : index
    %swap3A_1800 = tpu.vector_load %arg6[%swap3A_1798, %swap3A_1799] {strides = array<i32>} : memref<2x1024xi32, #tpu.memory_space<vmem>>, vector<1x16xi32>,
    %swap3A_1801 = vector.shape_cast %swap3A_1800 : vector<1x16xi32> to vector<16xi32>
    %swap3A_1802 = vector.shape_cast %add3A_1796 : vector<16xi32> to vector<1x16xi32>
    tpu.vector_store %arg6[%swap3A_1798, %swap3A_1799], %swap3A_1802 {strides = array<i32>} : memref<2x1024xi32, #tpu.memory_space<vmem>>, vector<1x16xi32>,
    %get3A_1803 = arith.constant 912 : index
    %get3A_1804 = tpu.vector_load %arg5[%get3A_1803] {strides = array<i32>} : memref<1024xi32, #tpu.memory_space<vmem>>, vector<16xi32>,
    %get3A_1805 = vector.shape_cast %get3A_1804 : vector<16xi32> to vector<16xi32>
    %shift_right_arithmetic3A_1806 = arith.constant 7 : i32
    %shift_right_arithmetic3A_1807 = vector.broadcast %shift_right_arithmetic3A_1806 : i32 to vector<16xi32>
    %shift_right_arithmetic3A_1808 = arith.shrsi %get3A_1805, %shift_right_arithmetic3A_1807 : vector<16xi32>
    %shift_left3A_1809 = arith.constant 10 : i32
    %shift_left3A_1810 = vector.broadcast %shift_left3A_1809 : i32 to vector<16xi32>
    %shift_left3A_1811 = arith.shli %shift_right_arithmetic3A_1808, %shift_left3A_1810 : vector<16xi32>
    %and3A_1812 = arith.constant 127 : i32
    %and3A_1813 = vector.broadcast %and3A_1812 : i32 to vector<16xi32>
    %and3A_1814 = arith.andi %get3A_1805, %and3A_1813 : vector<16xi32>
    %add3A_1815 = arith.addi %shift_left3A_1811, %and3A_1814 : vector<16xi32>
    %sub3A_1816 = arith.constant 99968 : i32
    %sub3A_1817 = vector.broadcast %sub3A_1816 : i32 to vector<16xi32>
    %sub3A_1818 = arith.subi %get3A_1805, %sub3A_1817 : vector<16xi32>
    %add3A_1819 = arith.constant 799744 : i32
    %add3A_1820 = vector.broadcast %add3A_1819 : i32 to vector<16xi32>
    %add3A_1821 = arith.addi %add3A_1820, %sub3A_1818 : vector<16xi32>
    %lt3A_1822 = arith.constant 99968 : i32
    %lt3A_1823 = vector.broadcast %lt3A_1822 : i32 to vector<16xi32>
    %lt3A_1824 = arith.cmpi slt, %get3A_1805, %lt3A_1823 : vector<16xi32>
    %select_n3A_1825 = arith.select %lt3A_1824, %add3A_1815, %add3A_1821 : vector<16xi1>, vector<16xi32>
    %add3A_1826 = vector.broadcast %add3A_39 : i32 to vector<16xi32>
    %add3A_1827 = arith.addi %add3A_1826, %select_n3A_1825 : vector<16xi32>
    %swap3A_1828 = arith.constant 0 : i32
    %swap3A_1829 = arith.index_cast %swap3A_1828 : i32 to index
    %swap3A_1830 = arith.constant 912 : index
    %swap3A_1831 = tpu.vector_load %arg6[%swap3A_1829, %swap3A_1830] {strides = array<i32>} : memref<2x1024xi32, #tpu.memory_space<vmem>>, vector<1x16xi32>,
    %swap3A_1832 = vector.shape_cast %swap3A_1831 : vector<1x16xi32> to vector<16xi32>
    %swap3A_1833 = vector.shape_cast %add3A_1827 : vector<16xi32> to vector<1x16xi32>
    tpu.vector_store %arg6[%swap3A_1829, %swap3A_1830], %swap3A_1833 {strides = array<i32>} : memref<2x1024xi32, #tpu.memory_space<vmem>>, vector<1x16xi32>,
    %get3A_1834 = arith.constant 928 : index
    %get3A_1835 = tpu.vector_load %arg5[%get3A_1834] {strides = array<i32>} : memref<1024xi32, #tpu.memory_space<vmem>>, vector<16xi32>,
    %get3A_1836 = vector.shape_cast %get3A_1835 : vector<16xi32> to vector<16xi32>
    %shift_right_arithmetic3A_1837 = arith.constant 7 : i32
    %shift_right_arithmetic3A_1838 = vector.broadcast %shift_right_arithmetic3A_1837 : i32 to vector<16xi32>
    %shift_right_arithmetic3A_1839 = arith.shrsi %get3A_1836, %shift_right_arithmetic3A_1838 : vector<16xi32>
    %shift_left3A_1840 = arith.constant 10 : i32
    %shift_left3A_1841 = vector.broadcast %shift_left3A_1840 : i32 to vector<16xi32>
    %shift_left3A_1842 = arith.shli %shift_right_arithmetic3A_1839, %shift_left3A_1841 : vector<16xi32>
    %and3A_1843 = arith.constant 127 : i32
    %and3A_1844 = vector.broadcast %and3A_1843 : i32 to vector<16xi32>
    %and3A_1845 = arith.andi %get3A_1836, %and3A_1844 : vector<16xi32>
    %add3A_1846 = arith.addi %shift_left3A_1842, %and3A_1845 : vector<16xi32>
    %sub3A_1847 = arith.constant 99968 : i32
    %sub3A_1848 = vector.broadcast %sub3A_1847 : i32 to vector<16xi32>
    %sub3A_1849 = arith.subi %get3A_1836, %sub3A_1848 : vector<16xi32>
    %add3A_1850 = arith.constant 799744 : i32
    %add3A_1851 = vector.broadcast %add3A_1850 : i32 to vector<16xi32>
    %add3A_1852 = arith.addi %add3A_1851, %sub3A_1849 : vector<16xi32>
    %lt3A_1853 = arith.constant 99968 : i32
    %lt3A_1854 = vector.broadcast %lt3A_1853 : i32 to vector<16xi32>
    %lt3A_1855 = arith.cmpi slt, %get3A_1836, %lt3A_1854 : vector<16xi32>
    %select_n3A_1856 = arith.select %lt3A_1855, %add3A_1846, %add3A_1852 : vector<16xi1>, vector<16xi32>
    %add3A_1857 = vector.broadcast %add3A_39 : i32 to vector<16xi32>
    %add3A_1858 = arith.addi %add3A_1857, %select_n3A_1856 : vector<16xi32>
    %swap3A_1859 = arith.constant 0 : i32
    %swap3A_1860 = arith.index_cast %swap3A_1859 : i32 to index
    %swap3A_1861 = arith.constant 928 : index
    %swap3A_1862 = tpu.vector_load %arg6[%swap3A_1860, %swap3A_1861] {strides = array<i32>} : memref<2x1024xi32, #tpu.memory_space<vmem>>, vector<1x16xi32>,
    %swap3A_1863 = vector.shape_cast %swap3A_1862 : vector<1x16xi32> to vector<16xi32>
    %swap3A_1864 = vector.shape_cast %add3A_1858 : vector<16xi32> to vector<1x16xi32>
    tpu.vector_store %arg6[%swap3A_1860, %swap3A_1861], %swap3A_1864 {strides = array<i32>} : memref<2x1024xi32, #tpu.memory_space<vmem>>, vector<1x16xi32>,
    %get3A_1865 = arith.constant 944 : index
    %get3A_1866 = tpu.vector_load %arg5[%get3A_1865] {strides = array<i32>} : memref<1024xi32, #tpu.memory_space<vmem>>, vector<16xi32>,
    %get3A_1867 = vector.shape_cast %get3A_1866 : vector<16xi32> to vector<16xi32>
    %shift_right_arithmetic3A_1868 = arith.constant 7 : i32
    %shift_right_arithmetic3A_1869 = vector.broadcast %shift_right_arithmetic3A_1868 : i32 to vector<16xi32>
    %shift_right_arithmetic3A_1870 = arith.shrsi %get3A_1867, %shift_right_arithmetic3A_1869 : vector<16xi32>
    %shift_left3A_1871 = arith.constant 10 : i32
    %shift_left3A_1872 = vector.broadcast %shift_left3A_1871 : i32 to vector<16xi32>
    %shift_left3A_1873 = arith.shli %shift_right_arithmetic3A_1870, %shift_left3A_1872 : vector<16xi32>
    %and3A_1874 = arith.constant 127 : i32
    %and3A_1875 = vector.broadcast %and3A_1874 : i32 to vector<16xi32>
    %and3A_1876 = arith.andi %get3A_1867, %and3A_1875 : vector<16xi32>
    %add3A_1877 = arith.addi %shift_left3A_1873, %and3A_1876 : vector<16xi32>
    %sub3A_1878 = arith.constant 99968 : i32
    %sub3A_1879 = vector.broadcast %sub3A_1878 : i32 to vector<16xi32>
    %sub3A_1880 = arith.subi %get3A_1867, %sub3A_1879 : vector<16xi32>
    %add3A_1881 = arith.constant 799744 : i32
    %add3A_1882 = vector.broadcast %add3A_1881 : i32 to vector<16xi32>
    %add3A_1883 = arith.addi %add3A_1882, %sub3A_1880 : vector<16xi32>
    %lt3A_1884 = arith.constant 99968 : i32
    %lt3A_1885 = vector.broadcast %lt3A_1884 : i32 to vector<16xi32>
    %lt3A_1886 = arith.cmpi slt, %get3A_1867, %lt3A_1885 : vector<16xi32>
    %select_n3A_1887 = arith.select %lt3A_1886, %add3A_1877, %add3A_1883 : vector<16xi1>, vector<16xi32>
    %add3A_1888 = vector.broadcast %add3A_39 : i32 to vector<16xi32>
    %add3A_1889 = arith.addi %add3A_1888, %select_n3A_1887 : vector<16xi32>
    %swap3A_1890 = arith.constant 0 : i32
    %swap3A_1891 = arith.index_cast %swap3A_1890 : i32 to index
    %swap3A_1892 = arith.constant 944 : index
    %swap3A_1893 = tpu.vector_load %arg6[%swap3A_1891, %swap3A_1892] {strides = array<i32>} : memref<2x1024xi32, #tpu.memory_space<vmem>>, vector<1x16xi32>,
    %swap3A_1894 = vector.shape_cast %swap3A_1893 : vector<1x16xi32> to vector<16xi32>
    %swap3A_1895 = vector.shape_cast %add3A_1889 : vector<16xi32> to vector<1x16xi32>
    tpu.vector_store %arg6[%swap3A_1891, %swap3A_1892], %swap3A_1895 {strides = array<i32>} : memref<2x1024xi32, #tpu.memory_space<vmem>>, vector<1x16xi32>,
    %get3A_1896 = arith.constant 960 : index
    %get3A_1897 = tpu.vector_load %arg5[%get3A_1896] {strides = array<i32>} : memref<1024xi32, #tpu.memory_space<vmem>>, vector<16xi32>,
    %get3A_1898 = vector.shape_cast %get3A_1897 : vector<16xi32> to vector<16xi32>
    %shift_right_arithmetic3A_1899 = arith.constant 7 : i32
    %shift_right_arithmetic3A_1900 = vector.broadcast %shift_right_arithmetic3A_1899 : i32 to vector<16xi32>
    %shift_right_arithmetic3A_1901 = arith.shrsi %get3A_1898, %shift_right_arithmetic3A_1900 : vector<16xi32>
    %shift_left3A_1902 = arith.constant 10 : i32
    %shift_left3A_1903 = vector.broadcast %shift_left3A_1902 : i32 to vector<16xi32>
    %shift_left3A_1904 = arith.shli %shift_right_arithmetic3A_1901, %shift_left3A_1903 : vector<16xi32>
    %and3A_1905 = arith.constant 127 : i32
    %and3A_1906 = vector.broadcast %and3A_1905 : i32 to vector<16xi32>
    %and3A_1907 = arith.andi %get3A_1898, %and3A_1906 : vector<16xi32>
    %add3A_1908 = arith.addi %shift_left3A_1904, %and3A_1907 : vector<16xi32>
    %sub3A_1909 = arith.constant 99968 : i32
    %sub3A_1910 = vector.broadcast %sub3A_1909 : i32 to vector<16xi32>
    %sub3A_1911 = arith.subi %get3A_1898, %sub3A_1910 : vector<16xi32>
    %add3A_1912 = arith.constant 799744 : i32
    %add3A_1913 = vector.broadcast %add3A_1912 : i32 to vector<16xi32>
    %add3A_1914 = arith.addi %add3A_1913, %sub3A_1911 : vector<16xi32>
    %lt3A_1915 = arith.constant 99968 : i32
    %lt3A_1916 = vector.broadcast %lt3A_1915 : i32 to vector<16xi32>
    %lt3A_1917 = arith.cmpi slt, %get3A_1898, %lt3A_1916 : vector<16xi32>
    %select_n3A_1918 = arith.select %lt3A_1917, %add3A_1908, %add3A_1914 : vector<16xi1>, vector<16xi32>
    %add3A_1919 = vector.broadcast %add3A_39 : i32 to vector<16xi32>
    %add3A_1920 = arith.addi %add3A_1919, %select_n3A_1918 : vector<16xi32>
    %swap3A_1921 = arith.constant 0 : i32
    %swap3A_1922 = arith.index_cast %swap3A_1921 : i32 to index
    %swap3A_1923 = arith.constant 960 : index
    %swap3A_1924 = tpu.vector_load %arg6[%swap3A_1922, %swap3A_1923] {strides = array<i32>} : memref<2x1024xi32, #tpu.memory_space<vmem>>, vector<1x16xi32>,
    %swap3A_1925 = vector.shape_cast %swap3A_1924 : vector<1x16xi32> to vector<16xi32>
    %swap3A_1926 = vector.shape_cast %add3A_1920 : vector<16xi32> to vector<1x16xi32>
    tpu.vector_store %arg6[%swap3A_1922, %swap3A_1923], %swap3A_1926 {strides = array<i32>} : memref<2x1024xi32, #tpu.memory_space<vmem>>, vector<1x16xi32>,
    %get3A_1927 = arith.constant 976 : index
    %get3A_1928 = tpu.vector_load %arg5[%get3A_1927] {strides = array<i32>} : memref<1024xi32, #tpu.memory_space<vmem>>, vector<16xi32>,
    %get3A_1929 = vector.shape_cast %get3A_1928 : vector<16xi32> to vector<16xi32>
    %shift_right_arithmetic3A_1930 = arith.constant 7 : i32
    %shift_right_arithmetic3A_1931 = vector.broadcast %shift_right_arithmetic3A_1930 : i32 to vector<16xi32>
    %shift_right_arithmetic3A_1932 = arith.shrsi %get3A_1929, %shift_right_arithmetic3A_1931 : vector<16xi32>
    %shift_left3A_1933 = arith.constant 10 : i32
    %shift_left3A_1934 = vector.broadcast %shift_left3A_1933 : i32 to vector<16xi32>
    %shift_left3A_1935 = arith.shli %shift_right_arithmetic3A_1932, %shift_left3A_1934 : vector<16xi32>
    %and3A_1936 = arith.constant 127 : i32
    %and3A_1937 = vector.broadcast %and3A_1936 : i32 to vector<16xi32>
    %and3A_1938 = arith.andi %get3A_1929, %and3A_1937 : vector<16xi32>
    %add3A_1939 = arith.addi %shift_left3A_1935, %and3A_1938 : vector<16xi32>
    %sub3A_1940 = arith.constant 99968 : i32
    %sub3A_1941 = vector.broadcast %sub3A_1940 : i32 to vector<16xi32>
    %sub3A_1942 = arith.subi %get3A_1929, %sub3A_1941 : vector<16xi32>
    %add3A_1943 = arith.constant 799744 : i32
    %add3A_1944 = vector.broadcast %add3A_1943 : i32 to vector<16xi32>
    %add3A_1945 = arith.addi %add3A_1944, %sub3A_1942 : vector<16xi32>
    %lt3A_1946 = arith.constant 99968 : i32
    %lt3A_1947 = vector.broadcast %lt3A_1946 : i32 to vector<16xi32>
    %lt3A_1948 = arith.cmpi slt, %get3A_1929, %lt3A_1947 : vector<16xi32>
    %select_n3A_1949 = arith.select %lt3A_1948, %add3A_1939, %add3A_1945 : vector<16xi1>, vector<16xi32>
    %add3A_1950 = vector.broadcast %add3A_39 : i32 to vector<16xi32>
    %add3A_1951 = arith.addi %add3A_1950, %select_n3A_1949 : vector<16xi32>
    %swap3A_1952 = arith.constant 0 : i32
    %swap3A_1953 = arith.index_cast %swap3A_1952 : i32 to index
    %swap3A_1954 = arith.constant 976 : index
    %swap3A_1955 = tpu.vector_load %arg6[%swap3A_1953, %swap3A_1954] {strides = array<i32>} : memref<2x1024xi32, #tpu.memory_space<vmem>>, vector<1x16xi32>,
    %swap3A_1956 = vector.shape_cast %swap3A_1955 : vector<1x16xi32> to vector<16xi32>
    %swap3A_1957 = vector.shape_cast %add3A_1951 : vector<16xi32> to vector<1x16xi32>
    tpu.vector_store %arg6[%swap3A_1953, %swap3A_1954], %swap3A_1957 {strides = array<i32>} : memref<2x1024xi32, #tpu.memory_space<vmem>>, vector<1x16xi32>,
    %get3A_1958 = arith.constant 992 : index
    %get3A_1959 = tpu.vector_load %arg5[%get3A_1958] {strides = array<i32>} : memref<1024xi32, #tpu.memory_space<vmem>>, vector<16xi32>,
    %get3A_1960 = vector.shape_cast %get3A_1959 : vector<16xi32> to vector<16xi32>
    %shift_right_arithmetic3A_1961 = arith.constant 7 : i32
    %shift_right_arithmetic3A_1962 = vector.broadcast %shift_right_arithmetic3A_1961 : i32 to vector<16xi32>
    %shift_right_arithmetic3A_1963 = arith.shrsi %get3A_1960, %shift_right_arithmetic3A_1962 : vector<16xi32>
    %shift_left3A_1964 = arith.constant 10 : i32
    %shift_left3A_1965 = vector.broadcast %shift_left3A_1964 : i32 to vector<16xi32>
    %shift_left3A_1966 = arith.shli %shift_right_arithmetic3A_1963, %shift_left3A_1965 : vector<16xi32>
    %and3A_1967 = arith.constant 127 : i32
    %and3A_1968 = vector.broadcast %and3A_1967 : i32 to vector<16xi32>
    %and3A_1969 = arith.andi %get3A_1960, %and3A_1968 : vector<16xi32>
    %add3A_1970 = arith.addi %shift_left3A_1966, %and3A_1969 : vector<16xi32>
    %sub3A_1971 = arith.constant 99968 : i32
    %sub3A_1972 = vector.broadcast %sub3A_1971 : i32 to vector<16xi32>
    %sub3A_1973 = arith.subi %get3A_1960, %sub3A_1972 : vector<16xi32>
    %add3A_1974 = arith.constant 799744 : i32
    %add3A_1975 = vector.broadcast %add3A_1974 : i32 to vector<16xi32>
    %add3A_1976 = arith.addi %add3A_1975, %sub3A_1973 : vector<16xi32>
    %lt3A_1977 = arith.constant 99968 : i32
    %lt3A_1978 = vector.broadcast %lt3A_1977 : i32 to vector<16xi32>
    %lt3A_1979 = arith.cmpi slt, %get3A_1960, %lt3A_1978 : vector<16xi32>
    %select_n3A_1980 = arith.select %lt3A_1979, %add3A_1970, %add3A_1976 : vector<16xi1>, vector<16xi32>
    %add3A_1981 = vector.broadcast %add3A_39 : i32 to vector<16xi32>
    %add3A_1982 = arith.addi %add3A_1981, %select_n3A_1980 : vector<16xi32>
    %swap3A_1983 = arith.constant 0 : i32
    %swap3A_1984 = arith.index_cast %swap3A_1983 : i32 to index
    %swap3A_1985 = arith.constant 992 : index
    %swap3A_1986 = tpu.vector_load %arg6[%swap3A_1984, %swap3A_1985] {strides = array<i32>} : memref<2x1024xi32, #tpu.memory_space<vmem>>, vector<1x16xi32>,
    %swap3A_1987 = vector.shape_cast %swap3A_1986 : vector<1x16xi32> to vector<16xi32>
    %swap3A_1988 = vector.shape_cast %add3A_1982 : vector<16xi32> to vector<1x16xi32>
    tpu.vector_store %arg6[%swap3A_1984, %swap3A_1985], %swap3A_1988 {strides = array<i32>} : memref<2x1024xi32, #tpu.memory_space<vmem>>, vector<1x16xi32>,
    %get3A_1989 = arith.constant 1008 : index
    %get3A_1990 = tpu.vector_load %arg5[%get3A_1989] {strides = array<i32>} : memref<1024xi32, #tpu.memory_space<vmem>>, vector<16xi32>,
    %get3A_1991 = vector.shape_cast %get3A_1990 : vector<16xi32> to vector<16xi32>
    %shift_right_arithmetic3A_1992 = arith.constant 7 : i32
    %shift_right_arithmetic3A_1993 = vector.broadcast %shift_right_arithmetic3A_1992 : i32 to vector<16xi32>
    %shift_right_arithmetic3A_1994 = arith.shrsi %get3A_1991, %shift_right_arithmetic3A_1993 : vector<16xi32>
    %shift_left3A_1995 = arith.constant 10 : i32
    %shift_left3A_1996 = vector.broadcast %shift_left3A_1995 : i32 to vector<16xi32>
    %shift_left3A_1997 = arith.shli %shift_right_arithmetic3A_1994, %shift_left3A_1996 : vector<16xi32>
    %and3A_1998 = arith.constant 127 : i32
    %and3A_1999 = vector.broadcast %and3A_1998 : i32 to vector<16xi32>
    %and3A_2000 = arith.andi %get3A_1991, %and3A_1999 : vector<16xi32>
    %add3A_2001 = arith.addi %shift_left3A_1997, %and3A_2000 : vector<16xi32>
    %sub3A_2002 = arith.constant 99968 : i32
    %sub3A_2003 = vector.broadcast %sub3A_2002 : i32 to vector<16xi32>
    %sub3A_2004 = arith.subi %get3A_1991, %sub3A_2003 : vector<16xi32>
    %add3A_2005 = arith.constant 799744 : i32
    %add3A_2006 = vector.broadcast %add3A_2005 : i32 to vector<16xi32>
    %add3A_2007 = arith.addi %add3A_2006, %sub3A_2004 : vector<16xi32>
    %lt3A_2008 = arith.constant 99968 : i32
    %lt3A_2009 = vector.broadcast %lt3A_2008 : i32 to vector<16xi32>
    %lt3A_2010 = arith.cmpi slt, %get3A_1991, %lt3A_2009 : vector<16xi32>
    %select_n3A_2011 = arith.select %lt3A_2010, %add3A_2001, %add3A_2007 : vector<16xi1>, vector<16xi32>
    %add3A_2012 = vector.broadcast %add3A_39 : i32 to vector<16xi32>
    %add3A_2013 = arith.addi %add3A_2012, %select_n3A_2011 : vector<16xi32>
    %swap3A_2014 = arith.constant 0 : i32
    %swap3A_2015 = arith.index_cast %swap3A_2014 : i32 to index
    %swap3A_2016 = arith.constant 1008 : index
    %swap3A_2017 = tpu.vector_load %arg6[%swap3A_2015, %swap3A_2016] {strides = array<i32>} : memref<2x1024xi32, #tpu.memory_space<vmem>>, vector<1x16xi32>,
    %swap3A_2018 = vector.shape_cast %swap3A_2017 : vector<1x16xi32> to vector<16xi32>
    %swap3A_2019 = vector.shape_cast %add3A_2013 : vector<16xi32> to vector<1x16xi32>
    tpu.vector_store %arg6[%swap3A_2015, %swap3A_2016], %swap3A_2019 {strides = array<i32>} : memref<2x1024xi32, #tpu.memory_space<vmem>>, vector<1x16xi32>,
    %add3A_2020 = arith.constant 1 : i32
    %add3A_2021 = arith.addi %mul3A_2, %add3A_2020 : i32
    %jit3A_2022 = arith.constant 8 : i32
    %div3A_2023 = arith.divsi %add3A_2021, %jit3A_2022 : i32
    %sign3A_2024 = arith.constant 0 : i32
    %sign3A_2025 = arith.cmpi sgt, %add3A_2021, %sign3A_2024 : i32
    %sign3A_2026 = arith.extui %sign3A_2025 : i1 to i32
    %sign3A_2027 = arith.constant 0 : i32
    %sign3A_2028 = arith.cmpi slt, %add3A_2021, %sign3A_2027 : i32
    %sign3A_2029 = arith.extui %sign3A_2028 : i1 to i32
    %sign3A_2030 = arith.subi %sign3A_2026, %sign3A_2029 : i32
    %sign3A_2031 = arith.constant 0 : i32
    %sign3A_2032 = arith.cmpi sgt, %jit3A_2022, %sign3A_2031 : i32
    %sign3A_2033 = arith.extui %sign3A_2032 : i1 to i32
    %sign3A_2034 = arith.constant 0 : i32
    %sign3A_2035 = arith.cmpi slt, %jit3A_2022, %sign3A_2034 : i32
    %sign3A_2036 = arith.extui %sign3A_2035 : i1 to i32
    %sign3A_2037 = arith.subi %sign3A_2033, %sign3A_2036 : i32
    %ne3A_2038 = arith.cmpi ne, %sign3A_2030, %sign3A_2037 : i32
    %rem3A_2039 = arith.remsi %add3A_2021, %jit3A_2022 : i32
    %ne3A_2040 = arith.constant 0 : i32
    %ne3A_2041 = arith.cmpi ne, %rem3A_2039, %ne3A_2040 : i32
    %and3A_2042 = arith.andi %ne3A_2038, %ne3A_2041 : i1
    %sub3A_2043 = arith.constant 1 : i32
    %sub3A_2044 = arith.subi %div3A_2023, %sub3A_2043 : i32
    %select_n3A_2045 = arith.select %and3A_2042, %sub3A_2044, %div3A_2023 : i32
    %mul3A_2046 = arith.constant 800768 : i32
    %mul3A_2047 = arith.muli %select_n3A_2045, %mul3A_2046 : i32
    %jit3A_2048 = arith.constant 8 : i32
    %eq3A_2049 = arith.constant 0 : i32
    %eq3A_2050 = arith.cmpi eq, %jit3A_2048, %eq3A_2049 : i32
    %jit3A_2051 = arith.constant 1 : i32
    %select_n3A_2052 = arith.select %eq3A_2050, %jit3A_2051, %jit3A_2048 : i32
    %rem3A_2053 = arith.remsi %add3A_2021, %select_n3A_2052 : i32
    %ne3A_2054 = arith.constant 0 : i32
    %ne3A_2055 = arith.cmpi ne, %rem3A_2053, %ne3A_2054 : i32
    %lt3A_2056 = arith.constant 0 : i32
    %lt3A_2057 = arith.cmpi slt, %rem3A_2053, %lt3A_2056 : i32
    %lt3A_2058 = arith.constant 0 : i32
    %lt3A_2059 = arith.cmpi slt, %select_n3A_2052, %lt3A_2058 : i32
    %ne3A_2060 = arith.xori %lt3A_2057, %lt3A_2059 : i1
    %and3A_2061 = arith.andi %ne3A_2060, %ne3A_2055 : i1
    %add3A_2062 = arith.addi %rem3A_2053, %select_n3A_2052 : i32
    %select_n3A_2063 = arith.select %and3A_2061, %add3A_2062, %rem3A_2053 : i32
    %mul3A_2064 = arith.constant 128 : i32
    %mul3A_2065 = arith.muli %select_n3A_2063, %mul3A_2064 : i32
    %add3A_2066 = arith.addi %mul3A_2047, %mul3A_2065 : i32
    %get3A_2067 = arith.constant 0 : index
    %get3A_2068 = tpu.vector_load %arg5[%get3A_2067] {strides = array<i32>} : memref<1024xi32, #tpu.memory_space<vmem>>, vector<16xi32>,
    %get3A_2069 = vector.shape_cast %get3A_2068 : vector<16xi32> to vector<16xi32>
    %shift_right_arithmetic3A_2070 = arith.constant 7 : i32
    %shift_right_arithmetic3A_2071 = vector.broadcast %shift_right_arithmetic3A_2070 : i32 to vector<16xi32>
    %shift_right_arithmetic3A_2072 = arith.shrsi %get3A_2069, %shift_right_arithmetic3A_2071 : vector<16xi32>
    %shift_left3A_2073 = arith.constant 10 : i32
    %shift_left3A_2074 = vector.broadcast %shift_left3A_2073 : i32 to vector<16xi32>
    %shift_left3A_2075 = arith.shli %shift_right_arithmetic3A_2072, %shift_left3A_2074 : vector<16xi32>
    %and3A_2076 = arith.constant 127 : i32
    %and3A_2077 = vector.broadcast %and3A_2076 : i32 to vector<16xi32>
    %and3A_2078 = arith.andi %get3A_2069, %and3A_2077 : vector<16xi32>
    %add3A_2079 = arith.addi %shift_left3A_2075, %and3A_2078 : vector<16xi32>
    %sub3A_2080 = arith.constant 99968 : i32
    %sub3A_2081 = vector.broadcast %sub3A_2080 : i32 to vector<16xi32>
    %sub3A_2082 = arith.subi %get3A_2069, %sub3A_2081 : vector<16xi32>
    %add3A_2083 = arith.constant 799744 : i32
    %add3A_2084 = vector.broadcast %add3A_2083 : i32 to vector<16xi32>
    %add3A_2085 = arith.addi %add3A_2084, %sub3A_2082 : vector<16xi32>
    %lt3A_2086 = arith.constant 99968 : i32
    %lt3A_2087 = vector.broadcast %lt3A_2086 : i32 to vector<16xi32>
    %lt3A_2088 = arith.cmpi slt, %get3A_2069, %lt3A_2087 : vector<16xi32>
    %select_n3A_2089 = arith.select %lt3A_2088, %add3A_2079, %add3A_2085 : vector<16xi1>, vector<16xi32>
    %add3A_2090 = vector.broadcast %add3A_2066 : i32 to vector<16xi32>
    %add3A_2091 = arith.addi %add3A_2090, %select_n3A_2089 : vector<16xi32>
    %swap3A_2092 = arith.constant 1 : i32
    %swap3A_2093 = arith.index_cast %swap3A_2092 : i32 to index
    %swap3A_2094 = arith.constant 0 : index
    %swap3A_2095 = tpu.vector_load %arg6[%swap3A_2093, %swap3A_2094] {strides = array<i32>} : memref<2x1024xi32, #tpu.memory_space<vmem>>, vector<1x16xi32>,
    %swap3A_2096 = vector.shape_cast %swap3A_2095 : vector<1x16xi32> to vector<16xi32>
    %swap3A_2097 = vector.shape_cast %add3A_2091 : vector<16xi32> to vector<1x16xi32>
    tpu.vector_store %arg6[%swap3A_2093, %swap3A_2094], %swap3A_2097 {strides = array<i32>} : memref<2x1024xi32, #tpu.memory_space<vmem>>, vector<1x16xi32>,
    %get3A_2098 = arith.constant 16 : index
    %get3A_2099 = tpu.vector_load %arg5[%get3A_2098] {strides = array<i32>} : memref<1024xi32, #tpu.memory_space<vmem>>, vector<16xi32>,
    %get3A_2100 = vector.shape_cast %get3A_2099 : vector<16xi32> to vector<16xi32>
    %shift_right_arithmetic3A_2101 = arith.constant 7 : i32
    %shift_right_arithmetic3A_2102 = vector.broadcast %shift_right_arithmetic3A_2101 : i32 to vector<16xi32>
    %shift_right_arithmetic3A_2103 = arith.shrsi %get3A_2100, %shift_right_arithmetic3A_2102 : vector<16xi32>
    %shift_left3A_2104 = arith.constant 10 : i32
    %shift_left3A_2105 = vector.broadcast %shift_left3A_2104 : i32 to vector<16xi32>
    %shift_left3A_2106 = arith.shli %shift_right_arithmetic3A_2103, %shift_left3A_2105 : vector<16xi32>
    %and3A_2107 = arith.constant 127 : i32
    %and3A_2108 = vector.broadcast %and3A_2107 : i32 to vector<16xi32>
    %and3A_2109 = arith.andi %get3A_2100, %and3A_2108 : vector<16xi32>
    %add3A_2110 = arith.addi %shift_left3A_2106, %and3A_2109 : vector<16xi32>
    %sub3A_2111 = arith.constant 99968 : i32
    %sub3A_2112 = vector.broadcast %sub3A_2111 : i32 to vector<16xi32>
    %sub3A_2113 = arith.subi %get3A_2100, %sub3A_2112 : vector<16xi32>
    %add3A_2114 = arith.constant 799744 : i32
    %add3A_2115 = vector.broadcast %add3A_2114 : i32 to vector<16xi32>
    %add3A_2116 = arith.addi %add3A_2115, %sub3A_2113 : vector<16xi32>
    %lt3A_2117 = arith.constant 99968 : i32
    %lt3A_2118 = vector.broadcast %lt3A_2117 : i32 to vector<16xi32>
    %lt3A_2119 = arith.cmpi slt, %get3A_2100, %lt3A_2118 : vector<16xi32>
    %select_n3A_2120 = arith.select %lt3A_2119, %add3A_2110, %add3A_2116 : vector<16xi1>, vector<16xi32>
    %add3A_2121 = vector.broadcast %add3A_2066 : i32 to vector<16xi32>
    %add3A_2122 = arith.addi %add3A_2121, %select_n3A_2120 : vector<16xi32>
    %swap3A_2123 = arith.constant 1 : i32
    %swap3A_2124 = arith.index_cast %swap3A_2123 : i32 to index
    %swap3A_2125 = arith.constant 16 : index
    %swap3A_2126 = tpu.vector_load %arg6[%swap3A_2124, %swap3A_2125] {strides = array<i32>} : memref<2x1024xi32, #tpu.memory_space<vmem>>, vector<1x16xi32>,
    %swap3A_2127 = vector.shape_cast %swap3A_2126 : vector<1x16xi32> to vector<16xi32>
    %swap3A_2128 = vector.shape_cast %add3A_2122 : vector<16xi32> to vector<1x16xi32>
    tpu.vector_store %arg6[%swap3A_2124, %swap3A_2125], %swap3A_2128 {strides = array<i32>} : memref<2x1024xi32, #tpu.memory_space<vmem>>, vector<1x16xi32>,
    %get3A_2129 = arith.constant 32 : index
    %get3A_2130 = tpu.vector_load %arg5[%get3A_2129] {strides = array<i32>} : memref<1024xi32, #tpu.memory_space<vmem>>, vector<16xi32>,
    %get3A_2131 = vector.shape_cast %get3A_2130 : vector<16xi32> to vector<16xi32>
    %shift_right_arithmetic3A_2132 = arith.constant 7 : i32
    %shift_right_arithmetic3A_2133 = vector.broadcast %shift_right_arithmetic3A_2132 : i32 to vector<16xi32>
    %shift_right_arithmetic3A_2134 = arith.shrsi %get3A_2131, %shift_right_arithmetic3A_2133 : vector<16xi32>
    %shift_left3A_2135 = arith.constant 10 : i32
    %shift_left3A_2136 = vector.broadcast %shift_left3A_2135 : i32 to vector<16xi32>
    %shift_left3A_2137 = arith.shli %shift_right_arithmetic3A_2134, %shift_left3A_2136 : vector<16xi32>
    %and3A_2138 = arith.constant 127 : i32
    %and3A_2139 = vector.broadcast %and3A_2138 : i32 to vector<16xi32>
    %and3A_2140 = arith.andi %get3A_2131, %and3A_2139 : vector<16xi32>
    %add3A_2141 = arith.addi %shift_left3A_2137, %and3A_2140 : vector<16xi32>
    %sub3A_2142 = arith.constant 99968 : i32
    %sub3A_2143 = vector.broadcast %sub3A_2142 : i32 to vector<16xi32>
    %sub3A_2144 = arith.subi %get3A_2131, %sub3A_2143 : vector<16xi32>
    %add3A_2145 = arith.constant 799744 : i32
    %add3A_2146 = vector.broadcast %add3A_2145 : i32 to vector<16xi32>
    %add3A_2147 = arith.addi %add3A_2146, %sub3A_2144 : vector<16xi32>
    %lt3A_2148 = arith.constant 99968 : i32
    %lt3A_2149 = vector.broadcast %lt3A_2148 : i32 to vector<16xi32>
    %lt3A_2150 = arith.cmpi slt, %get3A_2131, %lt3A_2149 : vector<16xi32>
    %select_n3A_2151 = arith.select %lt3A_2150, %add3A_2141, %add3A_2147 : vector<16xi1>, vector<16xi32>
    %add3A_2152 = vector.broadcast %add3A_2066 : i32 to vector<16xi32>
    %add3A_2153 = arith.addi %add3A_2152, %select_n3A_2151 : vector<16xi32>
    %swap3A_2154 = arith.constant 1 : i32
    %swap3A_2155 = arith.index_cast %swap3A_2154 : i32 to index
    %swap3A_2156 = arith.constant 32 : index
    %swap3A_2157 = tpu.vector_load %arg6[%swap3A_2155, %swap3A_2156] {strides = array<i32>} : memref<2x1024xi32, #tpu.memory_space<vmem>>, vector<1x16xi32>,
    %swap3A_2158 = vector.shape_cast %swap3A_2157 : vector<1x16xi32> to vector<16xi32>
    %swap3A_2159 = vector.shape_cast %add3A_2153 : vector<16xi32> to vector<1x16xi32>
    tpu.vector_store %arg6[%swap3A_2155, %swap3A_2156], %swap3A_2159 {strides = array<i32>} : memref<2x1024xi32, #tpu.memory_space<vmem>>, vector<1x16xi32>,
    %get3A_2160 = arith.constant 48 : index
    %get3A_2161 = tpu.vector_load %arg5[%get3A_2160] {strides = array<i32>} : memref<1024xi32, #tpu.memory_space<vmem>>, vector<16xi32>,
    %get3A_2162 = vector.shape_cast %get3A_2161 : vector<16xi32> to vector<16xi32>
    %shift_right_arithmetic3A_2163 = arith.constant 7 : i32
    %shift_right_arithmetic3A_2164 = vector.broadcast %shift_right_arithmetic3A_2163 : i32 to vector<16xi32>
    %shift_right_arithmetic3A_2165 = arith.shrsi %get3A_2162, %shift_right_arithmetic3A_2164 : vector<16xi32>
    %shift_left3A_2166 = arith.constant 10 : i32
    %shift_left3A_2167 = vector.broadcast %shift_left3A_2166 : i32 to vector<16xi32>
    %shift_left3A_2168 = arith.shli %shift_right_arithmetic3A_2165, %shift_left3A_2167 : vector<16xi32>
    %and3A_2169 = arith.constant 127 : i32
    %and3A_2170 = vector.broadcast %and3A_2169 : i32 to vector<16xi32>
    %and3A_2171 = arith.andi %get3A_2162, %and3A_2170 : vector<16xi32>
    %add3A_2172 = arith.addi %shift_left3A_2168, %and3A_2171 : vector<16xi32>
    %sub3A_2173 = arith.constant 99968 : i32
    %sub3A_2174 = vector.broadcast %sub3A_2173 : i32 to vector<16xi32>
    %sub3A_2175 = arith.subi %get3A_2162, %sub3A_2174 : vector<16xi32>
    %add3A_2176 = arith.constant 799744 : i32
    %add3A_2177 = vector.broadcast %add3A_2176 : i32 to vector<16xi32>
    %add3A_2178 = arith.addi %add3A_2177, %sub3A_2175 : vector<16xi32>
    %lt3A_2179 = arith.constant 99968 : i32
    %lt3A_2180 = vector.broadcast %lt3A_2179 : i32 to vector<16xi32>
    %lt3A_2181 = arith.cmpi slt, %get3A_2162, %lt3A_2180 : vector<16xi32>
    %select_n3A_2182 = arith.select %lt3A_2181, %add3A_2172, %add3A_2178 : vector<16xi1>, vector<16xi32>
    %add3A_2183 = vector.broadcast %add3A_2066 : i32 to vector<16xi32>
    %add3A_2184 = arith.addi %add3A_2183, %select_n3A_2182 : vector<16xi32>
    %swap3A_2185 = arith.constant 1 : i32
    %swap3A_2186 = arith.index_cast %swap3A_2185 : i32 to index
    %swap3A_2187 = arith.constant 48 : index
    %swap3A_2188 = tpu.vector_load %arg6[%swap3A_2186, %swap3A_2187] {strides = array<i32>} : memref<2x1024xi32, #tpu.memory_space<vmem>>, vector<1x16xi32>,
    %swap3A_2189 = vector.shape_cast %swap3A_2188 : vector<1x16xi32> to vector<16xi32>
    %swap3A_2190 = vector.shape_cast %add3A_2184 : vector<16xi32> to vector<1x16xi32>
    tpu.vector_store %arg6[%swap3A_2186, %swap3A_2187], %swap3A_2190 {strides = array<i32>} : memref<2x1024xi32, #tpu.memory_space<vmem>>, vector<1x16xi32>,
    %get3A_2191 = arith.constant 64 : index
    %get3A_2192 = tpu.vector_load %arg5[%get3A_2191] {strides = array<i32>} : memref<1024xi32, #tpu.memory_space<vmem>>, vector<16xi32>,
    %get3A_2193 = vector.shape_cast %get3A_2192 : vector<16xi32> to vector<16xi32>
    %shift_right_arithmetic3A_2194 = arith.constant 7 : i32
    %shift_right_arithmetic3A_2195 = vector.broadcast %shift_right_arithmetic3A_2194 : i32 to vector<16xi32>
    %shift_right_arithmetic3A_2196 = arith.shrsi %get3A_2193, %shift_right_arithmetic3A_2195 : vector<16xi32>
    %shift_left3A_2197 = arith.constant 10 : i32
    %shift_left3A_2198 = vector.broadcast %shift_left3A_2197 : i32 to vector<16xi32>
    %shift_left3A_2199 = arith.shli %shift_right_arithmetic3A_2196, %shift_left3A_2198 : vector<16xi32>
    %and3A_2200 = arith.constant 127 : i32
    %and3A_2201 = vector.broadcast %and3A_2200 : i32 to vector<16xi32>
    %and3A_2202 = arith.andi %get3A_2193, %and3A_2201 : vector<16xi32>
    %add3A_2203 = arith.addi %shift_left3A_2199, %and3A_2202 : vector<16xi32>
    %sub3A_2204 = arith.constant 99968 : i32
    %sub3A_2205 = vector.broadcast %sub3A_2204 : i32 to vector<16xi32>
    %sub3A_2206 = arith.subi %get3A_2193, %sub3A_2205 : vector<16xi32>
    %add3A_2207 = arith.constant 799744 : i32
    %add3A_2208 = vector.broadcast %add3A_2207 : i32 to vector<16xi32>
    %add3A_2209 = arith.addi %add3A_2208, %sub3A_2206 : vector<16xi32>
    %lt3A_2210 = arith.constant 99968 : i32
    %lt3A_2211 = vector.broadcast %lt3A_2210 : i32 to vector<16xi32>
    %lt3A_2212 = arith.cmpi slt, %get3A_2193, %lt3A_2211 : vector<16xi32>
    %select_n3A_2213 = arith.select %lt3A_2212, %add3A_2203, %add3A_2209 : vector<16xi1>, vector<16xi32>
    %add3A_2214 = vector.broadcast %add3A_2066 : i32 to vector<16xi32>
    %add3A_2215 = arith.addi %add3A_2214, %select_n3A_2213 : vector<16xi32>
    %swap3A_2216 = arith.constant 1 : i32
    %swap3A_2217 = arith.index_cast %swap3A_2216 : i32 to index
    %swap3A_2218 = arith.constant 64 : index
    %swap3A_2219 = tpu.vector_load %arg6[%swap3A_2217, %swap3A_2218] {strides = array<i32>} : memref<2x1024xi32, #tpu.memory_space<vmem>>, vector<1x16xi32>,
    %swap3A_2220 = vector.shape_cast %swap3A_2219 : vector<1x16xi32> to vector<16xi32>
    %swap3A_2221 = vector.shape_cast %add3A_2215 : vector<16xi32> to vector<1x16xi32>
    tpu.vector_store %arg6[%swap3A_2217, %swap3A_2218], %swap3A_2221 {strides = array<i32>} : memref<2x1024xi32, #tpu.memory_space<vmem>>, vector<1x16xi32>,
    %get3A_2222 = arith.constant 80 : index
    %get3A_2223 = tpu.vector_load %arg5[%get3A_2222] {strides = array<i32>} : memref<1024xi32, #tpu.memory_space<vmem>>, vector<16xi32>,
    %get3A_2224 = vector.shape_cast %get3A_2223 : vector<16xi32> to vector<16xi32>
    %shift_right_arithmetic3A_2225 = arith.constant 7 : i32
    %shift_right_arithmetic3A_2226 = vector.broadcast %shift_right_arithmetic3A_2225 : i32 to vector<16xi32>
    %shift_right_arithmetic3A_2227 = arith.shrsi %get3A_2224, %shift_right_arithmetic3A_2226 : vector<16xi32>
    %shift_left3A_2228 = arith.constant 10 : i32
    %shift_left3A_2229 = vector.broadcast %shift_left3A_2228 : i32 to vector<16xi32>
    %shift_left3A_2230 = arith.shli %shift_right_arithmetic3A_2227, %shift_left3A_2229 : vector<16xi32>
    %and3A_2231 = arith.constant 127 : i32
    %and3A_2232 = vector.broadcast %and3A_2231 : i32 to vector<16xi32>
    %and3A_2233 = arith.andi %get3A_2224, %and3A_2232 : vector<16xi32>
    %add3A_2234 = arith.addi %shift_left3A_2230, %and3A_2233 : vector<16xi32>
    %sub3A_2235 = arith.constant 99968 : i32
    %sub3A_2236 = vector.broadcast %sub3A_2235 : i32 to vector<16xi32>
    %sub3A_2237 = arith.subi %get3A_2224, %sub3A_2236 : vector<16xi32>
    %add3A_2238 = arith.constant 799744 : i32
    %add3A_2239 = vector.broadcast %add3A_2238 : i32 to vector<16xi32>
    %add3A_2240 = arith.addi %add3A_2239, %sub3A_2237 : vector<16xi32>
    %lt3A_2241 = arith.constant 99968 : i32
    %lt3A_2242 = vector.broadcast %lt3A_2241 : i32 to vector<16xi32>
    %lt3A_2243 = arith.cmpi slt, %get3A_2224, %lt3A_2242 : vector<16xi32>
    %select_n3A_2244 = arith.select %lt3A_2243, %add3A_2234, %add3A_2240 : vector<16xi1>, vector<16xi32>
    %add3A_2245 = vector.broadcast %add3A_2066 : i32 to vector<16xi32>
    %add3A_2246 = arith.addi %add3A_2245, %select_n3A_2244 : vector<16xi32>
    %swap3A_2247 = arith.constant 1 : i32
    %swap3A_2248 = arith.index_cast %swap3A_2247 : i32 to index
    %swap3A_2249 = arith.constant 80 : index
    %swap3A_2250 = tpu.vector_load %arg6[%swap3A_2248, %swap3A_2249] {strides = array<i32>} : memref<2x1024xi32, #tpu.memory_space<vmem>>, vector<1x16xi32>,
    %swap3A_2251 = vector.shape_cast %swap3A_2250 : vector<1x16xi32> to vector<16xi32>
    %swap3A_2252 = vector.shape_cast %add3A_2246 : vector<16xi32> to vector<1x16xi32>
    tpu.vector_store %arg6[%swap3A_2248, %swap3A_2249], %swap3A_2252 {strides = array<i32>} : memref<2x1024xi32, #tpu.memory_space<vmem>>, vector<1x16xi32>,
    %get3A_2253 = arith.constant 96 : index
    %get3A_2254 = tpu.vector_load %arg5[%get3A_2253] {strides = array<i32>} : memref<1024xi32, #tpu.memory_space<vmem>>, vector<16xi32>,
    %get3A_2255 = vector.shape_cast %get3A_2254 : vector<16xi32> to vector<16xi32>
    %shift_right_arithmetic3A_2256 = arith.constant 7 : i32
    %shift_right_arithmetic3A_2257 = vector.broadcast %shift_right_arithmetic3A_2256 : i32 to vector<16xi32>
    %shift_right_arithmetic3A_2258 = arith.shrsi %get3A_2255, %shift_right_arithmetic3A_2257 : vector<16xi32>
    %shift_left3A_2259 = arith.constant 10 : i32
    %shift_left3A_2260 = vector.broadcast %shift_left3A_2259 : i32 to vector<16xi32>
    %shift_left3A_2261 = arith.shli %shift_right_arithmetic3A_2258, %shift_left3A_2260 : vector<16xi32>
    %and3A_2262 = arith.constant 127 : i32
    %and3A_2263 = vector.broadcast %and3A_2262 : i32 to vector<16xi32>
    %and3A_2264 = arith.andi %get3A_2255, %and3A_2263 : vector<16xi32>
    %add3A_2265 = arith.addi %shift_left3A_2261, %and3A_2264 : vector<16xi32>
    %sub3A_2266 = arith.constant 99968 : i32
    %sub3A_2267 = vector.broadcast %sub3A_2266 : i32 to vector<16xi32>
    %sub3A_2268 = arith.subi %get3A_2255, %sub3A_2267 : vector<16xi32>
    %add3A_2269 = arith.constant 799744 : i32
    %add3A_2270 = vector.broadcast %add3A_2269 : i32 to vector<16xi32>
    %add3A_2271 = arith.addi %add3A_2270, %sub3A_2268 : vector<16xi32>
    %lt3A_2272 = arith.constant 99968 : i32
    %lt3A_2273 = vector.broadcast %lt3A_2272 : i32 to vector<16xi32>
    %lt3A_2274 = arith.cmpi slt, %get3A_2255, %lt3A_2273 : vector<16xi32>
    %select_n3A_2275 = arith.select %lt3A_2274, %add3A_2265, %add3A_2271 : vector<16xi1>, vector<16xi32>
    %add3A_2276 = vector.broadcast %add3A_2066 : i32 to vector<16xi32>
    %add3A_2277 = arith.addi %add3A_2276, %select_n3A_2275 : vector<16xi32>
    %swap3A_2278 = arith.constant 1 : i32
    %swap3A_2279 = arith.index_cast %swap3A_2278 : i32 to index
    %swap3A_2280 = arith.constant 96 : index
    %swap3A_2281 = tpu.vector_load %arg6[%swap3A_2279, %swap3A_2280] {strides = array<i32>} : memref<2x1024xi32, #tpu.memory_space<vmem>>, vector<1x16xi32>,
    %swap3A_2282 = vector.shape_cast %swap3A_2281 : vector<1x16xi32> to vector<16xi32>
    %swap3A_2283 = vector.shape_cast %add3A_2277 : vector<16xi32> to vector<1x16xi32>
    tpu.vector_store %arg6[%swap3A_2279, %swap3A_2280], %swap3A_2283 {strides = array<i32>} : memref<2x1024xi32, #tpu.memory_space<vmem>>, vector<1x16xi32>,
    %get3A_2284 = arith.constant 112 : index
    %get3A_2285 = tpu.vector_load %arg5[%get3A_2284] {strides = array<i32>} : memref<1024xi32, #tpu.memory_space<vmem>>, vector<16xi32>,
    %get3A_2286 = vector.shape_cast %get3A_2285 : vector<16xi32> to vector<16xi32>
    %shift_right_arithmetic3A_2287 = arith.constant 7 : i32
    %shift_right_arithmetic3A_2288 = vector.broadcast %shift_right_arithmetic3A_2287 : i32 to vector<16xi32>
    %shift_right_arithmetic3A_2289 = arith.shrsi %get3A_2286, %shift_right_arithmetic3A_2288 : vector<16xi32>
    %shift_left3A_2290 = arith.constant 10 : i32
    %shift_left3A_2291 = vector.broadcast %shift_left3A_2290 : i32 to vector<16xi32>
    %shift_left3A_2292 = arith.shli %shift_right_arithmetic3A_2289, %shift_left3A_2291 : vector<16xi32>
    %and3A_2293 = arith.constant 127 : i32
    %and3A_2294 = vector.broadcast %and3A_2293 : i32 to vector<16xi32>
    %and3A_2295 = arith.andi %get3A_2286, %and3A_2294 : vector<16xi32>
    %add3A_2296 = arith.addi %shift_left3A_2292, %and3A_2295 : vector<16xi32>
    %sub3A_2297 = arith.constant 99968 : i32
    %sub3A_2298 = vector.broadcast %sub3A_2297 : i32 to vector<16xi32>
    %sub3A_2299 = arith.subi %get3A_2286, %sub3A_2298 : vector<16xi32>
    %add3A_2300 = arith.constant 799744 : i32
    %add3A_2301 = vector.broadcast %add3A_2300 : i32 to vector<16xi32>
    %add3A_2302 = arith.addi %add3A_2301, %sub3A_2299 : vector<16xi32>
    %lt3A_2303 = arith.constant 99968 : i32
    %lt3A_2304 = vector.broadcast %lt3A_2303 : i32 to vector<16xi32>
    %lt3A_2305 = arith.cmpi slt, %get3A_2286, %lt3A_2304 : vector<16xi32>
    %select_n3A_2306 = arith.select %lt3A_2305, %add3A_2296, %add3A_2302 : vector<16xi1>, vector<16xi32>
    %add3A_2307 = vector.broadcast %add3A_2066 : i32 to vector<16xi32>
    %add3A_2308 = arith.addi %add3A_2307, %select_n3A_2306 : vector<16xi32>
    %swap3A_2309 = arith.constant 1 : i32
    %swap3A_2310 = arith.index_cast %swap3A_2309 : i32 to index
    %swap3A_2311 = arith.constant 112 : index
    %swap3A_2312 = tpu.vector_load %arg6[%swap3A_2310, %swap3A_2311] {strides = array<i32>} : memref<2x1024xi32, #tpu.memory_space<vmem>>, vector<1x16xi32>,
    %swap3A_2313 = vector.shape_cast %swap3A_2312 : vector<1x16xi32> to vector<16xi32>
    %swap3A_2314 = vector.shape_cast %add3A_2308 : vector<16xi32> to vector<1x16xi32>
    tpu.vector_store %arg6[%swap3A_2310, %swap3A_2311], %swap3A_2314 {strides = array<i32>} : memref<2x1024xi32, #tpu.memory_space<vmem>>, vector<1x16xi32>,
    %get3A_2315 = arith.constant 128 : index
    %get3A_2316 = tpu.vector_load %arg5[%get3A_2315] {strides = array<i32>} : memref<1024xi32, #tpu.memory_space<vmem>>, vector<16xi32>,
    %get3A_2317 = vector.shape_cast %get3A_2316 : vector<16xi32> to vector<16xi32>
    %shift_right_arithmetic3A_2318 = arith.constant 7 : i32
    %shift_right_arithmetic3A_2319 = vector.broadcast %shift_right_arithmetic3A_2318 : i32 to vector<16xi32>
    %shift_right_arithmetic3A_2320 = arith.shrsi %get3A_2317, %shift_right_arithmetic3A_2319 : vector<16xi32>
    %shift_left3A_2321 = arith.constant 10 : i32
    %shift_left3A_2322 = vector.broadcast %shift_left3A_2321 : i32 to vector<16xi32>
    %shift_left3A_2323 = arith.shli %shift_right_arithmetic3A_2320, %shift_left3A_2322 : vector<16xi32>
    %and3A_2324 = arith.constant 127 : i32
    %and3A_2325 = vector.broadcast %and3A_2324 : i32 to vector<16xi32>
    %and3A_2326 = arith.andi %get3A_2317, %and3A_2325 : vector<16xi32>
    %add3A_2327 = arith.addi %shift_left3A_2323, %and3A_2326 : vector<16xi32>
    %sub3A_2328 = arith.constant 99968 : i32
    %sub3A_2329 = vector.broadcast %sub3A_2328 : i32 to vector<16xi32>
    %sub3A_2330 = arith.subi %get3A_2317, %sub3A_2329 : vector<16xi32>
    %add3A_2331 = arith.constant 799744 : i32
    %add3A_2332 = vector.broadcast %add3A_2331 : i32 to vector<16xi32>
    %add3A_2333 = arith.addi %add3A_2332, %sub3A_2330 : vector<16xi32>
    %lt3A_2334 = arith.constant 99968 : i32
    %lt3A_2335 = vector.broadcast %lt3A_2334 : i32 to vector<16xi32>
    %lt3A_2336 = arith.cmpi slt, %get3A_2317, %lt3A_2335 : vector<16xi32>
    %select_n3A_2337 = arith.select %lt3A_2336, %add3A_2327, %add3A_2333 : vector<16xi1>, vector<16xi32>
    %add3A_2338 = vector.broadcast %add3A_2066 : i32 to vector<16xi32>
    %add3A_2339 = arith.addi %add3A_2338, %select_n3A_2337 : vector<16xi32>
    %swap3A_2340 = arith.constant 1 : i32
    %swap3A_2341 = arith.index_cast %swap3A_2340 : i32 to index
    %swap3A_2342 = arith.constant 128 : index
    %swap3A_2343 = tpu.vector_load %arg6[%swap3A_2341, %swap3A_2342] {strides = array<i32>} : memref<2x1024xi32, #tpu.memory_space<vmem>>, vector<1x16xi32>,
    %swap3A_2344 = vector.shape_cast %swap3A_2343 : vector<1x16xi32> to vector<16xi32>
    %swap3A_2345 = vector.shape_cast %add3A_2339 : vector<16xi32> to vector<1x16xi32>
    tpu.vector_store %arg6[%swap3A_2341, %swap3A_2342], %swap3A_2345 {strides = array<i32>} : memref<2x1024xi32, #tpu.memory_space<vmem>>, vector<1x16xi32>,
    %get3A_2346 = arith.constant 144 : index
    %get3A_2347 = tpu.vector_load %arg5[%get3A_2346] {strides = array<i32>} : memref<1024xi32, #tpu.memory_space<vmem>>, vector<16xi32>,
    %get3A_2348 = vector.shape_cast %get3A_2347 : vector<16xi32> to vector<16xi32>
    %shift_right_arithmetic3A_2349 = arith.constant 7 : i32
    %shift_right_arithmetic3A_2350 = vector.broadcast %shift_right_arithmetic3A_2349 : i32 to vector<16xi32>
    %shift_right_arithmetic3A_2351 = arith.shrsi %get3A_2348, %shift_right_arithmetic3A_2350 : vector<16xi32>
    %shift_left3A_2352 = arith.constant 10 : i32
    %shift_left3A_2353 = vector.broadcast %shift_left3A_2352 : i32 to vector<16xi32>
    %shift_left3A_2354 = arith.shli %shift_right_arithmetic3A_2351, %shift_left3A_2353 : vector<16xi32>
    %and3A_2355 = arith.constant 127 : i32
    %and3A_2356 = vector.broadcast %and3A_2355 : i32 to vector<16xi32>
    %and3A_2357 = arith.andi %get3A_2348, %and3A_2356 : vector<16xi32>
    %add3A_2358 = arith.addi %shift_left3A_2354, %and3A_2357 : vector<16xi32>
    %sub3A_2359 = arith.constant 99968 : i32
    %sub3A_2360 = vector.broadcast %sub3A_2359 : i32 to vector<16xi32>
    %sub3A_2361 = arith.subi %get3A_2348, %sub3A_2360 : vector<16xi32>
    %add3A_2362 = arith.constant 799744 : i32
    %add3A_2363 = vector.broadcast %add3A_2362 : i32 to vector<16xi32>
    %add3A_2364 = arith.addi %add3A_2363, %sub3A_2361 : vector<16xi32>
    %lt3A_2365 = arith.constant 99968 : i32
    %lt3A_2366 = vector.broadcast %lt3A_2365 : i32 to vector<16xi32>
    %lt3A_2367 = arith.cmpi slt, %get3A_2348, %lt3A_2366 : vector<16xi32>
    %select_n3A_2368 = arith.select %lt3A_2367, %add3A_2358, %add3A_2364 : vector<16xi1>, vector<16xi32>
    %add3A_2369 = vector.broadcast %add3A_2066 : i32 to vector<16xi32>
    %add3A_2370 = arith.addi %add3A_2369, %select_n3A_2368 : vector<16xi32>
    %swap3A_2371 = arith.constant 1 : i32
    %swap3A_2372 = arith.index_cast %swap3A_2371 : i32 to index
    %swap3A_2373 = arith.constant 144 : index
    %swap3A_2374 = tpu.vector_load %arg6[%swap3A_2372, %swap3A_2373] {strides = array<i32>} : memref<2x1024xi32, #tpu.memory_space<vmem>>, vector<1x16xi32>,
    %swap3A_2375 = vector.shape_cast %swap3A_2374 : vector<1x16xi32> to vector<16xi32>
    %swap3A_2376 = vector.shape_cast %add3A_2370 : vector<16xi32> to vector<1x16xi32>
    tpu.vector_store %arg6[%swap3A_2372, %swap3A_2373], %swap3A_2376 {strides = array<i32>} : memref<2x1024xi32, #tpu.memory_space<vmem>>, vector<1x16xi32>,
    %get3A_2377 = arith.constant 160 : index
    %get3A_2378 = tpu.vector_load %arg5[%get3A_2377] {strides = array<i32>} : memref<1024xi32, #tpu.memory_space<vmem>>, vector<16xi32>,
    %get3A_2379 = vector.shape_cast %get3A_2378 : vector<16xi32> to vector<16xi32>
    %shift_right_arithmetic3A_2380 = arith.constant 7 : i32
    %shift_right_arithmetic3A_2381 = vector.broadcast %shift_right_arithmetic3A_2380 : i32 to vector<16xi32>
    %shift_right_arithmetic3A_2382 = arith.shrsi %get3A_2379, %shift_right_arithmetic3A_2381 : vector<16xi32>
    %shift_left3A_2383 = arith.constant 10 : i32
    %shift_left3A_2384 = vector.broadcast %shift_left3A_2383 : i32 to vector<16xi32>
    %shift_left3A_2385 = arith.shli %shift_right_arithmetic3A_2382, %shift_left3A_2384 : vector<16xi32>
    %and3A_2386 = arith.constant 127 : i32
    %and3A_2387 = vector.broadcast %and3A_2386 : i32 to vector<16xi32>
    %and3A_2388 = arith.andi %get3A_2379, %and3A_2387 : vector<16xi32>
    %add3A_2389 = arith.addi %shift_left3A_2385, %and3A_2388 : vector<16xi32>
    %sub3A_2390 = arith.constant 99968 : i32
    %sub3A_2391 = vector.broadcast %sub3A_2390 : i32 to vector<16xi32>
    %sub3A_2392 = arith.subi %get3A_2379, %sub3A_2391 : vector<16xi32>
    %add3A_2393 = arith.constant 799744 : i32
    %add3A_2394 = vector.broadcast %add3A_2393 : i32 to vector<16xi32>
    %add3A_2395 = arith.addi %add3A_2394, %sub3A_2392 : vector<16xi32>
    %lt3A_2396 = arith.constant 99968 : i32
    %lt3A_2397 = vector.broadcast %lt3A_2396 : i32 to vector<16xi32>
    %lt3A_2398 = arith.cmpi slt, %get3A_2379, %lt3A_2397 : vector<16xi32>
    %select_n3A_2399 = arith.select %lt3A_2398, %add3A_2389, %add3A_2395 : vector<16xi1>, vector<16xi32>
    %add3A_2400 = vector.broadcast %add3A_2066 : i32 to vector<16xi32>
    %add3A_2401 = arith.addi %add3A_2400, %select_n3A_2399 : vector<16xi32>
    %swap3A_2402 = arith.constant 1 : i32
    %swap3A_2403 = arith.index_cast %swap3A_2402 : i32 to index
    %swap3A_2404 = arith.constant 160 : index
    %swap3A_2405 = tpu.vector_load %arg6[%swap3A_2403, %swap3A_2404] {strides = array<i32>} : memref<2x1024xi32, #tpu.memory_space<vmem>>, vector<1x16xi32>,
    %swap3A_2406 = vector.shape_cast %swap3A_2405 : vector<1x16xi32> to vector<16xi32>
    %swap3A_2407 = vector.shape_cast %add3A_2401 : vector<16xi32> to vector<1x16xi32>
    tpu.vector_store %arg6[%swap3A_2403, %swap3A_2404], %swap3A_2407 {strides = array<i32>} : memref<2x1024xi32, #tpu.memory_space<vmem>>, vector<1x16xi32>,
    %get3A_2408 = arith.constant 176 : index
    %get3A_2409 = tpu.vector_load %arg5[%get3A_2408] {strides = array<i32>} : memref<1024xi32, #tpu.memory_space<vmem>>, vector<16xi32>,
    %get3A_2410 = vector.shape_cast %get3A_2409 : vector<16xi32> to vector<16xi32>
    %shift_right_arithmetic3A_2411 = arith.constant 7 : i32
    %shift_right_arithmetic3A_2412 = vector.broadcast %shift_right_arithmetic3A_2411 : i32 to vector<16xi32>
    %shift_right_arithmetic3A_2413 = arith.shrsi %get3A_2410, %shift_right_arithmetic3A_2412 : vector<16xi32>
    %shift_left3A_2414 = arith.constant 10 : i32
    %shift_left3A_2415 = vector.broadcast %shift_left3A_2414 : i32 to vector<16xi32>
    %shift_left3A_2416 = arith.shli %shift_right_arithmetic3A_2413, %shift_left3A_2415 : vector<16xi32>
    %and3A_2417 = arith.constant 127 : i32
    %and3A_2418 = vector.broadcast %and3A_2417 : i32 to vector<16xi32>
    %and3A_2419 = arith.andi %get3A_2410, %and3A_2418 : vector<16xi32>
    %add3A_2420 = arith.addi %shift_left3A_2416, %and3A_2419 : vector<16xi32>
    %sub3A_2421 = arith.constant 99968 : i32
    %sub3A_2422 = vector.broadcast %sub3A_2421 : i32 to vector<16xi32>
    %sub3A_2423 = arith.subi %get3A_2410, %sub3A_2422 : vector<16xi32>
    %add3A_2424 = arith.constant 799744 : i32
    %add3A_2425 = vector.broadcast %add3A_2424 : i32 to vector<16xi32>
    %add3A_2426 = arith.addi %add3A_2425, %sub3A_2423 : vector<16xi32>
    %lt3A_2427 = arith.constant 99968 : i32
    %lt3A_2428 = vector.broadcast %lt3A_2427 : i32 to vector<16xi32>
    %lt3A_2429 = arith.cmpi slt, %get3A_2410, %lt3A_2428 : vector<16xi32>
    %select_n3A_2430 = arith.select %lt3A_2429, %add3A_2420, %add3A_2426 : vector<16xi1>, vector<16xi32>
    %add3A_2431 = vector.broadcast %add3A_2066 : i32 to vector<16xi32>
    %add3A_2432 = arith.addi %add3A_2431, %select_n3A_2430 : vector<16xi32>
    %swap3A_2433 = arith.constant 1 : i32
    %swap3A_2434 = arith.index_cast %swap3A_2433 : i32 to index
    %swap3A_2435 = arith.constant 176 : index
    %swap3A_2436 = tpu.vector_load %arg6[%swap3A_2434, %swap3A_2435] {strides = array<i32>} : memref<2x1024xi32, #tpu.memory_space<vmem>>, vector<1x16xi32>,
    %swap3A_2437 = vector.shape_cast %swap3A_2436 : vector<1x16xi32> to vector<16xi32>
    %swap3A_2438 = vector.shape_cast %add3A_2432 : vector<16xi32> to vector<1x16xi32>
    tpu.vector_store %arg6[%swap3A_2434, %swap3A_2435], %swap3A_2438 {strides = array<i32>} : memref<2x1024xi32, #tpu.memory_space<vmem>>, vector<1x16xi32>,
    %get3A_2439 = arith.constant 192 : index
    %get3A_2440 = tpu.vector_load %arg5[%get3A_2439] {strides = array<i32>} : memref<1024xi32, #tpu.memory_space<vmem>>, vector<16xi32>,
    %get3A_2441 = vector.shape_cast %get3A_2440 : vector<16xi32> to vector<16xi32>
    %shift_right_arithmetic3A_2442 = arith.constant 7 : i32
    %shift_right_arithmetic3A_2443 = vector.broadcast %shift_right_arithmetic3A_2442 : i32 to vector<16xi32>
    %shift_right_arithmetic3A_2444 = arith.shrsi %get3A_2441, %shift_right_arithmetic3A_2443 : vector<16xi32>
    %shift_left3A_2445 = arith.constant 10 : i32
    %shift_left3A_2446 = vector.broadcast %shift_left3A_2445 : i32 to vector<16xi32>
    %shift_left3A_2447 = arith.shli %shift_right_arithmetic3A_2444, %shift_left3A_2446 : vector<16xi32>
    %and3A_2448 = arith.constant 127 : i32
    %and3A_2449 = vector.broadcast %and3A_2448 : i32 to vector<16xi32>
    %and3A_2450 = arith.andi %get3A_2441, %and3A_2449 : vector<16xi32>
    %add3A_2451 = arith.addi %shift_left3A_2447, %and3A_2450 : vector<16xi32>
    %sub3A_2452 = arith.constant 99968 : i32
    %sub3A_2453 = vector.broadcast %sub3A_2452 : i32 to vector<16xi32>
    %sub3A_2454 = arith.subi %get3A_2441, %sub3A_2453 : vector<16xi32>
    %add3A_2455 = arith.constant 799744 : i32
    %add3A_2456 = vector.broadcast %add3A_2455 : i32 to vector<16xi32>
    %add3A_2457 = arith.addi %add3A_2456, %sub3A_2454 : vector<16xi32>
    %lt3A_2458 = arith.constant 99968 : i32
    %lt3A_2459 = vector.broadcast %lt3A_2458 : i32 to vector<16xi32>
    %lt3A_2460 = arith.cmpi slt, %get3A_2441, %lt3A_2459 : vector<16xi32>
    %select_n3A_2461 = arith.select %lt3A_2460, %add3A_2451, %add3A_2457 : vector<16xi1>, vector<16xi32>
    %add3A_2462 = vector.broadcast %add3A_2066 : i32 to vector<16xi32>
    %add3A_2463 = arith.addi %add3A_2462, %select_n3A_2461 : vector<16xi32>
    %swap3A_2464 = arith.constant 1 : i32
    %swap3A_2465 = arith.index_cast %swap3A_2464 : i32 to index
    %swap3A_2466 = arith.constant 192 : index
    %swap3A_2467 = tpu.vector_load %arg6[%swap3A_2465, %swap3A_2466] {strides = array<i32>} : memref<2x1024xi32, #tpu.memory_space<vmem>>, vector<1x16xi32>,
    %swap3A_2468 = vector.shape_cast %swap3A_2467 : vector<1x16xi32> to vector<16xi32>
    %swap3A_2469 = vector.shape_cast %add3A_2463 : vector<16xi32> to vector<1x16xi32>
    tpu.vector_store %arg6[%swap3A_2465, %swap3A_2466], %swap3A_2469 {strides = array<i32>} : memref<2x1024xi32, #tpu.memory_space<vmem>>, vector<1x16xi32>,
    %get3A_2470 = arith.constant 208 : index
    %get3A_2471 = tpu.vector_load %arg5[%get3A_2470] {strides = array<i32>} : memref<1024xi32, #tpu.memory_space<vmem>>, vector<16xi32>,
    %get3A_2472 = vector.shape_cast %get3A_2471 : vector<16xi32> to vector<16xi32>
    %shift_right_arithmetic3A_2473 = arith.constant 7 : i32
    %shift_right_arithmetic3A_2474 = vector.broadcast %shift_right_arithmetic3A_2473 : i32 to vector<16xi32>
    %shift_right_arithmetic3A_2475 = arith.shrsi %get3A_2472, %shift_right_arithmetic3A_2474 : vector<16xi32>
    %shift_left3A_2476 = arith.constant 10 : i32
    %shift_left3A_2477 = vector.broadcast %shift_left3A_2476 : i32 to vector<16xi32>
    %shift_left3A_2478 = arith.shli %shift_right_arithmetic3A_2475, %shift_left3A_2477 : vector<16xi32>
    %and3A_2479 = arith.constant 127 : i32
    %and3A_2480 = vector.broadcast %and3A_2479 : i32 to vector<16xi32>
    %and3A_2481 = arith.andi %get3A_2472, %and3A_2480 : vector<16xi32>
    %add3A_2482 = arith.addi %shift_left3A_2478, %and3A_2481 : vector<16xi32>
    %sub3A_2483 = arith.constant 99968 : i32
    %sub3A_2484 = vector.broadcast %sub3A_2483 : i32 to vector<16xi32>
    %sub3A_2485 = arith.subi %get3A_2472, %sub3A_2484 : vector<16xi32>
    %add3A_2486 = arith.constant 799744 : i32
    %add3A_2487 = vector.broadcast %add3A_2486 : i32 to vector<16xi32>
    %add3A_2488 = arith.addi %add3A_2487, %sub3A_2485 : vector<16xi32>
    %lt3A_2489 = arith.constant 99968 : i32
    %lt3A_2490 = vector.broadcast %lt3A_2489 : i32 to vector<16xi32>
    %lt3A_2491 = arith.cmpi slt, %get3A_2472, %lt3A_2490 : vector<16xi32>
    %select_n3A_2492 = arith.select %lt3A_2491, %add3A_2482, %add3A_2488 : vector<16xi1>, vector<16xi32>
    %add3A_2493 = vector.broadcast %add3A_2066 : i32 to vector<16xi32>
    %add3A_2494 = arith.addi %add3A_2493, %select_n3A_2492 : vector<16xi32>
    %swap3A_2495 = arith.constant 1 : i32
    %swap3A_2496 = arith.index_cast %swap3A_2495 : i32 to index
    %swap3A_2497 = arith.constant 208 : index
    %swap3A_2498 = tpu.vector_load %arg6[%swap3A_2496, %swap3A_2497] {strides = array<i32>} : memref<2x1024xi32, #tpu.memory_space<vmem>>, vector<1x16xi32>,
    %swap3A_2499 = vector.shape_cast %swap3A_2498 : vector<1x16xi32> to vector<16xi32>
    %swap3A_2500 = vector.shape_cast %add3A_2494 : vector<16xi32> to vector<1x16xi32>
    tpu.vector_store %arg6[%swap3A_2496, %swap3A_2497], %swap3A_2500 {strides = array<i32>} : memref<2x1024xi32, #tpu.memory_space<vmem>>, vector<1x16xi32>,
    %get3A_2501 = arith.constant 224 : index
    %get3A_2502 = tpu.vector_load %arg5[%get3A_2501] {strides = array<i32>} : memref<1024xi32, #tpu.memory_space<vmem>>, vector<16xi32>,
    %get3A_2503 = vector.shape_cast %get3A_2502 : vector<16xi32> to vector<16xi32>
    %shift_right_arithmetic3A_2504 = arith.constant 7 : i32
    %shift_right_arithmetic3A_2505 = vector.broadcast %shift_right_arithmetic3A_2504 : i32 to vector<16xi32>
    %shift_right_arithmetic3A_2506 = arith.shrsi %get3A_2503, %shift_right_arithmetic3A_2505 : vector<16xi32>
    %shift_left3A_2507 = arith.constant 10 : i32
    %shift_left3A_2508 = vector.broadcast %shift_left3A_2507 : i32 to vector<16xi32>
    %shift_left3A_2509 = arith.shli %shift_right_arithmetic3A_2506, %shift_left3A_2508 : vector<16xi32>
    %and3A_2510 = arith.constant 127 : i32
    %and3A_2511 = vector.broadcast %and3A_2510 : i32 to vector<16xi32>
    %and3A_2512 = arith.andi %get3A_2503, %and3A_2511 : vector<16xi32>
    %add3A_2513 = arith.addi %shift_left3A_2509, %and3A_2512 : vector<16xi32>
    %sub3A_2514 = arith.constant 99968 : i32
    %sub3A_2515 = vector.broadcast %sub3A_2514 : i32 to vector<16xi32>
    %sub3A_2516 = arith.subi %get3A_2503, %sub3A_2515 : vector<16xi32>
    %add3A_2517 = arith.constant 799744 : i32
    %add3A_2518 = vector.broadcast %add3A_2517 : i32 to vector<16xi32>
    %add3A_2519 = arith.addi %add3A_2518, %sub3A_2516 : vector<16xi32>
    %lt3A_2520 = arith.constant 99968 : i32
    %lt3A_2521 = vector.broadcast %lt3A_2520 : i32 to vector<16xi32>
    %lt3A_2522 = arith.cmpi slt, %get3A_2503, %lt3A_2521 : vector<16xi32>
    %select_n3A_2523 = arith.select %lt3A_2522, %add3A_2513, %add3A_2519 : vector<16xi1>, vector<16xi32>
    %add3A_2524 = vector.broadcast %add3A_2066 : i32 to vector<16xi32>
    %add3A_2525 = arith.addi %add3A_2524, %select_n3A_2523 : vector<16xi32>
    %swap3A_2526 = arith.constant 1 : i32
    %swap3A_2527 = arith.index_cast %swap3A_2526 : i32 to index
    %swap3A_2528 = arith.constant 224 : index
    %swap3A_2529 = tpu.vector_load %arg6[%swap3A_2527, %swap3A_2528] {strides = array<i32>} : memref<2x1024xi32, #tpu.memory_space<vmem>>, vector<1x16xi32>,
    %swap3A_2530 = vector.shape_cast %swap3A_2529 : vector<1x16xi32> to vector<16xi32>
    %swap3A_2531 = vector.shape_cast %add3A_2525 : vector<16xi32> to vector<1x16xi32>
    tpu.vector_store %arg6[%swap3A_2527, %swap3A_2528], %swap3A_2531 {strides = array<i32>} : memref<2x1024xi32, #tpu.memory_space<vmem>>, vector<1x16xi32>,
    %get3A_2532 = arith.constant 240 : index
    %get3A_2533 = tpu.vector_load %arg5[%get3A_2532] {strides = array<i32>} : memref<1024xi32, #tpu.memory_space<vmem>>, vector<16xi32>,
    %get3A_2534 = vector.shape_cast %get3A_2533 : vector<16xi32> to vector<16xi32>
    %shift_right_arithmetic3A_2535 = arith.constant 7 : i32
    %shift_right_arithmetic3A_2536 = vector.broadcast %shift_right_arithmetic3A_2535 : i32 to vector<16xi32>
    %shift_right_arithmetic3A_2537 = arith.shrsi %get3A_2534, %shift_right_arithmetic3A_2536 : vector<16xi32>
    %shift_left3A_2538 = arith.constant 10 : i32
    %shift_left3A_2539 = vector.broadcast %shift_left3A_2538 : i32 to vector<16xi32>
    %shift_left3A_2540 = arith.shli %shift_right_arithmetic3A_2537, %shift_left3A_2539 : vector<16xi32>
    %and3A_2541 = arith.constant 127 : i32
    %and3A_2542 = vector.broadcast %and3A_2541 : i32 to vector<16xi32>
    %and3A_2543 = arith.andi %get3A_2534, %and3A_2542 : vector<16xi32>
    %add3A_2544 = arith.addi %shift_left3A_2540, %and3A_2543 : vector<16xi32>
    %sub3A_2545 = arith.constant 99968 : i32
    %sub3A_2546 = vector.broadcast %sub3A_2545 : i32 to vector<16xi32>
    %sub3A_2547 = arith.subi %get3A_2534, %sub3A_2546 : vector<16xi32>
    %add3A_2548 = arith.constant 799744 : i32
    %add3A_2549 = vector.broadcast %add3A_2548 : i32 to vector<16xi32>
    %add3A_2550 = arith.addi %add3A_2549, %sub3A_2547 : vector<16xi32>
    %lt3A_2551 = arith.constant 99968 : i32
    %lt3A_2552 = vector.broadcast %lt3A_2551 : i32 to vector<16xi32>
    %lt3A_2553 = arith.cmpi slt, %get3A_2534, %lt3A_2552 : vector<16xi32>
    %select_n3A_2554 = arith.select %lt3A_2553, %add3A_2544, %add3A_2550 : vector<16xi1>, vector<16xi32>
    %add3A_2555 = vector.broadcast %add3A_2066 : i32 to vector<16xi32>
    %add3A_2556 = arith.addi %add3A_2555, %select_n3A_2554 : vector<16xi32>
    %swap3A_2557 = arith.constant 1 : i32
    %swap3A_2558 = arith.index_cast %swap3A_2557 : i32 to index
    %swap3A_2559 = arith.constant 240 : index
    %swap3A_2560 = tpu.vector_load %arg6[%swap3A_2558, %swap3A_2559] {strides = array<i32>} : memref<2x1024xi32, #tpu.memory_space<vmem>>, vector<1x16xi32>,
    %swap3A_2561 = vector.shape_cast %swap3A_2560 : vector<1x16xi32> to vector<16xi32>
    %swap3A_2562 = vector.shape_cast %add3A_2556 : vector<16xi32> to vector<1x16xi32>
    tpu.vector_store %arg6[%swap3A_2558, %swap3A_2559], %swap3A_2562 {strides = array<i32>} : memref<2x1024xi32, #tpu.memory_space<vmem>>, vector<1x16xi32>,
    %get3A_2563 = arith.constant 256 : index
    %get3A_2564 = tpu.vector_load %arg5[%get3A_2563] {strides = array<i32>} : memref<1024xi32, #tpu.memory_space<vmem>>, vector<16xi32>,
    %get3A_2565 = vector.shape_cast %get3A_2564 : vector<16xi32> to vector<16xi32>
    %shift_right_arithmetic3A_2566 = arith.constant 7 : i32
    %shift_right_arithmetic3A_2567 = vector.broadcast %shift_right_arithmetic3A_2566 : i32 to vector<16xi32>
    %shift_right_arithmetic3A_2568 = arith.shrsi %get3A_2565, %shift_right_arithmetic3A_2567 : vector<16xi32>
    %shift_left3A_2569 = arith.constant 10 : i32
    %shift_left3A_2570 = vector.broadcast %shift_left3A_2569 : i32 to vector<16xi32>
    %shift_left3A_2571 = arith.shli %shift_right_arithmetic3A_2568, %shift_left3A_2570 : vector<16xi32>
    %and3A_2572 = arith.constant 127 : i32
    %and3A_2573 = vector.broadcast %and3A_2572 : i32 to vector<16xi32>
    %and3A_2574 = arith.andi %get3A_2565, %and3A_2573 : vector<16xi32>
    %add3A_2575 = arith.addi %shift_left3A_2571, %and3A_2574 : vector<16xi32>
    %sub3A_2576 = arith.constant 99968 : i32
    %sub3A_2577 = vector.broadcast %sub3A_2576 : i32 to vector<16xi32>
    %sub3A_2578 = arith.subi %get3A_2565, %sub3A_2577 : vector<16xi32>
    %add3A_2579 = arith.constant 799744 : i32
    %add3A_2580 = vector.broadcast %add3A_2579 : i32 to vector<16xi32>
    %add3A_2581 = arith.addi %add3A_2580, %sub3A_2578 : vector<16xi32>
    %lt3A_2582 = arith.constant 99968 : i32
    %lt3A_2583 = vector.broadcast %lt3A_2582 : i32 to vector<16xi32>
    %lt3A_2584 = arith.cmpi slt, %get3A_2565, %lt3A_2583 : vector<16xi32>
    %select_n3A_2585 = arith.select %lt3A_2584, %add3A_2575, %add3A_2581 : vector<16xi1>, vector<16xi32>
    %add3A_2586 = vector.broadcast %add3A_2066 : i32 to vector<16xi32>
    %add3A_2587 = arith.addi %add3A_2586, %select_n3A_2585 : vector<16xi32>
    %swap3A_2588 = arith.constant 1 : i32
    %swap3A_2589 = arith.index_cast %swap3A_2588 : i32 to index
    %swap3A_2590 = arith.constant 256 : index
    %swap3A_2591 = tpu.vector_load %arg6[%swap3A_2589, %swap3A_2590] {strides = array<i32>} : memref<2x1024xi32, #tpu.memory_space<vmem>>, vector<1x16xi32>,
    %swap3A_2592 = vector.shape_cast %swap3A_2591 : vector<1x16xi32> to vector<16xi32>
    %swap3A_2593 = vector.shape_cast %add3A_2587 : vector<16xi32> to vector<1x16xi32>
    tpu.vector_store %arg6[%swap3A_2589, %swap3A_2590], %swap3A_2593 {strides = array<i32>} : memref<2x1024xi32, #tpu.memory_space<vmem>>, vector<1x16xi32>,
    %get3A_2594 = arith.constant 272 : index
    %get3A_2595 = tpu.vector_load %arg5[%get3A_2594] {strides = array<i32>} : memref<1024xi32, #tpu.memory_space<vmem>>, vector<16xi32>,
    %get3A_2596 = vector.shape_cast %get3A_2595 : vector<16xi32> to vector<16xi32>
    %shift_right_arithmetic3A_2597 = arith.constant 7 : i32
    %shift_right_arithmetic3A_2598 = vector.broadcast %shift_right_arithmetic3A_2597 : i32 to vector<16xi32>
    %shift_right_arithmetic3A_2599 = arith.shrsi %get3A_2596, %shift_right_arithmetic3A_2598 : vector<16xi32>
    %shift_left3A_2600 = arith.constant 10 : i32
    %shift_left3A_2601 = vector.broadcast %shift_left3A_2600 : i32 to vector<16xi32>
    %shift_left3A_2602 = arith.shli %shift_right_arithmetic3A_2599, %shift_left3A_2601 : vector<16xi32>
    %and3A_2603 = arith.constant 127 : i32
    %and3A_2604 = vector.broadcast %and3A_2603 : i32 to vector<16xi32>
    %and3A_2605 = arith.andi %get3A_2596, %and3A_2604 : vector<16xi32>
    %add3A_2606 = arith.addi %shift_left3A_2602, %and3A_2605 : vector<16xi32>
    %sub3A_2607 = arith.constant 99968 : i32
    %sub3A_2608 = vector.broadcast %sub3A_2607 : i32 to vector<16xi32>
    %sub3A_2609 = arith.subi %get3A_2596, %sub3A_2608 : vector<16xi32>
    %add3A_2610 = arith.constant 799744 : i32
    %add3A_2611 = vector.broadcast %add3A_2610 : i32 to vector<16xi32>
    %add3A_2612 = arith.addi %add3A_2611, %sub3A_2609 : vector<16xi32>
    %lt3A_2613 = arith.constant 99968 : i32
    %lt3A_2614 = vector.broadcast %lt3A_2613 : i32 to vector<16xi32>
    %lt3A_2615 = arith.cmpi slt, %get3A_2596, %lt3A_2614 : vector<16xi32>
    %select_n3A_2616 = arith.select %lt3A_2615, %add3A_2606, %add3A_2612 : vector<16xi1>, vector<16xi32>
    %add3A_2617 = vector.broadcast %add3A_2066 : i32 to vector<16xi32>
    %add3A_2618 = arith.addi %add3A_2617, %select_n3A_2616 : vector<16xi32>
    %swap3A_2619 = arith.constant 1 : i32
    %swap3A_2620 = arith.index_cast %swap3A_2619 : i32 to index
    %swap3A_2621 = arith.constant 272 : index
    %swap3A_2622 = tpu.vector_load %arg6[%swap3A_2620, %swap3A_2621] {strides = array<i32>} : memref<2x1024xi32, #tpu.memory_space<vmem>>, vector<1x16xi32>,
    %swap3A_2623 = vector.shape_cast %swap3A_2622 : vector<1x16xi32> to vector<16xi32>
    %swap3A_2624 = vector.shape_cast %add3A_2618 : vector<16xi32> to vector<1x16xi32>
    tpu.vector_store %arg6[%swap3A_2620, %swap3A_2621], %swap3A_2624 {strides = array<i32>} : memref<2x1024xi32, #tpu.memory_space<vmem>>, vector<1x16xi32>,
    %get3A_2625 = arith.constant 288 : index
    %get3A_2626 = tpu.vector_load %arg5[%get3A_2625] {strides = array<i32>} : memref<1024xi32, #tpu.memory_space<vmem>>, vector<16xi32>,
    %get3A_2627 = vector.shape_cast %get3A_2626 : vector<16xi32> to vector<16xi32>
    %shift_right_arithmetic3A_2628 = arith.constant 7 : i32
    %shift_right_arithmetic3A_2629 = vector.broadcast %shift_right_arithmetic3A_2628 : i32 to vector<16xi32>
    %shift_right_arithmetic3A_2630 = arith.shrsi %get3A_2627, %shift_right_arithmetic3A_2629 : vector<16xi32>
    %shift_left3A_2631 = arith.constant 10 : i32
    %shift_left3A_2632 = vector.broadcast %shift_left3A_2631 : i32 to vector<16xi32>
    %shift_left3A_2633 = arith.shli %shift_right_arithmetic3A_2630, %shift_left3A_2632 : vector<16xi32>
    %and3A_2634 = arith.constant 127 : i32
    %and3A_2635 = vector.broadcast %and3A_2634 : i32 to vector<16xi32>
    %and3A_2636 = arith.andi %get3A_2627, %and3A_2635 : vector<16xi32>
    %add3A_2637 = arith.addi %shift_left3A_2633, %and3A_2636 : vector<16xi32>
    %sub3A_2638 = arith.constant 99968 : i32
    %sub3A_2639 = vector.broadcast %sub3A_2638 : i32 to vector<16xi32>
    %sub3A_2640 = arith.subi %get3A_2627, %sub3A_2639 : vector<16xi32>
    %add3A_2641 = arith.constant 799744 : i32
    %add3A_2642 = vector.broadcast %add3A_2641 : i32 to vector<16xi32>
    %add3A_2643 = arith.addi %add3A_2642, %sub3A_2640 : vector<16xi32>
    %lt3A_2644 = arith.constant 99968 : i32
    %lt3A_2645 = vector.broadcast %lt3A_2644 : i32 to vector<16xi32>
    %lt3A_2646 = arith.cmpi slt, %get3A_2627, %lt3A_2645 : vector<16xi32>
    %select_n3A_2647 = arith.select %lt3A_2646, %add3A_2637, %add3A_2643 : vector<16xi1>, vector<16xi32>
    %add3A_2648 = vector.broadcast %add3A_2066 : i32 to vector<16xi32>
    %add3A_2649 = arith.addi %add3A_2648, %select_n3A_2647 : vector<16xi32>
    %swap3A_2650 = arith.constant 1 : i32
    %swap3A_2651 = arith.index_cast %swap3A_2650 : i32 to index
    %swap3A_2652 = arith.constant 288 : index
    %swap3A_2653 = tpu.vector_load %arg6[%swap3A_2651, %swap3A_2652] {strides = array<i32>} : memref<2x1024xi32, #tpu.memory_space<vmem>>, vector<1x16xi32>,
    %swap3A_2654 = vector.shape_cast %swap3A_2653 : vector<1x16xi32> to vector<16xi32>
    %swap3A_2655 = vector.shape_cast %add3A_2649 : vector<16xi32> to vector<1x16xi32>
    tpu.vector_store %arg6[%swap3A_2651, %swap3A_2652], %swap3A_2655 {strides = array<i32>} : memref<2x1024xi32, #tpu.memory_space<vmem>>, vector<1x16xi32>,
    %get3A_2656 = arith.constant 304 : index
    %get3A_2657 = tpu.vector_load %arg5[%get3A_2656] {strides = array<i32>} : memref<1024xi32, #tpu.memory_space<vmem>>, vector<16xi32>,
    %get3A_2658 = vector.shape_cast %get3A_2657 : vector<16xi32> to vector<16xi32>
    %shift_right_arithmetic3A_2659 = arith.constant 7 : i32
    %shift_right_arithmetic3A_2660 = vector.broadcast %shift_right_arithmetic3A_2659 : i32 to vector<16xi32>
    %shift_right_arithmetic3A_2661 = arith.shrsi %get3A_2658, %shift_right_arithmetic3A_2660 : vector<16xi32>
    %shift_left3A_2662 = arith.constant 10 : i32
    %shift_left3A_2663 = vector.broadcast %shift_left3A_2662 : i32 to vector<16xi32>
    %shift_left3A_2664 = arith.shli %shift_right_arithmetic3A_2661, %shift_left3A_2663 : vector<16xi32>
    %and3A_2665 = arith.constant 127 : i32
    %and3A_2666 = vector.broadcast %and3A_2665 : i32 to vector<16xi32>
    %and3A_2667 = arith.andi %get3A_2658, %and3A_2666 : vector<16xi32>
    %add3A_2668 = arith.addi %shift_left3A_2664, %and3A_2667 : vector<16xi32>
    %sub3A_2669 = arith.constant 99968 : i32
    %sub3A_2670 = vector.broadcast %sub3A_2669 : i32 to vector<16xi32>
    %sub3A_2671 = arith.subi %get3A_2658, %sub3A_2670 : vector<16xi32>
    %add3A_2672 = arith.constant 799744 : i32
    %add3A_2673 = vector.broadcast %add3A_2672 : i32 to vector<16xi32>
    %add3A_2674 = arith.addi %add3A_2673, %sub3A_2671 : vector<16xi32>
    %lt3A_2675 = arith.constant 99968 : i32
    %lt3A_2676 = vector.broadcast %lt3A_2675 : i32 to vector<16xi32>
    %lt3A_2677 = arith.cmpi slt, %get3A_2658, %lt3A_2676 : vector<16xi32>
    %select_n3A_2678 = arith.select %lt3A_2677, %add3A_2668, %add3A_2674 : vector<16xi1>, vector<16xi32>
    %add3A_2679 = vector.broadcast %add3A_2066 : i32 to vector<16xi32>
    %add3A_2680 = arith.addi %add3A_2679, %select_n3A_2678 : vector<16xi32>
    %swap3A_2681 = arith.constant 1 : i32
    %swap3A_2682 = arith.index_cast %swap3A_2681 : i32 to index
    %swap3A_2683 = arith.constant 304 : index
    %swap3A_2684 = tpu.vector_load %arg6[%swap3A_2682, %swap3A_2683] {strides = array<i32>} : memref<2x1024xi32, #tpu.memory_space<vmem>>, vector<1x16xi32>,
    %swap3A_2685 = vector.shape_cast %swap3A_2684 : vector<1x16xi32> to vector<16xi32>
    %swap3A_2686 = vector.shape_cast %add3A_2680 : vector<16xi32> to vector<1x16xi32>
    tpu.vector_store %arg6[%swap3A_2682, %swap3A_2683], %swap3A_2686 {strides = array<i32>} : memref<2x1024xi32, #tpu.memory_space<vmem>>, vector<1x16xi32>,
    %get3A_2687 = arith.constant 320 : index
    %get3A_2688 = tpu.vector_load %arg5[%get3A_2687] {strides = array<i32>} : memref<1024xi32, #tpu.memory_space<vmem>>, vector<16xi32>,
    %get3A_2689 = vector.shape_cast %get3A_2688 : vector<16xi32> to vector<16xi32>
    %shift_right_arithmetic3A_2690 = arith.constant 7 : i32
    %shift_right_arithmetic3A_2691 = vector.broadcast %shift_right_arithmetic3A_2690 : i32 to vector<16xi32>
    %shift_right_arithmetic3A_2692 = arith.shrsi %get3A_2689, %shift_right_arithmetic3A_2691 : vector<16xi32>
    %shift_left3A_2693 = arith.constant 10 : i32
    %shift_left3A_2694 = vector.broadcast %shift_left3A_2693 : i32 to vector<16xi32>
    %shift_left3A_2695 = arith.shli %shift_right_arithmetic3A_2692, %shift_left3A_2694 : vector<16xi32>
    %and3A_2696 = arith.constant 127 : i32
    %and3A_2697 = vector.broadcast %and3A_2696 : i32 to vector<16xi32>
    %and3A_2698 = arith.andi %get3A_2689, %and3A_2697 : vector<16xi32>
    %add3A_2699 = arith.addi %shift_left3A_2695, %and3A_2698 : vector<16xi32>
    %sub3A_2700 = arith.constant 99968 : i32
    %sub3A_2701 = vector.broadcast %sub3A_2700 : i32 to vector<16xi32>
    %sub3A_2702 = arith.subi %get3A_2689, %sub3A_2701 : vector<16xi32>
    %add3A_2703 = arith.constant 799744 : i32
    %add3A_2704 = vector.broadcast %add3A_2703 : i32 to vector<16xi32>
    %add3A_2705 = arith.addi %add3A_2704, %sub3A_2702 : vector<16xi32>
    %lt3A_2706 = arith.constant 99968 : i32
    %lt3A_2707 = vector.broadcast %lt3A_2706 : i32 to vector<16xi32>
    %lt3A_2708 = arith.cmpi slt, %get3A_2689, %lt3A_2707 : vector<16xi32>
    %select_n3A_2709 = arith.select %lt3A_2708, %add3A_2699, %add3A_2705 : vector<16xi1>, vector<16xi32>
    %add3A_2710 = vector.broadcast %add3A_2066 : i32 to vector<16xi32>
    %add3A_2711 = arith.addi %add3A_2710, %select_n3A_2709 : vector<16xi32>
    %swap3A_2712 = arith.constant 1 : i32
    %swap3A_2713 = arith.index_cast %swap3A_2712 : i32 to index
    %swap3A_2714 = arith.constant 320 : index
    %swap3A_2715 = tpu.vector_load %arg6[%swap3A_2713, %swap3A_2714] {strides = array<i32>} : memref<2x1024xi32, #tpu.memory_space<vmem>>, vector<1x16xi32>,
    %swap3A_2716 = vector.shape_cast %swap3A_2715 : vector<1x16xi32> to vector<16xi32>
    %swap3A_2717 = vector.shape_cast %add3A_2711 : vector<16xi32> to vector<1x16xi32>
    tpu.vector_store %arg6[%swap3A_2713, %swap3A_2714], %swap3A_2717 {strides = array<i32>} : memref<2x1024xi32, #tpu.memory_space<vmem>>, vector<1x16xi32>,
    %get3A_2718 = arith.constant 336 : index
    %get3A_2719 = tpu.vector_load %arg5[%get3A_2718] {strides = array<i32>} : memref<1024xi32, #tpu.memory_space<vmem>>, vector<16xi32>,
    %get3A_2720 = vector.shape_cast %get3A_2719 : vector<16xi32> to vector<16xi32>
    %shift_right_arithmetic3A_2721 = arith.constant 7 : i32
    %shift_right_arithmetic3A_2722 = vector.broadcast %shift_right_arithmetic3A_2721 : i32 to vector<16xi32>
    %shift_right_arithmetic3A_2723 = arith.shrsi %get3A_2720, %shift_right_arithmetic3A_2722 : vector<16xi32>
    %shift_left3A_2724 = arith.constant 10 : i32
    %shift_left3A_2725 = vector.broadcast %shift_left3A_2724 : i32 to vector<16xi32>
    %shift_left3A_2726 = arith.shli %shift_right_arithmetic3A_2723, %shift_left3A_2725 : vector<16xi32>
    %and3A_2727 = arith.constant 127 : i32
    %and3A_2728 = vector.broadcast %and3A_2727 : i32 to vector<16xi32>
    %and3A_2729 = arith.andi %get3A_2720, %and3A_2728 : vector<16xi32>
    %add3A_2730 = arith.addi %shift_left3A_2726, %and3A_2729 : vector<16xi32>
    %sub3A_2731 = arith.constant 99968 : i32
    %sub3A_2732 = vector.broadcast %sub3A_2731 : i32 to vector<16xi32>
    %sub3A_2733 = arith.subi %get3A_2720, %sub3A_2732 : vector<16xi32>
    %add3A_2734 = arith.constant 799744 : i32
    %add3A_2735 = vector.broadcast %add3A_2734 : i32 to vector<16xi32>
    %add3A_2736 = arith.addi %add3A_2735, %sub3A_2733 : vector<16xi32>
    %lt3A_2737 = arith.constant 99968 : i32
    %lt3A_2738 = vector.broadcast %lt3A_2737 : i32 to vector<16xi32>
    %lt3A_2739 = arith.cmpi slt, %get3A_2720, %lt3A_2738 : vector<16xi32>
    %select_n3A_2740 = arith.select %lt3A_2739, %add3A_2730, %add3A_2736 : vector<16xi1>, vector<16xi32>
    %add3A_2741 = vector.broadcast %add3A_2066 : i32 to vector<16xi32>
    %add3A_2742 = arith.addi %add3A_2741, %select_n3A_2740 : vector<16xi32>
    %swap3A_2743 = arith.constant 1 : i32
    %swap3A_2744 = arith.index_cast %swap3A_2743 : i32 to index
    %swap3A_2745 = arith.constant 336 : index
    %swap3A_2746 = tpu.vector_load %arg6[%swap3A_2744, %swap3A_2745] {strides = array<i32>} : memref<2x1024xi32, #tpu.memory_space<vmem>>, vector<1x16xi32>,
    %swap3A_2747 = vector.shape_cast %swap3A_2746 : vector<1x16xi32> to vector<16xi32>
    %swap3A_2748 = vector.shape_cast %add3A_2742 : vector<16xi32> to vector<1x16xi32>
    tpu.vector_store %arg6[%swap3A_2744, %swap3A_2745], %swap3A_2748 {strides = array<i32>} : memref<2x1024xi32, #tpu.memory_space<vmem>>, vector<1x16xi32>,
    %get3A_2749 = arith.constant 352 : index
    %get3A_2750 = tpu.vector_load %arg5[%get3A_2749] {strides = array<i32>} : memref<1024xi32, #tpu.memory_space<vmem>>, vector<16xi32>,
    %get3A_2751 = vector.shape_cast %get3A_2750 : vector<16xi32> to vector<16xi32>
    %shift_right_arithmetic3A_2752 = arith.constant 7 : i32
    %shift_right_arithmetic3A_2753 = vector.broadcast %shift_right_arithmetic3A_2752 : i32 to vector<16xi32>
    %shift_right_arithmetic3A_2754 = arith.shrsi %get3A_2751, %shift_right_arithmetic3A_2753 : vector<16xi32>
    %shift_left3A_2755 = arith.constant 10 : i32
    %shift_left3A_2756 = vector.broadcast %shift_left3A_2755 : i32 to vector<16xi32>
    %shift_left3A_2757 = arith.shli %shift_right_arithmetic3A_2754, %shift_left3A_2756 : vector<16xi32>
    %and3A_2758 = arith.constant 127 : i32
    %and3A_2759 = vector.broadcast %and3A_2758 : i32 to vector<16xi32>
    %and3A_2760 = arith.andi %get3A_2751, %and3A_2759 : vector<16xi32>
    %add3A_2761 = arith.addi %shift_left3A_2757, %and3A_2760 : vector<16xi32>
    %sub3A_2762 = arith.constant 99968 : i32
    %sub3A_2763 = vector.broadcast %sub3A_2762 : i32 to vector<16xi32>
    %sub3A_2764 = arith.subi %get3A_2751, %sub3A_2763 : vector<16xi32>
    %add3A_2765 = arith.constant 799744 : i32
    %add3A_2766 = vector.broadcast %add3A_2765 : i32 to vector<16xi32>
    %add3A_2767 = arith.addi %add3A_2766, %sub3A_2764 : vector<16xi32>
    %lt3A_2768 = arith.constant 99968 : i32
    %lt3A_2769 = vector.broadcast %lt3A_2768 : i32 to vector<16xi32>
    %lt3A_2770 = arith.cmpi slt, %get3A_2751, %lt3A_2769 : vector<16xi32>
    %select_n3A_2771 = arith.select %lt3A_2770, %add3A_2761, %add3A_2767 : vector<16xi1>, vector<16xi32>
    %add3A_2772 = vector.broadcast %add3A_2066 : i32 to vector<16xi32>
    %add3A_2773 = arith.addi %add3A_2772, %select_n3A_2771 : vector<16xi32>
    %swap3A_2774 = arith.constant 1 : i32
    %swap3A_2775 = arith.index_cast %swap3A_2774 : i32 to index
    %swap3A_2776 = arith.constant 352 : index
    %swap3A_2777 = tpu.vector_load %arg6[%swap3A_2775, %swap3A_2776] {strides = array<i32>} : memref<2x1024xi32, #tpu.memory_space<vmem>>, vector<1x16xi32>,
    %swap3A_2778 = vector.shape_cast %swap3A_2777 : vector<1x16xi32> to vector<16xi32>
    %swap3A_2779 = vector.shape_cast %add3A_2773 : vector<16xi32> to vector<1x16xi32>
    tpu.vector_store %arg6[%swap3A_2775, %swap3A_2776], %swap3A_2779 {strides = array<i32>} : memref<2x1024xi32, #tpu.memory_space<vmem>>, vector<1x16xi32>,
    %get3A_2780 = arith.constant 368 : index
    %get3A_2781 = tpu.vector_load %arg5[%get3A_2780] {strides = array<i32>} : memref<1024xi32, #tpu.memory_space<vmem>>, vector<16xi32>,
    %get3A_2782 = vector.shape_cast %get3A_2781 : vector<16xi32> to vector<16xi32>
    %shift_right_arithmetic3A_2783 = arith.constant 7 : i32
    %shift_right_arithmetic3A_2784 = vector.broadcast %shift_right_arithmetic3A_2783 : i32 to vector<16xi32>
    %shift_right_arithmetic3A_2785 = arith.shrsi %get3A_2782, %shift_right_arithmetic3A_2784 : vector<16xi32>
    %shift_left3A_2786 = arith.constant 10 : i32
    %shift_left3A_2787 = vector.broadcast %shift_left3A_2786 : i32 to vector<16xi32>
    %shift_left3A_2788 = arith.shli %shift_right_arithmetic3A_2785, %shift_left3A_2787 : vector<16xi32>
    %and3A_2789 = arith.constant 127 : i32
    %and3A_2790 = vector.broadcast %and3A_2789 : i32 to vector<16xi32>
    %and3A_2791 = arith.andi %get3A_2782, %and3A_2790 : vector<16xi32>
    %add3A_2792 = arith.addi %shift_left3A_2788, %and3A_2791 : vector<16xi32>
    %sub3A_2793 = arith.constant 99968 : i32
    %sub3A_2794 = vector.broadcast %sub3A_2793 : i32 to vector<16xi32>
    %sub3A_2795 = arith.subi %get3A_2782, %sub3A_2794 : vector<16xi32>
    %add3A_2796 = arith.constant 799744 : i32
    %add3A_2797 = vector.broadcast %add3A_2796 : i32 to vector<16xi32>
    %add3A_2798 = arith.addi %add3A_2797, %sub3A_2795 : vector<16xi32>
    %lt3A_2799 = arith.constant 99968 : i32
    %lt3A_2800 = vector.broadcast %lt3A_2799 : i32 to vector<16xi32>
    %lt3A_2801 = arith.cmpi slt, %get3A_2782, %lt3A_2800 : vector<16xi32>
    %select_n3A_2802 = arith.select %lt3A_2801, %add3A_2792, %add3A_2798 : vector<16xi1>, vector<16xi32>
    %add3A_2803 = vector.broadcast %add3A_2066 : i32 to vector<16xi32>
    %add3A_2804 = arith.addi %add3A_2803, %select_n3A_2802 : vector<16xi32>
    %swap3A_2805 = arith.constant 1 : i32
    %swap3A_2806 = arith.index_cast %swap3A_2805 : i32 to index
    %swap3A_2807 = arith.constant 368 : index
    %swap3A_2808 = tpu.vector_load %arg6[%swap3A_2806, %swap3A_2807] {strides = array<i32>} : memref<2x1024xi32, #tpu.memory_space<vmem>>, vector<1x16xi32>,
    %swap3A_2809 = vector.shape_cast %swap3A_2808 : vector<1x16xi32> to vector<16xi32>
    %swap3A_2810 = vector.shape_cast %add3A_2804 : vector<16xi32> to vector<1x16xi32>
    tpu.vector_store %arg6[%swap3A_2806, %swap3A_2807], %swap3A_2810 {strides = array<i32>} : memref<2x1024xi32, #tpu.memory_space<vmem>>, vector<1x16xi32>,
    %get3A_2811 = arith.constant 384 : index
    %get3A_2812 = tpu.vector_load %arg5[%get3A_2811] {strides = array<i32>} : memref<1024xi32, #tpu.memory_space<vmem>>, vector<16xi32>,
    %get3A_2813 = vector.shape_cast %get3A_2812 : vector<16xi32> to vector<16xi32>
    %shift_right_arithmetic3A_2814 = arith.constant 7 : i32
    %shift_right_arithmetic3A_2815 = vector.broadcast %shift_right_arithmetic3A_2814 : i32 to vector<16xi32>
    %shift_right_arithmetic3A_2816 = arith.shrsi %get3A_2813, %shift_right_arithmetic3A_2815 : vector<16xi32>
    %shift_left3A_2817 = arith.constant 10 : i32
    %shift_left3A_2818 = vector.broadcast %shift_left3A_2817 : i32 to vector<16xi32>
    %shift_left3A_2819 = arith.shli %shift_right_arithmetic3A_2816, %shift_left3A_2818 : vector<16xi32>
    %and3A_2820 = arith.constant 127 : i32
    %and3A_2821 = vector.broadcast %and3A_2820 : i32 to vector<16xi32>
    %and3A_2822 = arith.andi %get3A_2813, %and3A_2821 : vector<16xi32>
    %add3A_2823 = arith.addi %shift_left3A_2819, %and3A_2822 : vector<16xi32>
    %sub3A_2824 = arith.constant 99968 : i32
    %sub3A_2825 = vector.broadcast %sub3A_2824 : i32 to vector<16xi32>
    %sub3A_2826 = arith.subi %get3A_2813, %sub3A_2825 : vector<16xi32>
    %add3A_2827 = arith.constant 799744 : i32
    %add3A_2828 = vector.broadcast %add3A_2827 : i32 to vector<16xi32>
    %add3A_2829 = arith.addi %add3A_2828, %sub3A_2826 : vector<16xi32>
    %lt3A_2830 = arith.constant 99968 : i32
    %lt3A_2831 = vector.broadcast %lt3A_2830 : i32 to vector<16xi32>
    %lt3A_2832 = arith.cmpi slt, %get3A_2813, %lt3A_2831 : vector<16xi32>
    %select_n3A_2833 = arith.select %lt3A_2832, %add3A_2823, %add3A_2829 : vector<16xi1>, vector<16xi32>
    %add3A_2834 = vector.broadcast %add3A_2066 : i32 to vector<16xi32>
    %add3A_2835 = arith.addi %add3A_2834, %select_n3A_2833 : vector<16xi32>
    %swap3A_2836 = arith.constant 1 : i32
    %swap3A_2837 = arith.index_cast %swap3A_2836 : i32 to index
    %swap3A_2838 = arith.constant 384 : index
    %swap3A_2839 = tpu.vector_load %arg6[%swap3A_2837, %swap3A_2838] {strides = array<i32>} : memref<2x1024xi32, #tpu.memory_space<vmem>>, vector<1x16xi32>,
    %swap3A_2840 = vector.shape_cast %swap3A_2839 : vector<1x16xi32> to vector<16xi32>
    %swap3A_2841 = vector.shape_cast %add3A_2835 : vector<16xi32> to vector<1x16xi32>
    tpu.vector_store %arg6[%swap3A_2837, %swap3A_2838], %swap3A_2841 {strides = array<i32>} : memref<2x1024xi32, #tpu.memory_space<vmem>>, vector<1x16xi32>,
    %get3A_2842 = arith.constant 400 : index
    %get3A_2843 = tpu.vector_load %arg5[%get3A_2842] {strides = array<i32>} : memref<1024xi32, #tpu.memory_space<vmem>>, vector<16xi32>,
    %get3A_2844 = vector.shape_cast %get3A_2843 : vector<16xi32> to vector<16xi32>
    %shift_right_arithmetic3A_2845 = arith.constant 7 : i32
    %shift_right_arithmetic3A_2846 = vector.broadcast %shift_right_arithmetic3A_2845 : i32 to vector<16xi32>
    %shift_right_arithmetic3A_2847 = arith.shrsi %get3A_2844, %shift_right_arithmetic3A_2846 : vector<16xi32>
    %shift_left3A_2848 = arith.constant 10 : i32
    %shift_left3A_2849 = vector.broadcast %shift_left3A_2848 : i32 to vector<16xi32>
    %shift_left3A_2850 = arith.shli %shift_right_arithmetic3A_2847, %shift_left3A_2849 : vector<16xi32>
    %and3A_2851 = arith.constant 127 : i32
    %and3A_2852 = vector.broadcast %and3A_2851 : i32 to vector<16xi32>
    %and3A_2853 = arith.andi %get3A_2844, %and3A_2852 : vector<16xi32>
    %add3A_2854 = arith.addi %shift_left3A_2850, %and3A_2853 : vector<16xi32>
    %sub3A_2855 = arith.constant 99968 : i32
    %sub3A_2856 = vector.broadcast %sub3A_2855 : i32 to vector<16xi32>
    %sub3A_2857 = arith.subi %get3A_2844, %sub3A_2856 : vector<16xi32>
    %add3A_2858 = arith.constant 799744 : i32
    %add3A_2859 = vector.broadcast %add3A_2858 : i32 to vector<16xi32>
    %add3A_2860 = arith.addi %add3A_2859, %sub3A_2857 : vector<16xi32>
    %lt3A_2861 = arith.constant 99968 : i32
    %lt3A_2862 = vector.broadcast %lt3A_2861 : i32 to vector<16xi32>
    %lt3A_2863 = arith.cmpi slt, %get3A_2844, %lt3A_2862 : vector<16xi32>
    %select_n3A_2864 = arith.select %lt3A_2863, %add3A_2854, %add3A_2860 : vector<16xi1>, vector<16xi32>
    %add3A_2865 = vector.broadcast %add3A_2066 : i32 to vector<16xi32>
    %add3A_2866 = arith.addi %add3A_2865, %select_n3A_2864 : vector<16xi32>
    %swap3A_2867 = arith.constant 1 : i32
    %swap3A_2868 = arith.index_cast %swap3A_2867 : i32 to index
    %swap3A_2869 = arith.constant 400 : index
    %swap3A_2870 = tpu.vector_load %arg6[%swap3A_2868, %swap3A_2869] {strides = array<i32>} : memref<2x1024xi32, #tpu.memory_space<vmem>>, vector<1x16xi32>,
    %swap3A_2871 = vector.shape_cast %swap3A_2870 : vector<1x16xi32> to vector<16xi32>
    %swap3A_2872 = vector.shape_cast %add3A_2866 : vector<16xi32> to vector<1x16xi32>
    tpu.vector_store %arg6[%swap3A_2868, %swap3A_2869], %swap3A_2872 {strides = array<i32>} : memref<2x1024xi32, #tpu.memory_space<vmem>>, vector<1x16xi32>,
    %get3A_2873 = arith.constant 416 : index
    %get3A_2874 = tpu.vector_load %arg5[%get3A_2873] {strides = array<i32>} : memref<1024xi32, #tpu.memory_space<vmem>>, vector<16xi32>,
    %get3A_2875 = vector.shape_cast %get3A_2874 : vector<16xi32> to vector<16xi32>
    %shift_right_arithmetic3A_2876 = arith.constant 7 : i32
    %shift_right_arithmetic3A_2877 = vector.broadcast %shift_right_arithmetic3A_2876 : i32 to vector<16xi32>
    %shift_right_arithmetic3A_2878 = arith.shrsi %get3A_2875, %shift_right_arithmetic3A_2877 : vector<16xi32>
    %shift_left3A_2879 = arith.constant 10 : i32
    %shift_left3A_2880 = vector.broadcast %shift_left3A_2879 : i32 to vector<16xi32>
    %shift_left3A_2881 = arith.shli %shift_right_arithmetic3A_2878, %shift_left3A_2880 : vector<16xi32>
    %and3A_2882 = arith.constant 127 : i32
    %and3A_2883 = vector.broadcast %and3A_2882 : i32 to vector<16xi32>
    %and3A_2884 = arith.andi %get3A_2875, %and3A_2883 : vector<16xi32>
    %add3A_2885 = arith.addi %shift_left3A_2881, %and3A_2884 : vector<16xi32>
    %sub3A_2886 = arith.constant 99968 : i32
    %sub3A_2887 = vector.broadcast %sub3A_2886 : i32 to vector<16xi32>
    %sub3A_2888 = arith.subi %get3A_2875, %sub3A_2887 : vector<16xi32>
    %add3A_2889 = arith.constant 799744 : i32
    %add3A_2890 = vector.broadcast %add3A_2889 : i32 to vector<16xi32>
    %add3A_2891 = arith.addi %add3A_2890, %sub3A_2888 : vector<16xi32>
    %lt3A_2892 = arith.constant 99968 : i32
    %lt3A_2893 = vector.broadcast %lt3A_2892 : i32 to vector<16xi32>
    %lt3A_2894 = arith.cmpi slt, %get3A_2875, %lt3A_2893 : vector<16xi32>
    %select_n3A_2895 = arith.select %lt3A_2894, %add3A_2885, %add3A_2891 : vector<16xi1>, vector<16xi32>
    %add3A_2896 = vector.broadcast %add3A_2066 : i32 to vector<16xi32>
    %add3A_2897 = arith.addi %add3A_2896, %select_n3A_2895 : vector<16xi32>
    %swap3A_2898 = arith.constant 1 : i32
    %swap3A_2899 = arith.index_cast %swap3A_2898 : i32 to index
    %swap3A_2900 = arith.constant 416 : index
    %swap3A_2901 = tpu.vector_load %arg6[%swap3A_2899, %swap3A_2900] {strides = array<i32>} : memref<2x1024xi32, #tpu.memory_space<vmem>>, vector<1x16xi32>,
    %swap3A_2902 = vector.shape_cast %swap3A_2901 : vector<1x16xi32> to vector<16xi32>
    %swap3A_2903 = vector.shape_cast %add3A_2897 : vector<16xi32> to vector<1x16xi32>
    tpu.vector_store %arg6[%swap3A_2899, %swap3A_2900], %swap3A_2903 {strides = array<i32>} : memref<2x1024xi32, #tpu.memory_space<vmem>>, vector<1x16xi32>,
    %get3A_2904 = arith.constant 432 : index
    %get3A_2905 = tpu.vector_load %arg5[%get3A_2904] {strides = array<i32>} : memref<1024xi32, #tpu.memory_space<vmem>>, vector<16xi32>,
    %get3A_2906 = vector.shape_cast %get3A_2905 : vector<16xi32> to vector<16xi32>
    %shift_right_arithmetic3A_2907 = arith.constant 7 : i32
    %shift_right_arithmetic3A_2908 = vector.broadcast %shift_right_arithmetic3A_2907 : i32 to vector<16xi32>
    %shift_right_arithmetic3A_2909 = arith.shrsi %get3A_2906, %shift_right_arithmetic3A_2908 : vector<16xi32>
    %shift_left3A_2910 = arith.constant 10 : i32
    %shift_left3A_2911 = vector.broadcast %shift_left3A_2910 : i32 to vector<16xi32>
    %shift_left3A_2912 = arith.shli %shift_right_arithmetic3A_2909, %shift_left3A_2911 : vector<16xi32>
    %and3A_2913 = arith.constant 127 : i32
    %and3A_2914 = vector.broadcast %and3A_2913 : i32 to vector<16xi32>
    %and3A_2915 = arith.andi %get3A_2906, %and3A_2914 : vector<16xi32>
    %add3A_2916 = arith.addi %shift_left3A_2912, %and3A_2915 : vector<16xi32>
    %sub3A_2917 = arith.constant 99968 : i32
    %sub3A_2918 = vector.broadcast %sub3A_2917 : i32 to vector<16xi32>
    %sub3A_2919 = arith.subi %get3A_2906, %sub3A_2918 : vector<16xi32>
    %add3A_2920 = arith.constant 799744 : i32
    %add3A_2921 = vector.broadcast %add3A_2920 : i32 to vector<16xi32>
    %add3A_2922 = arith.addi %add3A_2921, %sub3A_2919 : vector<16xi32>
    %lt3A_2923 = arith.constant 99968 : i32
    %lt3A_2924 = vector.broadcast %lt3A_2923 : i32 to vector<16xi32>
    %lt3A_2925 = arith.cmpi slt, %get3A_2906, %lt3A_2924 : vector<16xi32>
    %select_n3A_2926 = arith.select %lt3A_2925, %add3A_2916, %add3A_2922 : vector<16xi1>, vector<16xi32>
    %add3A_2927 = vector.broadcast %add3A_2066 : i32 to vector<16xi32>
    %add3A_2928 = arith.addi %add3A_2927, %select_n3A_2926 : vector<16xi32>
    %swap3A_2929 = arith.constant 1 : i32
    %swap3A_2930 = arith.index_cast %swap3A_2929 : i32 to index
    %swap3A_2931 = arith.constant 432 : index
    %swap3A_2932 = tpu.vector_load %arg6[%swap3A_2930, %swap3A_2931] {strides = array<i32>} : memref<2x1024xi32, #tpu.memory_space<vmem>>, vector<1x16xi32>,
    %swap3A_2933 = vector.shape_cast %swap3A_2932 : vector<1x16xi32> to vector<16xi32>
    %swap3A_2934 = vector.shape_cast %add3A_2928 : vector<16xi32> to vector<1x16xi32>
    tpu.vector_store %arg6[%swap3A_2930, %swap3A_2931], %swap3A_2934 {strides = array<i32>} : memref<2x1024xi32, #tpu.memory_space<vmem>>, vector<1x16xi32>,
    %get3A_2935 = arith.constant 448 : index
    %get3A_2936 = tpu.vector_load %arg5[%get3A_2935] {strides = array<i32>} : memref<1024xi32, #tpu.memory_space<vmem>>, vector<16xi32>,
    %get3A_2937 = vector.shape_cast %get3A_2936 : vector<16xi32> to vector<16xi32>
    %shift_right_arithmetic3A_2938 = arith.constant 7 : i32
    %shift_right_arithmetic3A_2939 = vector.broadcast %shift_right_arithmetic3A_2938 : i32 to vector<16xi32>
    %shift_right_arithmetic3A_2940 = arith.shrsi %get3A_2937, %shift_right_arithmetic3A_2939 : vector<16xi32>
    %shift_left3A_2941 = arith.constant 10 : i32
    %shift_left3A_2942 = vector.broadcast %shift_left3A_2941 : i32 to vector<16xi32>
    %shift_left3A_2943 = arith.shli %shift_right_arithmetic3A_2940, %shift_left3A_2942 : vector<16xi32>
    %and3A_2944 = arith.constant 127 : i32
    %and3A_2945 = vector.broadcast %and3A_2944 : i32 to vector<16xi32>
    %and3A_2946 = arith.andi %get3A_2937, %and3A_2945 : vector<16xi32>
    %add3A_2947 = arith.addi %shift_left3A_2943, %and3A_2946 : vector<16xi32>
    %sub3A_2948 = arith.constant 99968 : i32
    %sub3A_2949 = vector.broadcast %sub3A_2948 : i32 to vector<16xi32>
    %sub3A_2950 = arith.subi %get3A_2937, %sub3A_2949 : vector<16xi32>
    %add3A_2951 = arith.constant 799744 : i32
    %add3A_2952 = vector.broadcast %add3A_2951 : i32 to vector<16xi32>
    %add3A_2953 = arith.addi %add3A_2952, %sub3A_2950 : vector<16xi32>
    %lt3A_2954 = arith.constant 99968 : i32
    %lt3A_2955 = vector.broadcast %lt3A_2954 : i32 to vector<16xi32>
    %lt3A_2956 = arith.cmpi slt, %get3A_2937, %lt3A_2955 : vector<16xi32>
    %select_n3A_2957 = arith.select %lt3A_2956, %add3A_2947, %add3A_2953 : vector<16xi1>, vector<16xi32>
    %add3A_2958 = vector.broadcast %add3A_2066 : i32 to vector<16xi32>
    %add3A_2959 = arith.addi %add3A_2958, %select_n3A_2957 : vector<16xi32>
    %swap3A_2960 = arith.constant 1 : i32
    %swap3A_2961 = arith.index_cast %swap3A_2960 : i32 to index
    %swap3A_2962 = arith.constant 448 : index
    %swap3A_2963 = tpu.vector_load %arg6[%swap3A_2961, %swap3A_2962] {strides = array<i32>} : memref<2x1024xi32, #tpu.memory_space<vmem>>, vector<1x16xi32>,
    %swap3A_2964 = vector.shape_cast %swap3A_2963 : vector<1x16xi32> to vector<16xi32>
    %swap3A_2965 = vector.shape_cast %add3A_2959 : vector<16xi32> to vector<1x16xi32>
    tpu.vector_store %arg6[%swap3A_2961, %swap3A_2962], %swap3A_2965 {strides = array<i32>} : memref<2x1024xi32, #tpu.memory_space<vmem>>, vector<1x16xi32>,
    %get3A_2966 = arith.constant 464 : index
    %get3A_2967 = tpu.vector_load %arg5[%get3A_2966] {strides = array<i32>} : memref<1024xi32, #tpu.memory_space<vmem>>, vector<16xi32>,
    %get3A_2968 = vector.shape_cast %get3A_2967 : vector<16xi32> to vector<16xi32>
    %shift_right_arithmetic3A_2969 = arith.constant 7 : i32
    %shift_right_arithmetic3A_2970 = vector.broadcast %shift_right_arithmetic3A_2969 : i32 to vector<16xi32>
    %shift_right_arithmetic3A_2971 = arith.shrsi %get3A_2968, %shift_right_arithmetic3A_2970 : vector<16xi32>
    %shift_left3A_2972 = arith.constant 10 : i32
    %shift_left3A_2973 = vector.broadcast %shift_left3A_2972 : i32 to vector<16xi32>
    %shift_left3A_2974 = arith.shli %shift_right_arithmetic3A_2971, %shift_left3A_2973 : vector<16xi32>
    %and3A_2975 = arith.constant 127 : i32
    %and3A_2976 = vector.broadcast %and3A_2975 : i32 to vector<16xi32>
    %and3A_2977 = arith.andi %get3A_2968, %and3A_2976 : vector<16xi32>
    %add3A_2978 = arith.addi %shift_left3A_2974, %and3A_2977 : vector<16xi32>
    %sub3A_2979 = arith.constant 99968 : i32
    %sub3A_2980 = vector.broadcast %sub3A_2979 : i32 to vector<16xi32>
    %sub3A_2981 = arith.subi %get3A_2968, %sub3A_2980 : vector<16xi32>
    %add3A_2982 = arith.constant 799744 : i32
    %add3A_2983 = vector.broadcast %add3A_2982 : i32 to vector<16xi32>
    %add3A_2984 = arith.addi %add3A_2983, %sub3A_2981 : vector<16xi32>
    %lt3A_2985 = arith.constant 99968 : i32
    %lt3A_2986 = vector.broadcast %lt3A_2985 : i32 to vector<16xi32>
    %lt3A_2987 = arith.cmpi slt, %get3A_2968, %lt3A_2986 : vector<16xi32>
    %select_n3A_2988 = arith.select %lt3A_2987, %add3A_2978, %add3A_2984 : vector<16xi1>, vector<16xi32>
    %add3A_2989 = vector.broadcast %add3A_2066 : i32 to vector<16xi32>
    %add3A_2990 = arith.addi %add3A_2989, %select_n3A_2988 : vector<16xi32>
    %swap3A_2991 = arith.constant 1 : i32
    %swap3A_2992 = arith.index_cast %swap3A_2991 : i32 to index
    %swap3A_2993 = arith.constant 464 : index
    %swap3A_2994 = tpu.vector_load %arg6[%swap3A_2992, %swap3A_2993] {strides = array<i32>} : memref<2x1024xi32, #tpu.memory_space<vmem>>, vector<1x16xi32>,
    %swap3A_2995 = vector.shape_cast %swap3A_2994 : vector<1x16xi32> to vector<16xi32>
    %swap3A_2996 = vector.shape_cast %add3A_2990 : vector<16xi32> to vector<1x16xi32>
    tpu.vector_store %arg6[%swap3A_2992, %swap3A_2993], %swap3A_2996 {strides = array<i32>} : memref<2x1024xi32, #tpu.memory_space<vmem>>, vector<1x16xi32>,
    %get3A_2997 = arith.constant 480 : index
    %get3A_2998 = tpu.vector_load %arg5[%get3A_2997] {strides = array<i32>} : memref<1024xi32, #tpu.memory_space<vmem>>, vector<16xi32>,
    %get3A_2999 = vector.shape_cast %get3A_2998 : vector<16xi32> to vector<16xi32>
    %shift_right_arithmetic3A_3000 = arith.constant 7 : i32
    %shift_right_arithmetic3A_3001 = vector.broadcast %shift_right_arithmetic3A_3000 : i32 to vector<16xi32>
    %shift_right_arithmetic3A_3002 = arith.shrsi %get3A_2999, %shift_right_arithmetic3A_3001 : vector<16xi32>
    %shift_left3A_3003 = arith.constant 10 : i32
    %shift_left3A_3004 = vector.broadcast %shift_left3A_3003 : i32 to vector<16xi32>
    %shift_left3A_3005 = arith.shli %shift_right_arithmetic3A_3002, %shift_left3A_3004 : vector<16xi32>
    %and3A_3006 = arith.constant 127 : i32
    %and3A_3007 = vector.broadcast %and3A_3006 : i32 to vector<16xi32>
    %and3A_3008 = arith.andi %get3A_2999, %and3A_3007 : vector<16xi32>
    %add3A_3009 = arith.addi %shift_left3A_3005, %and3A_3008 : vector<16xi32>
    %sub3A_3010 = arith.constant 99968 : i32
    %sub3A_3011 = vector.broadcast %sub3A_3010 : i32 to vector<16xi32>
    %sub3A_3012 = arith.subi %get3A_2999, %sub3A_3011 : vector<16xi32>
    %add3A_3013 = arith.constant 799744 : i32
    %add3A_3014 = vector.broadcast %add3A_3013 : i32 to vector<16xi32>
    %add3A_3015 = arith.addi %add3A_3014, %sub3A_3012 : vector<16xi32>
    %lt3A_3016 = arith.constant 99968 : i32
    %lt3A_3017 = vector.broadcast %lt3A_3016 : i32 to vector<16xi32>
    %lt3A_3018 = arith.cmpi slt, %get3A_2999, %lt3A_3017 : vector<16xi32>
    %select_n3A_3019 = arith.select %lt3A_3018, %add3A_3009, %add3A_3015 : vector<16xi1>, vector<16xi32>
    %add3A_3020 = vector.broadcast %add3A_2066 : i32 to vector<16xi32>
    %add3A_3021 = arith.addi %add3A_3020, %select_n3A_3019 : vector<16xi32>
    %swap3A_3022 = arith.constant 1 : i32
    %swap3A_3023 = arith.index_cast %swap3A_3022 : i32 to index
    %swap3A_3024 = arith.constant 480 : index
    %swap3A_3025 = tpu.vector_load %arg6[%swap3A_3023, %swap3A_3024] {strides = array<i32>} : memref<2x1024xi32, #tpu.memory_space<vmem>>, vector<1x16xi32>,
    %swap3A_3026 = vector.shape_cast %swap3A_3025 : vector<1x16xi32> to vector<16xi32>
    %swap3A_3027 = vector.shape_cast %add3A_3021 : vector<16xi32> to vector<1x16xi32>
    tpu.vector_store %arg6[%swap3A_3023, %swap3A_3024], %swap3A_3027 {strides = array<i32>} : memref<2x1024xi32, #tpu.memory_space<vmem>>, vector<1x16xi32>,
    %get3A_3028 = arith.constant 496 : index
    %get3A_3029 = tpu.vector_load %arg5[%get3A_3028] {strides = array<i32>} : memref<1024xi32, #tpu.memory_space<vmem>>, vector<16xi32>,
    %get3A_3030 = vector.shape_cast %get3A_3029 : vector<16xi32> to vector<16xi32>
    %shift_right_arithmetic3A_3031 = arith.constant 7 : i32
    %shift_right_arithmetic3A_3032 = vector.broadcast %shift_right_arithmetic3A_3031 : i32 to vector<16xi32>
    %shift_right_arithmetic3A_3033 = arith.shrsi %get3A_3030, %shift_right_arithmetic3A_3032 : vector<16xi32>
    %shift_left3A_3034 = arith.constant 10 : i32
    %shift_left3A_3035 = vector.broadcast %shift_left3A_3034 : i32 to vector<16xi32>
    %shift_left3A_3036 = arith.shli %shift_right_arithmetic3A_3033, %shift_left3A_3035 : vector<16xi32>
    %and3A_3037 = arith.constant 127 : i32
    %and3A_3038 = vector.broadcast %and3A_3037 : i32 to vector<16xi32>
    %and3A_3039 = arith.andi %get3A_3030, %and3A_3038 : vector<16xi32>
    %add3A_3040 = arith.addi %shift_left3A_3036, %and3A_3039 : vector<16xi32>
    %sub3A_3041 = arith.constant 99968 : i32
    %sub3A_3042 = vector.broadcast %sub3A_3041 : i32 to vector<16xi32>
    %sub3A_3043 = arith.subi %get3A_3030, %sub3A_3042 : vector<16xi32>
    %add3A_3044 = arith.constant 799744 : i32
    %add3A_3045 = vector.broadcast %add3A_3044 : i32 to vector<16xi32>
    %add3A_3046 = arith.addi %add3A_3045, %sub3A_3043 : vector<16xi32>
    %lt3A_3047 = arith.constant 99968 : i32
    %lt3A_3048 = vector.broadcast %lt3A_3047 : i32 to vector<16xi32>
    %lt3A_3049 = arith.cmpi slt, %get3A_3030, %lt3A_3048 : vector<16xi32>
    %select_n3A_3050 = arith.select %lt3A_3049, %add3A_3040, %add3A_3046 : vector<16xi1>, vector<16xi32>
    %add3A_3051 = vector.broadcast %add3A_2066 : i32 to vector<16xi32>
    %add3A_3052 = arith.addi %add3A_3051, %select_n3A_3050 : vector<16xi32>
    %swap3A_3053 = arith.constant 1 : i32
    %swap3A_3054 = arith.index_cast %swap3A_3053 : i32 to index
    %swap3A_3055 = arith.constant 496 : index
    %swap3A_3056 = tpu.vector_load %arg6[%swap3A_3054, %swap3A_3055] {strides = array<i32>} : memref<2x1024xi32, #tpu.memory_space<vmem>>, vector<1x16xi32>,
    %swap3A_3057 = vector.shape_cast %swap3A_3056 : vector<1x16xi32> to vector<16xi32>
    %swap3A_3058 = vector.shape_cast %add3A_3052 : vector<16xi32> to vector<1x16xi32>
    tpu.vector_store %arg6[%swap3A_3054, %swap3A_3055], %swap3A_3058 {strides = array<i32>} : memref<2x1024xi32, #tpu.memory_space<vmem>>, vector<1x16xi32>,
    %get3A_3059 = arith.constant 512 : index
    %get3A_3060 = tpu.vector_load %arg5[%get3A_3059] {strides = array<i32>} : memref<1024xi32, #tpu.memory_space<vmem>>, vector<16xi32>,
    %get3A_3061 = vector.shape_cast %get3A_3060 : vector<16xi32> to vector<16xi32>
    %shift_right_arithmetic3A_3062 = arith.constant 7 : i32
    %shift_right_arithmetic3A_3063 = vector.broadcast %shift_right_arithmetic3A_3062 : i32 to vector<16xi32>
    %shift_right_arithmetic3A_3064 = arith.shrsi %get3A_3061, %shift_right_arithmetic3A_3063 : vector<16xi32>
    %shift_left3A_3065 = arith.constant 10 : i32
    %shift_left3A_3066 = vector.broadcast %shift_left3A_3065 : i32 to vector<16xi32>
    %shift_left3A_3067 = arith.shli %shift_right_arithmetic3A_3064, %shift_left3A_3066 : vector<16xi32>
    %and3A_3068 = arith.constant 127 : i32
    %and3A_3069 = vector.broadcast %and3A_3068 : i32 to vector<16xi32>
    %and3A_3070 = arith.andi %get3A_3061, %and3A_3069 : vector<16xi32>
    %add3A_3071 = arith.addi %shift_left3A_3067, %and3A_3070 : vector<16xi32>
    %sub3A_3072 = arith.constant 99968 : i32
    %sub3A_3073 = vector.broadcast %sub3A_3072 : i32 to vector<16xi32>
    %sub3A_3074 = arith.subi %get3A_3061, %sub3A_3073 : vector<16xi32>
    %add3A_3075 = arith.constant 799744 : i32
    %add3A_3076 = vector.broadcast %add3A_3075 : i32 to vector<16xi32>
    %add3A_3077 = arith.addi %add3A_3076, %sub3A_3074 : vector<16xi32>
    %lt3A_3078 = arith.constant 99968 : i32
    %lt3A_3079 = vector.broadcast %lt3A_3078 : i32 to vector<16xi32>
    %lt3A_3080 = arith.cmpi slt, %get3A_3061, %lt3A_3079 : vector<16xi32>
    %select_n3A_3081 = arith.select %lt3A_3080, %add3A_3071, %add3A_3077 : vector<16xi1>, vector<16xi32>
    %add3A_3082 = vector.broadcast %add3A_2066 : i32 to vector<16xi32>
    %add3A_3083 = arith.addi %add3A_3082, %select_n3A_3081 : vector<16xi32>
    %swap3A_3084 = arith.constant 1 : i32
    %swap3A_3085 = arith.index_cast %swap3A_3084 : i32 to index
    %swap3A_3086 = arith.constant 512 : index
    %swap3A_3087 = tpu.vector_load %arg6[%swap3A_3085, %swap3A_3086] {strides = array<i32>} : memref<2x1024xi32, #tpu.memory_space<vmem>>, vector<1x16xi32>,
    %swap3A_3088 = vector.shape_cast %swap3A_3087 : vector<1x16xi32> to vector<16xi32>
    %swap3A_3089 = vector.shape_cast %add3A_3083 : vector<16xi32> to vector<1x16xi32>
    tpu.vector_store %arg6[%swap3A_3085, %swap3A_3086], %swap3A_3089 {strides = array<i32>} : memref<2x1024xi32, #tpu.memory_space<vmem>>, vector<1x16xi32>,
    %get3A_3090 = arith.constant 528 : index
    %get3A_3091 = tpu.vector_load %arg5[%get3A_3090] {strides = array<i32>} : memref<1024xi32, #tpu.memory_space<vmem>>, vector<16xi32>,
    %get3A_3092 = vector.shape_cast %get3A_3091 : vector<16xi32> to vector<16xi32>
    %shift_right_arithmetic3A_3093 = arith.constant 7 : i32
    %shift_right_arithmetic3A_3094 = vector.broadcast %shift_right_arithmetic3A_3093 : i32 to vector<16xi32>
    %shift_right_arithmetic3A_3095 = arith.shrsi %get3A_3092, %shift_right_arithmetic3A_3094 : vector<16xi32>
    %shift_left3A_3096 = arith.constant 10 : i32
    %shift_left3A_3097 = vector.broadcast %shift_left3A_3096 : i32 to vector<16xi32>
    %shift_left3A_3098 = arith.shli %shift_right_arithmetic3A_3095, %shift_left3A_3097 : vector<16xi32>
    %and3A_3099 = arith.constant 127 : i32
    %and3A_3100 = vector.broadcast %and3A_3099 : i32 to vector<16xi32>
    %and3A_3101 = arith.andi %get3A_3092, %and3A_3100 : vector<16xi32>
    %add3A_3102 = arith.addi %shift_left3A_3098, %and3A_3101 : vector<16xi32>
    %sub3A_3103 = arith.constant 99968 : i32
    %sub3A_3104 = vector.broadcast %sub3A_3103 : i32 to vector<16xi32>
    %sub3A_3105 = arith.subi %get3A_3092, %sub3A_3104 : vector<16xi32>
    %add3A_3106 = arith.constant 799744 : i32
    %add3A_3107 = vector.broadcast %add3A_3106 : i32 to vector<16xi32>
    %add3A_3108 = arith.addi %add3A_3107, %sub3A_3105 : vector<16xi32>
    %lt3A_3109 = arith.constant 99968 : i32
    %lt3A_3110 = vector.broadcast %lt3A_3109 : i32 to vector<16xi32>
    %lt3A_3111 = arith.cmpi slt, %get3A_3092, %lt3A_3110 : vector<16xi32>
    %select_n3A_3112 = arith.select %lt3A_3111, %add3A_3102, %add3A_3108 : vector<16xi1>, vector<16xi32>
    %add3A_3113 = vector.broadcast %add3A_2066 : i32 to vector<16xi32>
    %add3A_3114 = arith.addi %add3A_3113, %select_n3A_3112 : vector<16xi32>
    %swap3A_3115 = arith.constant 1 : i32
    %swap3A_3116 = arith.index_cast %swap3A_3115 : i32 to index
    %swap3A_3117 = arith.constant 528 : index
    %swap3A_3118 = tpu.vector_load %arg6[%swap3A_3116, %swap3A_3117] {strides = array<i32>} : memref<2x1024xi32, #tpu.memory_space<vmem>>, vector<1x16xi32>,
    %swap3A_3119 = vector.shape_cast %swap3A_3118 : vector<1x16xi32> to vector<16xi32>
    %swap3A_3120 = vector.shape_cast %add3A_3114 : vector<16xi32> to vector<1x16xi32>
    tpu.vector_store %arg6[%swap3A_3116, %swap3A_3117], %swap3A_3120 {strides = array<i32>} : memref<2x1024xi32, #tpu.memory_space<vmem>>, vector<1x16xi32>,
    %get3A_3121 = arith.constant 544 : index
    %get3A_3122 = tpu.vector_load %arg5[%get3A_3121] {strides = array<i32>} : memref<1024xi32, #tpu.memory_space<vmem>>, vector<16xi32>,
    %get3A_3123 = vector.shape_cast %get3A_3122 : vector<16xi32> to vector<16xi32>
    %shift_right_arithmetic3A_3124 = arith.constant 7 : i32
    %shift_right_arithmetic3A_3125 = vector.broadcast %shift_right_arithmetic3A_3124 : i32 to vector<16xi32>
    %shift_right_arithmetic3A_3126 = arith.shrsi %get3A_3123, %shift_right_arithmetic3A_3125 : vector<16xi32>
    %shift_left3A_3127 = arith.constant 10 : i32
    %shift_left3A_3128 = vector.broadcast %shift_left3A_3127 : i32 to vector<16xi32>
    %shift_left3A_3129 = arith.shli %shift_right_arithmetic3A_3126, %shift_left3A_3128 : vector<16xi32>
    %and3A_3130 = arith.constant 127 : i32
    %and3A_3131 = vector.broadcast %and3A_3130 : i32 to vector<16xi32>
    %and3A_3132 = arith.andi %get3A_3123, %and3A_3131 : vector<16xi32>
    %add3A_3133 = arith.addi %shift_left3A_3129, %and3A_3132 : vector<16xi32>
    %sub3A_3134 = arith.constant 99968 : i32
    %sub3A_3135 = vector.broadcast %sub3A_3134 : i32 to vector<16xi32>
    %sub3A_3136 = arith.subi %get3A_3123, %sub3A_3135 : vector<16xi32>
    %add3A_3137 = arith.constant 799744 : i32
    %add3A_3138 = vector.broadcast %add3A_3137 : i32 to vector<16xi32>
    %add3A_3139 = arith.addi %add3A_3138, %sub3A_3136 : vector<16xi32>
    %lt3A_3140 = arith.constant 99968 : i32
    %lt3A_3141 = vector.broadcast %lt3A_3140 : i32 to vector<16xi32>
    %lt3A_3142 = arith.cmpi slt, %get3A_3123, %lt3A_3141 : vector<16xi32>
    %select_n3A_3143 = arith.select %lt3A_3142, %add3A_3133, %add3A_3139 : vector<16xi1>, vector<16xi32>
    %add3A_3144 = vector.broadcast %add3A_2066 : i32 to vector<16xi32>
    %add3A_3145 = arith.addi %add3A_3144, %select_n3A_3143 : vector<16xi32>
    %swap3A_3146 = arith.constant 1 : i32
    %swap3A_3147 = arith.index_cast %swap3A_3146 : i32 to index
    %swap3A_3148 = arith.constant 544 : index
    %swap3A_3149 = tpu.vector_load %arg6[%swap3A_3147, %swap3A_3148] {strides = array<i32>} : memref<2x1024xi32, #tpu.memory_space<vmem>>, vector<1x16xi32>,
    %swap3A_3150 = vector.shape_cast %swap3A_3149 : vector<1x16xi32> to vector<16xi32>
    %swap3A_3151 = vector.shape_cast %add3A_3145 : vector<16xi32> to vector<1x16xi32>
    tpu.vector_store %arg6[%swap3A_3147, %swap3A_3148], %swap3A_3151 {strides = array<i32>} : memref<2x1024xi32, #tpu.memory_space<vmem>>, vector<1x16xi32>,
    %get3A_3152 = arith.constant 560 : index
    %get3A_3153 = tpu.vector_load %arg5[%get3A_3152] {strides = array<i32>} : memref<1024xi32, #tpu.memory_space<vmem>>, vector<16xi32>,
    %get3A_3154 = vector.shape_cast %get3A_3153 : vector<16xi32> to vector<16xi32>
    %shift_right_arithmetic3A_3155 = arith.constant 7 : i32
    %shift_right_arithmetic3A_3156 = vector.broadcast %shift_right_arithmetic3A_3155 : i32 to vector<16xi32>
    %shift_right_arithmetic3A_3157 = arith.shrsi %get3A_3154, %shift_right_arithmetic3A_3156 : vector<16xi32>
    %shift_left3A_3158 = arith.constant 10 : i32
    %shift_left3A_3159 = vector.broadcast %shift_left3A_3158 : i32 to vector<16xi32>
    %shift_left3A_3160 = arith.shli %shift_right_arithmetic3A_3157, %shift_left3A_3159 : vector<16xi32>
    %and3A_3161 = arith.constant 127 : i32
    %and3A_3162 = vector.broadcast %and3A_3161 : i32 to vector<16xi32>
    %and3A_3163 = arith.andi %get3A_3154, %and3A_3162 : vector<16xi32>
    %add3A_3164 = arith.addi %shift_left3A_3160, %and3A_3163 : vector<16xi32>
    %sub3A_3165 = arith.constant 99968 : i32
    %sub3A_3166 = vector.broadcast %sub3A_3165 : i32 to vector<16xi32>
    %sub3A_3167 = arith.subi %get3A_3154, %sub3A_3166 : vector<16xi32>
    %add3A_3168 = arith.constant 799744 : i32
    %add3A_3169 = vector.broadcast %add3A_3168 : i32 to vector<16xi32>
    %add3A_3170 = arith.addi %add3A_3169, %sub3A_3167 : vector<16xi32>
    %lt3A_3171 = arith.constant 99968 : i32
    %lt3A_3172 = vector.broadcast %lt3A_3171 : i32 to vector<16xi32>
    %lt3A_3173 = arith.cmpi slt, %get3A_3154, %lt3A_3172 : vector<16xi32>
    %select_n3A_3174 = arith.select %lt3A_3173, %add3A_3164, %add3A_3170 : vector<16xi1>, vector<16xi32>
    %add3A_3175 = vector.broadcast %add3A_2066 : i32 to vector<16xi32>
    %add3A_3176 = arith.addi %add3A_3175, %select_n3A_3174 : vector<16xi32>
    %swap3A_3177 = arith.constant 1 : i32
    %swap3A_3178 = arith.index_cast %swap3A_3177 : i32 to index
    %swap3A_3179 = arith.constant 560 : index
    %swap3A_3180 = tpu.vector_load %arg6[%swap3A_3178, %swap3A_3179] {strides = array<i32>} : memref<2x1024xi32, #tpu.memory_space<vmem>>, vector<1x16xi32>,
    %swap3A_3181 = vector.shape_cast %swap3A_3180 : vector<1x16xi32> to vector<16xi32>
    %swap3A_3182 = vector.shape_cast %add3A_3176 : vector<16xi32> to vector<1x16xi32>
    tpu.vector_store %arg6[%swap3A_3178, %swap3A_3179], %swap3A_3182 {strides = array<i32>} : memref<2x1024xi32, #tpu.memory_space<vmem>>, vector<1x16xi32>,
    %get3A_3183 = arith.constant 576 : index
    %get3A_3184 = tpu.vector_load %arg5[%get3A_3183] {strides = array<i32>} : memref<1024xi32, #tpu.memory_space<vmem>>, vector<16xi32>,
    %get3A_3185 = vector.shape_cast %get3A_3184 : vector<16xi32> to vector<16xi32>
    %shift_right_arithmetic3A_3186 = arith.constant 7 : i32
    %shift_right_arithmetic3A_3187 = vector.broadcast %shift_right_arithmetic3A_3186 : i32 to vector<16xi32>
    %shift_right_arithmetic3A_3188 = arith.shrsi %get3A_3185, %shift_right_arithmetic3A_3187 : vector<16xi32>
    %shift_left3A_3189 = arith.constant 10 : i32
    %shift_left3A_3190 = vector.broadcast %shift_left3A_3189 : i32 to vector<16xi32>
    %shift_left3A_3191 = arith.shli %shift_right_arithmetic3A_3188, %shift_left3A_3190 : vector<16xi32>
    %and3A_3192 = arith.constant 127 : i32
    %and3A_3193 = vector.broadcast %and3A_3192 : i32 to vector<16xi32>
    %and3A_3194 = arith.andi %get3A_3185, %and3A_3193 : vector<16xi32>
    %add3A_3195 = arith.addi %shift_left3A_3191, %and3A_3194 : vector<16xi32>
    %sub3A_3196 = arith.constant 99968 : i32
    %sub3A_3197 = vector.broadcast %sub3A_3196 : i32 to vector<16xi32>
    %sub3A_3198 = arith.subi %get3A_3185, %sub3A_3197 : vector<16xi32>
    %add3A_3199 = arith.constant 799744 : i32
    %add3A_3200 = vector.broadcast %add3A_3199 : i32 to vector<16xi32>
    %add3A_3201 = arith.addi %add3A_3200, %sub3A_3198 : vector<16xi32>
    %lt3A_3202 = arith.constant 99968 : i32
    %lt3A_3203 = vector.broadcast %lt3A_3202 : i32 to vector<16xi32>
    %lt3A_3204 = arith.cmpi slt, %get3A_3185, %lt3A_3203 : vector<16xi32>
    %select_n3A_3205 = arith.select %lt3A_3204, %add3A_3195, %add3A_3201 : vector<16xi1>, vector<16xi32>
    %add3A_3206 = vector.broadcast %add3A_2066 : i32 to vector<16xi32>
    %add3A_3207 = arith.addi %add3A_3206, %select_n3A_3205 : vector<16xi32>
    %swap3A_3208 = arith.constant 1 : i32
    %swap3A_3209 = arith.index_cast %swap3A_3208 : i32 to index
    %swap3A_3210 = arith.constant 576 : index
    %swap3A_3211 = tpu.vector_load %arg6[%swap3A_3209, %swap3A_3210] {strides = array<i32>} : memref<2x1024xi32, #tpu.memory_space<vmem>>, vector<1x16xi32>,
    %swap3A_3212 = vector.shape_cast %swap3A_3211 : vector<1x16xi32> to vector<16xi32>
    %swap3A_3213 = vector.shape_cast %add3A_3207 : vector<16xi32> to vector<1x16xi32>
    tpu.vector_store %arg6[%swap3A_3209, %swap3A_3210], %swap3A_3213 {strides = array<i32>} : memref<2x1024xi32, #tpu.memory_space<vmem>>, vector<1x16xi32>,
    %get3A_3214 = arith.constant 592 : index
    %get3A_3215 = tpu.vector_load %arg5[%get3A_3214] {strides = array<i32>} : memref<1024xi32, #tpu.memory_space<vmem>>, vector<16xi32>,
    %get3A_3216 = vector.shape_cast %get3A_3215 : vector<16xi32> to vector<16xi32>
    %shift_right_arithmetic3A_3217 = arith.constant 7 : i32
    %shift_right_arithmetic3A_3218 = vector.broadcast %shift_right_arithmetic3A_3217 : i32 to vector<16xi32>
    %shift_right_arithmetic3A_3219 = arith.shrsi %get3A_3216, %shift_right_arithmetic3A_3218 : vector<16xi32>
    %shift_left3A_3220 = arith.constant 10 : i32
    %shift_left3A_3221 = vector.broadcast %shift_left3A_3220 : i32 to vector<16xi32>
    %shift_left3A_3222 = arith.shli %shift_right_arithmetic3A_3219, %shift_left3A_3221 : vector<16xi32>
    %and3A_3223 = arith.constant 127 : i32
    %and3A_3224 = vector.broadcast %and3A_3223 : i32 to vector<16xi32>
    %and3A_3225 = arith.andi %get3A_3216, %and3A_3224 : vector<16xi32>
    %add3A_3226 = arith.addi %shift_left3A_3222, %and3A_3225 : vector<16xi32>
    %sub3A_3227 = arith.constant 99968 : i32
    %sub3A_3228 = vector.broadcast %sub3A_3227 : i32 to vector<16xi32>
    %sub3A_3229 = arith.subi %get3A_3216, %sub3A_3228 : vector<16xi32>
    %add3A_3230 = arith.constant 799744 : i32
    %add3A_3231 = vector.broadcast %add3A_3230 : i32 to vector<16xi32>
    %add3A_3232 = arith.addi %add3A_3231, %sub3A_3229 : vector<16xi32>
    %lt3A_3233 = arith.constant 99968 : i32
    %lt3A_3234 = vector.broadcast %lt3A_3233 : i32 to vector<16xi32>
    %lt3A_3235 = arith.cmpi slt, %get3A_3216, %lt3A_3234 : vector<16xi32>
    %select_n3A_3236 = arith.select %lt3A_3235, %add3A_3226, %add3A_3232 : vector<16xi1>, vector<16xi32>
    %add3A_3237 = vector.broadcast %add3A_2066 : i32 to vector<16xi32>
    %add3A_3238 = arith.addi %add3A_3237, %select_n3A_3236 : vector<16xi32>
    %swap3A_3239 = arith.constant 1 : i32
    %swap3A_3240 = arith.index_cast %swap3A_3239 : i32 to index
    %swap3A_3241 = arith.constant 592 : index
    %swap3A_3242 = tpu.vector_load %arg6[%swap3A_3240, %swap3A_3241] {strides = array<i32>} : memref<2x1024xi32, #tpu.memory_space<vmem>>, vector<1x16xi32>,
    %swap3A_3243 = vector.shape_cast %swap3A_3242 : vector<1x16xi32> to vector<16xi32>
    %swap3A_3244 = vector.shape_cast %add3A_3238 : vector<16xi32> to vector<1x16xi32>
    tpu.vector_store %arg6[%swap3A_3240, %swap3A_3241], %swap3A_3244 {strides = array<i32>} : memref<2x1024xi32, #tpu.memory_space<vmem>>, vector<1x16xi32>,
    %get3A_3245 = arith.constant 608 : index
    %get3A_3246 = tpu.vector_load %arg5[%get3A_3245] {strides = array<i32>} : memref<1024xi32, #tpu.memory_space<vmem>>, vector<16xi32>,
    %get3A_3247 = vector.shape_cast %get3A_3246 : vector<16xi32> to vector<16xi32>
    %shift_right_arithmetic3A_3248 = arith.constant 7 : i32
    %shift_right_arithmetic3A_3249 = vector.broadcast %shift_right_arithmetic3A_3248 : i32 to vector<16xi32>
    %shift_right_arithmetic3A_3250 = arith.shrsi %get3A_3247, %shift_right_arithmetic3A_3249 : vector<16xi32>
    %shift_left3A_3251 = arith.constant 10 : i32
    %shift_left3A_3252 = vector.broadcast %shift_left3A_3251 : i32 to vector<16xi32>
    %shift_left3A_3253 = arith.shli %shift_right_arithmetic3A_3250, %shift_left3A_3252 : vector<16xi32>
    %and3A_3254 = arith.constant 127 : i32
    %and3A_3255 = vector.broadcast %and3A_3254 : i32 to vector<16xi32>
    %and3A_3256 = arith.andi %get3A_3247, %and3A_3255 : vector<16xi32>
    %add3A_3257 = arith.addi %shift_left3A_3253, %and3A_3256 : vector<16xi32>
    %sub3A_3258 = arith.constant 99968 : i32
    %sub3A_3259 = vector.broadcast %sub3A_3258 : i32 to vector<16xi32>
    %sub3A_3260 = arith.subi %get3A_3247, %sub3A_3259 : vector<16xi32>
    %add3A_3261 = arith.constant 799744 : i32
    %add3A_3262 = vector.broadcast %add3A_3261 : i32 to vector<16xi32>
    %add3A_3263 = arith.addi %add3A_3262, %sub3A_3260 : vector<16xi32>
    %lt3A_3264 = arith.constant 99968 : i32
    %lt3A_3265 = vector.broadcast %lt3A_3264 : i32 to vector<16xi32>
    %lt3A_3266 = arith.cmpi slt, %get3A_3247, %lt3A_3265 : vector<16xi32>
    %select_n3A_3267 = arith.select %lt3A_3266, %add3A_3257, %add3A_3263 : vector<16xi1>, vector<16xi32>
    %add3A_3268 = vector.broadcast %add3A_2066 : i32 to vector<16xi32>
    %add3A_3269 = arith.addi %add3A_3268, %select_n3A_3267 : vector<16xi32>
    %swap3A_3270 = arith.constant 1 : i32
    %swap3A_3271 = arith.index_cast %swap3A_3270 : i32 to index
    %swap3A_3272 = arith.constant 608 : index
    %swap3A_3273 = tpu.vector_load %arg6[%swap3A_3271, %swap3A_3272] {strides = array<i32>} : memref<2x1024xi32, #tpu.memory_space<vmem>>, vector<1x16xi32>,
    %swap3A_3274 = vector.shape_cast %swap3A_3273 : vector<1x16xi32> to vector<16xi32>
    %swap3A_3275 = vector.shape_cast %add3A_3269 : vector<16xi32> to vector<1x16xi32>
    tpu.vector_store %arg6[%swap3A_3271, %swap3A_3272], %swap3A_3275 {strides = array<i32>} : memref<2x1024xi32, #tpu.memory_space<vmem>>, vector<1x16xi32>,
    %get3A_3276 = arith.constant 624 : index
    %get3A_3277 = tpu.vector_load %arg5[%get3A_3276] {strides = array<i32>} : memref<1024xi32, #tpu.memory_space<vmem>>, vector<16xi32>,
    %get3A_3278 = vector.shape_cast %get3A_3277 : vector<16xi32> to vector<16xi32>
    %shift_right_arithmetic3A_3279 = arith.constant 7 : i32
    %shift_right_arithmetic3A_3280 = vector.broadcast %shift_right_arithmetic3A_3279 : i32 to vector<16xi32>
    %shift_right_arithmetic3A_3281 = arith.shrsi %get3A_3278, %shift_right_arithmetic3A_3280 : vector<16xi32>
    %shift_left3A_3282 = arith.constant 10 : i32
    %shift_left3A_3283 = vector.broadcast %shift_left3A_3282 : i32 to vector<16xi32>
    %shift_left3A_3284 = arith.shli %shift_right_arithmetic3A_3281, %shift_left3A_3283 : vector<16xi32>
    %and3A_3285 = arith.constant 127 : i32
    %and3A_3286 = vector.broadcast %and3A_3285 : i32 to vector<16xi32>
    %and3A_3287 = arith.andi %get3A_3278, %and3A_3286 : vector<16xi32>
    %add3A_3288 = arith.addi %shift_left3A_3284, %and3A_3287 : vector<16xi32>
    %sub3A_3289 = arith.constant 99968 : i32
    %sub3A_3290 = vector.broadcast %sub3A_3289 : i32 to vector<16xi32>
    %sub3A_3291 = arith.subi %get3A_3278, %sub3A_3290 : vector<16xi32>
    %add3A_3292 = arith.constant 799744 : i32
    %add3A_3293 = vector.broadcast %add3A_3292 : i32 to vector<16xi32>
    %add3A_3294 = arith.addi %add3A_3293, %sub3A_3291 : vector<16xi32>
    %lt3A_3295 = arith.constant 99968 : i32
    %lt3A_3296 = vector.broadcast %lt3A_3295 : i32 to vector<16xi32>
    %lt3A_3297 = arith.cmpi slt, %get3A_3278, %lt3A_3296 : vector<16xi32>
    %select_n3A_3298 = arith.select %lt3A_3297, %add3A_3288, %add3A_3294 : vector<16xi1>, vector<16xi32>
    %add3A_3299 = vector.broadcast %add3A_2066 : i32 to vector<16xi32>
    %add3A_3300 = arith.addi %add3A_3299, %select_n3A_3298 : vector<16xi32>
    %swap3A_3301 = arith.constant 1 : i32
    %swap3A_3302 = arith.index_cast %swap3A_3301 : i32 to index
    %swap3A_3303 = arith.constant 624 : index
    %swap3A_3304 = tpu.vector_load %arg6[%swap3A_3302, %swap3A_3303] {strides = array<i32>} : memref<2x1024xi32, #tpu.memory_space<vmem>>, vector<1x16xi32>,
    %swap3A_3305 = vector.shape_cast %swap3A_3304 : vector<1x16xi32> to vector<16xi32>
    %swap3A_3306 = vector.shape_cast %add3A_3300 : vector<16xi32> to vector<1x16xi32>
    tpu.vector_store %arg6[%swap3A_3302, %swap3A_3303], %swap3A_3306 {strides = array<i32>} : memref<2x1024xi32, #tpu.memory_space<vmem>>, vector<1x16xi32>,
    %get3A_3307 = arith.constant 640 : index
    %get3A_3308 = tpu.vector_load %arg5[%get3A_3307] {strides = array<i32>} : memref<1024xi32, #tpu.memory_space<vmem>>, vector<16xi32>,
    %get3A_3309 = vector.shape_cast %get3A_3308 : vector<16xi32> to vector<16xi32>
    %shift_right_arithmetic3A_3310 = arith.constant 7 : i32
    %shift_right_arithmetic3A_3311 = vector.broadcast %shift_right_arithmetic3A_3310 : i32 to vector<16xi32>
    %shift_right_arithmetic3A_3312 = arith.shrsi %get3A_3309, %shift_right_arithmetic3A_3311 : vector<16xi32>
    %shift_left3A_3313 = arith.constant 10 : i32
    %shift_left3A_3314 = vector.broadcast %shift_left3A_3313 : i32 to vector<16xi32>
    %shift_left3A_3315 = arith.shli %shift_right_arithmetic3A_3312, %shift_left3A_3314 : vector<16xi32>
    %and3A_3316 = arith.constant 127 : i32
    %and3A_3317 = vector.broadcast %and3A_3316 : i32 to vector<16xi32>
    %and3A_3318 = arith.andi %get3A_3309, %and3A_3317 : vector<16xi32>
    %add3A_3319 = arith.addi %shift_left3A_3315, %and3A_3318 : vector<16xi32>
    %sub3A_3320 = arith.constant 99968 : i32
    %sub3A_3321 = vector.broadcast %sub3A_3320 : i32 to vector<16xi32>
    %sub3A_3322 = arith.subi %get3A_3309, %sub3A_3321 : vector<16xi32>
    %add3A_3323 = arith.constant 799744 : i32
    %add3A_3324 = vector.broadcast %add3A_3323 : i32 to vector<16xi32>
    %add3A_3325 = arith.addi %add3A_3324, %sub3A_3322 : vector<16xi32>
    %lt3A_3326 = arith.constant 99968 : i32
    %lt3A_3327 = vector.broadcast %lt3A_3326 : i32 to vector<16xi32>
    %lt3A_3328 = arith.cmpi slt, %get3A_3309, %lt3A_3327 : vector<16xi32>
    %select_n3A_3329 = arith.select %lt3A_3328, %add3A_3319, %add3A_3325 : vector<16xi1>, vector<16xi32>
    %add3A_3330 = vector.broadcast %add3A_2066 : i32 to vector<16xi32>
    %add3A_3331 = arith.addi %add3A_3330, %select_n3A_3329 : vector<16xi32>
    %swap3A_3332 = arith.constant 1 : i32
    %swap3A_3333 = arith.index_cast %swap3A_3332 : i32 to index
    %swap3A_3334 = arith.constant 640 : index
    %swap3A_3335 = tpu.vector_load %arg6[%swap3A_3333, %swap3A_3334] {strides = array<i32>} : memref<2x1024xi32, #tpu.memory_space<vmem>>, vector<1x16xi32>,
    %swap3A_3336 = vector.shape_cast %swap3A_3335 : vector<1x16xi32> to vector<16xi32>
    %swap3A_3337 = vector.shape_cast %add3A_3331 : vector<16xi32> to vector<1x16xi32>
    tpu.vector_store %arg6[%swap3A_3333, %swap3A_3334], %swap3A_3337 {strides = array<i32>} : memref<2x1024xi32, #tpu.memory_space<vmem>>, vector<1x16xi32>,
    %get3A_3338 = arith.constant 656 : index
    %get3A_3339 = tpu.vector_load %arg5[%get3A_3338] {strides = array<i32>} : memref<1024xi32, #tpu.memory_space<vmem>>, vector<16xi32>,
    %get3A_3340 = vector.shape_cast %get3A_3339 : vector<16xi32> to vector<16xi32>
    %shift_right_arithmetic3A_3341 = arith.constant 7 : i32
    %shift_right_arithmetic3A_3342 = vector.broadcast %shift_right_arithmetic3A_3341 : i32 to vector<16xi32>
    %shift_right_arithmetic3A_3343 = arith.shrsi %get3A_3340, %shift_right_arithmetic3A_3342 : vector<16xi32>
    %shift_left3A_3344 = arith.constant 10 : i32
    %shift_left3A_3345 = vector.broadcast %shift_left3A_3344 : i32 to vector<16xi32>
    %shift_left3A_3346 = arith.shli %shift_right_arithmetic3A_3343, %shift_left3A_3345 : vector<16xi32>
    %and3A_3347 = arith.constant 127 : i32
    %and3A_3348 = vector.broadcast %and3A_3347 : i32 to vector<16xi32>
    %and3A_3349 = arith.andi %get3A_3340, %and3A_3348 : vector<16xi32>
    %add3A_3350 = arith.addi %shift_left3A_3346, %and3A_3349 : vector<16xi32>
    %sub3A_3351 = arith.constant 99968 : i32
    %sub3A_3352 = vector.broadcast %sub3A_3351 : i32 to vector<16xi32>
    %sub3A_3353 = arith.subi %get3A_3340, %sub3A_3352 : vector<16xi32>
    %add3A_3354 = arith.constant 799744 : i32
    %add3A_3355 = vector.broadcast %add3A_3354 : i32 to vector<16xi32>
    %add3A_3356 = arith.addi %add3A_3355, %sub3A_3353 : vector<16xi32>
    %lt3A_3357 = arith.constant 99968 : i32
    %lt3A_3358 = vector.broadcast %lt3A_3357 : i32 to vector<16xi32>
    %lt3A_3359 = arith.cmpi slt, %get3A_3340, %lt3A_3358 : vector<16xi32>
    %select_n3A_3360 = arith.select %lt3A_3359, %add3A_3350, %add3A_3356 : vector<16xi1>, vector<16xi32>
    %add3A_3361 = vector.broadcast %add3A_2066 : i32 to vector<16xi32>
    %add3A_3362 = arith.addi %add3A_3361, %select_n3A_3360 : vector<16xi32>
    %swap3A_3363 = arith.constant 1 : i32
    %swap3A_3364 = arith.index_cast %swap3A_3363 : i32 to index
    %swap3A_3365 = arith.constant 656 : index
    %swap3A_3366 = tpu.vector_load %arg6[%swap3A_3364, %swap3A_3365] {strides = array<i32>} : memref<2x1024xi32, #tpu.memory_space<vmem>>, vector<1x16xi32>,
    %swap3A_3367 = vector.shape_cast %swap3A_3366 : vector<1x16xi32> to vector<16xi32>
    %swap3A_3368 = vector.shape_cast %add3A_3362 : vector<16xi32> to vector<1x16xi32>
    tpu.vector_store %arg6[%swap3A_3364, %swap3A_3365], %swap3A_3368 {strides = array<i32>} : memref<2x1024xi32, #tpu.memory_space<vmem>>, vector<1x16xi32>,
    %get3A_3369 = arith.constant 672 : index
    %get3A_3370 = tpu.vector_load %arg5[%get3A_3369] {strides = array<i32>} : memref<1024xi32, #tpu.memory_space<vmem>>, vector<16xi32>,
    %get3A_3371 = vector.shape_cast %get3A_3370 : vector<16xi32> to vector<16xi32>
    %shift_right_arithmetic3A_3372 = arith.constant 7 : i32
    %shift_right_arithmetic3A_3373 = vector.broadcast %shift_right_arithmetic3A_3372 : i32 to vector<16xi32>
    %shift_right_arithmetic3A_3374 = arith.shrsi %get3A_3371, %shift_right_arithmetic3A_3373 : vector<16xi32>
    %shift_left3A_3375 = arith.constant 10 : i32
    %shift_left3A_3376 = vector.broadcast %shift_left3A_3375 : i32 to vector<16xi32>
    %shift_left3A_3377 = arith.shli %shift_right_arithmetic3A_3374, %shift_left3A_3376 : vector<16xi32>
    %and3A_3378 = arith.constant 127 : i32
    %and3A_3379 = vector.broadcast %and3A_3378 : i32 to vector<16xi32>
    %and3A_3380 = arith.andi %get3A_3371, %and3A_3379 : vector<16xi32>
    %add3A_3381 = arith.addi %shift_left3A_3377, %and3A_3380 : vector<16xi32>
    %sub3A_3382 = arith.constant 99968 : i32
    %sub3A_3383 = vector.broadcast %sub3A_3382 : i32 to vector<16xi32>
    %sub3A_3384 = arith.subi %get3A_3371, %sub3A_3383 : vector<16xi32>
    %add3A_3385 = arith.constant 799744 : i32
    %add3A_3386 = vector.broadcast %add3A_3385 : i32 to vector<16xi32>
    %add3A_3387 = arith.addi %add3A_3386, %sub3A_3384 : vector<16xi32>
    %lt3A_3388 = arith.constant 99968 : i32
    %lt3A_3389 = vector.broadcast %lt3A_3388 : i32 to vector<16xi32>
    %lt3A_3390 = arith.cmpi slt, %get3A_3371, %lt3A_3389 : vector<16xi32>
    %select_n3A_3391 = arith.select %lt3A_3390, %add3A_3381, %add3A_3387 : vector<16xi1>, vector<16xi32>
    %add3A_3392 = vector.broadcast %add3A_2066 : i32 to vector<16xi32>
    %add3A_3393 = arith.addi %add3A_3392, %select_n3A_3391 : vector<16xi32>
    %swap3A_3394 = arith.constant 1 : i32
    %swap3A_3395 = arith.index_cast %swap3A_3394 : i32 to index
    %swap3A_3396 = arith.constant 672 : index
    %swap3A_3397 = tpu.vector_load %arg6[%swap3A_3395, %swap3A_3396] {strides = array<i32>} : memref<2x1024xi32, #tpu.memory_space<vmem>>, vector<1x16xi32>,
    %swap3A_3398 = vector.shape_cast %swap3A_3397 : vector<1x16xi32> to vector<16xi32>
    %swap3A_3399 = vector.shape_cast %add3A_3393 : vector<16xi32> to vector<1x16xi32>
    tpu.vector_store %arg6[%swap3A_3395, %swap3A_3396], %swap3A_3399 {strides = array<i32>} : memref<2x1024xi32, #tpu.memory_space<vmem>>, vector<1x16xi32>,
    %get3A_3400 = arith.constant 688 : index
    %get3A_3401 = tpu.vector_load %arg5[%get3A_3400] {strides = array<i32>} : memref<1024xi32, #tpu.memory_space<vmem>>, vector<16xi32>,
    %get3A_3402 = vector.shape_cast %get3A_3401 : vector<16xi32> to vector<16xi32>
    %shift_right_arithmetic3A_3403 = arith.constant 7 : i32
    %shift_right_arithmetic3A_3404 = vector.broadcast %shift_right_arithmetic3A_3403 : i32 to vector<16xi32>
    %shift_right_arithmetic3A_3405 = arith.shrsi %get3A_3402, %shift_right_arithmetic3A_3404 : vector<16xi32>
    %shift_left3A_3406 = arith.constant 10 : i32
    %shift_left3A_3407 = vector.broadcast %shift_left3A_3406 : i32 to vector<16xi32>
    %shift_left3A_3408 = arith.shli %shift_right_arithmetic3A_3405, %shift_left3A_3407 : vector<16xi32>
    %and3A_3409 = arith.constant 127 : i32
    %and3A_3410 = vector.broadcast %and3A_3409 : i32 to vector<16xi32>
    %and3A_3411 = arith.andi %get3A_3402, %and3A_3410 : vector<16xi32>
    %add3A_3412 = arith.addi %shift_left3A_3408, %and3A_3411 : vector<16xi32>
    %sub3A_3413 = arith.constant 99968 : i32
    %sub3A_3414 = vector.broadcast %sub3A_3413 : i32 to vector<16xi32>
    %sub3A_3415 = arith.subi %get3A_3402, %sub3A_3414 : vector<16xi32>
    %add3A_3416 = arith.constant 799744 : i32
    %add3A_3417 = vector.broadcast %add3A_3416 : i32 to vector<16xi32>
    %add3A_3418 = arith.addi %add3A_3417, %sub3A_3415 : vector<16xi32>
    %lt3A_3419 = arith.constant 99968 : i32
    %lt3A_3420 = vector.broadcast %lt3A_3419 : i32 to vector<16xi32>
    %lt3A_3421 = arith.cmpi slt, %get3A_3402, %lt3A_3420 : vector<16xi32>
    %select_n3A_3422 = arith.select %lt3A_3421, %add3A_3412, %add3A_3418 : vector<16xi1>, vector<16xi32>
    %add3A_3423 = vector.broadcast %add3A_2066 : i32 to vector<16xi32>
    %add3A_3424 = arith.addi %add3A_3423, %select_n3A_3422 : vector<16xi32>
    %swap3A_3425 = arith.constant 1 : i32
    %swap3A_3426 = arith.index_cast %swap3A_3425 : i32 to index
    %swap3A_3427 = arith.constant 688 : index
    %swap3A_3428 = tpu.vector_load %arg6[%swap3A_3426, %swap3A_3427] {strides = array<i32>} : memref<2x1024xi32, #tpu.memory_space<vmem>>, vector<1x16xi32>,
    %swap3A_3429 = vector.shape_cast %swap3A_3428 : vector<1x16xi32> to vector<16xi32>
    %swap3A_3430 = vector.shape_cast %add3A_3424 : vector<16xi32> to vector<1x16xi32>
    tpu.vector_store %arg6[%swap3A_3426, %swap3A_3427], %swap3A_3430 {strides = array<i32>} : memref<2x1024xi32, #tpu.memory_space<vmem>>, vector<1x16xi32>,
    %get3A_3431 = arith.constant 704 : index
    %get3A_3432 = tpu.vector_load %arg5[%get3A_3431] {strides = array<i32>} : memref<1024xi32, #tpu.memory_space<vmem>>, vector<16xi32>,
    %get3A_3433 = vector.shape_cast %get3A_3432 : vector<16xi32> to vector<16xi32>
    %shift_right_arithmetic3A_3434 = arith.constant 7 : i32
    %shift_right_arithmetic3A_3435 = vector.broadcast %shift_right_arithmetic3A_3434 : i32 to vector<16xi32>
    %shift_right_arithmetic3A_3436 = arith.shrsi %get3A_3433, %shift_right_arithmetic3A_3435 : vector<16xi32>
    %shift_left3A_3437 = arith.constant 10 : i32
    %shift_left3A_3438 = vector.broadcast %shift_left3A_3437 : i32 to vector<16xi32>
    %shift_left3A_3439 = arith.shli %shift_right_arithmetic3A_3436, %shift_left3A_3438 : vector<16xi32>
    %and3A_3440 = arith.constant 127 : i32
    %and3A_3441 = vector.broadcast %and3A_3440 : i32 to vector<16xi32>
    %and3A_3442 = arith.andi %get3A_3433, %and3A_3441 : vector<16xi32>
    %add3A_3443 = arith.addi %shift_left3A_3439, %and3A_3442 : vector<16xi32>
    %sub3A_3444 = arith.constant 99968 : i32
    %sub3A_3445 = vector.broadcast %sub3A_3444 : i32 to vector<16xi32>
    %sub3A_3446 = arith.subi %get3A_3433, %sub3A_3445 : vector<16xi32>
    %add3A_3447 = arith.constant 799744 : i32
    %add3A_3448 = vector.broadcast %add3A_3447 : i32 to vector<16xi32>
    %add3A_3449 = arith.addi %add3A_3448, %sub3A_3446 : vector<16xi32>
    %lt3A_3450 = arith.constant 99968 : i32
    %lt3A_3451 = vector.broadcast %lt3A_3450 : i32 to vector<16xi32>
    %lt3A_3452 = arith.cmpi slt, %get3A_3433, %lt3A_3451 : vector<16xi32>
    %select_n3A_3453 = arith.select %lt3A_3452, %add3A_3443, %add3A_3449 : vector<16xi1>, vector<16xi32>
    %add3A_3454 = vector.broadcast %add3A_2066 : i32 to vector<16xi32>
    %add3A_3455 = arith.addi %add3A_3454, %select_n3A_3453 : vector<16xi32>
    %swap3A_3456 = arith.constant 1 : i32
    %swap3A_3457 = arith.index_cast %swap3A_3456 : i32 to index
    %swap3A_3458 = arith.constant 704 : index
    %swap3A_3459 = tpu.vector_load %arg6[%swap3A_3457, %swap3A_3458] {strides = array<i32>} : memref<2x1024xi32, #tpu.memory_space<vmem>>, vector<1x16xi32>,
    %swap3A_3460 = vector.shape_cast %swap3A_3459 : vector<1x16xi32> to vector<16xi32>
    %swap3A_3461 = vector.shape_cast %add3A_3455 : vector<16xi32> to vector<1x16xi32>
    tpu.vector_store %arg6[%swap3A_3457, %swap3A_3458], %swap3A_3461 {strides = array<i32>} : memref<2x1024xi32, #tpu.memory_space<vmem>>, vector<1x16xi32>,
    %get3A_3462 = arith.constant 720 : index
    %get3A_3463 = tpu.vector_load %arg5[%get3A_3462] {strides = array<i32>} : memref<1024xi32, #tpu.memory_space<vmem>>, vector<16xi32>,
    %get3A_3464 = vector.shape_cast %get3A_3463 : vector<16xi32> to vector<16xi32>
    %shift_right_arithmetic3A_3465 = arith.constant 7 : i32
    %shift_right_arithmetic3A_3466 = vector.broadcast %shift_right_arithmetic3A_3465 : i32 to vector<16xi32>
    %shift_right_arithmetic3A_3467 = arith.shrsi %get3A_3464, %shift_right_arithmetic3A_3466 : vector<16xi32>
    %shift_left3A_3468 = arith.constant 10 : i32
    %shift_left3A_3469 = vector.broadcast %shift_left3A_3468 : i32 to vector<16xi32>
    %shift_left3A_3470 = arith.shli %shift_right_arithmetic3A_3467, %shift_left3A_3469 : vector<16xi32>
    %and3A_3471 = arith.constant 127 : i32
    %and3A_3472 = vector.broadcast %and3A_3471 : i32 to vector<16xi32>
    %and3A_3473 = arith.andi %get3A_3464, %and3A_3472 : vector<16xi32>
    %add3A_3474 = arith.addi %shift_left3A_3470, %and3A_3473 : vector<16xi32>
    %sub3A_3475 = arith.constant 99968 : i32
    %sub3A_3476 = vector.broadcast %sub3A_3475 : i32 to vector<16xi32>
    %sub3A_3477 = arith.subi %get3A_3464, %sub3A_3476 : vector<16xi32>
    %add3A_3478 = arith.constant 799744 : i32
    %add3A_3479 = vector.broadcast %add3A_3478 : i32 to vector<16xi32>
    %add3A_3480 = arith.addi %add3A_3479, %sub3A_3477 : vector<16xi32>
    %lt3A_3481 = arith.constant 99968 : i32
    %lt3A_3482 = vector.broadcast %lt3A_3481 : i32 to vector<16xi32>
    %lt3A_3483 = arith.cmpi slt, %get3A_3464, %lt3A_3482 : vector<16xi32>
    %select_n3A_3484 = arith.select %lt3A_3483, %add3A_3474, %add3A_3480 : vector<16xi1>, vector<16xi32>
    %add3A_3485 = vector.broadcast %add3A_2066 : i32 to vector<16xi32>
    %add3A_3486 = arith.addi %add3A_3485, %select_n3A_3484 : vector<16xi32>
    %swap3A_3487 = arith.constant 1 : i32
    %swap3A_3488 = arith.index_cast %swap3A_3487 : i32 to index
    %swap3A_3489 = arith.constant 720 : index
    %swap3A_3490 = tpu.vector_load %arg6[%swap3A_3488, %swap3A_3489] {strides = array<i32>} : memref<2x1024xi32, #tpu.memory_space<vmem>>, vector<1x16xi32>,
    %swap3A_3491 = vector.shape_cast %swap3A_3490 : vector<1x16xi32> to vector<16xi32>
    %swap3A_3492 = vector.shape_cast %add3A_3486 : vector<16xi32> to vector<1x16xi32>
    tpu.vector_store %arg6[%swap3A_3488, %swap3A_3489], %swap3A_3492 {strides = array<i32>} : memref<2x1024xi32, #tpu.memory_space<vmem>>, vector<1x16xi32>,
    %get3A_3493 = arith.constant 736 : index
    %get3A_3494 = tpu.vector_load %arg5[%get3A_3493] {strides = array<i32>} : memref<1024xi32, #tpu.memory_space<vmem>>, vector<16xi32>,
    %get3A_3495 = vector.shape_cast %get3A_3494 : vector<16xi32> to vector<16xi32>
    %shift_right_arithmetic3A_3496 = arith.constant 7 : i32
    %shift_right_arithmetic3A_3497 = vector.broadcast %shift_right_arithmetic3A_3496 : i32 to vector<16xi32>
    %shift_right_arithmetic3A_3498 = arith.shrsi %get3A_3495, %shift_right_arithmetic3A_3497 : vector<16xi32>
    %shift_left3A_3499 = arith.constant 10 : i32
    %shift_left3A_3500 = vector.broadcast %shift_left3A_3499 : i32 to vector<16xi32>
    %shift_left3A_3501 = arith.shli %shift_right_arithmetic3A_3498, %shift_left3A_3500 : vector<16xi32>
    %and3A_3502 = arith.constant 127 : i32
    %and3A_3503 = vector.broadcast %and3A_3502 : i32 to vector<16xi32>
    %and3A_3504 = arith.andi %get3A_3495, %and3A_3503 : vector<16xi32>
    %add3A_3505 = arith.addi %shift_left3A_3501, %and3A_3504 : vector<16xi32>
    %sub3A_3506 = arith.constant 99968 : i32
    %sub3A_3507 = vector.broadcast %sub3A_3506 : i32 to vector<16xi32>
    %sub3A_3508 = arith.subi %get3A_3495, %sub3A_3507 : vector<16xi32>
    %add3A_3509 = arith.constant 799744 : i32
    %add3A_3510 = vector.broadcast %add3A_3509 : i32 to vector<16xi32>
    %add3A_3511 = arith.addi %add3A_3510, %sub3A_3508 : vector<16xi32>
    %lt3A_3512 = arith.constant 99968 : i32
    %lt3A_3513 = vector.broadcast %lt3A_3512 : i32 to vector<16xi32>
    %lt3A_3514 = arith.cmpi slt, %get3A_3495, %lt3A_3513 : vector<16xi32>
    %select_n3A_3515 = arith.select %lt3A_3514, %add3A_3505, %add3A_3511 : vector<16xi1>, vector<16xi32>
    %add3A_3516 = vector.broadcast %add3A_2066 : i32 to vector<16xi32>
    %add3A_3517 = arith.addi %add3A_3516, %select_n3A_3515 : vector<16xi32>
    %swap3A_3518 = arith.constant 1 : i32
    %swap3A_3519 = arith.index_cast %swap3A_3518 : i32 to index
    %swap3A_3520 = arith.constant 736 : index
    %swap3A_3521 = tpu.vector_load %arg6[%swap3A_3519, %swap3A_3520] {strides = array<i32>} : memref<2x1024xi32, #tpu.memory_space<vmem>>, vector<1x16xi32>,
    %swap3A_3522 = vector.shape_cast %swap3A_3521 : vector<1x16xi32> to vector<16xi32>
    %swap3A_3523 = vector.shape_cast %add3A_3517 : vector<16xi32> to vector<1x16xi32>
    tpu.vector_store %arg6[%swap3A_3519, %swap3A_3520], %swap3A_3523 {strides = array<i32>} : memref<2x1024xi32, #tpu.memory_space<vmem>>, vector<1x16xi32>,
    %get3A_3524 = arith.constant 752 : index
    %get3A_3525 = tpu.vector_load %arg5[%get3A_3524] {strides = array<i32>} : memref<1024xi32, #tpu.memory_space<vmem>>, vector<16xi32>,
    %get3A_3526 = vector.shape_cast %get3A_3525 : vector<16xi32> to vector<16xi32>
    %shift_right_arithmetic3A_3527 = arith.constant 7 : i32
    %shift_right_arithmetic3A_3528 = vector.broadcast %shift_right_arithmetic3A_3527 : i32 to vector<16xi32>
    %shift_right_arithmetic3A_3529 = arith.shrsi %get3A_3526, %shift_right_arithmetic3A_3528 : vector<16xi32>
    %shift_left3A_3530 = arith.constant 10 : i32
    %shift_left3A_3531 = vector.broadcast %shift_left3A_3530 : i32 to vector<16xi32>
    %shift_left3A_3532 = arith.shli %shift_right_arithmetic3A_3529, %shift_left3A_3531 : vector<16xi32>
    %and3A_3533 = arith.constant 127 : i32
    %and3A_3534 = vector.broadcast %and3A_3533 : i32 to vector<16xi32>
    %and3A_3535 = arith.andi %get3A_3526, %and3A_3534 : vector<16xi32>
    %add3A_3536 = arith.addi %shift_left3A_3532, %and3A_3535 : vector<16xi32>
    %sub3A_3537 = arith.constant 99968 : i32
    %sub3A_3538 = vector.broadcast %sub3A_3537 : i32 to vector<16xi32>
    %sub3A_3539 = arith.subi %get3A_3526, %sub3A_3538 : vector<16xi32>
    %add3A_3540 = arith.constant 799744 : i32
    %add3A_3541 = vector.broadcast %add3A_3540 : i32 to vector<16xi32>
    %add3A_3542 = arith.addi %add3A_3541, %sub3A_3539 : vector<16xi32>
    %lt3A_3543 = arith.constant 99968 : i32
    %lt3A_3544 = vector.broadcast %lt3A_3543 : i32 to vector<16xi32>
    %lt3A_3545 = arith.cmpi slt, %get3A_3526, %lt3A_3544 : vector<16xi32>
    %select_n3A_3546 = arith.select %lt3A_3545, %add3A_3536, %add3A_3542 : vector<16xi1>, vector<16xi32>
    %add3A_3547 = vector.broadcast %add3A_2066 : i32 to vector<16xi32>
    %add3A_3548 = arith.addi %add3A_3547, %select_n3A_3546 : vector<16xi32>
    %swap3A_3549 = arith.constant 1 : i32
    %swap3A_3550 = arith.index_cast %swap3A_3549 : i32 to index
    %swap3A_3551 = arith.constant 752 : index
    %swap3A_3552 = tpu.vector_load %arg6[%swap3A_3550, %swap3A_3551] {strides = array<i32>} : memref<2x1024xi32, #tpu.memory_space<vmem>>, vector<1x16xi32>,
    %swap3A_3553 = vector.shape_cast %swap3A_3552 : vector<1x16xi32> to vector<16xi32>
    %swap3A_3554 = vector.shape_cast %add3A_3548 : vector<16xi32> to vector<1x16xi32>
    tpu.vector_store %arg6[%swap3A_3550, %swap3A_3551], %swap3A_3554 {strides = array<i32>} : memref<2x1024xi32, #tpu.memory_space<vmem>>, vector<1x16xi32>,
    %get3A_3555 = arith.constant 768 : index
    %get3A_3556 = tpu.vector_load %arg5[%get3A_3555] {strides = array<i32>} : memref<1024xi32, #tpu.memory_space<vmem>>, vector<16xi32>,
    %get3A_3557 = vector.shape_cast %get3A_3556 : vector<16xi32> to vector<16xi32>
    %shift_right_arithmetic3A_3558 = arith.constant 7 : i32
    %shift_right_arithmetic3A_3559 = vector.broadcast %shift_right_arithmetic3A_3558 : i32 to vector<16xi32>
    %shift_right_arithmetic3A_3560 = arith.shrsi %get3A_3557, %shift_right_arithmetic3A_3559 : vector<16xi32>
    %shift_left3A_3561 = arith.constant 10 : i32
    %shift_left3A_3562 = vector.broadcast %shift_left3A_3561 : i32 to vector<16xi32>
    %shift_left3A_3563 = arith.shli %shift_right_arithmetic3A_3560, %shift_left3A_3562 : vector<16xi32>
    %and3A_3564 = arith.constant 127 : i32
    %and3A_3565 = vector.broadcast %and3A_3564 : i32 to vector<16xi32>
    %and3A_3566 = arith.andi %get3A_3557, %and3A_3565 : vector<16xi32>
    %add3A_3567 = arith.addi %shift_left3A_3563, %and3A_3566 : vector<16xi32>
    %sub3A_3568 = arith.constant 99968 : i32
    %sub3A_3569 = vector.broadcast %sub3A_3568 : i32 to vector<16xi32>
    %sub3A_3570 = arith.subi %get3A_3557, %sub3A_3569 : vector<16xi32>
    %add3A_3571 = arith.constant 799744 : i32
    %add3A_3572 = vector.broadcast %add3A_3571 : i32 to vector<16xi32>
    %add3A_3573 = arith.addi %add3A_3572, %sub3A_3570 : vector<16xi32>
    %lt3A_3574 = arith.constant 99968 : i32
    %lt3A_3575 = vector.broadcast %lt3A_3574 : i32 to vector<16xi32>
    %lt3A_3576 = arith.cmpi slt, %get3A_3557, %lt3A_3575 : vector<16xi32>
    %select_n3A_3577 = arith.select %lt3A_3576, %add3A_3567, %add3A_3573 : vector<16xi1>, vector<16xi32>
    %add3A_3578 = vector.broadcast %add3A_2066 : i32 to vector<16xi32>
    %add3A_3579 = arith.addi %add3A_3578, %select_n3A_3577 : vector<16xi32>
    %swap3A_3580 = arith.constant 1 : i32
    %swap3A_3581 = arith.index_cast %swap3A_3580 : i32 to index
    %swap3A_3582 = arith.constant 768 : index
    %swap3A_3583 = tpu.vector_load %arg6[%swap3A_3581, %swap3A_3582] {strides = array<i32>} : memref<2x1024xi32, #tpu.memory_space<vmem>>, vector<1x16xi32>,
    %swap3A_3584 = vector.shape_cast %swap3A_3583 : vector<1x16xi32> to vector<16xi32>
    %swap3A_3585 = vector.shape_cast %add3A_3579 : vector<16xi32> to vector<1x16xi32>
    tpu.vector_store %arg6[%swap3A_3581, %swap3A_3582], %swap3A_3585 {strides = array<i32>} : memref<2x1024xi32, #tpu.memory_space<vmem>>, vector<1x16xi32>,
    %get3A_3586 = arith.constant 784 : index
    %get3A_3587 = tpu.vector_load %arg5[%get3A_3586] {strides = array<i32>} : memref<1024xi32, #tpu.memory_space<vmem>>, vector<16xi32>,
    %get3A_3588 = vector.shape_cast %get3A_3587 : vector<16xi32> to vector<16xi32>
    %shift_right_arithmetic3A_3589 = arith.constant 7 : i32
    %shift_right_arithmetic3A_3590 = vector.broadcast %shift_right_arithmetic3A_3589 : i32 to vector<16xi32>
    %shift_right_arithmetic3A_3591 = arith.shrsi %get3A_3588, %shift_right_arithmetic3A_3590 : vector<16xi32>
    %shift_left3A_3592 = arith.constant 10 : i32
    %shift_left3A_3593 = vector.broadcast %shift_left3A_3592 : i32 to vector<16xi32>
    %shift_left3A_3594 = arith.shli %shift_right_arithmetic3A_3591, %shift_left3A_3593 : vector<16xi32>
    %and3A_3595 = arith.constant 127 : i32
    %and3A_3596 = vector.broadcast %and3A_3595 : i32 to vector<16xi32>
    %and3A_3597 = arith.andi %get3A_3588, %and3A_3596 : vector<16xi32>
    %add3A_3598 = arith.addi %shift_left3A_3594, %and3A_3597 : vector<16xi32>
    %sub3A_3599 = arith.constant 99968 : i32
    %sub3A_3600 = vector.broadcast %sub3A_3599 : i32 to vector<16xi32>
    %sub3A_3601 = arith.subi %get3A_3588, %sub3A_3600 : vector<16xi32>
    %add3A_3602 = arith.constant 799744 : i32
    %add3A_3603 = vector.broadcast %add3A_3602 : i32 to vector<16xi32>
    %add3A_3604 = arith.addi %add3A_3603, %sub3A_3601 : vector<16xi32>
    %lt3A_3605 = arith.constant 99968 : i32
    %lt3A_3606 = vector.broadcast %lt3A_3605 : i32 to vector<16xi32>
    %lt3A_3607 = arith.cmpi slt, %get3A_3588, %lt3A_3606 : vector<16xi32>
    %select_n3A_3608 = arith.select %lt3A_3607, %add3A_3598, %add3A_3604 : vector<16xi1>, vector<16xi32>
    %add3A_3609 = vector.broadcast %add3A_2066 : i32 to vector<16xi32>
    %add3A_3610 = arith.addi %add3A_3609, %select_n3A_3608 : vector<16xi32>
    %swap3A_3611 = arith.constant 1 : i32
    %swap3A_3612 = arith.index_cast %swap3A_3611 : i32 to index
    %swap3A_3613 = arith.constant 784 : index
    %swap3A_3614 = tpu.vector_load %arg6[%swap3A_3612, %swap3A_3613] {strides = array<i32>} : memref<2x1024xi32, #tpu.memory_space<vmem>>, vector<1x16xi32>,
    %swap3A_3615 = vector.shape_cast %swap3A_3614 : vector<1x16xi32> to vector<16xi32>
    %swap3A_3616 = vector.shape_cast %add3A_3610 : vector<16xi32> to vector<1x16xi32>
    tpu.vector_store %arg6[%swap3A_3612, %swap3A_3613], %swap3A_3616 {strides = array<i32>} : memref<2x1024xi32, #tpu.memory_space<vmem>>, vector<1x16xi32>,
    %get3A_3617 = arith.constant 800 : index
    %get3A_3618 = tpu.vector_load %arg5[%get3A_3617] {strides = array<i32>} : memref<1024xi32, #tpu.memory_space<vmem>>, vector<16xi32>,
    %get3A_3619 = vector.shape_cast %get3A_3618 : vector<16xi32> to vector<16xi32>
    %shift_right_arithmetic3A_3620 = arith.constant 7 : i32
    %shift_right_arithmetic3A_3621 = vector.broadcast %shift_right_arithmetic3A_3620 : i32 to vector<16xi32>
    %shift_right_arithmetic3A_3622 = arith.shrsi %get3A_3619, %shift_right_arithmetic3A_3621 : vector<16xi32>
    %shift_left3A_3623 = arith.constant 10 : i32
    %shift_left3A_3624 = vector.broadcast %shift_left3A_3623 : i32 to vector<16xi32>
    %shift_left3A_3625 = arith.shli %shift_right_arithmetic3A_3622, %shift_left3A_3624 : vector<16xi32>
    %and3A_3626 = arith.constant 127 : i32
    %and3A_3627 = vector.broadcast %and3A_3626 : i32 to vector<16xi32>
    %and3A_3628 = arith.andi %get3A_3619, %and3A_3627 : vector<16xi32>
    %add3A_3629 = arith.addi %shift_left3A_3625, %and3A_3628 : vector<16xi32>
    %sub3A_3630 = arith.constant 99968 : i32
    %sub3A_3631 = vector.broadcast %sub3A_3630 : i32 to vector<16xi32>
    %sub3A_3632 = arith.subi %get3A_3619, %sub3A_3631 : vector<16xi32>
    %add3A_3633 = arith.constant 799744 : i32
    %add3A_3634 = vector.broadcast %add3A_3633 : i32 to vector<16xi32>
    %add3A_3635 = arith.addi %add3A_3634, %sub3A_3632 : vector<16xi32>
    %lt3A_3636 = arith.constant 99968 : i32
    %lt3A_3637 = vector.broadcast %lt3A_3636 : i32 to vector<16xi32>
    %lt3A_3638 = arith.cmpi slt, %get3A_3619, %lt3A_3637 : vector<16xi32>
    %select_n3A_3639 = arith.select %lt3A_3638, %add3A_3629, %add3A_3635 : vector<16xi1>, vector<16xi32>
    %add3A_3640 = vector.broadcast %add3A_2066 : i32 to vector<16xi32>
    %add3A_3641 = arith.addi %add3A_3640, %select_n3A_3639 : vector<16xi32>
    %swap3A_3642 = arith.constant 1 : i32
    %swap3A_3643 = arith.index_cast %swap3A_3642 : i32 to index
    %swap3A_3644 = arith.constant 800 : index
    %swap3A_3645 = tpu.vector_load %arg6[%swap3A_3643, %swap3A_3644] {strides = array<i32>} : memref<2x1024xi32, #tpu.memory_space<vmem>>, vector<1x16xi32>,
    %swap3A_3646 = vector.shape_cast %swap3A_3645 : vector<1x16xi32> to vector<16xi32>
    %swap3A_3647 = vector.shape_cast %add3A_3641 : vector<16xi32> to vector<1x16xi32>
    tpu.vector_store %arg6[%swap3A_3643, %swap3A_3644], %swap3A_3647 {strides = array<i32>} : memref<2x1024xi32, #tpu.memory_space<vmem>>, vector<1x16xi32>,
    %get3A_3648 = arith.constant 816 : index
    %get3A_3649 = tpu.vector_load %arg5[%get3A_3648] {strides = array<i32>} : memref<1024xi32, #tpu.memory_space<vmem>>, vector<16xi32>,
    %get3A_3650 = vector.shape_cast %get3A_3649 : vector<16xi32> to vector<16xi32>
    %shift_right_arithmetic3A_3651 = arith.constant 7 : i32
    %shift_right_arithmetic3A_3652 = vector.broadcast %shift_right_arithmetic3A_3651 : i32 to vector<16xi32>
    %shift_right_arithmetic3A_3653 = arith.shrsi %get3A_3650, %shift_right_arithmetic3A_3652 : vector<16xi32>
    %shift_left3A_3654 = arith.constant 10 : i32
    %shift_left3A_3655 = vector.broadcast %shift_left3A_3654 : i32 to vector<16xi32>
    %shift_left3A_3656 = arith.shli %shift_right_arithmetic3A_3653, %shift_left3A_3655 : vector<16xi32>
    %and3A_3657 = arith.constant 127 : i32
    %and3A_3658 = vector.broadcast %and3A_3657 : i32 to vector<16xi32>
    %and3A_3659 = arith.andi %get3A_3650, %and3A_3658 : vector<16xi32>
    %add3A_3660 = arith.addi %shift_left3A_3656, %and3A_3659 : vector<16xi32>
    %sub3A_3661 = arith.constant 99968 : i32
    %sub3A_3662 = vector.broadcast %sub3A_3661 : i32 to vector<16xi32>
    %sub3A_3663 = arith.subi %get3A_3650, %sub3A_3662 : vector<16xi32>
    %add3A_3664 = arith.constant 799744 : i32
    %add3A_3665 = vector.broadcast %add3A_3664 : i32 to vector<16xi32>
    %add3A_3666 = arith.addi %add3A_3665, %sub3A_3663 : vector<16xi32>
    %lt3A_3667 = arith.constant 99968 : i32
    %lt3A_3668 = vector.broadcast %lt3A_3667 : i32 to vector<16xi32>
    %lt3A_3669 = arith.cmpi slt, %get3A_3650, %lt3A_3668 : vector<16xi32>
    %select_n3A_3670 = arith.select %lt3A_3669, %add3A_3660, %add3A_3666 : vector<16xi1>, vector<16xi32>
    %add3A_3671 = vector.broadcast %add3A_2066 : i32 to vector<16xi32>
    %add3A_3672 = arith.addi %add3A_3671, %select_n3A_3670 : vector<16xi32>
    %swap3A_3673 = arith.constant 1 : i32
    %swap3A_3674 = arith.index_cast %swap3A_3673 : i32 to index
    %swap3A_3675 = arith.constant 816 : index
    %swap3A_3676 = tpu.vector_load %arg6[%swap3A_3674, %swap3A_3675] {strides = array<i32>} : memref<2x1024xi32, #tpu.memory_space<vmem>>, vector<1x16xi32>,
    %swap3A_3677 = vector.shape_cast %swap3A_3676 : vector<1x16xi32> to vector<16xi32>
    %swap3A_3678 = vector.shape_cast %add3A_3672 : vector<16xi32> to vector<1x16xi32>
    tpu.vector_store %arg6[%swap3A_3674, %swap3A_3675], %swap3A_3678 {strides = array<i32>} : memref<2x1024xi32, #tpu.memory_space<vmem>>, vector<1x16xi32>,
    %get3A_3679 = arith.constant 832 : index
    %get3A_3680 = tpu.vector_load %arg5[%get3A_3679] {strides = array<i32>} : memref<1024xi32, #tpu.memory_space<vmem>>, vector<16xi32>,
    %get3A_3681 = vector.shape_cast %get3A_3680 : vector<16xi32> to vector<16xi32>
    %shift_right_arithmetic3A_3682 = arith.constant 7 : i32
    %shift_right_arithmetic3A_3683 = vector.broadcast %shift_right_arithmetic3A_3682 : i32 to vector<16xi32>
    %shift_right_arithmetic3A_3684 = arith.shrsi %get3A_3681, %shift_right_arithmetic3A_3683 : vector<16xi32>
    %shift_left3A_3685 = arith.constant 10 : i32
    %shift_left3A_3686 = vector.broadcast %shift_left3A_3685 : i32 to vector<16xi32>
    %shift_left3A_3687 = arith.shli %shift_right_arithmetic3A_3684, %shift_left3A_3686 : vector<16xi32>
    %and3A_3688 = arith.constant 127 : i32
    %and3A_3689 = vector.broadcast %and3A_3688 : i32 to vector<16xi32>
    %and3A_3690 = arith.andi %get3A_3681, %and3A_3689 : vector<16xi32>
    %add3A_3691 = arith.addi %shift_left3A_3687, %and3A_3690 : vector<16xi32>
    %sub3A_3692 = arith.constant 99968 : i32
    %sub3A_3693 = vector.broadcast %sub3A_3692 : i32 to vector<16xi32>
    %sub3A_3694 = arith.subi %get3A_3681, %sub3A_3693 : vector<16xi32>
    %add3A_3695 = arith.constant 799744 : i32
    %add3A_3696 = vector.broadcast %add3A_3695 : i32 to vector<16xi32>
    %add3A_3697 = arith.addi %add3A_3696, %sub3A_3694 : vector<16xi32>
    %lt3A_3698 = arith.constant 99968 : i32
    %lt3A_3699 = vector.broadcast %lt3A_3698 : i32 to vector<16xi32>
    %lt3A_3700 = arith.cmpi slt, %get3A_3681, %lt3A_3699 : vector<16xi32>
    %select_n3A_3701 = arith.select %lt3A_3700, %add3A_3691, %add3A_3697 : vector<16xi1>, vector<16xi32>
    %add3A_3702 = vector.broadcast %add3A_2066 : i32 to vector<16xi32>
    %add3A_3703 = arith.addi %add3A_3702, %select_n3A_3701 : vector<16xi32>
    %swap3A_3704 = arith.constant 1 : i32
    %swap3A_3705 = arith.index_cast %swap3A_3704 : i32 to index
    %swap3A_3706 = arith.constant 832 : index
    %swap3A_3707 = tpu.vector_load %arg6[%swap3A_3705, %swap3A_3706] {strides = array<i32>} : memref<2x1024xi32, #tpu.memory_space<vmem>>, vector<1x16xi32>,
    %swap3A_3708 = vector.shape_cast %swap3A_3707 : vector<1x16xi32> to vector<16xi32>
    %swap3A_3709 = vector.shape_cast %add3A_3703 : vector<16xi32> to vector<1x16xi32>
    tpu.vector_store %arg6[%swap3A_3705, %swap3A_3706], %swap3A_3709 {strides = array<i32>} : memref<2x1024xi32, #tpu.memory_space<vmem>>, vector<1x16xi32>,
    %get3A_3710 = arith.constant 848 : index
    %get3A_3711 = tpu.vector_load %arg5[%get3A_3710] {strides = array<i32>} : memref<1024xi32, #tpu.memory_space<vmem>>, vector<16xi32>,
    %get3A_3712 = vector.shape_cast %get3A_3711 : vector<16xi32> to vector<16xi32>
    %shift_right_arithmetic3A_3713 = arith.constant 7 : i32
    %shift_right_arithmetic3A_3714 = vector.broadcast %shift_right_arithmetic3A_3713 : i32 to vector<16xi32>
    %shift_right_arithmetic3A_3715 = arith.shrsi %get3A_3712, %shift_right_arithmetic3A_3714 : vector<16xi32>
    %shift_left3A_3716 = arith.constant 10 : i32
    %shift_left3A_3717 = vector.broadcast %shift_left3A_3716 : i32 to vector<16xi32>
    %shift_left3A_3718 = arith.shli %shift_right_arithmetic3A_3715, %shift_left3A_3717 : vector<16xi32>
    %and3A_3719 = arith.constant 127 : i32
    %and3A_3720 = vector.broadcast %and3A_3719 : i32 to vector<16xi32>
    %and3A_3721 = arith.andi %get3A_3712, %and3A_3720 : vector<16xi32>
    %add3A_3722 = arith.addi %shift_left3A_3718, %and3A_3721 : vector<16xi32>
    %sub3A_3723 = arith.constant 99968 : i32
    %sub3A_3724 = vector.broadcast %sub3A_3723 : i32 to vector<16xi32>
    %sub3A_3725 = arith.subi %get3A_3712, %sub3A_3724 : vector<16xi32>
    %add3A_3726 = arith.constant 799744 : i32
    %add3A_3727 = vector.broadcast %add3A_3726 : i32 to vector<16xi32>
    %add3A_3728 = arith.addi %add3A_3727, %sub3A_3725 : vector<16xi32>
    %lt3A_3729 = arith.constant 99968 : i32
    %lt3A_3730 = vector.broadcast %lt3A_3729 : i32 to vector<16xi32>
    %lt3A_3731 = arith.cmpi slt, %get3A_3712, %lt3A_3730 : vector<16xi32>
    %select_n3A_3732 = arith.select %lt3A_3731, %add3A_3722, %add3A_3728 : vector<16xi1>, vector<16xi32>
    %add3A_3733 = vector.broadcast %add3A_2066 : i32 to vector<16xi32>
    %add3A_3734 = arith.addi %add3A_3733, %select_n3A_3732 : vector<16xi32>
    %swap3A_3735 = arith.constant 1 : i32
    %swap3A_3736 = arith.index_cast %swap3A_3735 : i32 to index
    %swap3A_3737 = arith.constant 848 : index
    %swap3A_3738 = tpu.vector_load %arg6[%swap3A_3736, %swap3A_3737] {strides = array<i32>} : memref<2x1024xi32, #tpu.memory_space<vmem>>, vector<1x16xi32>,
    %swap3A_3739 = vector.shape_cast %swap3A_3738 : vector<1x16xi32> to vector<16xi32>
    %swap3A_3740 = vector.shape_cast %add3A_3734 : vector<16xi32> to vector<1x16xi32>
    tpu.vector_store %arg6[%swap3A_3736, %swap3A_3737], %swap3A_3740 {strides = array<i32>} : memref<2x1024xi32, #tpu.memory_space<vmem>>, vector<1x16xi32>,
    %get3A_3741 = arith.constant 864 : index
    %get3A_3742 = tpu.vector_load %arg5[%get3A_3741] {strides = array<i32>} : memref<1024xi32, #tpu.memory_space<vmem>>, vector<16xi32>,
    %get3A_3743 = vector.shape_cast %get3A_3742 : vector<16xi32> to vector<16xi32>
    %shift_right_arithmetic3A_3744 = arith.constant 7 : i32
    %shift_right_arithmetic3A_3745 = vector.broadcast %shift_right_arithmetic3A_3744 : i32 to vector<16xi32>
    %shift_right_arithmetic3A_3746 = arith.shrsi %get3A_3743, %shift_right_arithmetic3A_3745 : vector<16xi32>
    %shift_left3A_3747 = arith.constant 10 : i32
    %shift_left3A_3748 = vector.broadcast %shift_left3A_3747 : i32 to vector<16xi32>
    %shift_left3A_3749 = arith.shli %shift_right_arithmetic3A_3746, %shift_left3A_3748 : vector<16xi32>
    %and3A_3750 = arith.constant 127 : i32
    %and3A_3751 = vector.broadcast %and3A_3750 : i32 to vector<16xi32>
    %and3A_3752 = arith.andi %get3A_3743, %and3A_3751 : vector<16xi32>
    %add3A_3753 = arith.addi %shift_left3A_3749, %and3A_3752 : vector<16xi32>
    %sub3A_3754 = arith.constant 99968 : i32
    %sub3A_3755 = vector.broadcast %sub3A_3754 : i32 to vector<16xi32>
    %sub3A_3756 = arith.subi %get3A_3743, %sub3A_3755 : vector<16xi32>
    %add3A_3757 = arith.constant 799744 : i32
    %add3A_3758 = vector.broadcast %add3A_3757 : i32 to vector<16xi32>
    %add3A_3759 = arith.addi %add3A_3758, %sub3A_3756 : vector<16xi32>
    %lt3A_3760 = arith.constant 99968 : i32
    %lt3A_3761 = vector.broadcast %lt3A_3760 : i32 to vector<16xi32>
    %lt3A_3762 = arith.cmpi slt, %get3A_3743, %lt3A_3761 : vector<16xi32>
    %select_n3A_3763 = arith.select %lt3A_3762, %add3A_3753, %add3A_3759 : vector<16xi1>, vector<16xi32>
    %add3A_3764 = vector.broadcast %add3A_2066 : i32 to vector<16xi32>
    %add3A_3765 = arith.addi %add3A_3764, %select_n3A_3763 : vector<16xi32>
    %swap3A_3766 = arith.constant 1 : i32
    %swap3A_3767 = arith.index_cast %swap3A_3766 : i32 to index
    %swap3A_3768 = arith.constant 864 : index
    %swap3A_3769 = tpu.vector_load %arg6[%swap3A_3767, %swap3A_3768] {strides = array<i32>} : memref<2x1024xi32, #tpu.memory_space<vmem>>, vector<1x16xi32>,
    %swap3A_3770 = vector.shape_cast %swap3A_3769 : vector<1x16xi32> to vector<16xi32>
    %swap3A_3771 = vector.shape_cast %add3A_3765 : vector<16xi32> to vector<1x16xi32>
    tpu.vector_store %arg6[%swap3A_3767, %swap3A_3768], %swap3A_3771 {strides = array<i32>} : memref<2x1024xi32, #tpu.memory_space<vmem>>, vector<1x16xi32>,
    %get3A_3772 = arith.constant 880 : index
    %get3A_3773 = tpu.vector_load %arg5[%get3A_3772] {strides = array<i32>} : memref<1024xi32, #tpu.memory_space<vmem>>, vector<16xi32>,
    %get3A_3774 = vector.shape_cast %get3A_3773 : vector<16xi32> to vector<16xi32>
    %shift_right_arithmetic3A_3775 = arith.constant 7 : i32
    %shift_right_arithmetic3A_3776 = vector.broadcast %shift_right_arithmetic3A_3775 : i32 to vector<16xi32>
    %shift_right_arithmetic3A_3777 = arith.shrsi %get3A_3774, %shift_right_arithmetic3A_3776 : vector<16xi32>
    %shift_left3A_3778 = arith.constant 10 : i32
    %shift_left3A_3779 = vector.broadcast %shift_left3A_3778 : i32 to vector<16xi32>
    %shift_left3A_3780 = arith.shli %shift_right_arithmetic3A_3777, %shift_left3A_3779 : vector<16xi32>
    %and3A_3781 = arith.constant 127 : i32
    %and3A_3782 = vector.broadcast %and3A_3781 : i32 to vector<16xi32>
    %and3A_3783 = arith.andi %get3A_3774, %and3A_3782 : vector<16xi32>
    %add3A_3784 = arith.addi %shift_left3A_3780, %and3A_3783 : vector<16xi32>
    %sub3A_3785 = arith.constant 99968 : i32
    %sub3A_3786 = vector.broadcast %sub3A_3785 : i32 to vector<16xi32>
    %sub3A_3787 = arith.subi %get3A_3774, %sub3A_3786 : vector<16xi32>
    %add3A_3788 = arith.constant 799744 : i32
    %add3A_3789 = vector.broadcast %add3A_3788 : i32 to vector<16xi32>
    %add3A_3790 = arith.addi %add3A_3789, %sub3A_3787 : vector<16xi32>
    %lt3A_3791 = arith.constant 99968 : i32
    %lt3A_3792 = vector.broadcast %lt3A_3791 : i32 to vector<16xi32>
    %lt3A_3793 = arith.cmpi slt, %get3A_3774, %lt3A_3792 : vector<16xi32>
    %select_n3A_3794 = arith.select %lt3A_3793, %add3A_3784, %add3A_3790 : vector<16xi1>, vector<16xi32>
    %add3A_3795 = vector.broadcast %add3A_2066 : i32 to vector<16xi32>
    %add3A_3796 = arith.addi %add3A_3795, %select_n3A_3794 : vector<16xi32>
    %swap3A_3797 = arith.constant 1 : i32
    %swap3A_3798 = arith.index_cast %swap3A_3797 : i32 to index
    %swap3A_3799 = arith.constant 880 : index
    %swap3A_3800 = tpu.vector_load %arg6[%swap3A_3798, %swap3A_3799] {strides = array<i32>} : memref<2x1024xi32, #tpu.memory_space<vmem>>, vector<1x16xi32>,
    %swap3A_3801 = vector.shape_cast %swap3A_3800 : vector<1x16xi32> to vector<16xi32>
    %swap3A_3802 = vector.shape_cast %add3A_3796 : vector<16xi32> to vector<1x16xi32>
    tpu.vector_store %arg6[%swap3A_3798, %swap3A_3799], %swap3A_3802 {strides = array<i32>} : memref<2x1024xi32, #tpu.memory_space<vmem>>, vector<1x16xi32>,
    %get3A_3803 = arith.constant 896 : index
    %get3A_3804 = tpu.vector_load %arg5[%get3A_3803] {strides = array<i32>} : memref<1024xi32, #tpu.memory_space<vmem>>, vector<16xi32>,
    %get3A_3805 = vector.shape_cast %get3A_3804 : vector<16xi32> to vector<16xi32>
    %shift_right_arithmetic3A_3806 = arith.constant 7 : i32
    %shift_right_arithmetic3A_3807 = vector.broadcast %shift_right_arithmetic3A_3806 : i32 to vector<16xi32>
    %shift_right_arithmetic3A_3808 = arith.shrsi %get3A_3805, %shift_right_arithmetic3A_3807 : vector<16xi32>
    %shift_left3A_3809 = arith.constant 10 : i32
    %shift_left3A_3810 = vector.broadcast %shift_left3A_3809 : i32 to vector<16xi32>
    %shift_left3A_3811 = arith.shli %shift_right_arithmetic3A_3808, %shift_left3A_3810 : vector<16xi32>
    %and3A_3812 = arith.constant 127 : i32
    %and3A_3813 = vector.broadcast %and3A_3812 : i32 to vector<16xi32>
    %and3A_3814 = arith.andi %get3A_3805, %and3A_3813 : vector<16xi32>
    %add3A_3815 = arith.addi %shift_left3A_3811, %and3A_3814 : vector<16xi32>
    %sub3A_3816 = arith.constant 99968 : i32
    %sub3A_3817 = vector.broadcast %sub3A_3816 : i32 to vector<16xi32>
    %sub3A_3818 = arith.subi %get3A_3805, %sub3A_3817 : vector<16xi32>
    %add3A_3819 = arith.constant 799744 : i32
    %add3A_3820 = vector.broadcast %add3A_3819 : i32 to vector<16xi32>
    %add3A_3821 = arith.addi %add3A_3820, %sub3A_3818 : vector<16xi32>
    %lt3A_3822 = arith.constant 99968 : i32
    %lt3A_3823 = vector.broadcast %lt3A_3822 : i32 to vector<16xi32>
    %lt3A_3824 = arith.cmpi slt, %get3A_3805, %lt3A_3823 : vector<16xi32>
    %select_n3A_3825 = arith.select %lt3A_3824, %add3A_3815, %add3A_3821 : vector<16xi1>, vector<16xi32>
    %add3A_3826 = vector.broadcast %add3A_2066 : i32 to vector<16xi32>
    %add3A_3827 = arith.addi %add3A_3826, %select_n3A_3825 : vector<16xi32>
    %swap3A_3828 = arith.constant 1 : i32
    %swap3A_3829 = arith.index_cast %swap3A_3828 : i32 to index
    %swap3A_3830 = arith.constant 896 : index
    %swap3A_3831 = tpu.vector_load %arg6[%swap3A_3829, %swap3A_3830] {strides = array<i32>} : memref<2x1024xi32, #tpu.memory_space<vmem>>, vector<1x16xi32>,
    %swap3A_3832 = vector.shape_cast %swap3A_3831 : vector<1x16xi32> to vector<16xi32>
    %swap3A_3833 = vector.shape_cast %add3A_3827 : vector<16xi32> to vector<1x16xi32>
    tpu.vector_store %arg6[%swap3A_3829, %swap3A_3830], %swap3A_3833 {strides = array<i32>} : memref<2x1024xi32, #tpu.memory_space<vmem>>, vector<1x16xi32>,
    %get3A_3834 = arith.constant 912 : index
    %get3A_3835 = tpu.vector_load %arg5[%get3A_3834] {strides = array<i32>} : memref<1024xi32, #tpu.memory_space<vmem>>, vector<16xi32>,
    %get3A_3836 = vector.shape_cast %get3A_3835 : vector<16xi32> to vector<16xi32>
    %shift_right_arithmetic3A_3837 = arith.constant 7 : i32
    %shift_right_arithmetic3A_3838 = vector.broadcast %shift_right_arithmetic3A_3837 : i32 to vector<16xi32>
    %shift_right_arithmetic3A_3839 = arith.shrsi %get3A_3836, %shift_right_arithmetic3A_3838 : vector<16xi32>
    %shift_left3A_3840 = arith.constant 10 : i32
    %shift_left3A_3841 = vector.broadcast %shift_left3A_3840 : i32 to vector<16xi32>
    %shift_left3A_3842 = arith.shli %shift_right_arithmetic3A_3839, %shift_left3A_3841 : vector<16xi32>
    %and3A_3843 = arith.constant 127 : i32
    %and3A_3844 = vector.broadcast %and3A_3843 : i32 to vector<16xi32>
    %and3A_3845 = arith.andi %get3A_3836, %and3A_3844 : vector<16xi32>
    %add3A_3846 = arith.addi %shift_left3A_3842, %and3A_3845 : vector<16xi32>
    %sub3A_3847 = arith.constant 99968 : i32
    %sub3A_3848 = vector.broadcast %sub3A_3847 : i32 to vector<16xi32>
    %sub3A_3849 = arith.subi %get3A_3836, %sub3A_3848 : vector<16xi32>
    %add3A_3850 = arith.constant 799744 : i32
    %add3A_3851 = vector.broadcast %add3A_3850 : i32 to vector<16xi32>
    %add3A_3852 = arith.addi %add3A_3851, %sub3A_3849 : vector<16xi32>
    %lt3A_3853 = arith.constant 99968 : i32
    %lt3A_3854 = vector.broadcast %lt3A_3853 : i32 to vector<16xi32>
    %lt3A_3855 = arith.cmpi slt, %get3A_3836, %lt3A_3854 : vector<16xi32>
    %select_n3A_3856 = arith.select %lt3A_3855, %add3A_3846, %add3A_3852 : vector<16xi1>, vector<16xi32>
    %add3A_3857 = vector.broadcast %add3A_2066 : i32 to vector<16xi32>
    %add3A_3858 = arith.addi %add3A_3857, %select_n3A_3856 : vector<16xi32>
    %swap3A_3859 = arith.constant 1 : i32
    %swap3A_3860 = arith.index_cast %swap3A_3859 : i32 to index
    %swap3A_3861 = arith.constant 912 : index
    %swap3A_3862 = tpu.vector_load %arg6[%swap3A_3860, %swap3A_3861] {strides = array<i32>} : memref<2x1024xi32, #tpu.memory_space<vmem>>, vector<1x16xi32>,
    %swap3A_3863 = vector.shape_cast %swap3A_3862 : vector<1x16xi32> to vector<16xi32>
    %swap3A_3864 = vector.shape_cast %add3A_3858 : vector<16xi32> to vector<1x16xi32>
    tpu.vector_store %arg6[%swap3A_3860, %swap3A_3861], %swap3A_3864 {strides = array<i32>} : memref<2x1024xi32, #tpu.memory_space<vmem>>, vector<1x16xi32>,
    %get3A_3865 = arith.constant 928 : index
    %get3A_3866 = tpu.vector_load %arg5[%get3A_3865] {strides = array<i32>} : memref<1024xi32, #tpu.memory_space<vmem>>, vector<16xi32>,
    %get3A_3867 = vector.shape_cast %get3A_3866 : vector<16xi32> to vector<16xi32>
    %shift_right_arithmetic3A_3868 = arith.constant 7 : i32
    %shift_right_arithmetic3A_3869 = vector.broadcast %shift_right_arithmetic3A_3868 : i32 to vector<16xi32>
    %shift_right_arithmetic3A_3870 = arith.shrsi %get3A_3867, %shift_right_arithmetic3A_3869 : vector<16xi32>
    %shift_left3A_3871 = arith.constant 10 : i32
    %shift_left3A_3872 = vector.broadcast %shift_left3A_3871 : i32 to vector<16xi32>
    %shift_left3A_3873 = arith.shli %shift_right_arithmetic3A_3870, %shift_left3A_3872 : vector<16xi32>
    %and3A_3874 = arith.constant 127 : i32
    %and3A_3875 = vector.broadcast %and3A_3874 : i32 to vector<16xi32>
    %and3A_3876 = arith.andi %get3A_3867, %and3A_3875 : vector<16xi32>
    %add3A_3877 = arith.addi %shift_left3A_3873, %and3A_3876 : vector<16xi32>
    %sub3A_3878 = arith.constant 99968 : i32
    %sub3A_3879 = vector.broadcast %sub3A_3878 : i32 to vector<16xi32>
    %sub3A_3880 = arith.subi %get3A_3867, %sub3A_3879 : vector<16xi32>
    %add3A_3881 = arith.constant 799744 : i32
    %add3A_3882 = vector.broadcast %add3A_3881 : i32 to vector<16xi32>
    %add3A_3883 = arith.addi %add3A_3882, %sub3A_3880 : vector<16xi32>
    %lt3A_3884 = arith.constant 99968 : i32
    %lt3A_3885 = vector.broadcast %lt3A_3884 : i32 to vector<16xi32>
    %lt3A_3886 = arith.cmpi slt, %get3A_3867, %lt3A_3885 : vector<16xi32>
    %select_n3A_3887 = arith.select %lt3A_3886, %add3A_3877, %add3A_3883 : vector<16xi1>, vector<16xi32>
    %add3A_3888 = vector.broadcast %add3A_2066 : i32 to vector<16xi32>
    %add3A_3889 = arith.addi %add3A_3888, %select_n3A_3887 : vector<16xi32>
    %swap3A_3890 = arith.constant 1 : i32
    %swap3A_3891 = arith.index_cast %swap3A_3890 : i32 to index
    %swap3A_3892 = arith.constant 928 : index
    %swap3A_3893 = tpu.vector_load %arg6[%swap3A_3891, %swap3A_3892] {strides = array<i32>} : memref<2x1024xi32, #tpu.memory_space<vmem>>, vector<1x16xi32>,
    %swap3A_3894 = vector.shape_cast %swap3A_3893 : vector<1x16xi32> to vector<16xi32>
    %swap3A_3895 = vector.shape_cast %add3A_3889 : vector<16xi32> to vector<1x16xi32>
    tpu.vector_store %arg6[%swap3A_3891, %swap3A_3892], %swap3A_3895 {strides = array<i32>} : memref<2x1024xi32, #tpu.memory_space<vmem>>, vector<1x16xi32>,
    %get3A_3896 = arith.constant 944 : index
    %get3A_3897 = tpu.vector_load %arg5[%get3A_3896] {strides = array<i32>} : memref<1024xi32, #tpu.memory_space<vmem>>, vector<16xi32>,
    %get3A_3898 = vector.shape_cast %get3A_3897 : vector<16xi32> to vector<16xi32>
    %shift_right_arithmetic3A_3899 = arith.constant 7 : i32
    %shift_right_arithmetic3A_3900 = vector.broadcast %shift_right_arithmetic3A_3899 : i32 to vector<16xi32>
    %shift_right_arithmetic3A_3901 = arith.shrsi %get3A_3898, %shift_right_arithmetic3A_3900 : vector<16xi32>
    %shift_left3A_3902 = arith.constant 10 : i32
    %shift_left3A_3903 = vector.broadcast %shift_left3A_3902 : i32 to vector<16xi32>
    %shift_left3A_3904 = arith.shli %shift_right_arithmetic3A_3901, %shift_left3A_3903 : vector<16xi32>
    %and3A_3905 = arith.constant 127 : i32
    %and3A_3906 = vector.broadcast %and3A_3905 : i32 to vector<16xi32>
    %and3A_3907 = arith.andi %get3A_3898, %and3A_3906 : vector<16xi32>
    %add3A_3908 = arith.addi %shift_left3A_3904, %and3A_3907 : vector<16xi32>
    %sub3A_3909 = arith.constant 99968 : i32
    %sub3A_3910 = vector.broadcast %sub3A_3909 : i32 to vector<16xi32>
    %sub3A_3911 = arith.subi %get3A_3898, %sub3A_3910 : vector<16xi32>
    %add3A_3912 = arith.constant 799744 : i32
    %add3A_3913 = vector.broadcast %add3A_3912 : i32 to vector<16xi32>
    %add3A_3914 = arith.addi %add3A_3913, %sub3A_3911 : vector<16xi32>
    %lt3A_3915 = arith.constant 99968 : i32
    %lt3A_3916 = vector.broadcast %lt3A_3915 : i32 to vector<16xi32>
    %lt3A_3917 = arith.cmpi slt, %get3A_3898, %lt3A_3916 : vector<16xi32>
    %select_n3A_3918 = arith.select %lt3A_3917, %add3A_3908, %add3A_3914 : vector<16xi1>, vector<16xi32>
    %add3A_3919 = vector.broadcast %add3A_2066 : i32 to vector<16xi32>
    %add3A_3920 = arith.addi %add3A_3919, %select_n3A_3918 : vector<16xi32>
    %swap3A_3921 = arith.constant 1 : i32
    %swap3A_3922 = arith.index_cast %swap3A_3921 : i32 to index
    %swap3A_3923 = arith.constant 944 : index
    %swap3A_3924 = tpu.vector_load %arg6[%swap3A_3922, %swap3A_3923] {strides = array<i32>} : memref<2x1024xi32, #tpu.memory_space<vmem>>, vector<1x16xi32>,
    %swap3A_3925 = vector.shape_cast %swap3A_3924 : vector<1x16xi32> to vector<16xi32>
    %swap3A_3926 = vector.shape_cast %add3A_3920 : vector<16xi32> to vector<1x16xi32>
    tpu.vector_store %arg6[%swap3A_3922, %swap3A_3923], %swap3A_3926 {strides = array<i32>} : memref<2x1024xi32, #tpu.memory_space<vmem>>, vector<1x16xi32>,
    %get3A_3927 = arith.constant 960 : index
    %get3A_3928 = tpu.vector_load %arg5[%get3A_3927] {strides = array<i32>} : memref<1024xi32, #tpu.memory_space<vmem>>, vector<16xi32>,
    %get3A_3929 = vector.shape_cast %get3A_3928 : vector<16xi32> to vector<16xi32>
    %shift_right_arithmetic3A_3930 = arith.constant 7 : i32
    %shift_right_arithmetic3A_3931 = vector.broadcast %shift_right_arithmetic3A_3930 : i32 to vector<16xi32>
    %shift_right_arithmetic3A_3932 = arith.shrsi %get3A_3929, %shift_right_arithmetic3A_3931 : vector<16xi32>
    %shift_left3A_3933 = arith.constant 10 : i32
    %shift_left3A_3934 = vector.broadcast %shift_left3A_3933 : i32 to vector<16xi32>
    %shift_left3A_3935 = arith.shli %shift_right_arithmetic3A_3932, %shift_left3A_3934 : vector<16xi32>
    %and3A_3936 = arith.constant 127 : i32
    %and3A_3937 = vector.broadcast %and3A_3936 : i32 to vector<16xi32>
    %and3A_3938 = arith.andi %get3A_3929, %and3A_3937 : vector<16xi32>
    %add3A_3939 = arith.addi %shift_left3A_3935, %and3A_3938 : vector<16xi32>
    %sub3A_3940 = arith.constant 99968 : i32
    %sub3A_3941 = vector.broadcast %sub3A_3940 : i32 to vector<16xi32>
    %sub3A_3942 = arith.subi %get3A_3929, %sub3A_3941 : vector<16xi32>
    %add3A_3943 = arith.constant 799744 : i32
    %add3A_3944 = vector.broadcast %add3A_3943 : i32 to vector<16xi32>
    %add3A_3945 = arith.addi %add3A_3944, %sub3A_3942 : vector<16xi32>
    %lt3A_3946 = arith.constant 99968 : i32
    %lt3A_3947 = vector.broadcast %lt3A_3946 : i32 to vector<16xi32>
    %lt3A_3948 = arith.cmpi slt, %get3A_3929, %lt3A_3947 : vector<16xi32>
    %select_n3A_3949 = arith.select %lt3A_3948, %add3A_3939, %add3A_3945 : vector<16xi1>, vector<16xi32>
    %add3A_3950 = vector.broadcast %add3A_2066 : i32 to vector<16xi32>
    %add3A_3951 = arith.addi %add3A_3950, %select_n3A_3949 : vector<16xi32>
    %swap3A_3952 = arith.constant 1 : i32
    %swap3A_3953 = arith.index_cast %swap3A_3952 : i32 to index
    %swap3A_3954 = arith.constant 960 : index
    %swap3A_3955 = tpu.vector_load %arg6[%swap3A_3953, %swap3A_3954] {strides = array<i32>} : memref<2x1024xi32, #tpu.memory_space<vmem>>, vector<1x16xi32>,
    %swap3A_3956 = vector.shape_cast %swap3A_3955 : vector<1x16xi32> to vector<16xi32>
    %swap3A_3957 = vector.shape_cast %add3A_3951 : vector<16xi32> to vector<1x16xi32>
    tpu.vector_store %arg6[%swap3A_3953, %swap3A_3954], %swap3A_3957 {strides = array<i32>} : memref<2x1024xi32, #tpu.memory_space<vmem>>, vector<1x16xi32>,
    %get3A_3958 = arith.constant 976 : index
    %get3A_3959 = tpu.vector_load %arg5[%get3A_3958] {strides = array<i32>} : memref<1024xi32, #tpu.memory_space<vmem>>, vector<16xi32>,
    %get3A_3960 = vector.shape_cast %get3A_3959 : vector<16xi32> to vector<16xi32>
    %shift_right_arithmetic3A_3961 = arith.constant 7 : i32
    %shift_right_arithmetic3A_3962 = vector.broadcast %shift_right_arithmetic3A_3961 : i32 to vector<16xi32>
    %shift_right_arithmetic3A_3963 = arith.shrsi %get3A_3960, %shift_right_arithmetic3A_3962 : vector<16xi32>
    %shift_left3A_3964 = arith.constant 10 : i32
    %shift_left3A_3965 = vector.broadcast %shift_left3A_3964 : i32 to vector<16xi32>
    %shift_left3A_3966 = arith.shli %shift_right_arithmetic3A_3963, %shift_left3A_3965 : vector<16xi32>
    %and3A_3967 = arith.constant 127 : i32
    %and3A_3968 = vector.broadcast %and3A_3967 : i32 to vector<16xi32>
    %and3A_3969 = arith.andi %get3A_3960, %and3A_3968 : vector<16xi32>
    %add3A_3970 = arith.addi %shift_left3A_3966, %and3A_3969 : vector<16xi32>
    %sub3A_3971 = arith.constant 99968 : i32
    %sub3A_3972 = vector.broadcast %sub3A_3971 : i32 to vector<16xi32>
    %sub3A_3973 = arith.subi %get3A_3960, %sub3A_3972 : vector<16xi32>
    %add3A_3974 = arith.constant 799744 : i32
    %add3A_3975 = vector.broadcast %add3A_3974 : i32 to vector<16xi32>
    %add3A_3976 = arith.addi %add3A_3975, %sub3A_3973 : vector<16xi32>
    %lt3A_3977 = arith.constant 99968 : i32
    %lt3A_3978 = vector.broadcast %lt3A_3977 : i32 to vector<16xi32>
    %lt3A_3979 = arith.cmpi slt, %get3A_3960, %lt3A_3978 : vector<16xi32>
    %select_n3A_3980 = arith.select %lt3A_3979, %add3A_3970, %add3A_3976 : vector<16xi1>, vector<16xi32>
    %add3A_3981 = vector.broadcast %add3A_2066 : i32 to vector<16xi32>
    %add3A_3982 = arith.addi %add3A_3981, %select_n3A_3980 : vector<16xi32>
    %swap3A_3983 = arith.constant 1 : i32
    %swap3A_3984 = arith.index_cast %swap3A_3983 : i32 to index
    %swap3A_3985 = arith.constant 976 : index
    %swap3A_3986 = tpu.vector_load %arg6[%swap3A_3984, %swap3A_3985] {strides = array<i32>} : memref<2x1024xi32, #tpu.memory_space<vmem>>, vector<1x16xi32>,
    %swap3A_3987 = vector.shape_cast %swap3A_3986 : vector<1x16xi32> to vector<16xi32>
    %swap3A_3988 = vector.shape_cast %add3A_3982 : vector<16xi32> to vector<1x16xi32>
    tpu.vector_store %arg6[%swap3A_3984, %swap3A_3985], %swap3A_3988 {strides = array<i32>} : memref<2x1024xi32, #tpu.memory_space<vmem>>, vector<1x16xi32>,
    %get3A_3989 = arith.constant 992 : index
    %get3A_3990 = tpu.vector_load %arg5[%get3A_3989] {strides = array<i32>} : memref<1024xi32, #tpu.memory_space<vmem>>, vector<16xi32>,
    %get3A_3991 = vector.shape_cast %get3A_3990 : vector<16xi32> to vector<16xi32>
    %shift_right_arithmetic3A_3992 = arith.constant 7 : i32
    %shift_right_arithmetic3A_3993 = vector.broadcast %shift_right_arithmetic3A_3992 : i32 to vector<16xi32>
    %shift_right_arithmetic3A_3994 = arith.shrsi %get3A_3991, %shift_right_arithmetic3A_3993 : vector<16xi32>
    %shift_left3A_3995 = arith.constant 10 : i32
    %shift_left3A_3996 = vector.broadcast %shift_left3A_3995 : i32 to vector<16xi32>
    %shift_left3A_3997 = arith.shli %shift_right_arithmetic3A_3994, %shift_left3A_3996 : vector<16xi32>
    %and3A_3998 = arith.constant 127 : i32
    %and3A_3999 = vector.broadcast %and3A_3998 : i32 to vector<16xi32>
    %and3A_4000 = arith.andi %get3A_3991, %and3A_3999 : vector<16xi32>
    %add3A_4001 = arith.addi %shift_left3A_3997, %and3A_4000 : vector<16xi32>
    %sub3A_4002 = arith.constant 99968 : i32
    %sub3A_4003 = vector.broadcast %sub3A_4002 : i32 to vector<16xi32>
    %sub3A_4004 = arith.subi %get3A_3991, %sub3A_4003 : vector<16xi32>
    %add3A_4005 = arith.constant 799744 : i32
    %add3A_4006 = vector.broadcast %add3A_4005 : i32 to vector<16xi32>
    %add3A_4007 = arith.addi %add3A_4006, %sub3A_4004 : vector<16xi32>
    %lt3A_4008 = arith.constant 99968 : i32
    %lt3A_4009 = vector.broadcast %lt3A_4008 : i32 to vector<16xi32>
    %lt3A_4010 = arith.cmpi slt, %get3A_3991, %lt3A_4009 : vector<16xi32>
    %select_n3A_4011 = arith.select %lt3A_4010, %add3A_4001, %add3A_4007 : vector<16xi1>, vector<16xi32>
    %add3A_4012 = vector.broadcast %add3A_2066 : i32 to vector<16xi32>
    %add3A_4013 = arith.addi %add3A_4012, %select_n3A_4011 : vector<16xi32>
    %swap3A_4014 = arith.constant 1 : i32
    %swap3A_4015 = arith.index_cast %swap3A_4014 : i32 to index
    %swap3A_4016 = arith.constant 992 : index
    %swap3A_4017 = tpu.vector_load %arg6[%swap3A_4015, %swap3A_4016] {strides = array<i32>} : memref<2x1024xi32, #tpu.memory_space<vmem>>, vector<1x16xi32>,
    %swap3A_4018 = vector.shape_cast %swap3A_4017 : vector<1x16xi32> to vector<16xi32>
    %swap3A_4019 = vector.shape_cast %add3A_4013 : vector<16xi32> to vector<1x16xi32>
    tpu.vector_store %arg6[%swap3A_4015, %swap3A_4016], %swap3A_4019 {strides = array<i32>} : memref<2x1024xi32, #tpu.memory_space<vmem>>, vector<1x16xi32>,
    %get3A_4020 = arith.constant 1008 : index
    %get3A_4021 = tpu.vector_load %arg5[%get3A_4020] {strides = array<i32>} : memref<1024xi32, #tpu.memory_space<vmem>>, vector<16xi32>,
    %get3A_4022 = vector.shape_cast %get3A_4021 : vector<16xi32> to vector<16xi32>
    %shift_right_arithmetic3A_4023 = arith.constant 7 : i32
    %shift_right_arithmetic3A_4024 = vector.broadcast %shift_right_arithmetic3A_4023 : i32 to vector<16xi32>
    %shift_right_arithmetic3A_4025 = arith.shrsi %get3A_4022, %shift_right_arithmetic3A_4024 : vector<16xi32>
    %shift_left3A_4026 = arith.constant 10 : i32
    %shift_left3A_4027 = vector.broadcast %shift_left3A_4026 : i32 to vector<16xi32>
    %shift_left3A_4028 = arith.shli %shift_right_arithmetic3A_4025, %shift_left3A_4027 : vector<16xi32>
    %and3A_4029 = arith.constant 127 : i32
    %and3A_4030 = vector.broadcast %and3A_4029 : i32 to vector<16xi32>
    %and3A_4031 = arith.andi %get3A_4022, %and3A_4030 : vector<16xi32>
    %add3A_4032 = arith.addi %shift_left3A_4028, %and3A_4031 : vector<16xi32>
    %sub3A_4033 = arith.constant 99968 : i32
    %sub3A_4034 = vector.broadcast %sub3A_4033 : i32 to vector<16xi32>
    %sub3A_4035 = arith.subi %get3A_4022, %sub3A_4034 : vector<16xi32>
    %add3A_4036 = arith.constant 799744 : i32
    %add3A_4037 = vector.broadcast %add3A_4036 : i32 to vector<16xi32>
    %add3A_4038 = arith.addi %add3A_4037, %sub3A_4035 : vector<16xi32>
    %lt3A_4039 = arith.constant 99968 : i32
    %lt3A_4040 = vector.broadcast %lt3A_4039 : i32 to vector<16xi32>
    %lt3A_4041 = arith.cmpi slt, %get3A_4022, %lt3A_4040 : vector<16xi32>
    %select_n3A_4042 = arith.select %lt3A_4041, %add3A_4032, %add3A_4038 : vector<16xi1>, vector<16xi32>
    %add3A_4043 = vector.broadcast %add3A_2066 : i32 to vector<16xi32>
    %add3A_4044 = arith.addi %add3A_4043, %select_n3A_4042 : vector<16xi32>
    %swap3A_4045 = arith.constant 1 : i32
    %swap3A_4046 = arith.index_cast %swap3A_4045 : i32 to index
    %swap3A_4047 = arith.constant 1008 : index
    %swap3A_4048 = tpu.vector_load %arg6[%swap3A_4046, %swap3A_4047] {strides = array<i32>} : memref<2x1024xi32, #tpu.memory_space<vmem>>, vector<1x16xi32>,
    %swap3A_4049 = vector.shape_cast %swap3A_4048 : vector<1x16xi32> to vector<16xi32>
    %swap3A_4050 = vector.shape_cast %add3A_4044 : vector<16xi32> to vector<1x16xi32>
    tpu.vector_store %arg6[%swap3A_4046, %swap3A_4047], %swap3A_4050 {strides = array<i32>} : memref<2x1024xi32, #tpu.memory_space<vmem>>, vector<1x16xi32>,
    %dma_start3A = arith.constant 0 : i32
    %dma_start3A_4051 = arith.constant 0 : i32
    %dma_start3A_4052 = arith.constant 0 : i32
    %dma_start3A_4053 = tpu.memref_slice %arg7[%dma_start3A_4051, %dma_start3A_4052] : memref<2x1024xf32, #tpu.memory_space<vmem>> -> memref<1x128xf32, #tpu.memory_space<vmem>>
    %dma_start3A_4054 = tpu.memref_squeeze %dma_start3A_4053 : memref<1x128xf32, #tpu.memory_space<vmem>> -> memref<128xf32, #tpu.memory_space<vmem>>
    %dma_start3A_4055 = arith.constant 0 : i32
    %dma_start3A_4056 = tpu.memref_slice %arg6[%dma_start3A, %dma_start3A_4055] : memref<2x1024xi32, #tpu.memory_space<vmem>> -> memref<1x128xi32, #tpu.memory_space<vmem>>
    %dma_start3A_4057 = tpu.memref_squeeze %dma_start3A_4056 : memref<1x128xi32, #tpu.memory_space<vmem>> -> memref<128xi32, #tpu.memory_space<vmem>>
    %dma_start3A_4058 = arith.constant 0 : i32
    %dma_start3A_4059 = tpu.memref_slice %arg2[%dma_start3A_4058] : memref<6406144xf32, #tpu.memory_space<hbm>> -> memref<6406144xf32, #tpu.memory_space<hbm>>
    tpu.enqueue_indirect_dma source(%dma_start3A_4059 : memref<6406144xf32, #tpu.memory_space<hbm>>) target(%dma_start3A_4054 : memref<128xf32, #tpu.memory_space<vmem>>) offsets(%dma_start3A_4057 : memref<128xi32, #tpu.memory_space<vmem>>) semaphore(%arg8 : memref<!tpu.dma_semaphore, #tpu.memory_space<semaphore_mem>>)
    %dma_start3A_4060 = arith.constant 0 : i32
    %dma_start3A_4061 = arith.constant 0 : i32
    %dma_start3A_4062 = arith.constant 128 : i32
    %dma_start3A_4063 = tpu.memref_slice %arg7[%dma_start3A_4061, %dma_start3A_4062] : memref<2x1024xf32, #tpu.memory_space<vmem>> -> memref<1x128xf32, #tpu.memory_space<vmem>>
    %dma_start3A_4064 = tpu.memref_squeeze %dma_start3A_4063 : memref<1x128xf32, #tpu.memory_space<vmem>> -> memref<128xf32, #tpu.memory_space<vmem>>
    %dma_start3A_4065 = arith.constant 128 : i32
    %dma_start3A_4066 = tpu.memref_slice %arg6[%dma_start3A_4060, %dma_start3A_4065] : memref<2x1024xi32, #tpu.memory_space<vmem>> -> memref<1x128xi32, #tpu.memory_space<vmem>>
    %dma_start3A_4067 = tpu.memref_squeeze %dma_start3A_4066 : memref<1x128xi32, #tpu.memory_space<vmem>> -> memref<128xi32, #tpu.memory_space<vmem>>
    %dma_start3A_4068 = arith.constant 0 : i32
    %dma_start3A_4069 = tpu.memref_slice %arg2[%dma_start3A_4068] : memref<6406144xf32, #tpu.memory_space<hbm>> -> memref<6406144xf32, #tpu.memory_space<hbm>>
    tpu.enqueue_indirect_dma source(%dma_start3A_4069 : memref<6406144xf32, #tpu.memory_space<hbm>>) target(%dma_start3A_4064 : memref<128xf32, #tpu.memory_space<vmem>>) offsets(%dma_start3A_4067 : memref<128xi32, #tpu.memory_space<vmem>>) semaphore(%arg8 : memref<!tpu.dma_semaphore, #tpu.memory_space<semaphore_mem>>)
    %dma_start3A_4070 = arith.constant 0 : i32
    %dma_start3A_4071 = arith.constant 0 : i32
    %dma_start3A_4072 = arith.constant 256 : i32
    %dma_start3A_4073 = tpu.memref_slice %arg7[%dma_start3A_4071, %dma_start3A_4072] : memref<2x1024xf32, #tpu.memory_space<vmem>> -> memref<1x128xf32, #tpu.memory_space<vmem>>
    %dma_start3A_4074 = tpu.memref_squeeze %dma_start3A_4073 : memref<1x128xf32, #tpu.memory_space<vmem>> -> memref<128xf32, #tpu.memory_space<vmem>>
    %dma_start3A_4075 = arith.constant 256 : i32
    %dma_start3A_4076 = tpu.memref_slice %arg6[%dma_start3A_4070, %dma_start3A_4075] : memref<2x1024xi32, #tpu.memory_space<vmem>> -> memref<1x128xi32, #tpu.memory_space<vmem>>
    %dma_start3A_4077 = tpu.memref_squeeze %dma_start3A_4076 : memref<1x128xi32, #tpu.memory_space<vmem>> -> memref<128xi32, #tpu.memory_space<vmem>>
    %dma_start3A_4078 = arith.constant 0 : i32
    %dma_start3A_4079 = tpu.memref_slice %arg2[%dma_start3A_4078] : memref<6406144xf32, #tpu.memory_space<hbm>> -> memref<6406144xf32, #tpu.memory_space<hbm>>
    tpu.enqueue_indirect_dma source(%dma_start3A_4079 : memref<6406144xf32, #tpu.memory_space<hbm>>) target(%dma_start3A_4074 : memref<128xf32, #tpu.memory_space<vmem>>) offsets(%dma_start3A_4077 : memref<128xi32, #tpu.memory_space<vmem>>) semaphore(%arg8 : memref<!tpu.dma_semaphore, #tpu.memory_space<semaphore_mem>>)
    %dma_start3A_4080 = arith.constant 0 : i32
    %dma_start3A_4081 = arith.constant 0 : i32
    %dma_start3A_4082 = arith.constant 384 : i32
    %dma_start3A_4083 = tpu.memref_slice %arg7[%dma_start3A_4081, %dma_start3A_4082] : memref<2x1024xf32, #tpu.memory_space<vmem>> -> memref<1x128xf32, #tpu.memory_space<vmem>>
    %dma_start3A_4084 = tpu.memref_squeeze %dma_start3A_4083 : memref<1x128xf32, #tpu.memory_space<vmem>> -> memref<128xf32, #tpu.memory_space<vmem>>
    %dma_start3A_4085 = arith.constant 384 : i32
    %dma_start3A_4086 = tpu.memref_slice %arg6[%dma_start3A_4080, %dma_start3A_4085] : memref<2x1024xi32, #tpu.memory_space<vmem>> -> memref<1x128xi32, #tpu.memory_space<vmem>>
    %dma_start3A_4087 = tpu.memref_squeeze %dma_start3A_4086 : memref<1x128xi32, #tpu.memory_space<vmem>> -> memref<128xi32, #tpu.memory_space<vmem>>
    %dma_start3A_4088 = arith.constant 0 : i32
    %dma_start3A_4089 = tpu.memref_slice %arg2[%dma_start3A_4088] : memref<6406144xf32, #tpu.memory_space<hbm>> -> memref<6406144xf32, #tpu.memory_space<hbm>>
    tpu.enqueue_indirect_dma source(%dma_start3A_4089 : memref<6406144xf32, #tpu.memory_space<hbm>>) target(%dma_start3A_4084 : memref<128xf32, #tpu.memory_space<vmem>>) offsets(%dma_start3A_4087 : memref<128xi32, #tpu.memory_space<vmem>>) semaphore(%arg8 : memref<!tpu.dma_semaphore, #tpu.memory_space<semaphore_mem>>)
    %dma_start3A_4090 = arith.constant 0 : i32
    %dma_start3A_4091 = arith.constant 0 : i32
    %dma_start3A_4092 = arith.constant 512 : i32
    %dma_start3A_4093 = tpu.memref_slice %arg7[%dma_start3A_4091, %dma_start3A_4092] : memref<2x1024xf32, #tpu.memory_space<vmem>> -> memref<1x128xf32, #tpu.memory_space<vmem>>
    %dma_start3A_4094 = tpu.memref_squeeze %dma_start3A_4093 : memref<1x128xf32, #tpu.memory_space<vmem>> -> memref<128xf32, #tpu.memory_space<vmem>>
    %dma_start3A_4095 = arith.constant 512 : i32
    %dma_start3A_4096 = tpu.memref_slice %arg6[%dma_start3A_4090, %dma_start3A_4095] : memref<2x1024xi32, #tpu.memory_space<vmem>> -> memref<1x128xi32, #tpu.memory_space<vmem>>
    %dma_start3A_4097 = tpu.memref_squeeze %dma_start3A_4096 : memref<1x128xi32, #tpu.memory_space<vmem>> -> memref<128xi32, #tpu.memory_space<vmem>>
    %dma_start3A_4098 = arith.constant 0 : i32
    %dma_start3A_4099 = tpu.memref_slice %arg2[%dma_start3A_4098] : memref<6406144xf32, #tpu.memory_space<hbm>> -> memref<6406144xf32, #tpu.memory_space<hbm>>
    tpu.enqueue_indirect_dma source(%dma_start3A_4099 : memref<6406144xf32, #tpu.memory_space<hbm>>) target(%dma_start3A_4094 : memref<128xf32, #tpu.memory_space<vmem>>) offsets(%dma_start3A_4097 : memref<128xi32, #tpu.memory_space<vmem>>) semaphore(%arg8 : memref<!tpu.dma_semaphore, #tpu.memory_space<semaphore_mem>>)
    %dma_start3A_4100 = arith.constant 0 : i32
    %dma_start3A_4101 = arith.constant 0 : i32
    %dma_start3A_4102 = arith.constant 640 : i32
    %dma_start3A_4103 = tpu.memref_slice %arg7[%dma_start3A_4101, %dma_start3A_4102] : memref<2x1024xf32, #tpu.memory_space<vmem>> -> memref<1x128xf32, #tpu.memory_space<vmem>>
    %dma_start3A_4104 = tpu.memref_squeeze %dma_start3A_4103 : memref<1x128xf32, #tpu.memory_space<vmem>> -> memref<128xf32, #tpu.memory_space<vmem>>
    %dma_start3A_4105 = arith.constant 640 : i32
    %dma_start3A_4106 = tpu.memref_slice %arg6[%dma_start3A_4100, %dma_start3A_4105] : memref<2x1024xi32, #tpu.memory_space<vmem>> -> memref<1x128xi32, #tpu.memory_space<vmem>>
    %dma_start3A_4107 = tpu.memref_squeeze %dma_start3A_4106 : memref<1x128xi32, #tpu.memory_space<vmem>> -> memref<128xi32, #tpu.memory_space<vmem>>
    %dma_start3A_4108 = arith.constant 0 : i32
    %dma_start3A_4109 = tpu.memref_slice %arg2[%dma_start3A_4108] : memref<6406144xf32, #tpu.memory_space<hbm>> -> memref<6406144xf32, #tpu.memory_space<hbm>>
    tpu.enqueue_indirect_dma source(%dma_start3A_4109 : memref<6406144xf32, #tpu.memory_space<hbm>>) target(%dma_start3A_4104 : memref<128xf32, #tpu.memory_space<vmem>>) offsets(%dma_start3A_4107 : memref<128xi32, #tpu.memory_space<vmem>>) semaphore(%arg8 : memref<!tpu.dma_semaphore, #tpu.memory_space<semaphore_mem>>)
    %dma_start3A_4110 = arith.constant 0 : i32
    %dma_start3A_4111 = arith.constant 0 : i32
    %dma_start3A_4112 = arith.constant 768 : i32
    %dma_start3A_4113 = tpu.memref_slice %arg7[%dma_start3A_4111, %dma_start3A_4112] : memref<2x1024xf32, #tpu.memory_space<vmem>> -> memref<1x128xf32, #tpu.memory_space<vmem>>
    %dma_start3A_4114 = tpu.memref_squeeze %dma_start3A_4113 : memref<1x128xf32, #tpu.memory_space<vmem>> -> memref<128xf32, #tpu.memory_space<vmem>>
    %dma_start3A_4115 = arith.constant 768 : i32
    %dma_start3A_4116 = tpu.memref_slice %arg6[%dma_start3A_4110, %dma_start3A_4115] : memref<2x1024xi32, #tpu.memory_space<vmem>> -> memref<1x128xi32, #tpu.memory_space<vmem>>
    %dma_start3A_4117 = tpu.memref_squeeze %dma_start3A_4116 : memref<1x128xi32, #tpu.memory_space<vmem>> -> memref<128xi32, #tpu.memory_space<vmem>>
    %dma_start3A_4118 = arith.constant 0 : i32
    %dma_start3A_4119 = tpu.memref_slice %arg2[%dma_start3A_4118] : memref<6406144xf32, #tpu.memory_space<hbm>> -> memref<6406144xf32, #tpu.memory_space<hbm>>
    tpu.enqueue_indirect_dma source(%dma_start3A_4119 : memref<6406144xf32, #tpu.memory_space<hbm>>) target(%dma_start3A_4114 : memref<128xf32, #tpu.memory_space<vmem>>) offsets(%dma_start3A_4117 : memref<128xi32, #tpu.memory_space<vmem>>) semaphore(%arg8 : memref<!tpu.dma_semaphore, #tpu.memory_space<semaphore_mem>>)
    %dma_start3A_4120 = arith.constant 0 : i32
    %dma_start3A_4121 = arith.constant 0 : i32
    %dma_start3A_4122 = arith.constant 896 : i32
    %dma_start3A_4123 = tpu.memref_slice %arg7[%dma_start3A_4121, %dma_start3A_4122] : memref<2x1024xf32, #tpu.memory_space<vmem>> -> memref<1x128xf32, #tpu.memory_space<vmem>>
    %dma_start3A_4124 = tpu.memref_squeeze %dma_start3A_4123 : memref<1x128xf32, #tpu.memory_space<vmem>> -> memref<128xf32, #tpu.memory_space<vmem>>
    %dma_start3A_4125 = arith.constant 896 : i32
    %dma_start3A_4126 = tpu.memref_slice %arg6[%dma_start3A_4120, %dma_start3A_4125] : memref<2x1024xi32, #tpu.memory_space<vmem>> -> memref<1x128xi32, #tpu.memory_space<vmem>>
    %dma_start3A_4127 = tpu.memref_squeeze %dma_start3A_4126 : memref<1x128xi32, #tpu.memory_space<vmem>> -> memref<128xi32, #tpu.memory_space<vmem>>
    %dma_start3A_4128 = arith.constant 0 : i32
    %dma_start3A_4129 = tpu.memref_slice %arg2[%dma_start3A_4128] : memref<6406144xf32, #tpu.memory_space<hbm>> -> memref<6406144xf32, #tpu.memory_space<hbm>>
    tpu.enqueue_indirect_dma source(%dma_start3A_4129 : memref<6406144xf32, #tpu.memory_space<hbm>>) target(%dma_start3A_4124 : memref<128xf32, #tpu.memory_space<vmem>>) offsets(%dma_start3A_4127 : memref<128xi32, #tpu.memory_space<vmem>>) semaphore(%arg8 : memref<!tpu.dma_semaphore, #tpu.memory_space<semaphore_mem>>)
    %dma_start3A_4130 = arith.constant 1 : i32
    %dma_start3A_4131 = arith.constant 1 : i32
    %dma_start3A_4132 = arith.constant 0 : i32
    %dma_start3A_4133 = tpu.memref_slice %arg7[%dma_start3A_4131, %dma_start3A_4132] : memref<2x1024xf32, #tpu.memory_space<vmem>> -> memref<1x128xf32, #tpu.memory_space<vmem>>
    %dma_start3A_4134 = tpu.memref_squeeze %dma_start3A_4133 : memref<1x128xf32, #tpu.memory_space<vmem>> -> memref<128xf32, #tpu.memory_space<vmem>>
    %dma_start3A_4135 = arith.constant 0 : i32
    %dma_start3A_4136 = tpu.memref_slice %arg6[%dma_start3A_4130, %dma_start3A_4135] : memref<2x1024xi32, #tpu.memory_space<vmem>> -> memref<1x128xi32, #tpu.memory_space<vmem>>
    %dma_start3A_4137 = tpu.memref_squeeze %dma_start3A_4136 : memref<1x128xi32, #tpu.memory_space<vmem>> -> memref<128xi32, #tpu.memory_space<vmem>>
    %dma_start3A_4138 = arith.constant 0 : i32
    %dma_start3A_4139 = tpu.memref_slice %arg2[%dma_start3A_4138] : memref<6406144xf32, #tpu.memory_space<hbm>> -> memref<6406144xf32, #tpu.memory_space<hbm>>
    tpu.enqueue_indirect_dma source(%dma_start3A_4139 : memref<6406144xf32, #tpu.memory_space<hbm>>) target(%dma_start3A_4134 : memref<128xf32, #tpu.memory_space<vmem>>) offsets(%dma_start3A_4137 : memref<128xi32, #tpu.memory_space<vmem>>) semaphore(%arg8 : memref<!tpu.dma_semaphore, #tpu.memory_space<semaphore_mem>>)
    %dma_start3A_4140 = arith.constant 1 : i32
    %dma_start3A_4141 = arith.constant 1 : i32
    %dma_start3A_4142 = arith.constant 128 : i32
    %dma_start3A_4143 = tpu.memref_slice %arg7[%dma_start3A_4141, %dma_start3A_4142] : memref<2x1024xf32, #tpu.memory_space<vmem>> -> memref<1x128xf32, #tpu.memory_space<vmem>>
    %dma_start3A_4144 = tpu.memref_squeeze %dma_start3A_4143 : memref<1x128xf32, #tpu.memory_space<vmem>> -> memref<128xf32, #tpu.memory_space<vmem>>
    %dma_start3A_4145 = arith.constant 128 : i32
    %dma_start3A_4146 = tpu.memref_slice %arg6[%dma_start3A_4140, %dma_start3A_4145] : memref<2x1024xi32, #tpu.memory_space<vmem>> -> memref<1x128xi32, #tpu.memory_space<vmem>>
    %dma_start3A_4147 = tpu.memref_squeeze %dma_start3A_4146 : memref<1x128xi32, #tpu.memory_space<vmem>> -> memref<128xi32, #tpu.memory_space<vmem>>
    %dma_start3A_4148 = arith.constant 0 : i32
    %dma_start3A_4149 = tpu.memref_slice %arg2[%dma_start3A_4148] : memref<6406144xf32, #tpu.memory_space<hbm>> -> memref<6406144xf32, #tpu.memory_space<hbm>>
    tpu.enqueue_indirect_dma source(%dma_start3A_4149 : memref<6406144xf32, #tpu.memory_space<hbm>>) target(%dma_start3A_4144 : memref<128xf32, #tpu.memory_space<vmem>>) offsets(%dma_start3A_4147 : memref<128xi32, #tpu.memory_space<vmem>>) semaphore(%arg8 : memref<!tpu.dma_semaphore, #tpu.memory_space<semaphore_mem>>)
    %dma_start3A_4150 = arith.constant 1 : i32
    %dma_start3A_4151 = arith.constant 1 : i32
    %dma_start3A_4152 = arith.constant 256 : i32
    %dma_start3A_4153 = tpu.memref_slice %arg7[%dma_start3A_4151, %dma_start3A_4152] : memref<2x1024xf32, #tpu.memory_space<vmem>> -> memref<1x128xf32, #tpu.memory_space<vmem>>
    %dma_start3A_4154 = tpu.memref_squeeze %dma_start3A_4153 : memref<1x128xf32, #tpu.memory_space<vmem>> -> memref<128xf32, #tpu.memory_space<vmem>>
    %dma_start3A_4155 = arith.constant 256 : i32
    %dma_start3A_4156 = tpu.memref_slice %arg6[%dma_start3A_4150, %dma_start3A_4155] : memref<2x1024xi32, #tpu.memory_space<vmem>> -> memref<1x128xi32, #tpu.memory_space<vmem>>
    %dma_start3A_4157 = tpu.memref_squeeze %dma_start3A_4156 : memref<1x128xi32, #tpu.memory_space<vmem>> -> memref<128xi32, #tpu.memory_space<vmem>>
    %dma_start3A_4158 = arith.constant 0 : i32
    %dma_start3A_4159 = tpu.memref_slice %arg2[%dma_start3A_4158] : memref<6406144xf32, #tpu.memory_space<hbm>> -> memref<6406144xf32, #tpu.memory_space<hbm>>
    tpu.enqueue_indirect_dma source(%dma_start3A_4159 : memref<6406144xf32, #tpu.memory_space<hbm>>) target(%dma_start3A_4154 : memref<128xf32, #tpu.memory_space<vmem>>) offsets(%dma_start3A_4157 : memref<128xi32, #tpu.memory_space<vmem>>) semaphore(%arg8 : memref<!tpu.dma_semaphore, #tpu.memory_space<semaphore_mem>>)
    %dma_start3A_4160 = arith.constant 1 : i32
    %dma_start3A_4161 = arith.constant 1 : i32
    %dma_start3A_4162 = arith.constant 384 : i32
    %dma_start3A_4163 = tpu.memref_slice %arg7[%dma_start3A_4161, %dma_start3A_4162] : memref<2x1024xf32, #tpu.memory_space<vmem>> -> memref<1x128xf32, #tpu.memory_space<vmem>>
    %dma_start3A_4164 = tpu.memref_squeeze %dma_start3A_4163 : memref<1x128xf32, #tpu.memory_space<vmem>> -> memref<128xf32, #tpu.memory_space<vmem>>
    %dma_start3A_4165 = arith.constant 384 : i32
    %dma_start3A_4166 = tpu.memref_slice %arg6[%dma_start3A_4160, %dma_start3A_4165] : memref<2x1024xi32, #tpu.memory_space<vmem>> -> memref<1x128xi32, #tpu.memory_space<vmem>>
    %dma_start3A_4167 = tpu.memref_squeeze %dma_start3A_4166 : memref<1x128xi32, #tpu.memory_space<vmem>> -> memref<128xi32, #tpu.memory_space<vmem>>
    %dma_start3A_4168 = arith.constant 0 : i32
    %dma_start3A_4169 = tpu.memref_slice %arg2[%dma_start3A_4168] : memref<6406144xf32, #tpu.memory_space<hbm>> -> memref<6406144xf32, #tpu.memory_space<hbm>>
    tpu.enqueue_indirect_dma source(%dma_start3A_4169 : memref<6406144xf32, #tpu.memory_space<hbm>>) target(%dma_start3A_4164 : memref<128xf32, #tpu.memory_space<vmem>>) offsets(%dma_start3A_4167 : memref<128xi32, #tpu.memory_space<vmem>>) semaphore(%arg8 : memref<!tpu.dma_semaphore, #tpu.memory_space<semaphore_mem>>)
    %dma_start3A_4170 = arith.constant 1 : i32
    %dma_start3A_4171 = arith.constant 1 : i32
    %dma_start3A_4172 = arith.constant 512 : i32
    %dma_start3A_4173 = tpu.memref_slice %arg7[%dma_start3A_4171, %dma_start3A_4172] : memref<2x1024xf32, #tpu.memory_space<vmem>> -> memref<1x128xf32, #tpu.memory_space<vmem>>
    %dma_start3A_4174 = tpu.memref_squeeze %dma_start3A_4173 : memref<1x128xf32, #tpu.memory_space<vmem>> -> memref<128xf32, #tpu.memory_space<vmem>>
    %dma_start3A_4175 = arith.constant 512 : i32
    %dma_start3A_4176 = tpu.memref_slice %arg6[%dma_start3A_4170, %dma_start3A_4175] : memref<2x1024xi32, #tpu.memory_space<vmem>> -> memref<1x128xi32, #tpu.memory_space<vmem>>
    %dma_start3A_4177 = tpu.memref_squeeze %dma_start3A_4176 : memref<1x128xi32, #tpu.memory_space<vmem>> -> memref<128xi32, #tpu.memory_space<vmem>>
    %dma_start3A_4178 = arith.constant 0 : i32
    %dma_start3A_4179 = tpu.memref_slice %arg2[%dma_start3A_4178] : memref<6406144xf32, #tpu.memory_space<hbm>> -> memref<6406144xf32, #tpu.memory_space<hbm>>
    tpu.enqueue_indirect_dma source(%dma_start3A_4179 : memref<6406144xf32, #tpu.memory_space<hbm>>) target(%dma_start3A_4174 : memref<128xf32, #tpu.memory_space<vmem>>) offsets(%dma_start3A_4177 : memref<128xi32, #tpu.memory_space<vmem>>) semaphore(%arg8 : memref<!tpu.dma_semaphore, #tpu.memory_space<semaphore_mem>>)
    %dma_start3A_4180 = arith.constant 1 : i32
    %dma_start3A_4181 = arith.constant 1 : i32
    %dma_start3A_4182 = arith.constant 640 : i32
    %dma_start3A_4183 = tpu.memref_slice %arg7[%dma_start3A_4181, %dma_start3A_4182] : memref<2x1024xf32, #tpu.memory_space<vmem>> -> memref<1x128xf32, #tpu.memory_space<vmem>>
    %dma_start3A_4184 = tpu.memref_squeeze %dma_start3A_4183 : memref<1x128xf32, #tpu.memory_space<vmem>> -> memref<128xf32, #tpu.memory_space<vmem>>
    %dma_start3A_4185 = arith.constant 640 : i32
    %dma_start3A_4186 = tpu.memref_slice %arg6[%dma_start3A_4180, %dma_start3A_4185] : memref<2x1024xi32, #tpu.memory_space<vmem>> -> memref<1x128xi32, #tpu.memory_space<vmem>>
    %dma_start3A_4187 = tpu.memref_squeeze %dma_start3A_4186 : memref<1x128xi32, #tpu.memory_space<vmem>> -> memref<128xi32, #tpu.memory_space<vmem>>
    %dma_start3A_4188 = arith.constant 0 : i32
    %dma_start3A_4189 = tpu.memref_slice %arg2[%dma_start3A_4188] : memref<6406144xf32, #tpu.memory_space<hbm>> -> memref<6406144xf32, #tpu.memory_space<hbm>>
    tpu.enqueue_indirect_dma source(%dma_start3A_4189 : memref<6406144xf32, #tpu.memory_space<hbm>>) target(%dma_start3A_4184 : memref<128xf32, #tpu.memory_space<vmem>>) offsets(%dma_start3A_4187 : memref<128xi32, #tpu.memory_space<vmem>>) semaphore(%arg8 : memref<!tpu.dma_semaphore, #tpu.memory_space<semaphore_mem>>)
    %dma_start3A_4190 = arith.constant 1 : i32
    %dma_start3A_4191 = arith.constant 1 : i32
    %dma_start3A_4192 = arith.constant 768 : i32
    %dma_start3A_4193 = tpu.memref_slice %arg7[%dma_start3A_4191, %dma_start3A_4192] : memref<2x1024xf32, #tpu.memory_space<vmem>> -> memref<1x128xf32, #tpu.memory_space<vmem>>
    %dma_start3A_4194 = tpu.memref_squeeze %dma_start3A_4193 : memref<1x128xf32, #tpu.memory_space<vmem>> -> memref<128xf32, #tpu.memory_space<vmem>>
    %dma_start3A_4195 = arith.constant 768 : i32
    %dma_start3A_4196 = tpu.memref_slice %arg6[%dma_start3A_4190, %dma_start3A_4195] : memref<2x1024xi32, #tpu.memory_space<vmem>> -> memref<1x128xi32, #tpu.memory_space<vmem>>
    %dma_start3A_4197 = tpu.memref_squeeze %dma_start3A_4196 : memref<1x128xi32, #tpu.memory_space<vmem>> -> memref<128xi32, #tpu.memory_space<vmem>>
    %dma_start3A_4198 = arith.constant 0 : i32
    %dma_start3A_4199 = tpu.memref_slice %arg2[%dma_start3A_4198] : memref<6406144xf32, #tpu.memory_space<hbm>> -> memref<6406144xf32, #tpu.memory_space<hbm>>
    tpu.enqueue_indirect_dma source(%dma_start3A_4199 : memref<6406144xf32, #tpu.memory_space<hbm>>) target(%dma_start3A_4194 : memref<128xf32, #tpu.memory_space<vmem>>) offsets(%dma_start3A_4197 : memref<128xi32, #tpu.memory_space<vmem>>) semaphore(%arg8 : memref<!tpu.dma_semaphore, #tpu.memory_space<semaphore_mem>>)
    %dma_start3A_4200 = arith.constant 1 : i32
    %dma_start3A_4201 = arith.constant 1 : i32
    %dma_start3A_4202 = arith.constant 896 : i32
    %dma_start3A_4203 = tpu.memref_slice %arg7[%dma_start3A_4201, %dma_start3A_4202] : memref<2x1024xf32, #tpu.memory_space<vmem>> -> memref<1x128xf32, #tpu.memory_space<vmem>>
    %dma_start3A_4204 = tpu.memref_squeeze %dma_start3A_4203 : memref<1x128xf32, #tpu.memory_space<vmem>> -> memref<128xf32, #tpu.memory_space<vmem>>
    %dma_start3A_4205 = arith.constant 896 : i32
    %dma_start3A_4206 = tpu.memref_slice %arg6[%dma_start3A_4200, %dma_start3A_4205] : memref<2x1024xi32, #tpu.memory_space<vmem>> -> memref<1x128xi32, #tpu.memory_space<vmem>>
    %dma_start3A_4207 = tpu.memref_squeeze %dma_start3A_4206 : memref<1x128xi32, #tpu.memory_space<vmem>> -> memref<128xi32, #tpu.memory_space<vmem>>
    %dma_start3A_4208 = arith.constant 0 : i32
    %dma_start3A_4209 = tpu.memref_slice %arg2[%dma_start3A_4208] : memref<6406144xf32, #tpu.memory_space<hbm>> -> memref<6406144xf32, #tpu.memory_space<hbm>>
    tpu.enqueue_indirect_dma source(%dma_start3A_4209 : memref<6406144xf32, #tpu.memory_space<hbm>>) target(%dma_start3A_4204 : memref<128xf32, #tpu.memory_space<vmem>>) offsets(%dma_start3A_4207 : memref<128xi32, #tpu.memory_space<vmem>>) semaphore(%arg8 : memref<!tpu.dma_semaphore, #tpu.memory_space<semaphore_mem>>)
    %dma_wait3A = arith.constant 0 : i32
    %dma_wait3A_4210 = arith.constant 0 : i32
    %dma_wait3A_4211 = arith.constant 0 : i32
    %dma_wait3A_4212 = tpu.memref_slice %arg7[%dma_wait3A_4210, %dma_wait3A_4211] : memref<2x1024xf32, #tpu.memory_space<vmem>> -> memref<1x128xf32, #tpu.memory_space<vmem>>
    %dma_wait3A_4213 = tpu.memref_squeeze %dma_wait3A_4212 : memref<1x128xf32, #tpu.memory_space<vmem>> -> memref<128xf32, #tpu.memory_space<vmem>>
    %dma_wait3A_4214 = arith.constant 0 : i32
    %dma_wait3A_4215 = tpu.memref_slice %arg6[%dma_wait3A, %dma_wait3A_4214] : memref<2x1024xi32, #tpu.memory_space<vmem>> -> memref<1x128xi32, #tpu.memory_space<vmem>>
    %dma_wait3A_4216 = tpu.memref_squeeze %dma_wait3A_4215 : memref<1x128xi32, #tpu.memory_space<vmem>> -> memref<128xi32, #tpu.memory_space<vmem>>
    %dma_wait3A_4217 = arith.constant 0 : i32
    %dma_wait3A_4218 = tpu.memref_slice %arg2[%dma_wait3A_4217] : memref<6406144xf32, #tpu.memory_space<hbm>> -> memref<6406144xf32, #tpu.memory_space<hbm>>
    tpu.wait_indirect_dma semaphore(%arg8 : memref<!tpu.dma_semaphore, #tpu.memory_space<semaphore_mem>>) src(%dma_wait3A_4218 : memref<6406144xf32, #tpu.memory_space<hbm>>) dst(%dma_wait3A_4213 : memref<128xf32, #tpu.memory_space<vmem>>)
    %dma_wait3A_4219 = arith.constant 0 : i32
    %dma_wait3A_4220 = arith.constant 0 : i32
    %dma_wait3A_4221 = arith.constant 128 : i32
    %dma_wait3A_4222 = tpu.memref_slice %arg7[%dma_wait3A_4220, %dma_wait3A_4221] : memref<2x1024xf32, #tpu.memory_space<vmem>> -> memref<1x128xf32, #tpu.memory_space<vmem>>
    %dma_wait3A_4223 = tpu.memref_squeeze %dma_wait3A_4222 : memref<1x128xf32, #tpu.memory_space<vmem>> -> memref<128xf32, #tpu.memory_space<vmem>>
    %dma_wait3A_4224 = arith.constant 128 : i32
    %dma_wait3A_4225 = tpu.memref_slice %arg6[%dma_wait3A_4219, %dma_wait3A_4224] : memref<2x1024xi32, #tpu.memory_space<vmem>> -> memref<1x128xi32, #tpu.memory_space<vmem>>
    %dma_wait3A_4226 = tpu.memref_squeeze %dma_wait3A_4225 : memref<1x128xi32, #tpu.memory_space<vmem>> -> memref<128xi32, #tpu.memory_space<vmem>>
    %dma_wait3A_4227 = arith.constant 0 : i32
    %dma_wait3A_4228 = tpu.memref_slice %arg2[%dma_wait3A_4227] : memref<6406144xf32, #tpu.memory_space<hbm>> -> memref<6406144xf32, #tpu.memory_space<hbm>>
    tpu.wait_indirect_dma semaphore(%arg8 : memref<!tpu.dma_semaphore, #tpu.memory_space<semaphore_mem>>) src(%dma_wait3A_4228 : memref<6406144xf32, #tpu.memory_space<hbm>>) dst(%dma_wait3A_4223 : memref<128xf32, #tpu.memory_space<vmem>>)
    %dma_wait3A_4229 = arith.constant 0 : i32
    %dma_wait3A_4230 = arith.constant 0 : i32
    %dma_wait3A_4231 = arith.constant 256 : i32
    %dma_wait3A_4232 = tpu.memref_slice %arg7[%dma_wait3A_4230, %dma_wait3A_4231] : memref<2x1024xf32, #tpu.memory_space<vmem>> -> memref<1x128xf32, #tpu.memory_space<vmem>>
    %dma_wait3A_4233 = tpu.memref_squeeze %dma_wait3A_4232 : memref<1x128xf32, #tpu.memory_space<vmem>> -> memref<128xf32, #tpu.memory_space<vmem>>
    %dma_wait3A_4234 = arith.constant 256 : i32
    %dma_wait3A_4235 = tpu.memref_slice %arg6[%dma_wait3A_4229, %dma_wait3A_4234] : memref<2x1024xi32, #tpu.memory_space<vmem>> -> memref<1x128xi32, #tpu.memory_space<vmem>>
    %dma_wait3A_4236 = tpu.memref_squeeze %dma_wait3A_4235 : memref<1x128xi32, #tpu.memory_space<vmem>> -> memref<128xi32, #tpu.memory_space<vmem>>
    %dma_wait3A_4237 = arith.constant 0 : i32
    %dma_wait3A_4238 = tpu.memref_slice %arg2[%dma_wait3A_4237] : memref<6406144xf32, #tpu.memory_space<hbm>> -> memref<6406144xf32, #tpu.memory_space<hbm>>
    tpu.wait_indirect_dma semaphore(%arg8 : memref<!tpu.dma_semaphore, #tpu.memory_space<semaphore_mem>>) src(%dma_wait3A_4238 : memref<6406144xf32, #tpu.memory_space<hbm>>) dst(%dma_wait3A_4233 : memref<128xf32, #tpu.memory_space<vmem>>)
    %dma_wait3A_4239 = arith.constant 0 : i32
    %dma_wait3A_4240 = arith.constant 0 : i32
    %dma_wait3A_4241 = arith.constant 384 : i32
    %dma_wait3A_4242 = tpu.memref_slice %arg7[%dma_wait3A_4240, %dma_wait3A_4241] : memref<2x1024xf32, #tpu.memory_space<vmem>> -> memref<1x128xf32, #tpu.memory_space<vmem>>
    %dma_wait3A_4243 = tpu.memref_squeeze %dma_wait3A_4242 : memref<1x128xf32, #tpu.memory_space<vmem>> -> memref<128xf32, #tpu.memory_space<vmem>>
    %dma_wait3A_4244 = arith.constant 384 : i32
    %dma_wait3A_4245 = tpu.memref_slice %arg6[%dma_wait3A_4239, %dma_wait3A_4244] : memref<2x1024xi32, #tpu.memory_space<vmem>> -> memref<1x128xi32, #tpu.memory_space<vmem>>
    %dma_wait3A_4246 = tpu.memref_squeeze %dma_wait3A_4245 : memref<1x128xi32, #tpu.memory_space<vmem>> -> memref<128xi32, #tpu.memory_space<vmem>>
    %dma_wait3A_4247 = arith.constant 0 : i32
    %dma_wait3A_4248 = tpu.memref_slice %arg2[%dma_wait3A_4247] : memref<6406144xf32, #tpu.memory_space<hbm>> -> memref<6406144xf32, #tpu.memory_space<hbm>>
    tpu.wait_indirect_dma semaphore(%arg8 : memref<!tpu.dma_semaphore, #tpu.memory_space<semaphore_mem>>) src(%dma_wait3A_4248 : memref<6406144xf32, #tpu.memory_space<hbm>>) dst(%dma_wait3A_4243 : memref<128xf32, #tpu.memory_space<vmem>>)
    %dma_wait3A_4249 = arith.constant 0 : i32
    %dma_wait3A_4250 = arith.constant 0 : i32
    %dma_wait3A_4251 = arith.constant 512 : i32
    %dma_wait3A_4252 = tpu.memref_slice %arg7[%dma_wait3A_4250, %dma_wait3A_4251] : memref<2x1024xf32, #tpu.memory_space<vmem>> -> memref<1x128xf32, #tpu.memory_space<vmem>>
    %dma_wait3A_4253 = tpu.memref_squeeze %dma_wait3A_4252 : memref<1x128xf32, #tpu.memory_space<vmem>> -> memref<128xf32, #tpu.memory_space<vmem>>
    %dma_wait3A_4254 = arith.constant 512 : i32
    %dma_wait3A_4255 = tpu.memref_slice %arg6[%dma_wait3A_4249, %dma_wait3A_4254] : memref<2x1024xi32, #tpu.memory_space<vmem>> -> memref<1x128xi32, #tpu.memory_space<vmem>>
    %dma_wait3A_4256 = tpu.memref_squeeze %dma_wait3A_4255 : memref<1x128xi32, #tpu.memory_space<vmem>> -> memref<128xi32, #tpu.memory_space<vmem>>
    %dma_wait3A_4257 = arith.constant 0 : i32
    %dma_wait3A_4258 = tpu.memref_slice %arg2[%dma_wait3A_4257] : memref<6406144xf32, #tpu.memory_space<hbm>> -> memref<6406144xf32, #tpu.memory_space<hbm>>
    tpu.wait_indirect_dma semaphore(%arg8 : memref<!tpu.dma_semaphore, #tpu.memory_space<semaphore_mem>>) src(%dma_wait3A_4258 : memref<6406144xf32, #tpu.memory_space<hbm>>) dst(%dma_wait3A_4253 : memref<128xf32, #tpu.memory_space<vmem>>)
    %dma_wait3A_4259 = arith.constant 0 : i32
    %dma_wait3A_4260 = arith.constant 0 : i32
    %dma_wait3A_4261 = arith.constant 640 : i32
    %dma_wait3A_4262 = tpu.memref_slice %arg7[%dma_wait3A_4260, %dma_wait3A_4261] : memref<2x1024xf32, #tpu.memory_space<vmem>> -> memref<1x128xf32, #tpu.memory_space<vmem>>
    %dma_wait3A_4263 = tpu.memref_squeeze %dma_wait3A_4262 : memref<1x128xf32, #tpu.memory_space<vmem>> -> memref<128xf32, #tpu.memory_space<vmem>>
    %dma_wait3A_4264 = arith.constant 640 : i32
    %dma_wait3A_4265 = tpu.memref_slice %arg6[%dma_wait3A_4259, %dma_wait3A_4264] : memref<2x1024xi32, #tpu.memory_space<vmem>> -> memref<1x128xi32, #tpu.memory_space<vmem>>
    %dma_wait3A_4266 = tpu.memref_squeeze %dma_wait3A_4265 : memref<1x128xi32, #tpu.memory_space<vmem>> -> memref<128xi32, #tpu.memory_space<vmem>>
    %dma_wait3A_4267 = arith.constant 0 : i32
    %dma_wait3A_4268 = tpu.memref_slice %arg2[%dma_wait3A_4267] : memref<6406144xf32, #tpu.memory_space<hbm>> -> memref<6406144xf32, #tpu.memory_space<hbm>>
    tpu.wait_indirect_dma semaphore(%arg8 : memref<!tpu.dma_semaphore, #tpu.memory_space<semaphore_mem>>) src(%dma_wait3A_4268 : memref<6406144xf32, #tpu.memory_space<hbm>>) dst(%dma_wait3A_4263 : memref<128xf32, #tpu.memory_space<vmem>>)
    %dma_wait3A_4269 = arith.constant 0 : i32
    %dma_wait3A_4270 = arith.constant 0 : i32
    %dma_wait3A_4271 = arith.constant 768 : i32
    %dma_wait3A_4272 = tpu.memref_slice %arg7[%dma_wait3A_4270, %dma_wait3A_4271] : memref<2x1024xf32, #tpu.memory_space<vmem>> -> memref<1x128xf32, #tpu.memory_space<vmem>>
    %dma_wait3A_4273 = tpu.memref_squeeze %dma_wait3A_4272 : memref<1x128xf32, #tpu.memory_space<vmem>> -> memref<128xf32, #tpu.memory_space<vmem>>
    %dma_wait3A_4274 = arith.constant 768 : i32
    %dma_wait3A_4275 = tpu.memref_slice %arg6[%dma_wait3A_4269, %dma_wait3A_4274] : memref<2x1024xi32, #tpu.memory_space<vmem>> -> memref<1x128xi32, #tpu.memory_space<vmem>>
    %dma_wait3A_4276 = tpu.memref_squeeze %dma_wait3A_4275 : memref<1x128xi32, #tpu.memory_space<vmem>> -> memref<128xi32, #tpu.memory_space<vmem>>
    %dma_wait3A_4277 = arith.constant 0 : i32
    %dma_wait3A_4278 = tpu.memref_slice %arg2[%dma_wait3A_4277] : memref<6406144xf32, #tpu.memory_space<hbm>> -> memref<6406144xf32, #tpu.memory_space<hbm>>
    tpu.wait_indirect_dma semaphore(%arg8 : memref<!tpu.dma_semaphore, #tpu.memory_space<semaphore_mem>>) src(%dma_wait3A_4278 : memref<6406144xf32, #tpu.memory_space<hbm>>) dst(%dma_wait3A_4273 : memref<128xf32, #tpu.memory_space<vmem>>)
    %dma_wait3A_4279 = arith.constant 0 : i32
    %dma_wait3A_4280 = arith.constant 0 : i32
    %dma_wait3A_4281 = arith.constant 896 : i32
    %dma_wait3A_4282 = tpu.memref_slice %arg7[%dma_wait3A_4280, %dma_wait3A_4281] : memref<2x1024xf32, #tpu.memory_space<vmem>> -> memref<1x128xf32, #tpu.memory_space<vmem>>
    %dma_wait3A_4283 = tpu.memref_squeeze %dma_wait3A_4282 : memref<1x128xf32, #tpu.memory_space<vmem>> -> memref<128xf32, #tpu.memory_space<vmem>>
    %dma_wait3A_4284 = arith.constant 896 : i32
    %dma_wait3A_4285 = tpu.memref_slice %arg6[%dma_wait3A_4279, %dma_wait3A_4284] : memref<2x1024xi32, #tpu.memory_space<vmem>> -> memref<1x128xi32, #tpu.memory_space<vmem>>
    %dma_wait3A_4286 = tpu.memref_squeeze %dma_wait3A_4285 : memref<1x128xi32, #tpu.memory_space<vmem>> -> memref<128xi32, #tpu.memory_space<vmem>>
    %dma_wait3A_4287 = arith.constant 0 : i32
    %dma_wait3A_4288 = tpu.memref_slice %arg2[%dma_wait3A_4287] : memref<6406144xf32, #tpu.memory_space<hbm>> -> memref<6406144xf32, #tpu.memory_space<hbm>>
    tpu.wait_indirect_dma semaphore(%arg8 : memref<!tpu.dma_semaphore, #tpu.memory_space<semaphore_mem>>) src(%dma_wait3A_4288 : memref<6406144xf32, #tpu.memory_space<hbm>>) dst(%dma_wait3A_4283 : memref<128xf32, #tpu.memory_space<vmem>>)
    %dma_wait3A_4289 = arith.constant 1 : i32
    %dma_wait3A_4290 = arith.constant 1 : i32
    %dma_wait3A_4291 = arith.constant 0 : i32
    %dma_wait3A_4292 = tpu.memref_slice %arg7[%dma_wait3A_4290, %dma_wait3A_4291] : memref<2x1024xf32, #tpu.memory_space<vmem>> -> memref<1x128xf32, #tpu.memory_space<vmem>>
    %dma_wait3A_4293 = tpu.memref_squeeze %dma_wait3A_4292 : memref<1x128xf32, #tpu.memory_space<vmem>> -> memref<128xf32, #tpu.memory_space<vmem>>
    %dma_wait3A_4294 = arith.constant 0 : i32
    %dma_wait3A_4295 = tpu.memref_slice %arg6[%dma_wait3A_4289, %dma_wait3A_4294] : memref<2x1024xi32, #tpu.memory_space<vmem>> -> memref<1x128xi32, #tpu.memory_space<vmem>>
    %dma_wait3A_4296 = tpu.memref_squeeze %dma_wait3A_4295 : memref<1x128xi32, #tpu.memory_space<vmem>> -> memref<128xi32, #tpu.memory_space<vmem>>
    %dma_wait3A_4297 = arith.constant 0 : i32
    %dma_wait3A_4298 = tpu.memref_slice %arg2[%dma_wait3A_4297] : memref<6406144xf32, #tpu.memory_space<hbm>> -> memref<6406144xf32, #tpu.memory_space<hbm>>
    tpu.wait_indirect_dma semaphore(%arg8 : memref<!tpu.dma_semaphore, #tpu.memory_space<semaphore_mem>>) src(%dma_wait3A_4298 : memref<6406144xf32, #tpu.memory_space<hbm>>) dst(%dma_wait3A_4293 : memref<128xf32, #tpu.memory_space<vmem>>)
    %dma_wait3A_4299 = arith.constant 1 : i32
    %dma_wait3A_4300 = arith.constant 1 : i32
    %dma_wait3A_4301 = arith.constant 128 : i32
    %dma_wait3A_4302 = tpu.memref_slice %arg7[%dma_wait3A_4300, %dma_wait3A_4301] : memref<2x1024xf32, #tpu.memory_space<vmem>> -> memref<1x128xf32, #tpu.memory_space<vmem>>
    %dma_wait3A_4303 = tpu.memref_squeeze %dma_wait3A_4302 : memref<1x128xf32, #tpu.memory_space<vmem>> -> memref<128xf32, #tpu.memory_space<vmem>>
    %dma_wait3A_4304 = arith.constant 128 : i32
    %dma_wait3A_4305 = tpu.memref_slice %arg6[%dma_wait3A_4299, %dma_wait3A_4304] : memref<2x1024xi32, #tpu.memory_space<vmem>> -> memref<1x128xi32, #tpu.memory_space<vmem>>
    %dma_wait3A_4306 = tpu.memref_squeeze %dma_wait3A_4305 : memref<1x128xi32, #tpu.memory_space<vmem>> -> memref<128xi32, #tpu.memory_space<vmem>>
    %dma_wait3A_4307 = arith.constant 0 : i32
    %dma_wait3A_4308 = tpu.memref_slice %arg2[%dma_wait3A_4307] : memref<6406144xf32, #tpu.memory_space<hbm>> -> memref<6406144xf32, #tpu.memory_space<hbm>>
    tpu.wait_indirect_dma semaphore(%arg8 : memref<!tpu.dma_semaphore, #tpu.memory_space<semaphore_mem>>) src(%dma_wait3A_4308 : memref<6406144xf32, #tpu.memory_space<hbm>>) dst(%dma_wait3A_4303 : memref<128xf32, #tpu.memory_space<vmem>>)
    %dma_wait3A_4309 = arith.constant 1 : i32
    %dma_wait3A_4310 = arith.constant 1 : i32
    %dma_wait3A_4311 = arith.constant 256 : i32
    %dma_wait3A_4312 = tpu.memref_slice %arg7[%dma_wait3A_4310, %dma_wait3A_4311] : memref<2x1024xf32, #tpu.memory_space<vmem>> -> memref<1x128xf32, #tpu.memory_space<vmem>>
    %dma_wait3A_4313 = tpu.memref_squeeze %dma_wait3A_4312 : memref<1x128xf32, #tpu.memory_space<vmem>> -> memref<128xf32, #tpu.memory_space<vmem>>
    %dma_wait3A_4314 = arith.constant 256 : i32
    %dma_wait3A_4315 = tpu.memref_slice %arg6[%dma_wait3A_4309, %dma_wait3A_4314] : memref<2x1024xi32, #tpu.memory_space<vmem>> -> memref<1x128xi32, #tpu.memory_space<vmem>>
    %dma_wait3A_4316 = tpu.memref_squeeze %dma_wait3A_4315 : memref<1x128xi32, #tpu.memory_space<vmem>> -> memref<128xi32, #tpu.memory_space<vmem>>
    %dma_wait3A_4317 = arith.constant 0 : i32
    %dma_wait3A_4318 = tpu.memref_slice %arg2[%dma_wait3A_4317] : memref<6406144xf32, #tpu.memory_space<hbm>> -> memref<6406144xf32, #tpu.memory_space<hbm>>
    tpu.wait_indirect_dma semaphore(%arg8 : memref<!tpu.dma_semaphore, #tpu.memory_space<semaphore_mem>>) src(%dma_wait3A_4318 : memref<6406144xf32, #tpu.memory_space<hbm>>) dst(%dma_wait3A_4313 : memref<128xf32, #tpu.memory_space<vmem>>)
    %dma_wait3A_4319 = arith.constant 1 : i32
    %dma_wait3A_4320 = arith.constant 1 : i32
    %dma_wait3A_4321 = arith.constant 384 : i32
    %dma_wait3A_4322 = tpu.memref_slice %arg7[%dma_wait3A_4320, %dma_wait3A_4321] : memref<2x1024xf32, #tpu.memory_space<vmem>> -> memref<1x128xf32, #tpu.memory_space<vmem>>
    %dma_wait3A_4323 = tpu.memref_squeeze %dma_wait3A_4322 : memref<1x128xf32, #tpu.memory_space<vmem>> -> memref<128xf32, #tpu.memory_space<vmem>>
    %dma_wait3A_4324 = arith.constant 384 : i32
    %dma_wait3A_4325 = tpu.memref_slice %arg6[%dma_wait3A_4319, %dma_wait3A_4324] : memref<2x1024xi32, #tpu.memory_space<vmem>> -> memref<1x128xi32, #tpu.memory_space<vmem>>
    %dma_wait3A_4326 = tpu.memref_squeeze %dma_wait3A_4325 : memref<1x128xi32, #tpu.memory_space<vmem>> -> memref<128xi32, #tpu.memory_space<vmem>>
    %dma_wait3A_4327 = arith.constant 0 : i32
    %dma_wait3A_4328 = tpu.memref_slice %arg2[%dma_wait3A_4327] : memref<6406144xf32, #tpu.memory_space<hbm>> -> memref<6406144xf32, #tpu.memory_space<hbm>>
    tpu.wait_indirect_dma semaphore(%arg8 : memref<!tpu.dma_semaphore, #tpu.memory_space<semaphore_mem>>) src(%dma_wait3A_4328 : memref<6406144xf32, #tpu.memory_space<hbm>>) dst(%dma_wait3A_4323 : memref<128xf32, #tpu.memory_space<vmem>>)
    %dma_wait3A_4329 = arith.constant 1 : i32
    %dma_wait3A_4330 = arith.constant 1 : i32
    %dma_wait3A_4331 = arith.constant 512 : i32
    %dma_wait3A_4332 = tpu.memref_slice %arg7[%dma_wait3A_4330, %dma_wait3A_4331] : memref<2x1024xf32, #tpu.memory_space<vmem>> -> memref<1x128xf32, #tpu.memory_space<vmem>>
    %dma_wait3A_4333 = tpu.memref_squeeze %dma_wait3A_4332 : memref<1x128xf32, #tpu.memory_space<vmem>> -> memref<128xf32, #tpu.memory_space<vmem>>
    %dma_wait3A_4334 = arith.constant 512 : i32
    %dma_wait3A_4335 = tpu.memref_slice %arg6[%dma_wait3A_4329, %dma_wait3A_4334] : memref<2x1024xi32, #tpu.memory_space<vmem>> -> memref<1x128xi32, #tpu.memory_space<vmem>>
    %dma_wait3A_4336 = tpu.memref_squeeze %dma_wait3A_4335 : memref<1x128xi32, #tpu.memory_space<vmem>> -> memref<128xi32, #tpu.memory_space<vmem>>
    %dma_wait3A_4337 = arith.constant 0 : i32
    %dma_wait3A_4338 = tpu.memref_slice %arg2[%dma_wait3A_4337] : memref<6406144xf32, #tpu.memory_space<hbm>> -> memref<6406144xf32, #tpu.memory_space<hbm>>
    tpu.wait_indirect_dma semaphore(%arg8 : memref<!tpu.dma_semaphore, #tpu.memory_space<semaphore_mem>>) src(%dma_wait3A_4338 : memref<6406144xf32, #tpu.memory_space<hbm>>) dst(%dma_wait3A_4333 : memref<128xf32, #tpu.memory_space<vmem>>)
    %dma_wait3A_4339 = arith.constant 1 : i32
    %dma_wait3A_4340 = arith.constant 1 : i32
    %dma_wait3A_4341 = arith.constant 640 : i32
    %dma_wait3A_4342 = tpu.memref_slice %arg7[%dma_wait3A_4340, %dma_wait3A_4341] : memref<2x1024xf32, #tpu.memory_space<vmem>> -> memref<1x128xf32, #tpu.memory_space<vmem>>
    %dma_wait3A_4343 = tpu.memref_squeeze %dma_wait3A_4342 : memref<1x128xf32, #tpu.memory_space<vmem>> -> memref<128xf32, #tpu.memory_space<vmem>>
    %dma_wait3A_4344 = arith.constant 640 : i32
    %dma_wait3A_4345 = tpu.memref_slice %arg6[%dma_wait3A_4339, %dma_wait3A_4344] : memref<2x1024xi32, #tpu.memory_space<vmem>> -> memref<1x128xi32, #tpu.memory_space<vmem>>
    %dma_wait3A_4346 = tpu.memref_squeeze %dma_wait3A_4345 : memref<1x128xi32, #tpu.memory_space<vmem>> -> memref<128xi32, #tpu.memory_space<vmem>>
    %dma_wait3A_4347 = arith.constant 0 : i32
    %dma_wait3A_4348 = tpu.memref_slice %arg2[%dma_wait3A_4347] : memref<6406144xf32, #tpu.memory_space<hbm>> -> memref<6406144xf32, #tpu.memory_space<hbm>>
    tpu.wait_indirect_dma semaphore(%arg8 : memref<!tpu.dma_semaphore, #tpu.memory_space<semaphore_mem>>) src(%dma_wait3A_4348 : memref<6406144xf32, #tpu.memory_space<hbm>>) dst(%dma_wait3A_4343 : memref<128xf32, #tpu.memory_space<vmem>>)
    %dma_wait3A_4349 = arith.constant 1 : i32
    %dma_wait3A_4350 = arith.constant 1 : i32
    %dma_wait3A_4351 = arith.constant 768 : i32
    %dma_wait3A_4352 = tpu.memref_slice %arg7[%dma_wait3A_4350, %dma_wait3A_4351] : memref<2x1024xf32, #tpu.memory_space<vmem>> -> memref<1x128xf32, #tpu.memory_space<vmem>>
    %dma_wait3A_4353 = tpu.memref_squeeze %dma_wait3A_4352 : memref<1x128xf32, #tpu.memory_space<vmem>> -> memref<128xf32, #tpu.memory_space<vmem>>
    %dma_wait3A_4354 = arith.constant 768 : i32
    %dma_wait3A_4355 = tpu.memref_slice %arg6[%dma_wait3A_4349, %dma_wait3A_4354] : memref<2x1024xi32, #tpu.memory_space<vmem>> -> memref<1x128xi32, #tpu.memory_space<vmem>>
    %dma_wait3A_4356 = tpu.memref_squeeze %dma_wait3A_4355 : memref<1x128xi32, #tpu.memory_space<vmem>> -> memref<128xi32, #tpu.memory_space<vmem>>
    %dma_wait3A_4357 = arith.constant 0 : i32
    %dma_wait3A_4358 = tpu.memref_slice %arg2[%dma_wait3A_4357] : memref<6406144xf32, #tpu.memory_space<hbm>> -> memref<6406144xf32, #tpu.memory_space<hbm>>
    tpu.wait_indirect_dma semaphore(%arg8 : memref<!tpu.dma_semaphore, #tpu.memory_space<semaphore_mem>>) src(%dma_wait3A_4358 : memref<6406144xf32, #tpu.memory_space<hbm>>) dst(%dma_wait3A_4353 : memref<128xf32, #tpu.memory_space<vmem>>)
    %dma_wait3A_4359 = arith.constant 1 : i32
    %dma_wait3A_4360 = arith.constant 1 : i32
    %dma_wait3A_4361 = arith.constant 896 : i32
    %dma_wait3A_4362 = tpu.memref_slice %arg7[%dma_wait3A_4360, %dma_wait3A_4361] : memref<2x1024xf32, #tpu.memory_space<vmem>> -> memref<1x128xf32, #tpu.memory_space<vmem>>
    %dma_wait3A_4363 = tpu.memref_squeeze %dma_wait3A_4362 : memref<1x128xf32, #tpu.memory_space<vmem>> -> memref<128xf32, #tpu.memory_space<vmem>>
    %dma_wait3A_4364 = arith.constant 896 : i32
    %dma_wait3A_4365 = tpu.memref_slice %arg6[%dma_wait3A_4359, %dma_wait3A_4364] : memref<2x1024xi32, #tpu.memory_space<vmem>> -> memref<1x128xi32, #tpu.memory_space<vmem>>
    %dma_wait3A_4366 = tpu.memref_squeeze %dma_wait3A_4365 : memref<1x128xi32, #tpu.memory_space<vmem>> -> memref<128xi32, #tpu.memory_space<vmem>>
    %dma_wait3A_4367 = arith.constant 0 : i32
    %dma_wait3A_4368 = tpu.memref_slice %arg2[%dma_wait3A_4367] : memref<6406144xf32, #tpu.memory_space<hbm>> -> memref<6406144xf32, #tpu.memory_space<hbm>>
    tpu.wait_indirect_dma semaphore(%arg8 : memref<!tpu.dma_semaphore, #tpu.memory_space<semaphore_mem>>) src(%dma_wait3A_4368 : memref<6406144xf32, #tpu.memory_space<hbm>>) dst(%dma_wait3A_4363 : memref<128xf32, #tpu.memory_space<vmem>>)
    %add3A_4369 = arith.constant 0 : i32
    %add3A_4370 = arith.addi %mul3A_2, %add3A_4369 : i32
    %run_scoped3A = arith.constant 0 : i32
    "tpu.region"() ({
      %run_scoped3A_4374 = tpu.sem_alloc : memref<!tpu.dma_semaphore, #tpu.memory_space<semaphore_mem>>
      %dma_start3A_4375 = arith.constant 0 : i32
      %dma_start3A_4376 = tpu.memref_slice %arg7[%run_scoped3A, %dma_start3A_4375] : memref<2x1024xf32, #tpu.memory_space<vmem>> -> memref<1x1024xf32, #tpu.memory_space<vmem>>
      %dma_start3A_4377 = tpu.memref_squeeze %dma_start3A_4376 : memref<1x1024xf32, #tpu.memory_space<vmem>> -> memref<1024xf32, #tpu.memory_space<vmem>>
      %dma_start3A_4378 = arith.constant 0 : i32
      %dma_start3A_4379 = tpu.memref_slice %arg4[%add3A_4370, %dma_start3A_4378] : memref<64x1024xf32, #tpu.memory_space<hbm>> -> memref<1x1024xf32, #tpu.memory_space<hbm>>
      %dma_start3A_4380 = tpu.memref_squeeze %dma_start3A_4379 : memref<1x1024xf32, #tpu.memory_space<hbm>> -> memref<1024xf32, #tpu.memory_space<hbm>>
      %dma_start3A_4381 = arith.constant 0 : i32
      %dma_start3A_4382 = tpu.memref_slice %arg4[%add3A_4370, %dma_start3A_4381] : memref<64x1024xf32, #tpu.memory_space<hbm>> -> memref<1x1024xf32, #tpu.memory_space<hbm>>
      %dma_start3A_4383 = tpu.memref_squeeze %dma_start3A_4382 : memref<1x1024xf32, #tpu.memory_space<hbm>> -> memref<1024xf32, #tpu.memory_space<hbm>>
      %dma_start3A_4384 = arith.constant 0 : i32
      %dma_start3A_4385 = tpu.memref_slice %arg7[%run_scoped3A, %dma_start3A_4384] : memref<2x1024xf32, #tpu.memory_space<vmem>> -> memref<1x1024xf32, #tpu.memory_space<vmem>>
      %dma_start3A_4386 = tpu.memref_squeeze %dma_start3A_4385 : memref<1x1024xf32, #tpu.memory_space<vmem>> -> memref<1024xf32, #tpu.memory_space<vmem>>
      tpu.enqueue_dma source(%dma_start3A_4386 : memref<1024xf32, #tpu.memory_space<vmem>>) target(%dma_start3A_4383 : memref<1024xf32, #tpu.memory_space<hbm>>) target_semaphore(%run_scoped3A_4374 : memref<!tpu.dma_semaphore, #tpu.memory_space<semaphore_mem>>)
      %dma_wait3A_4387 = arith.constant 0 : i32
      %dma_wait3A_4388 = tpu.memref_slice %arg7[%run_scoped3A, %dma_wait3A_4387] : memref<2x1024xf32, #tpu.memory_space<vmem>> -> memref<1x1024xf32, #tpu.memory_space<vmem>>
      %dma_wait3A_4389 = tpu.memref_squeeze %dma_wait3A_4388 : memref<1x1024xf32, #tpu.memory_space<vmem>> -> memref<1024xf32, #tpu.memory_space<vmem>>
      %dma_wait3A_4390 = arith.constant 0 : i32
      %dma_wait3A_4391 = tpu.memref_slice %arg4[%add3A_4370, %dma_wait3A_4390] : memref<64x1024xf32, #tpu.memory_space<hbm>> -> memref<1x1024xf32, #tpu.memory_space<hbm>>
      %dma_wait3A_4392 = tpu.memref_squeeze %dma_wait3A_4391 : memref<1x1024xf32, #tpu.memory_space<hbm>> -> memref<1024xf32, #tpu.memory_space<hbm>>
      %dma_wait3A_4393 = arith.constant 0 : i32
      %dma_wait3A_4394 = tpu.memref_slice %arg4[%add3A_4370, %dma_wait3A_4393] : memref<64x1024xf32, #tpu.memory_space<hbm>> -> memref<1x1024xf32, #tpu.memory_space<hbm>>
      %dma_wait3A_4395 = tpu.memref_squeeze %dma_wait3A_4394 : memref<1x1024xf32, #tpu.memory_space<hbm>> -> memref<1024xf32, #tpu.memory_space<hbm>>
      %dma_wait3A_4396 = arith.constant 0 : i32
      %dma_wait3A_4397 = tpu.memref_slice %arg7[%run_scoped3A, %dma_wait3A_4396] : memref<2x1024xf32, #tpu.memory_space<vmem>> -> memref<1x1024xf32, #tpu.memory_space<vmem>>
      %dma_wait3A_4398 = tpu.memref_squeeze %dma_wait3A_4397 : memref<1x1024xf32, #tpu.memory_space<vmem>> -> memref<1024xf32, #tpu.memory_space<vmem>>
      tpu.wait_dma2 semaphore(%run_scoped3A_4374 : memref<!tpu.dma_semaphore, #tpu.memory_space<semaphore_mem>>) src(%dma_wait3A_4398 : memref<1024xf32, #tpu.memory_space<vmem>>) dst(%dma_wait3A_4395 : memref<1024xf32, #tpu.memory_space<hbm>>)
      tpu.yield
    }) : () -> ()
    %add3A_4371 = arith.constant 1 : i32
    %add3A_4372 = arith.addi %mul3A_2, %add3A_4371 : i32
    %run_scoped3A_4373 = arith.constant 1 : i32
    "tpu.region"() ({
      %run_scoped3A_4374 = tpu.sem_alloc : memref<!tpu.dma_semaphore, #tpu.memory_space<semaphore_mem>>
      %dma_start3A_4375 = arith.constant 0 : i32
      %dma_start3A_4376 = tpu.memref_slice %arg7[%run_scoped3A_4373, %dma_start3A_4375] : memref<2x1024xf32, #tpu.memory_space<vmem>> -> memref<1x1024xf32, #tpu.memory_space<vmem>>
      %dma_start3A_4377 = tpu.memref_squeeze %dma_start3A_4376 : memref<1x1024xf32, #tpu.memory_space<vmem>> -> memref<1024xf32, #tpu.memory_space<vmem>>
      %dma_start3A_4378 = arith.constant 0 : i32
      %dma_start3A_4379 = tpu.memref_slice %arg4[%add3A_4372, %dma_start3A_4378] : memref<64x1024xf32, #tpu.memory_space<hbm>> -> memref<1x1024xf32, #tpu.memory_space<hbm>>
      %dma_start3A_4380 = tpu.memref_squeeze %dma_start3A_4379 : memref<1x1024xf32, #tpu.memory_space<hbm>> -> memref<1024xf32, #tpu.memory_space<hbm>>
      %dma_start3A_4381 = arith.constant 0 : i32
      %dma_start3A_4382 = tpu.memref_slice %arg4[%add3A_4372, %dma_start3A_4381] : memref<64x1024xf32, #tpu.memory_space<hbm>> -> memref<1x1024xf32, #tpu.memory_space<hbm>>
      %dma_start3A_4383 = tpu.memref_squeeze %dma_start3A_4382 : memref<1x1024xf32, #tpu.memory_space<hbm>> -> memref<1024xf32, #tpu.memory_space<hbm>>
      %dma_start3A_4384 = arith.constant 0 : i32
      %dma_start3A_4385 = tpu.memref_slice %arg7[%run_scoped3A_4373, %dma_start3A_4384] : memref<2x1024xf32, #tpu.memory_space<vmem>> -> memref<1x1024xf32, #tpu.memory_space<vmem>>
      %dma_start3A_4386 = tpu.memref_squeeze %dma_start3A_4385 : memref<1x1024xf32, #tpu.memory_space<vmem>> -> memref<1024xf32, #tpu.memory_space<vmem>>
      tpu.enqueue_dma source(%dma_start3A_4386 : memref<1024xf32, #tpu.memory_space<vmem>>) target(%dma_start3A_4383 : memref<1024xf32, #tpu.memory_space<hbm>>) target_semaphore(%run_scoped3A_4374 : memref<!tpu.dma_semaphore, #tpu.memory_space<semaphore_mem>>)
      %dma_wait3A_4387 = arith.constant 0 : i32
      %dma_wait3A_4388 = tpu.memref_slice %arg7[%run_scoped3A_4373, %dma_wait3A_4387] : memref<2x1024xf32, #tpu.memory_space<vmem>> -> memref<1x1024xf32, #tpu.memory_space<vmem>>
      %dma_wait3A_4389 = tpu.memref_squeeze %dma_wait3A_4388 : memref<1x1024xf32, #tpu.memory_space<vmem>> -> memref<1024xf32, #tpu.memory_space<vmem>>
      %dma_wait3A_4390 = arith.constant 0 : i32
      %dma_wait3A_4391 = tpu.memref_slice %arg4[%add3A_4372, %dma_wait3A_4390] : memref<64x1024xf32, #tpu.memory_space<hbm>> -> memref<1x1024xf32, #tpu.memory_space<hbm>>
      %dma_wait3A_4392 = tpu.memref_squeeze %dma_wait3A_4391 : memref<1x1024xf32, #tpu.memory_space<hbm>> -> memref<1024xf32, #tpu.memory_space<hbm>>
      %dma_wait3A_4393 = arith.constant 0 : i32
      %dma_wait3A_4394 = tpu.memref_slice %arg4[%add3A_4372, %dma_wait3A_4393] : memref<64x1024xf32, #tpu.memory_space<hbm>> -> memref<1x1024xf32, #tpu.memory_space<hbm>>
      %dma_wait3A_4395 = tpu.memref_squeeze %dma_wait3A_4394 : memref<1x1024xf32, #tpu.memory_space<hbm>> -> memref<1024xf32, #tpu.memory_space<hbm>>
      %dma_wait3A_4396 = arith.constant 0 : i32
      %dma_wait3A_4397 = tpu.memref_slice %arg7[%run_scoped3A_4373, %dma_wait3A_4396] : memref<2x1024xf32, #tpu.memory_space<vmem>> -> memref<1x1024xf32, #tpu.memory_space<vmem>>
      %dma_wait3A_4398 = tpu.memref_squeeze %dma_wait3A_4397 : memref<1x1024xf32, #tpu.memory_space<vmem>> -> memref<1024xf32, #tpu.memory_space<vmem>>
      tpu.wait_dma2 semaphore(%run_scoped3A_4374 : memref<!tpu.dma_semaphore, #tpu.memory_space<semaphore_mem>>) src(%dma_wait3A_4398 : memref<1024xf32, #tpu.memory_space<vmem>>) dst(%dma_wait3A_4395 : memref<1024xf32, #tpu.memory_space<hbm>>)
      tpu.yield
    }) : () -> ()
    return
  }
}

module attributes {stable_mosaic.version = 14 : i64} {
  func.func @body(%arg0: i32, %arg1: memref<8x100000xf32, #tpu.memory_space<vmem>>, %arg2: memref<800768xf32, #tpu.memory_space<vmem>>) attributes {dimension_semantics = [#tpu.dimension_semantics<arbitrary>], iteration_bounds = array<i64: 8>, scalar_prefetch = 0 : i64, scratch_operands = 0 : i64, tpu.core_type = #tpu.core_type<tc>, window_params = [{transform_indices = @transform_0, window_bounds = array<i64: 8, 100000>}, {transform_indices = @transform_1, window_bounds = array<i64: 800768>}]} {
    %get3A = arith.constant 0 : index
    %get3A_0 = arith.constant 0 : index
    %get3A_1 = vector.load %arg1[%get3A, %get3A_0] : memref<8x100000xf32, #tpu.memory_space<vmem>>, vector<8x100000xf32>
    %slice3A = vector.extract_strided_slice %get3A_1 {offsets = [0, 0], sizes = [8, 99968], strides = [1, 1]} : vector<8x100000xf32> to vector<8x99968xf32>
    %reshape3A = vector.shape_cast %slice3A : vector<8x99968xf32> to vector<8x781x128xf32>
    %transpose3A = tpu.transpose %reshape3A, [1, 0, 2] : vector<8x781x128xf32> -> vector<781x8x128xf32>
    %reshape3A_2 = vector.shape_cast %transpose3A : vector<781x8x128xf32> to vector<799744xf32>
    %swap3A = arith.constant 0 : index
    %swap3A_3 = vector.load %arg2[%swap3A] : memref<800768xf32, #tpu.memory_space<vmem>>, vector<799744xf32>
    tpu.vector_store %arg2[%swap3A], %reshape3A_2 {strides = array<i32>} : memref<800768xf32, #tpu.memory_space<vmem>>, vector<799744xf32>,
    %slice3A_4 = vector.extract_strided_slice %get3A_1 {offsets = [0, 99968], sizes = [8, 32], strides = [1, 1]} : vector<8x100000xf32> to vector<8x32xf32>
    %jit3A = arith.constant 0 : i32
    %convert_element_type3A = arith.sitofp %jit3A : i32 to f32
    %pad3A = vector.broadcast %convert_element_type3A : f32 to vector<8x96xf32>
    %pad3A_5 = tpu.concatenate %slice3A_4, %pad3A in 1 : vector<8x32xf32>, vector<8x96xf32> -> vector<8x128xf32>
    %reshape3A_6 = vector.shape_cast %pad3A_5 : vector<8x128xf32> to vector<1024xf32>
    %swap3A_7 = arith.constant 799744 : index
    %swap3A_8 = vector.load %arg2[%swap3A_7] : memref<800768xf32, #tpu.memory_space<vmem>>, vector<1024xf32>
    tpu.vector_store %arg2[%swap3A_7], %reshape3A_6 {strides = array<i32>} : memref<800768xf32, #tpu.memory_space<vmem>>, vector<1024xf32>,
    return
  }
  func.func @transform_0(%arg0: i32) -> (i32, i32) {
    %add3A = arith.constant 0 : i32
    %add3A_0 = arith.addi %arg0, %add3A : i32
    %c0_i32 = arith.constant 0 : i32
    %c0_i32_1 = arith.constant 0 : i32
    return %add3A_0, %c0_i32 : i32, i32
  }
  func.func @transform_1(%arg0: i32) -> i32 {
    %c0_i32 = arith.constant 0 : i32
    return %arg0 : i32
  }
}

module attributes {stable_mosaic.version = 14 : i64} {
  func.func @_proj_body(%arg0: i32, %arg1: memref<64x4096xf32, #tpu.memory_space<vmem>>, %arg2: memref<64x1024xf32, #tpu.memory_space<vmem>>, %arg3: memref<1x4096xf32, #tpu.memory_space<vmem>>, %arg4: memref<4096x1024xf32, #tpu.memory_space<vmem>>) attributes {dimension_semantics = [#tpu.dimension_semantics<arbitrary>], iteration_bounds = array<i64: 25>, scalar_prefetch = 0 : i64, scratch_operands = 0 : i64, tpu.core_type = #tpu.core_type<tc>, window_params = [{transform_indices = @transform_0, window_bounds = array<i64: 64, 4096>}, {pipeline_mode = #tpu.pipeline_mode<synchronous>, transform_indices = @transform_1, window_bounds = array<i64: 64, 1024>}, {transform_indices = @transform_2, window_bounds = array<i64: 1, 4096>}, {transform_indices = @transform_3, window_bounds = array<i64: 4096, 1024>}]} {
    %get3A = arith.constant 0 : index
    %get3A_0 = arith.constant 0 : index
    %get3A_1 = vector.load %arg1[%get3A, %get3A_0] : memref<64x4096xf32, #tpu.memory_space<vmem>>, vector<64x4096xf32>
    %get3A_2 = arith.constant 0 : index
    %get3A_3 = arith.constant 0 : index
    %get3A_4 = vector.load %arg2[%get3A_2, %get3A_3] : memref<64x1024xf32, #tpu.memory_space<vmem>>, vector<64x1024xf32>
    %dot_general3A = arith.constant dense<0.000000e+00> : vector<4096x1024xf32>
    %dot_general3A_5 = tpu.matmul %get3A_1, %get3A_4, %dot_general3A {dimension_numbers = #tpu.dot_dimension_numbers<[0], [0], [1], [1], [0, 1, 1, 1], [], []>, transpose_lhs_hint = false} : vector<64x4096xf32>, vector<64x1024xf32>, vector<4096x1024xf32> -> vector<4096x1024xf32>
    %broadcast_in_dim3A = arith.constant 1.000000e+00 : f32
    %broadcast_in_dim3A_6 = vector.broadcast %broadcast_in_dim3A : f32 to vector<1x1024xf32>
    %get3A_7 = arith.constant 0 : index
    %get3A_8 = arith.constant 0 : index
    %get3A_9 = vector.load %arg3[%get3A_7, %get3A_8] : memref<1x4096xf32, #tpu.memory_space<vmem>>, vector<1x4096xf32>
    %dot_general3A_10 = arith.constant dense<0.000000e+00> : vector<4096x1024xf32>
    %dot_general3A_11 = tpu.matmul %get3A_9, %broadcast_in_dim3A_6, %dot_general3A_10 {dimension_numbers = #tpu.dot_dimension_numbers<[0], [0], [1], [1], [0, 1, 1, 1], [], []>, transpose_lhs_hint = false} : vector<1x4096xf32>, vector<1x1024xf32>, vector<4096x1024xf32> -> vector<4096x1024xf32>
    %add3A = arith.addf %dot_general3A_5, %dot_general3A_11 : vector<4096x1024xf32>
    %swap3A = arith.constant 0 : index
    %swap3A_12 = arith.constant 0 : index
    %swap3A_13 = vector.load %arg4[%swap3A, %swap3A_12] : memref<4096x1024xf32, #tpu.memory_space<vmem>>, vector<4096x1024xf32>
    tpu.vector_store %arg4[%swap3A, %swap3A_12], %add3A {strides = array<i32>} : memref<4096x1024xf32, #tpu.memory_space<vmem>>, vector<4096x1024xf32>,
    return
  }
  func.func @transform_0(%arg0: i32) -> (i32, i32) {
    %c0_i32 = arith.constant 0 : i32
    %c0_i32_0 = arith.constant 0 : i32
    return %c0_i32, %arg0 : i32, i32
  }
  func.func @transform_1(%arg0: i32) -> (i32, i32) {
    %c0_i32 = arith.constant 0 : i32
    %c0_i32_0 = arith.constant 0 : i32
    %c0_i32_1 = arith.constant 0 : i32
    return %c0_i32, %c0_i32_0 : i32, i32
  }
  func.func @transform_2(%arg0: i32) -> (i32, i32) {
    %c0_i32 = arith.constant 0 : i32
    %c0_i32_0 = arith.constant 0 : i32
    return %c0_i32, %arg0 : i32, i32
  }
  func.func @transform_3(%arg0: i32) -> (i32, i32) {
    %c0_i32 = arith.constant 0 : i32
    %c0_i32_0 = arith.constant 0 : i32
    return %arg0, %c0_i32 : i32, i32
  }
}

</mosaic_0001>

<sc_bundles>
// kernel: kernel.5.cloned.1.call-start
scs
__scs_entry_jumppad:
0x0: {  	(pc) =	sbr.rel $0x88, $3  }
0x1: {  	(tag) =	ssettag $0x0;
	lr =	simm.s32 $0x1  }
0x2: {  	[smem:$0x3F9D] =	sst lr;
	_ =	strace $0xD0000000  }
0x3: {  	_ = 	snop  }
0x4: {  	_ = 	snop  }
0x5: {  	_ = 	snop  }
0x6: {  	_ = 	snop  }
0x7: {  	_ = 	snop  }
__scs_overlays_trampoline_lowered:
0x8: {  	[smem:$0x3FAC] =	sst s0  }
0x9: {  	[smem:$0x3FAD] =	sst s1  }
0xa: {  	[smem:$0x3FAE] =	sst s2  }
0xb: {  	[smem:$0x3FAF] =	sst s3  }
0xc: {  	[smem:$0x3FB0] =	sst s4  }
0xd: {  	[smem:$0x3FB1] =	sst s5  }
0xe: {  	[smem:$0x3FB2] =	sst s6  }
0xf: {  	[smem:$0x3FB3] =	sst s7  }
0x10: {  	[smem:$0x3FB4] =	sst s8  }
0x11: {  	[smem:$0x3FB5] =	sst s9;
	s0 =	simm.s32 @!p0 $0x0  }
0x12: {  	s1 =	sld [smem:$0x3F9B];
	s0 =	simm.s32 @p0 $0x1  }
0x13: {  	[smem:$0x3FB6] =	sst s0;
	s0 =	simm.s32 @!p1 $0x0  }
0x14: {  	s2 =	sld [smem:$0x3F9A];
	s0 =	simm.s32 @p1 $0x1  }
0x15: {  	[smem:$0x3FB7] =	sst s0;
	s0 =	simm.s32 @!p2 $0x0  }
0x16: {  	s3 =	sld [smem:$0x3FDB];
	s0 =	simm.s32 @p2 $0x1  }
0x17: {  	s4 =	simm.s32 $0x1BF5;
	[smem:$0x3FB9] =	sst s0  }
0x18: {  	s0 =	sld [smem:$0x3F9C];
	_ =	swait.ge [sflag:s4], $0x0  }
0x19: {  	s7 =	sld [smem:$0x3F9D]  }
0x1a: {  	s8 =	sadd.s32 $0xFFFFE003, lr  }
0x1b: {  	s9 =	sadd.s32 $0xFFFFFEF7, lr;
	s5 =	simm.s32 $0xFFFFFFFF;
	p2 =	slt.u32 s8, $0xFFFFF086  }
0x1c: {  	p1 =	slt.u32 s9, $0xF7A;
	s5 =	simm.s32 @!p2 $0x0  }
0x1d: {  	s5 =	simm.s32 @p1 $0x1;
	p0 =	seq.s32 s7, s2  }
0x1e: {  	s7 =	smul.u32 @!p0 $0xF7A, s2;
	p2 =	seq.s32 @!p0 s5, $0x0  }
0x1f: {  	s9 =	smul.u32 $0xF7A, s1;
	s8 =	simm.s32 @!p0 $0x1BF5;
	p2 =	por !p2, p0  }
0x20: {  	[sflag:s8] =	ssyncset.s32 @!p0 $0xFFFFF086;
	s6 =	sadd.s32 @!p0 s3, s7;
	s7 =	simm.s32 @!p0 $0x108  }
0x21: {  	s3 =	sadd.s32 s3, s9;
	s6 =	sadd.s32 @!p0 $0x88, s6;
	s7 =	simm.s32 @p2 $0x1082  }
0x22: {  	[simem:s7], [sflag:s8] =	dma.local @!p0 [hbm:s6], $0xF7A  }
0x23: {  	s9 =	sor.u32 $0xD0000000, s2;
	s6 =	simm.s32 $0x108;
	_ =	swait.ge @!p0 [sflag:s8], $0x0  }
0x24: {  	s3 =	sadd.s32 $0x88, s3;
	s6 =	simm.s32 @!p1 $0x1082;
	[sflag:s4] =	ssyncset.s32 $0xFFFFF086  }
0x25: {  	[simem:s6], [sflag:s4] =	dma.local [hbm:s3], $0xF7A  }
0x26: {  	[smem:$0x3F9D] =	sst s1;
	(tag) =	ssettag s2;
	_ =	strace s9  }
0x27: {  	s1 =	sld [smem:$0x3FAD]  }
0x28: {  	s2 =	sld [smem:$0x3FAE]  }
0x29: {  	s4 =	sld [smem:$0x3FB0]  }
0x2a: {  	p0 =	seq.s32 s5, $0x0;
	s5 =	sld [smem:$0x3FB1]  }
0x2b: {  	s6 =	sld [smem:$0x3FB2]  }
0x2c: {  	s7 =	sld [smem:$0x3FB3]  }
0x2d: {  	s3 =	simm.s32 $0x108;
	s8 =	sld [smem:$0x3FB4]  }
0x2e: {  	s3 =	simm.s32 @!p0 $0x1082;
	s9 =	sld [smem:$0x3FB5]  }
0x2f: {  	lr =	sadd.s32 s0, s3;
	s0 =	sld [smem:$0x3FAC]  }
0x30: {  	s3 =	sld [smem:$0x3FAF]  }
0x31: {  	[smem:$0x3FB8] =	sst s10  }
0x32: {  	s10 =	sld [smem:$0x3FB6];
	_ =	sdelay $0x3  }
0x33: {  	p0 =	seq.s32 s10, $0x1;
	s10 =	sld [smem:$0x3FB8];
	_ =	sdelay $0x3  }
0x34: {  	[smem:$0x3FB8] =	sst s10  }
0x35: {  	s10 =	sld [smem:$0x3FB7];
	_ =	sdelay $0x3  }
0x36: {  	p1 =	seq.s32 s10, $0x1;
	s10 =	sld [smem:$0x3FB8];
	_ =	sdelay $0x3  }
0x37: {  	[smem:$0x3FB8] =	sst s10  }
0x38: {  	s10 =	sld [smem:$0x3FB9]  }
0x39: {  	_ = 	snop;
	(pc) =	sbr.ind lr, $3  }
0x3a: {  	_ = 	snop  }
0x3b: {  	_ = 	snop  }
0x3c: {  	p2 =	seq.s32 s10, $0x1;
	s10 =	sld [smem:$0x3FB8]  }
0x3d: {  	_ =	shalt  }
0x3e: {  	_ =	shalt  }
0x3f: {  	_ =	shalt  }
0x40: {  	_ =	shalt  }
0x41: {  	_ =	shalt  }
0x42: {  	_ =	shalt  }
0x43: {  	_ =	shalt  }
0x44: {  	_ =	shalt  }
0x45: {  	_ =	shalt  }
0x46: {  	_ =	shalt  }
0x47: {  	_ =	shalt  }
0x48: {  	_ =	shalt  }
0x49: {  	_ =	shalt  }
0x4a: {  	_ =	shalt  }
0x4b: {  	_ =	shalt  }
0x4c: {  	_ =	shalt  }
0x4d: {  	_ =	shalt  }
0x4e: {  	_ =	shalt  }
0x4f: {  	_ =	shalt  }
0x50: {  	_ =	shalt  }
0x51: {  	_ =	shalt  }
0x52: {  	_ =	shalt  }
0x53: {  	_ =	shalt  }
0x54: {  	_ =	shalt  }
0x55: {  	_ =	shalt  }
0x56: {  	_ =	shalt  }
0x57: {  	_ =	shalt  }
0x58: {  	_ =	shalt  }
0x59: {  	_ =	shalt  }
0x5a: {  	_ =	shalt  }
0x5b: {  	_ =	shalt  }
0x5c: {  	_ =	shalt  }
0x5d: {  	_ =	shalt  }
0x5e: {  	_ =	shalt  }
0x5f: {  	_ =	shalt  }
0x60: {  	_ =	shalt  }
0x61: {  	_ =	shalt  }
0x62: {  	_ =	shalt  }
0x63: {  	_ =	shalt  }
0x64: {  	_ =	shalt  }
0x65: {  	_ =	shalt  }
0x66: {  	_ =	shalt  }
0x67: {  	_ =	shalt  }
0x68: {  	_ =	shalt  }
0x69: {  	_ =	shalt  }
0x6a: {  	_ =	shalt  }
0x6b: {  	_ =	shalt  }
0x6c: {  	_ =	shalt  }
0x6d: {  	_ =	shalt  }
0x6e: {  	_ =	shalt  }
0x6f: {  	_ =	shalt  }
0x70: {  	_ =	shalt  }
0x71: {  	_ =	shalt  }
0x72: {  	_ =	shalt  }
0x73: {  	_ =	shalt  }
0x74: {  	_ =	shalt  }
0x75: {  	_ =	shalt  }
0x76: {  	_ =	shalt  }
0x77: {  	_ =	shalt  }
0x78: {  	_ =	shalt  }
0x79: {  	_ =	shalt  }
0x7a: {  	_ =	shalt  }
0x7b: {  	_ =	shalt  }
0x7c: {  	_ =	shalt  }
0x7d: {  	_ =	shalt  }
0x7e: {  	_ =	shalt  }
0x7f: {  	_ =	shalt  }
0x80: {  	_ =	shalt  }
0x81: {  	_ =	shalt  }
0x82: {  	_ =	shalt  }
0x83: {  	_ =	shalt  }
0x84: {  	_ =	shalt  }
0x85: {  	_ =	shalt  }
0x86: {  	_ =	shalt  }
0x87: {  	_ =	shalt  }
.Lfunc_end0:
.L_simem_size_0:
called_computation_lowered:
.L_overlay_start_0:
0x88: {  	s2 =	sld [smem:$0x3FD9]  }
0x89: {  	s3 =	sld [smem:$0x3FFE];
	_ =	sdelay $0x1  }
0x8a: {  	s1 =	srdreg.scid  }
0x8b: {  	s0 =	sand.u32 $0x1, s1  }
0x8c: {  	s17 =	sshll.u32 s0, $0xA;
	s2 =	sadd.s32 s3, s2  }
0x8d: {  	s2 =	sadd.s32 s2, s17  }
0x8e: {  	[smem:$0x3FC4] =	sst s2  }
0x8f: {  	_ = 	snop  }
0x90: {  	s2 =	sld [smem:$0x3FC9]  }
0x91: {  	s18 =	sld [smem:$0x3FD0];
	(tm) =	ssettm $0x1  }
0x92: {  	s4 =	sld [smem:$0x3FFB];
	_ =	sdelay $0x3  }
0x93: {  	_ =	strace s4  }
0x94: {  	s4 =	sld [smem:$0x3FFC];
	_ =	sdelay $0x3  }
0x95: {  	_ =	strace s4  }
0x96: {  	s4 =	sld [smem:$0x3FFD];
	_ =	sdelay $0x3  }
0x97: {  	_ =	strace s4  }
0x98: {  	_ =	strace $0x8FFFFFFF  }
0x99: {  	s19 =	sld [smem:$0x3FDB];
	_ =	sdelay $0x1  }
0x9a: {  	s5 =	simm.s32 $_scs_section_size  }
0x9b: {  	s6 =	simm.s32 $_size__tile_overlayer_lowered;
	s7 =	simm.s32 $_tile_overlayer_lowered  }
0x9c: {  	s22 =	simm.s32 $0x1BFF;
	s21 =	sshll.u32 s7, $0x1;
	s4 =	sadd.s32 s5, s19  }
0x9d: {  	s8 =	simm.s32 $0x0;
	s20 =	sshll.u32 s6, $0x1;
	s6 =	sadd.s32 s21, s4  }
0x9e: {  	[timem:s8], [sflag:s22] =	dma.local [hbm:s6], s20  }
0x9f: {  	_ =	swait.ge [sflag:s22], s20  }
0xa0: {  	s5 =	ssub.s32 $0x0, s20;
	[sflag:s22] =	ssyncset.done $0x0  }
0xa1: {  	[sflag:s22] =	ssyncadd.s32 s5;
	_ =	sdelay $0x1  }
0xa2: {  	s23 =	simm.s32 $0x1B8B  }
0xa3: {  	_ =	swait.ge [sflag:s23], $0x1  }
0xa4: {  	[sflag:s23] =	ssyncset.done $0x0  }
0xa5: {  	s25 =	simm.s32 $0x1B8E;
	s24 =	sld [smem:$0x3FFE];
	[sflag:s23] =	ssyncadd.s32 $0xFFFFFFFF  }
0xa6: {  	s26 =	simm.s32 $execute0_lowered;
	[smem:$0x3FD2] =	sst s25  }
0xa7: {  	s6 =	sshll.u32 s26, $0x1;
	_ =	strace $0x80000046;
	[dreg:$0x1] =	wrdreg $0xFFFFFFFF  }
0xa8: {  	s28 =	simm.s32 $_size_execute0_lowered;
	s4 =	sadd.s32 s4, s6;
	[dreg:$0x0] =	wrdreg $0x0  }
0xa9: {  	s6 =	sshll.u32 s28, $0x1;
	[dreg:$0x2] =	wrdreg s4  }
0xaa: {  	[dreg:$0x3] =	wrdreg s6  }
0xab: {  	[dreg:$0x4] =	wrdreg $0xC0  }
0xac: {  	_ =	task [dreg:s8], $0x5FFFF  }
0xad: {  	[dreg:$0x1] =	wrdreg $0xFFFFFFFF  }
0xae: {  	[dreg:$0x0] =	wrdreg $0x60  }
0xaf: {  	[dreg:$0x2] =	wrdreg s18  }
0xb0: {  	[dreg:$0x3] =	wrdreg s2  }
0xb1: {  	[dreg:$0x4] =	wrdreg s24  }
0xb2: {  	[dreg:$0x5] =	wrdreg $0x9  }
0xb3: {  	_ =	task.clear_ibuf [dreg:s8], $0x6FFFF;
	_ =	strace $0x90000046  }
0xb4: {  	s29 =	simm.s32 $0x9;
	_ =	strace $0x80000048  }
0xb5: {  	_ =	swait.ge [sflag:s29], $0x1  }
0xb6: {  	[sflag:s29] =	ssyncadd.s32 $0xFFFFFFFF  }
0xb7: {  	_ =	strace $0x90000048  }
0xb8: {  	_ =	sfence  }
0xb9: {  	s30 =	sld [smem:$0x0];
	_ =	sdelay $0x2  }
0xba: {  	s31 =	sshll.u32 s1, $0xD;
	s1 =	sshrl.u32 s1, $0x2  }
0xbb: {  	s3 =	sand.u32 $0x4000, s31;
	s1 =	sadd.s32 s1, s30  }
0xbc: {  	s0 =	sor.u32 s3, s0;
	s1 =	sshll.u32 s1, $0x11  }
0xbd: {  	s0 =	sor.u32 s1, s0  }
0xbe: {  	s0 =	sadd.s32 $0x8F2B, s0  }
0xbf: {  	[sflag:s0] =	ssyncadd.remote.s32 $0x1  }
0xc0: {  	_ =	sfence.sel $0xFFFF  }
0xc1: {  	[dreg:$0x0] =	wrdreg $0xFFFFFFFF;
	(pc) =	sbr.abs _section_cstart, $3  }
0xc2: {  	[dreg:$0x1] =	wrdreg $0xFFFFFFFF  }
0xc3: {  	_ =	task.clear_ibuf [dreg:s8], $0x2FFFF;
	_ =	strace $0x9FFFFFFF  }
0xc4: {  	(tm) =	ssettm $0x7FFFFFFF  }
0xc5: {  	_ =	shalt  }
tec
execute0_lowered:
.L_overlay_start_1:
0x0: {  	(tag) =	ssettag $0x1  }
0x1: {  	s1 =	rddreg [dreg:$0x0]  }
0x2: {  	s0 =	rddreg [dreg:$0x1]  }
0x3: {  	s15 =	rddreg [dreg:$0x2]  }
0x4: {  	s3 =	simm.s32 $0x0;
	s4 =	srdreg.scid;
	s2 =	stileid.u32  }
0x5: {  	s18 =	simm.s32 $0x400;
	s19 =	simm.s32 $0x480;
	s20 =	simm.s32 $0xC80  }
0x6: {  	s21 =	simm.s32 $0x500;
	s23 =	simm.s32 $0xD00;
	[dreg:$0x4] =	wrdreg s0  }
0x7: {  	s24 =	simm.s32 $0x580;
	s25 =	simm.s32 $0xD80;
	[smem:$0x7FF] =	sst s3  }
0x8: {  	s26 =	simm.s32 $0x600;
	_ =	strace $0x80000047;
	[dreg:$0x7] =	wrdreg s18  }
0x9: {  	s11 =	simm.s32 $0x700;
	s12 =	simm.s32 $0xF00;
	[dreg:$0x8] =	wrdreg s19  }
0xa: {  	s13 =	simm.s32 $0x780;
	s14 =	simm.s32 $0xF80;
	[dreg:$0x9] =	wrdreg s20  }
0xb: {  	s28 =	simm.s32 $0xB00;
	s29 =	simm.s32 $0x1300;
	[dreg:$0xa] =	wrdreg s21  }
0xc: {  	s4 =	sand.u32 $0x1, s4;
	s5 =	sshll.u32 s2, $0x9;
	[dreg:$0xb] =	wrdreg s23  }
0xd: {  	s0 =	sadd.s32 $0x600, s15;
	s17 =	sshrl.u32 s2, $0x1;
	[dreg:$0xc] =	wrdreg s24  }
0xe: {  	s15 =	simm.s32 $0x800;
	s6 =	sshll.u32 s4, $0x8;
	[dreg:$0xd] =	wrdreg s25  }
0xf: {  	s4 =	ssub.s32 $0x2, s4;
	[dreg:$0xe] =	wrdreg s26;
	s18 =	simm.s32 $0x1080  }
0x10: {  	s19 =	simm.s32 $0x900;
	s20 =	simm.s32 $0x1100;
	s21 =	simm.s32 $0x980  }
0x11: {  	s23 =	simm.s32 $0xA00;
	s24 =	simm.s32 $0x1200;
	s25 =	simm.s32 $0xA80  }
0x12: {  	s26 =	simm.s32 $0x1280;
	s5 =	sor.u32 s6, s5;
	s16 =	sshrl.u32 s4, $0x1  }
0x13: {  	s6 =	smul.u32 $0xC3800, s17;
	s17 =	simm.s32 $0x880;
	s7 =	sor.u32 $0x80, s5  }
0x14: {  	s8 =	sadd.s32 s0, s5;
	s4 =	ssub.s32 s4, s16;
	s5 =	sand.u32 $0x300, s5  }
0x15: {  	s16 =	simm.s32 $0x1000;
	[dreg:$0x5] =	wrdreg s8;
	s0 =	sadd.s32 s0, s7  }
0x16: {  	s30 =	sor.u32 s6, s5;
	s22 =	sand.u32 $0x380, s7;
	s4 =	smax.u32 s4, $0x1  }
0x17: {  	s5 =	simm.s32 $0x2;
	s7 =	simm.s32 $0xC00;
	[dreg:$0x6] =	wrdreg s0  }
0x18: {  	s31 =	sor.u32 s6, s22;
	s6 =	simm.s32 $0x80;
	s22 =	simm.s32 $0x1180  }
0x19: {  	v54 =	vmov s30;
	s30 =	simm.s32 $0xB80;
	s0 =	simm.s32 $0x1;
	v1 =	vmov s31;
	s31 =	simm.s32 $0x1380  }
.LBB2_1:
0x1a: {  	s2 =	rddreg [dreg:$0x4]  }
0x1b: {  	[tilespmem:s3], [sflag:$0x2] =	stream.linear.gather [hbm4b:s2+s3], $0x400, $0x38;
	[tilespmem:$0x1400] =	vst v63  }
0x1c: {  	_ =	swait.ge [sflag:s5], $0x400  }
0x1d: {  	[sflag:s5] =	ssyncset.done $0x0  }
0x1e: {  	[sflag:s5] =	ssyncadd.s32 $0xFFFFFC00  }
0x1f: {  	v2 =	vld [tilespmem:$0x0]  }
0x20: {  	v3 =	vld [tilespmem:$0x10]  }
0x21: {  	v5 =	vld [tilespmem:$0x20];
	_ =	sdelay $0x1  }
0x22: {  	v55 =	vld [tilespmem:$0x30]  }
0x23: {  	v8 =	vld [tilespmem:$0x40];
	v4 =	vshll.u32 v2, $0x3;
	v6 =	vand.u32 $0x7F, v2  }
0x24: {  	v10 =	vld [tilespmem:$0x50];
	v7 =	vadd.s32 $0xAAD80, v2;
	vm0 =	vlt.s32 v2, $0x18680;
	v2 =	vshll.u32 v3, $0x3  }
0x25: {  	v19 =	vld [tilespmem:$0x70];
	v56 =	vand.u32 $0x7F, v3;
	v57 =	vadd.s32 $0xAAD80, v3;
	v58 =	vshll.u32 v5, $0x3  }
0x26: {  	v23 =	vld [tilespmem:$0x80];
	vm10 =	vlt.s32 v3, $0x18680;
	v59 =	vand.u32 $0x7F, v5;
	v60 =	vadd.s32 $0xAAD80, v5  }
0x27: {  	v25 =	vld [tilespmem:$0x90];
	v9 =	vshll.u32 v55, $0x3;
	vm1 =	vlt.s32 v5, $0x18680;
	v62 =	vand.u32 $0x7F, v55  }
0x28: {  	v63 =	vadd.s32 $0xAAD80, v55;
	vm11 =	vlt.s32 v55, $0x18680;
	v16 =	vand.u32 $0x7F, v8  }
0x29: {  	v28 =	vld [tilespmem:$0xA0];
	v17 =	vadd.s32 $0xAAD80, v8;
	v18 =	vshll.u32 v10, $0x3;
	vm12 =	vlt.s32 v8, $0x18680  }
0x2a: {  	v32 =	vld [tilespmem:$0xB0];
	v20 =	vand.u32 $0x7F, v10;
	v21 =	vadd.s32 $0xAAD80, v10;
	vm13 =	vlt.s32 v10, $0x18680  }
0x2b: {  	v43 =	vld [tilespmem:$0xE0];
	v27 =	vshll.u32 v23, $0x3;
	vm15 =	vlt.s32 v19, $0x18680;
	v29 =	vand.u32 $0x7F, v23  }
0x2c: {  	v39 =	vld [tilespmem:$0xD0];
	v30 =	vadd.s32 $0xAAD80, v23;
	v31 =	vshll.u32 v25, $0x3;
	vm4 =	vlt.s32 v23, $0x18680  }
0x2d: {  	v33 =	vand.u32 $0x7F, v25;
	v34 =	vadd.s32 $0xAAD80, v25;
	vm5 =	vlt.s32 v25, $0x18680  }
0x2e: {  	v35 =	vshll.u32 v28, $0x3;
	v36 =	vand.u32 $0x7F, v28;
	v37 =	vadd.s32 $0xAAD80, v28  }
0x2f: {  	v38 =	vshll.u32 v32, $0x3;
	vm6 =	vlt.s32 v28, $0x18680;
	v40 =	vand.u32 $0x7F, v32  }
0x30: {  	v45 =	vld [tilespmem:$0xF0];
	v41 =	vadd.s32 $0xAAD80, v32;
	vm7 =	vlt.s32 v32, $0x18680;
	v47 =	vshll.u32 v43, $0x3  }
0x31: {  	vm9 =	vlt.s32 v39, $0x18680;
	v55 =	vand.u32 $0x7F, v43;
	v4 =	vand.u32 $0xFFFFFC00, v4  }
0x32: {  	v2 =	vand.u32 $0xFFFFFC00, v2;
	v3 =	vand.u32 $0xFFFFFC00, v58;
	v61 =	vand.u32 $0xFFFFFC00, v9  }
0x33: {  	v51 =	vld [tilespmem:$0x100];
	v9 =	vshll.u32 v8, $0x3;
	v5 =	vand.u32 $0xFFFFFC00, v18;
	v4 =	vor.u32 v6, v4  }
0x34: {  	v2 =	vor.u32 v56, v2;
	v3 =	vor.u32 v59, v3;
	v5 =	vor.u32 v20, v5  }
0x35: {  	v56 =	vadd.s32 $0xAAD80, v43;
	v59 =	vand.u32 $0x7F, v45;
	v0 =	vsel vm0, v4, v7  }
0x36: {  	v12 =	vsel vm10, v2, v57;
	v11 =	vsel vm1, v3, v60;
	v2 =	vor.u32 v62, v61  }
0x37: {  	v58 =	vld [tilespmem:$0x110];
	v48 =	vsel vm13, v5, v21;
	v5 =	vand.u32 $0xFFFFFC00, v27;
	v57 =	vshll.u32 v45, $0x3  }
0x38: {  	v3 =	vld [tilespmem:$0x60];
	vm10 =	vlt.s32 v43, $0x18680;
	v60 =	vadd.s32 $0xAAD80, v45;
	v61 =	vshll.u32 v51, $0x3  }
0x39: {  	v62 =	vand.u32 $0x7F, v51;
	v13 =	vsel vm11, v2, v63;
	v2 =	vand.u32 $0xFFFFFC00, v9  }
0x3a: {  	v5 =	vor.u32 v29, v5;
	vm11 =	vlt.s32 v45, $0x18680;
	v63 =	vadd.s32 $0xAAD80, v51  }
0x3b: {  	v2 =	vor.u32 v16, v2;
	v52 =	vsel vm4, v5, v30;
	v5 =	vand.u32 $0xFFFFFC00, v38  }
0x3c: {  	v50 =	vsel vm12, v2, v17;
	v5 =	vor.u32 v40, v5;
	v14 =	vshll.u32 v58, $0x3  }
0x3d: {  	vm12 =	vlt.s32 v51, $0x18680;
	v16 =	vand.u32 $0x7F, v58;
	v22 =	vshll.u32 v3, $0x3  }
0x3e: {  	v21 =	vld [tilespmem:$0x150];
	v24 =	vand.u32 $0x7F, v3;
	v26 =	vadd.s32 $0xAAD80, v3;
	v8 =	vand.u32 $0xFFFFFC00, v22  }
0x3f: {  	v15 =	vld [tilespmem:$0x130];
	vm14 =	vlt.s32 v3, $0x18680;
	v3 =	vshll.u32 v19, $0x3;
	v2 =	vor.u32 v24, v8  }
0x40: {  	v24 =	vld [tilespmem:$0x160];
	v49 =	vsel vm14, v2, v26;
	v2 =	vand.u32 $0xFFFFFC00, v3;
	v3 =	vand.u32 $0x7F, v19  }
0x41: {  	v17 =	vadd.s32 $0xAAD80, v58;
	v2 =	vor.u32 v3, v2;
	v3 =	vadd.s32 $0xAAD80, v19  }
0x42: {  	v28 =	vld [tilespmem:$0x170];
	vm13 =	vlt.s32 v58, $0x18680;
	v8 =	vand.u32 $0xFFFFFC00, v31;
	v2 =	vsel vm15, v2, v3  }
0x43: {  	v27 =	vshll.u32 v21, $0x3;
	v29 =	vand.u32 $0x7F, v21;
	v19 =	vld [tilespmem:$0x140];
	[tilespmem:$0x1FD90] =	vst v2;
	v2 =	vor.u32 v33, v8  }
0x44: {  	v30 =	vadd.s32 $0xAAD80, v21;
	vm15 =	vlt.s32 v15, $0x18680;
	v53 =	vsel vm5, v2, v34  }
0x45: {  	v3 =	vld [tilespmem:$0xC0];
	v2 =	vand.u32 $0xFFFFFC00, v35;
	vm5 =	vlt.s32 v21, $0x18680;
	v31 =	vshll.u32 v24, $0x3  }
0x46: {  	v32 =	vand.u32 $0x7F, v24;
	v33 =	vadd.s32 $0xAAD80, v24;
	v2 =	vor.u32 v36, v2  }
0x47: {  	v34 =	vshll.u32 v28, $0x3;
	v36 =	vand.u32 $0x7F, v28;
	v2 =	vsel vm6, v2, v37  }
0x48: {  	v23 =	vshll.u32 v19, $0x3;
	v25 =	vand.u32 $0x7F, v19;
	v26 =	vadd.s32 $0xAAD80, v19  }
0x49: {  	vm4 =	vlt.s32 v19, $0x18680;
	vm6 =	vlt.s32 v24, $0x18680;
	v37 =	vadd.s32 $0xAAD80, v28  }
0x4a: {  	v42 =	vshll.u32 v3, $0x3;
	v44 =	vand.u32 $0x7F, v3;
	[tilespmem:$0x1FDA0] =	vst v2;
	v2 =	vsel vm7, v5, v41;
	v41 =	vld [tilespmem:$0x1B0]  }
0x4b: {  	v35 =	vld [tilespmem:$0x190];
	v46 =	vadd.s32 $0xAAD80, v3;
	vm8 =	vlt.s32 v3, $0x18680;
	v8 =	vand.u32 $0xFFFFFC00, v42  }
0x4c: {  	v3 =	vshll.u32 v39, $0x3;
	v5 =	vand.u32 $0xFFFFFC00, v47;
	[tilespmem:$0x1FDB0] =	vst v2;
	v2 =	vor.u32 v44, v8  }
0x4d: {  	vm7 =	vlt.s32 v28, $0x18680;
	v5 =	vor.u32 v55, v5;
	v44 =	vld [tilespmem:$0x1C0];
	v2 =	vsel vm8, v2, v46  }
0x4e: {  	v8 =	vand.u32 $0xFFFFFC00, v57;
	[tilespmem:$0x1FDC0] =	vst v2;
	v2 =	vand.u32 $0xFFFFFC00, v3;
	v3 =	vand.u32 $0x7F, v39  }
0x4f: {  	v51 =	vld [tilespmem:$0x1D0];
	v2 =	vor.u32 v3, v2;
	v3 =	vadd.s32 $0xAAD80, v39;
	v47 =	vshll.u32 v41, $0x3  }
0x50: {  	v39 =	vld [tilespmem:$0x1A0];
	v55 =	vand.u32 $0x7F, v41;
	v2 =	vsel vm9, v2, v3;
	vm9 =	vlt.s32 v35, $0x18680  }
0x51: {  	v3 =	vld [tilespmem:$0x120];
	[tilespmem:$0x1FDD0] =	vst v2;
	v2 =	vsel vm10, v5, v56;
	v5 =	vand.u32 $0xFFFFFC00, v14;
	v56 =	vadd.s32 $0xAAD80, v41  }
0x52: {  	v57 =	vshll.u32 v44, $0x3;
	v58 =	vand.u32 $0x7F, v44;
	[tilespmem:$0x1FDE0] =	vst v2;
	v2 =	vor.u32 v59, v8  }
0x53: {  	v5 =	vor.u32 v16, v5;
	v59 =	vadd.s32 $0xAAD80, v44;
	v2 =	vsel vm11, v2, v60  }
0x54: {  	vm11 =	vlt.s32 v41, $0x18680;
	v60 =	vshll.u32 v51, $0x3;
	[tilespmem:$0x1FDF0] =	vst v2;
	v2 =	vand.u32 $0xFFFFFC00, v61  }
0x55: {  	v43 =	vshll.u32 v39, $0x3;
	v45 =	vand.u32 $0x7F, v39;
	v46 =	vadd.s32 $0xAAD80, v39  }
0x56: {  	vm10 =	vlt.s32 v39, $0x18680;
	v2 =	vor.u32 v62, v2;
	v18 =	vshll.u32 v3, $0x3  }
0x57: {  	v20 =	vand.u32 $0x7F, v3;
	v22 =	vadd.s32 $0xAAD80, v3;
	v2 =	vsel vm12, v2, v63  }
0x58: {  	v61 =	vld [tilespmem:$0x1F0];
	vm14 =	vlt.s32 v3, $0x18680;
	v8 =	vand.u32 $0xFFFFFC00, v18;
	[tilespmem:$0x1FE00] =	vst v2;
	v2 =	vsel vm13, v5, v17  }
0x59: {  	v3 =	vshll.u32 v15, $0x3;
	v62 =	vand.u32 $0x7F, v51;
	v17 =	vld [tilespmem:$0x210];
	[tilespmem:$0x1FE10] =	vst v2;
	v2 =	vor.u32 v20, v8  }
0x5a: {  	vm12 =	vlt.s32 v44, $0x18680;
	v63 =	vadd.s32 $0xAAD80, v51;
	v2 =	vsel vm14, v2, v22  }
0x5b: {  	v5 =	vand.u32 $0xFFFFFC00, v23;
	v20 =	vld [tilespmem:$0x220];
	[tilespmem:$0x1FE20] =	vst v2;
	v2 =	vand.u32 $0xFFFFFC00, v3;
	v3 =	vand.u32 $0x7F, v15  }
0x5c: {  	vm13 =	vlt.s32 v51, $0x18680;
	v2 =	vor.u32 v3, v2;
	v3 =	vadd.s32 $0xAAD80, v15  }
0x5d: {  	v24 =	vld [tilespmem:$0x230];
	v5 =	vor.u32 v25, v5;
	v8 =	vand.u32 $0xFFFFFC00, v27;
	v2 =	vsel vm15, v2, v3  }
0x5e: {  	v15 =	vld [tilespmem:$0x200];
	vm15 =	vlt.s32 v61, $0x18680;
	v23 =	vshll.u32 v17, $0x3;
	v25 =	vand.u32 $0x7F, v17  }
0x5f: {  	v3 =	vld [tilespmem:$0x180];
	[tilespmem:$0x1FE30] =	vst v2;
	v2 =	vsel vm4, v5, v26;
	v5 =	vand.u32 $0xFFFFFC00, v34;
	v26 =	vadd.s32 $0xAAD80, v17  }
0x60: {  	v27 =	vshll.u32 v20, $0x3;
	v28 =	vand.u32 $0x7F, v20;
	[tilespmem:$0x1FE40] =	vst v2;
	v2 =	vor.u32 v29, v8  }
0x61: {  	v5 =	vor.u32 v36, v5;
	v29 =	vadd.s32 $0xAAD80, v20;
	v2 =	vsel vm5, v2, v30  }
0x62: {  	vm5 =	vlt.s32 v17, $0x18680;
	v30 =	vshll.u32 v24, $0x3;
	[tilespmem:$0x1FE50] =	vst v2;
	v2 =	vand.u32 $0xFFFFFC00, v31  }
0x63: {  	v19 =	vshll.u32 v15, $0x3;
	v21 =	vand.u32 $0x7F, v15;
	v22 =	vadd.s32 $0xAAD80, v15  }
0x64: {  	vm4 =	vlt.s32 v15, $0x18680;
	v2 =	vor.u32 v32, v2;
	v38 =	vshll.u32 v3, $0x3  }
0x65: {  	v40 =	vand.u32 $0x7F, v3;
	v42 =	vadd.s32 $0xAAD80, v3;
	v2 =	vsel vm6, v2, v33  }
0x66: {  	v31 =	vld [tilespmem:$0x250];
	vm8 =	vlt.s32 v3, $0x18680;
	v8 =	vand.u32 $0xFFFFFC00, v38;
	[tilespmem:$0x1FE60] =	vst v2;
	v2 =	vsel vm7, v5, v37  }
0x67: {  	v3 =	vshll.u32 v35, $0x3;
	v32 =	vand.u32 $0x7F, v24;
	v37 =	vld [tilespmem:$0x270];
	[tilespmem:$0x1FE70] =	vst v2;
	v2 =	vor.u32 v40, v8  }
0x68: {  	vm6 =	vlt.s32 v20, $0x18680;
	v33 =	vadd.s32 $0xAAD80, v24;
	v2 =	vsel vm8, v2, v42  }
0x69: {  	v5 =	vand.u32 $0xFFFFFC00, v43;
	v40 =	vld [tilespmem:$0x280];
	[tilespmem:$0x1FE80] =	vst v2;
	v2 =	vand.u32 $0xFFFFFC00, v3;
	v3 =	vand.u32 $0x7F, v35  }
0x6a: {  	vm7 =	vlt.s32 v24, $0x18680;
	v2 =	vor.u32 v3, v2;
	v3 =	vadd.s32 $0xAAD80, v35  }
0x6b: {  	v44 =	vld [tilespmem:$0x290];
	v5 =	vor.u32 v45, v5;
	v8 =	vand.u32 $0xFFFFFC00, v47;
	v2 =	vsel vm9, v2, v3  }
0x6c: {  	v35 =	vld [tilespmem:$0x260];
	vm9 =	vlt.s32 v31, $0x18680;
	v43 =	vshll.u32 v37, $0x3;
	v45 =	vand.u32 $0x7F, v37  }
0x6d: {  	v3 =	vld [tilespmem:$0x1E0];
	[tilespmem:$0x1FE90] =	vst v2;
	v2 =	vsel vm10, v5, v46;
	v5 =	vand.u32 $0xFFFFFC00, v60;
	v46 =	vadd.s32 $0xAAD80, v37  }
0x6e: {  	v47 =	vshll.u32 v40, $0x3;
	v51 =	vand.u32 $0x7F, v40;
	[tilespmem:$0x1FEA0] =	vst v2;
	v2 =	vor.u32 v55, v8  }
0x6f: {  	v5 =	vor.u32 v62, v5;
	v55 =	vadd.s32 $0xAAD80, v40;
	v2 =	vsel vm11, v2, v56  }
0x70: {  	vm11 =	vlt.s32 v37, $0x18680;
	v56 =	vshll.u32 v44, $0x3;
	[tilespmem:$0x1FEB0] =	vst v2;
	v2 =	vand.u32 $0xFFFFFC00, v57  }
0x71: {  	v39 =	vshll.u32 v35, $0x3;
	v41 =	vand.u32 $0x7F, v35;
	v42 =	vadd.s32 $0xAAD80, v35  }
0x72: {  	vm10 =	vlt.s32 v35, $0x18680;
	v2 =	vor.u32 v58, v2;
	v14 =	vshll.u32 v3, $0x3  }
0x73: {  	v16 =	vand.u32 $0x7F, v3;
	v18 =	vadd.s32 $0xAAD80, v3;
	vm14 =	vlt.s32 v3, $0x18680  }
0x74: {  	v3 =	vshll.u32 v61, $0x3;
	v8 =	vand.u32 $0xFFFFFC00, v14;
	v2 =	vsel vm12, v2, v59;
	v14 =	vld [tilespmem:$0x2E0]  }
0x75: {  	v57 =	vld [tilespmem:$0x2B0];
	v58 =	vand.u32 $0x7F, v44;
	vm12 =	vlt.s32 v40, $0x18680;
	[tilespmem:$0x1FEC0] =	vst v2;
	v2 =	vsel vm13, v5, v63  }
0x76: {  	v59 =	vadd.s32 $0xAAD80, v44;
	v5 =	vand.u32 $0xFFFFFC00, v19;
	v63 =	vld [tilespmem:$0x2D0];
	[tilespmem:$0x1FED0] =	vst v2;
	v2 =	vor.u32 v16, v8  }
0x77: {  	vm13 =	vlt.s32 v44, $0x18680;
	v5 =	vor.u32 v21, v5;
	v2 =	vsel vm14, v2, v18  }
0x78: {  	v8 =	vand.u32 $0xFFFFFC00, v23;
	v18 =	vld [tilespmem:$0x2F0];
	[tilespmem:$0x1FEE0] =	vst v2;
	v2 =	vand.u32 $0xFFFFFC00, v3;
	v3 =	vand.u32 $0x7F, v61  }
0x79: {  	v2 =	vor.u32 v3, v2;
	v3 =	vadd.s32 $0xAAD80, v61;
	v21 =	vshll.u32 v14, $0x3  }
0x7a: {  	v61 =	vld [tilespmem:$0x2C0];
	v23 =	vadd.s32 $0xAAD80, v14;
	v2 =	vsel vm15, v2, v3;
	vm15 =	vlt.s32 v57, $0x18680  }
0x7b: {  	v17 =	vshll.u32 v63, $0x3;
	v19 =	vand.u32 $0x7F, v63;
	v20 =	vadd.s32 $0xAAD80, v63  }
0x7c: {  	v3 =	vld [tilespmem:$0x240];
	[tilespmem:$0x1FEF0] =	vst v2;
	v2 =	vsel vm4, v5, v22;
	v5 =	vand.u32 $0xFFFFFC00, v30;
	v22 =	vand.u32 $0x7F, v14  }
0x7d: {  	[tilespmem:$0x1FF00] =	vst v2;
	v2 =	vor.u32 v25, v8;
	v5 =	vor.u32 v32, v5;
	v24 =	vshll.u32 v18, $0x3  }
0x7e: {  	v2 =	vsel vm5, v2, v26;
	vm5 =	vlt.s32 v63, $0x18680;
	v26 =	vand.u32 $0x7F, v18  }
0x7f: {  	[tilespmem:$0x1FF10] =	vst v2;
	v2 =	vand.u32 $0xFFFFFC00, v27;
	v10 =	vshll.u32 v61, $0x3;
	v15 =	vand.u32 $0x7F, v61  }
0x80: {  	v16 =	vadd.s32 $0xAAD80, v61;
	vm4 =	vlt.s32 v61, $0x18680;
	v27 =	vadd.s32 $0xAAD80, v18  }
0x81: {  	v2 =	vor.u32 v28, v2;
	v34 =	vshll.u32 v3, $0x3;
	v36 =	vand.u32 $0x7F, v3  }
0x82: {  	v38 =	vadd.s32 $0xAAD80, v3;
	vm8 =	vlt.s32 v3, $0x18680;
	v2 =	vsel vm6, v2, v29;
	v29 =	vld [tilespmem:$0x320]  }
0x83: {  	v3 =	vshll.u32 v31, $0x3;
	v8 =	vand.u32 $0xFFFFFC00, v34;
	[tilespmem:$0x1FF20] =	vst v2;
	v2 =	vsel vm7, v5, v33  }
0x84: {  	vm6 =	vlt.s32 v14, $0x18680;
	v34 =	vld [tilespmem:$0x340];
	v5 =	vand.u32 $0xFFFFFC00, v39;
	[tilespmem:$0x1FF30] =	vst v2;
	v2 =	vor.u32 v36, v8  }
0x85: {  	v25 =	vld [tilespmem:$0x310];
	vm7 =	vlt.s32 v18, $0x18680;
	v5 =	vor.u32 v41, v5;
	v2 =	vsel vm8, v2, v38  }
0x86: {  	v8 =	vand.u32 $0xFFFFFC00, v43;
	[tilespmem:$0x1FF40] =	vst v2;
	v2 =	vand.u32 $0xFFFFFC00, v3;
	v3 =	vand.u32 $0x7F, v31  }
0x87: {  	v2 =	vor.u32 v3, v2;
	v3 =	vadd.s32 $0xAAD80, v31;
	v31 =	vld [tilespmem:$0x330];
	v33 =	vshll.u32 v29, $0x3  }
0x88: {  	v35 =	vand.u32 $0x7F, v29;
	v36 =	vadd.s32 $0xAAD80, v29;
	v2 =	vsel vm9, v2, v3  }
0x89: {  	v41 =	vshll.u32 v34, $0x3;
	v43 =	vand.u32 $0x7F, v34;
	v3 =	vld [tilespmem:$0x2A0];
	[tilespmem:$0x1FF50] =	vst v2;
	v2 =	vsel vm10, v5, v42  }
0x8a: {  	v38 =	vld [tilespmem:$0x350];
	vm9 =	vlt.s32 v25, $0x18680;
	v5 =	vand.u32 $0xFFFFFC00, v56;
	[tilespmem:$0x1FF60] =	vst v2;
	v2 =	vor.u32 v45, v8  }
0x8b: {  	vm10 =	vlt.s32 v29, $0x18680;
	v5 =	vor.u32 v58, v5;
	v2 =	vsel vm11, v2, v46  }
0x8c: {  	[tilespmem:$0x1FF70] =	vst v2;
	v2 =	vand.u32 $0xFFFFFC00, v47;
	v37 =	vshll.u32 v31, $0x3;
	v39 =	vand.u32 $0x7F, v31  }
0x8d: {  	v40 =	vadd.s32 $0xAAD80, v31;
	vm11 =	vlt.s32 v31, $0x18680;
	v47 =	vadd.s32 $0xAAD80, v34  }
0x8e: {  	v2 =	vor.u32 v51, v2;
	v60 =	vshll.u32 v3, $0x3;
	v62 =	vand.u32 $0x7F, v3  }
0x8f: {  	vm14 =	vlt.s32 v3, $0x18680;
	v51 =	vshll.u32 v38, $0x3;
	v2 =	vsel vm12, v2, v55  }
0x90: {  	v8 =	vand.u32 $0xFFFFFC00, v60;
	vm12 =	vlt.s32 v34, $0x18680;
	[tilespmem:$0x1FF80] =	vst v2;
	v2 =	vsel vm13, v5, v59  }
0x91: {  	v55 =	vld [tilespmem:$0x370];
	v60 =	vadd.s32 $0xAAD80, v38;
	[tilespmem:$0x1FF90] =	vst v2;
	v2 =	vor.u32 v62, v8;
	v8 =	vadd.s32 $0xAAD80, v3  }
0x92: {  	v5 =	vand.u32 $0xFFFFFC00, v10;
	v3 =	vshll.u32 v57, $0x3;
	v62 =	vld [tilespmem:$0x380];
	v2 =	vsel vm14, v2, v8  }
0x93: {  	v14 =	vld [tilespmem:$0x390];
	v59 =	vand.u32 $0x7F, v38;
	[tilespmem:$0x1FFA0] =	vst v2;
	v2 =	vand.u32 $0xFFFFFC00, v3;
	v3 =	vand.u32 $0x7F, v57  }
0x94: {  	v8 =	vand.u32 $0xFFFFFC00, v17;
	v17 =	vld [tilespmem:$0x3A0];
	v2 =	vor.u32 v3, v2;
	v3 =	vadd.s32 $0xAAD80, v57  }
0x95: {  	vm13 =	vlt.s32 v38, $0x18680;
	v5 =	vor.u32 v15, v5;
	v2 =	vsel vm15, v2, v3  }
0x96: {  	v3 =	vld [tilespmem:$0x300];
	vm15 =	vlt.s32 v55, $0x18680;
	[tilespmem:$0x1FFB0] =	vst v2;
	v2 =	vsel vm4, v5, v16;
	v5 =	vand.u32 $0xFFFFFC00, v24  }
0x97: {  	v16 =	vshll.u32 v62, $0x3;
	v18 =	vand.u32 $0x7F, v62;
	vm4 =	vlt.s32 v62, $0x18680  }
0x98: {  	v24 =	vadd.s32 $0xAAD80, v14;
	[tilespmem:$0x1FFC0] =	vst v2;
	v2 =	vor.u32 v19, v8;
	v5 =	vor.u32 v26, v5  }
0x99: {  	v31 =	vadd.s32 $0xAAD80, v17;
	v44 =	vsel vm5, v2, v20;
	v2 =	vand.u32 $0xFFFFFC00, v21  }
0x9a: {  	v38 =	vld [tilespmem:$0x0];
	v20 =	vadd.s32 $0xAAD80, v62;
	v21 =	vshll.u32 v14, $0x3;
	vm5 =	vlt.s32 v14, $0x18680  }
0x9b: {  	v29 =	vld [tilespmem:$0x3D0];
	v2 =	vor.u32 v22, v2;
	v22 =	vand.u32 $0xFFFFFC00, v21;
	v28 =	vshll.u32 v3, $0x3  }
0x9c: {  	v30 =	vand.u32 $0x7F, v3;
	v42 =	vsel vm6, v2, v23;
	v2 =	vsel vm7, v5, v27  }
0x9d: {  	v19 =	vld [tilespmem:$0x3B0];
	v32 =	vadd.s32 $0xAAD80, v3;
	vm8 =	vlt.s32 v3, $0x18680;
	v3 =	vshll.u32 v25, $0x3  }
0x9e: {  	v34 =	vld [tilespmem:$0x3F0];
	v5 =	vand.u32 $0xFFFFFC00, v33;
	v23 =	vand.u32 $0x7F, v14;
	v27 =	vand.u32 $0x7F, v17  }
0x9f: {  	vm6 =	vlt.s32 v17, $0x18680;
	v14 =	vshll.u32 v38, $0x3;
	v8 =	vand.u32 $0xFFFFFC00, v28  }
0xa0: {  	[tilespmem:$0x1FFD0] =	vst v2;
	v5 =	vor.u32 v35, v5;
	v35 =	vshll.u32 v29, $0x3;
	v2 =	vor.u32 v30, v8  }
0xa1: {  	v8 =	vand.u32 $0xFFFFFC00, v37;
	v46 =	vsel vm10, v5, v36;
	v5 =	vand.u32 $0xFFFFFC00, v51  }
0xa2: {  	v26 =	vshll.u32 v19, $0x3;
	v28 =	vand.u32 $0x7F, v19;
	vm7 =	vlt.s32 v19, $0x18680  }
0xa3: {  	v36 =	vand.u32 $0x7F, v29;
	v51 =	vand.u32 $0x7F, v34;
	v2 =	vsel vm8, v2, v32  }
0xa4: {  	v30 =	vld [tilespmem:$0x3E0];
	v5 =	vor.u32 v59, v5;
	v4 =	vand.u32 $0xFFFFFC00, v26;
	[tilespmem:$0x1FFE0] =	vst v2;
	v2 =	vand.u32 $0xFFFFFC00, v3  }
0xa5: {  	v3 =	vand.u32 $0x7F, v25;
	v58 =	vsel vm13, v5, v60;
	v5 =	vand.u32 $0xFFFFFC00, v16  }
0xa6: {  	v4 =	vor.u32 v28, v4;
	v16 =	vand.u32 $0x7F, v38;
	v2 =	vor.u32 v3, v2  }
0xa7: {  	v3 =	vadd.s32 $0xAAD80, v25;
	v5 =	vor.u32 v18, v5;
	v25 =	vshll.u32 v17, $0x3  }
0xa8: {  	v18 =	vld [tilespmem:$0x30];
	v2 =	vsel vm9, v2, v3;
	v56 =	vsel vm4, v5, v20;
	vm9 =	vlt.s32 v29, $0x18680  }
0xa9: {  	v3 =	vld [tilespmem:$0x360];
	v20 =	vadd.s32 $0xAAD80, v38;
	[tilespmem:$0x1FFF0] =	vst v2;
	v2 =	vor.u32 v39, v8;
	v37 =	vand.u32 $0x7F, v30  }
0xaa: {  	vm10 =	vlt.s32 v30, $0x18680;
	v45 =	vsel vm11, v2, v40;
	v2 =	vand.u32 $0xFFFFFC00, v41  }
0xab: {  	v39 =	vld [tilespmem:$0x10];
	v5 =	vadd.s32 $0xAAD80, v30;
	v40 =	vadd.s32 $0xAAD80, v29;
	v2 =	vor.u32 v43, v2  }
0xac: {  	vm11 =	vlt.s32 v34, $0x18680;
	v43 =	vshll.u32 v34, $0x3;
	v57 =	vsel vm12, v2, v47  }
0xad: {  	v9 =	vand.u32 $0xFFFFFC00, v43;
	vm12 =	vlt.s32 v38, $0x18680;
	v29 =	vadd.s32 $0xAAD80, v18  }
0xae: {  	v61 =	vshll.u32 v3, $0x3;
	v63 =	vand.u32 $0x7F, v3;
	v15 =	vadd.s32 $0xAAD80, v3  }
0xaf: {  	vm14 =	vlt.s32 v3, $0x18680;
	v3 =	vshll.u32 v55, $0x3;
	v8 =	vand.u32 $0xFFFFFC00, v61  }
0xb0: {  	v28 =	vld [tilespmem:$0x70];
	v17 =	vand.u32 $0x7F, v39;
	vm13 =	vlt.s32 v39, $0x18680;
	v2 =	vor.u32 v63, v8  }
0xb1: {  	v47 =	vsel vm14, v2, v15;
	v2 =	vand.u32 $0xFFFFFC00, v3;
	v3 =	vand.u32 $0x7F, v55  }
0xb2: {  	v8 =	vadd.s32 $0xAAD80, v19;
	v19 =	vld [tilespmem:$0x40];
	v2 =	vor.u32 v3, v2;
	v3 =	vadd.s32 $0xAAD80, v55  }
0xb3: {  	v6 =	vadd.s32 $0xAAD80, v39;
	v62 =	vsel vm7, v4, v8;
	v55 =	vsel vm15, v2, v3;
	v3 =	vld [tilespmem:$0x3C0]  }
0xb4: {  	v4 =	vadd.s32 $0xAAD80, v34;
	v15 =	vshll.u32 v39, $0x3;
	v2 =	vor.u32 v23, v22  }
0xb5: {  	vm7 =	vlt.s32 v28, $0x18680;
	v23 =	vld [tilespmem:$0x50];
	vm15 =	vlt.s32 v18, $0x18680;
	v59 =	vsel vm5, v2, v24  }
0xb6: {  	v2 =	vand.u32 $0xFFFFFC00, v25;
	v24 =	vshll.u32 v18, $0x3;
	v25 =	vand.u32 $0x7F, v18  }
0xb7: {  	v2 =	vor.u32 v27, v2;
	v26 =	vand.u32 $0x7F, v19;
	v27 =	vld [tilespmem:$0x60];
	vm4 =	vlt.s32 v19, $0x18680  }
0xb8: {  	v61 =	vsel vm6, v2, v31;
	v32 =	vshll.u32 v3, $0x3;
	v33 =	vand.u32 $0x7F, v3  }
0xb9: {  	vm8 =	vlt.s32 v3, $0x18680;
	v3 =	vadd.s32 $0xAAD80, v3;
	v7 =	vand.u32 $0xFFFFFC00, v32  }
0xba: {  	v18 =	vld [tilespmem:$0x90];
	v31 =	vand.u32 $0x7F, v23;
	vm5 =	vlt.s32 v23, $0x18680;
	v2 =	vor.u32 v33, v7  }
0xbb: {  	v41 =	vsel vm8, v2, v3;
	v2 =	vand.u32 $0xFFFFFC00, v35;
	v3 =	vshll.u32 v30, $0x3  }
0xbc: {  	vm6 =	vlt.s32 v27, $0x18680;
	v3 =	vand.u32 $0xFFFFFC00, v3;
	v2 =	vor.u32 v36, v2  }
0xbd: {  	v30 =	vshll.u32 v23, $0x3;
	v3 =	vor.u32 v37, v3;
	v63 =	vsel vm9, v2, v40  }
0xbe: {  	v2 =	vor.u32 v51, v9;
	v9 =	vand.u32 $0xFFFFFC00, v30;
	v60 =	vsel vm10, v3, v5;
	v3 =	vld [tilespmem:$0x20]  }
0xbf: {  	v30 =	vshll.u32 v18, $0x3;
	vm9 =	vlt.s32 v18, $0x18680;
	v51 =	vsel vm11, v2, v4  }
0xc0: {  	v2 =	vand.u32 $0xFFFFFC00, v14;
	v4 =	vand.u32 $0xFFFFFC00, v15;
	v5 =	vadd.s32 $0xAAD80, v19  }
0xc1: {  	v14 =	vshll.u32 v27, $0x3;
	v15 =	vshll.u32 v28, $0x3;
	v2 =	vor.u32 v16, v2  }
0xc2: {  	v4 =	vor.u32 v17, v4;
	v16 =	vand.u32 $0x7F, v27;
	v17 =	vand.u32 $0x7F, v28  }
0xc3: {  	v43 =	vsel vm13, v4, v6;
	v4 =	vadd.s32 $0xAAD80, v23;
	v23 =	vld [tilespmem:$0xB0];
	v21 =	vshll.u32 v3, $0x3  }
0xc4: {  	v40 =	vsel vm12, v2, v20;
	v22 =	vand.u32 $0x7F, v3;
	v8 =	vand.u32 $0xFFFFFC00, v21  }
0xc5: {  	vm14 =	vlt.s32 v3, $0x18680;
	v3 =	vadd.s32 $0xAAD80, v3;
	v2 =	vor.u32 v22, v8  }
0xc6: {  	v20 =	vadd.s32 $0xAAD80, v27;
	v36 =	vsel vm14, v2, v3;
	v3 =	vshll.u32 v19, $0x3  }
0xc7: {  	v6 =	vadd.s32 $0xAAD80, v28;
	v2 =	vand.u32 $0xFFFFFC00, v24;
	v3 =	vand.u32 $0xFFFFFC00, v3  }
0xc8: {  	vm11 =	vlt.s32 v23, $0x18680;
	v2 =	vor.u32 v25, v2;
	v3 =	vor.u32 v26, v3  }
0xc9: {  	v19 =	vld [tilespmem:$0xA0];
	v33 =	vsel vm15, v2, v29;
	v2 =	vor.u32 v31, v9;
	v31 =	vand.u32 $0x7F, v18  }
0xca: {  	v39 =	vsel vm4, v3, v5;
	v3 =	vld [tilespmem:$0x80];
	v38 =	vsel vm5, v2, v4;
	v2 =	vand.u32 $0xFFFFFC00, v14  }
0xcb: {  	v4 =	vand.u32 $0xFFFFFC00, v15;
	v14 =	vld [tilespmem:$0xD0];
	v15 =	vadd.s32 $0xAAD80, v18;
	v2 =	vor.u32 v16, v2  }
0xcc: {  	v4 =	vor.u32 v17, v4;
	v16 =	vshll.u32 v23, $0x3;
	v17 =	vand.u32 $0x7F, v23  }
0xcd: {  	v37 =	vsel vm6, v2, v20;
	v35 =	vsel vm7, v4, v6;
	v4 =	vadd.s32 $0xAAD80, v23;
	v23 =	vld [tilespmem:$0x100]  }
0xce: {  	v32 =	vand.u32 $0x7F, v19;
	vm10 =	vlt.s32 v19, $0x18680;
	v5 =	vadd.s32 $0xAAD80, v19  }
0xcf: {  	v9 =	vand.u32 $0xFFFFFC00, v16;
	v21 =	vshll.u32 v3, $0x3;
	v22 =	vand.u32 $0x7F, v3  }
0xd0: {  	vm8 =	vlt.s32 v3, $0x18680;
	v3 =	vadd.s32 $0xAAD80, v3;
	vm13 =	vlt.s32 v14, $0x18680  }
0xd1: {  	v6 =	vadd.s32 $0xAAD80, v14;
	v8 =	vand.u32 $0xFFFFFC00, v21;
	v21 =	vand.u32 $0x7F, v14  }
0xd2: {  	v2 =	vor.u32 v22, v8;
	v8 =	vld [tilespmem:$0xC0];
	v26 =	vand.u32 $0x7F, v23;
	vm4 =	vlt.s32 v23, $0x18680  }
0xd3: {  	v34 =	vsel vm8, v2, v3;
	v2 =	vand.u32 $0xFFFFFC00, v30;
	v3 =	vshll.u32 v19, $0x3  }
0xd4: {  	v22 =	vld [tilespmem:$0xF0];
	v19 =	vshll.u32 v14, $0x3;
	v3 =	vand.u32 $0xFFFFFC00, v3;
	v2 =	vor.u32 v31, v2  }
0xd5: {  	v3 =	vor.u32 v32, v3;
	v28 =	vsel vm9, v2, v15;
	v2 =	vor.u32 v17, v9  }
0xd6: {  	v27 =	vsel vm10, v3, v5;
	v3 =	vld [tilespmem:$0xE0];
	v32 =	vsel vm11, v2, v4;
	v4 =	vand.u32 $0xFFFFFC00, v19  }
0xd7: {  	v5 =	vadd.s32 $0xAAD80, v23;
	v18 =	vshll.u32 v8, $0x3;
	v20 =	vand.u32 $0x7F, v8  }
0xd8: {  	v19 =	vld [tilespmem:$0x110];
	v4 =	vor.u32 v21, v4;
	vm12 =	vlt.s32 v8, $0x18680;
	v16 =	vadd.s32 $0xAAD80, v8  }
0xd9: {  	v24 =	vshll.u32 v22, $0x3;
	v25 =	vand.u32 $0x7F, v22;
	v2 =	vand.u32 $0xFFFFFC00, v18  }
0xda: {  	vm15 =	vlt.s32 v22, $0x18680;
	v14 =	vadd.s32 $0xAAD80, v22;
	v2 =	vor.u32 v20, v2  }
0xdb: {  	v31 =	vsel vm13, v4, v6;
	v6 =	vld [tilespmem:$0x130];
	v30 =	vsel vm12, v2, v16;
	v17 =	vshll.u32 v3, $0x3  }
0xdc: {  	v18 =	vand.u32 $0x7F, v3;
	vm14 =	vlt.s32 v3, $0x18680;
	v3 =	vadd.s32 $0xAAD80, v3  }
0xdd: {  	v15 =	vshll.u32 v19, $0x3;
	v16 =	vand.u32 $0x7F, v19;
	v8 =	vand.u32 $0xFFFFFC00, v17  }
0xde: {  	vm5 =	vlt.s32 v19, $0x18680;
	v4 =	vadd.s32 $0xAAD80, v19;
	v2 =	vor.u32 v18, v8  }
0xdf: {  	v9 =	vand.u32 $0xFFFFFC00, v15;
	v8 =	vld [tilespmem:$0x120];
	v29 =	vsel vm14, v2, v3;
	v3 =	vshll.u32 v23, $0x3  }
0xe0: {  	v22 =	vshll.u32 v6, $0x3;
	v2 =	vand.u32 $0xFFFFFC00, v24;
	v3 =	vand.u32 $0xFFFFFC00, v3  }
0xe1: {  	vm7 =	vlt.s32 v6, $0x18680;
	v2 =	vor.u32 v25, v2;
	v3 =	vor.u32 v26, v3  }
0xe2: {  	v25 =	vsel vm15, v2, v14;
	v2 =	vor.u32 v16, v9;
	v26 =	vand.u32 $0x7F, v6;
	v9 =	vld [tilespmem:$0x150]  }
0xe3: {  	v6 =	vadd.s32 $0xAAD80, v6;
	v23 =	vsel vm4, v3, v5;
	v3 =	vld [tilespmem:$0x140];
	v20 =	vsel vm5, v2, v4  }
0xe4: {  	v4 =	vand.u32 $0xFFFFFC00, v22;
	v17 =	vshll.u32 v8, $0x3;
	v24 =	vand.u32 $0x7F, v8  }
0xe5: {  	v5 =	vld [tilespmem:$0x160];
	v4 =	vor.u32 v26, v4;
	vm6 =	vlt.s32 v8, $0x18680;
	v2 =	vand.u32 $0xFFFFFC00, v17  }
0xe6: {  	v14 =	vadd.s32 $0xAAD80, v8;
	v26 =	vsel vm7, v4, v6;
	v4 =	vld [tilespmem:$0x170];
	v2 =	vor.u32 v24, v2  }
0xe7: {  	v6 =	vld [tilespmem:$0x190];
	v24 =	vsel vm6, v2, v14;
	v17 =	vshll.u32 v9, $0x3;
	v18 =	vand.u32 $0x7F, v9  }
0xe8: {  	vm9 =	vlt.s32 v9, $0x18680;
	v21 =	vadd.s32 $0xAAD80, v9;
	v15 =	vshll.u32 v3, $0x3  }
0xe9: {  	v16 =	vand.u32 $0x7F, v3;
	vm8 =	vlt.s32 v3, $0x18680;
	v3 =	vadd.s32 $0xAAD80, v3  }
0xea: {  	v19 =	vand.u32 $0x7F, v5;
	vm10 =	vlt.s32 v5, $0x18680;
	v8 =	vand.u32 $0xFFFFFC00, v15  }
0xeb: {  	v2 =	vor.u32 v16, v8;
	v14 =	vshll.u32 v4, $0x3;
	v15 =	vand.u32 $0x7F, v4  }
0xec: {  	v8 =	vld [tilespmem:$0x180];
	vm11 =	vlt.s32 v4, $0x18680;
	v4 =	vadd.s32 $0xAAD80, v4;
	v10 =	vshll.u32 v6, $0x3  }
0xed: {  	vm13 =	vlt.s32 v6, $0x18680;
	v22 =	vsel vm8, v2, v3;
	v3 =	vshll.u32 v5, $0x3  }
0xee: {  	v2 =	vand.u32 $0xFFFFFC00, v17;
	v5 =	vadd.s32 $0xAAD80, v5;
	v3 =	vand.u32 $0xFFFFFC00, v3  }
0xef: {  	v9 =	vand.u32 $0xFFFFFC00, v14;
	v2 =	vor.u32 v18, v2;
	v3 =	vor.u32 v19, v3  }
0xf0: {  	v19 =	vsel vm9, v2, v21;
	v2 =	vor.u32 v15, v9;
	v21 =	vsel vm10, v3, v5;
	v3 =	vld [tilespmem:$0x1A0]  }
0xf1: {  	v16 =	vsel vm11, v2, v4;
	v4 =	vand.u32 $0xFFFFFC00, v10;
	v10 =	vld [tilespmem:$0x1C0];
	v9 =	vshll.u32 v8, $0x3  }
0xf2: {  	v15 =	vand.u32 $0x7F, v6;
	v14 =	vand.u32 $0x7F, v8;
	v2 =	vand.u32 $0xFFFFFC00, v9;
	v9 =	vld [tilespmem:$0x1B0]  }
0xf3: {  	vm12 =	vlt.s32 v8, $0x18680;
	v17 =	vadd.s32 $0xAAD80, v8;
	v2 =	vor.u32 v14, v2  }
0xf4: {  	v6 =	vadd.s32 $0xAAD80, v6;
	v4 =	vor.u32 v15, v4;
	v14 =	vsel vm12, v2, v17  }
0xf5: {  	v18 =	vshll.u32 v3, $0x3;
	v8 =	vand.u32 $0x7F, v3;
	vm14 =	vlt.s32 v3, $0x18680  }
0xf6: {  	v3 =	vadd.s32 $0xAAD80, v3;
	vm4 =	vlt.s32 v10, $0x18680;
	v7 =	vand.u32 $0xFFFFFC00, v18  }
0xf7: {  	v18 =	vsel vm13, v4, v6;
	v4 =	vld [tilespmem:$0x1D0];
	v2 =	vor.u32 v8, v7;
	v8 =	vshll.u32 v9, $0x3  }
0xf8: {  	v17 =	vsel vm14, v2, v3;
	v2 =	vand.u32 $0xFFFFFC00, v8;
	v3 =	vand.u32 $0x7F, v9  }
0xf9: {  	vm15 =	vlt.s32 v9, $0x18680;
	v2 =	vor.u32 v3, v2;
	v3 =	vadd.s32 $0xAAD80, v9  }
0xfa: {  	v15 =	vsel vm15, v2, v3;
	v2 =	vadd.s32 v54, v0;
	v3 =	vshll.u32 v10, $0x3  }
0xfb: {  	v9 =	vand.u32 $0x7F, v10;
	v0 =	vld [tilespmem:$0x1FD90];
	[tilespmem:$0x400] =	vst v2;
	v2 =	vadd.s32 v54, v12;
	v3 =	vand.u32 $0xFFFFFC00, v3  }
0xfc: {  	v12 =	vshll.u32 v4, $0x3;
	vm5 =	vlt.s32 v4, $0x18680;
	[tilespmem:$0x410] =	vst v2;
	v2 =	vor.u32 v9, v3  }
0xfd: {  	v3 =	vadd.s32 v54, v11;
	v11 =	vadd.s32 v54, v13;
	v13 =	vadd.s32 $0xAAD80, v10  }
0xfe: {  	v7 =	vand.u32 $0xFFFFFC00, v12;
	[tilespmem:$0x420] =	vst v3;
	v3 =	vadd.s32 v54, v50;
	v50 =	vand.u32 $0x7F, v4  }
0xff: {  	v13 =	vsel vm4, v2, v13;
	v4 =	vadd.s32 $0xAAD80, v4;
	v2 =	vor.u32 v50, v7  }
0x100: {  	v12 =	vsel vm5, v2, v4;
	v2 =	vadd.s32 v54, v0;
	v0 =	vld [tilespmem:$0x1FDA0];
	_ =	sdelay $0x1  }
0x101: {  	v6 =	vld [tilespmem:$0x1E0];
	_ =	sdelay $0x2  }
0x102: {  	[tilespmem:$0x440] =	vst v3;
	v3 =	vadd.s32 v54, v48;
	v50 =	vadd.s32 v54, v0;
	v0 =	vld [tilespmem:$0x1FDB0]  }
0x103: {  	[tilespmem:$0x450] =	vst v3;
	v3 =	vadd.s32 v54, v49  }
0x104: {  	[tilespmem:$0x460] =	vst v3;
	v3 =	vshll.u32 v6, $0x3  }
0x105: {  	v49 =	vand.u32 $0x7F, v6;
	[tilespmem:$0x470] =	vst v2;
	v2 =	vadd.s32 v54, v52;
	v3 =	vand.u32 $0xFFFFFC00, v3  }
0x106: {  	[tilespmem:$0x480] =	vst v2;
	v2 =	vor.u32 v49, v3;
	v3 =	vadd.s32 v54, v53  }
0x107: {  	[tilespmem:$0x490] =	vst v3;
	v3 =	vadd.s32 v54, v0;
	v0 =	vld [tilespmem:$0x1FDC0];
	_ =	sdelay $0x4  }
0x108: {  	[tilespmem:$0x4B0] =	vst v3;
	v3 =	vadd.s32 v54, v0;
	v0 =	vld [tilespmem:$0x1FDD0];
	_ =	sdelay $0x1  }
0x109: {  	v5 =	vld [tilespmem:$0x1F0];
	_ =	sdelay $0x2  }
0x10a: {  	[tilespmem:$0x4C0] =	vst v3;
	v3 =	vadd.s32 v54, v0;
	v0 =	vld [tilespmem:$0x1FDE0];
	_ =	sdelay $0x1  }
0x10b: {  	vm7 =	vlt.s32 v5, $0x18680;
	vm6 =	vlt.s32 v6, $0x18680;
	v52 =	vshll.u32 v5, $0x3  }
0x10c: {  	v48 =	vand.u32 $0xFFFFFC00, v52;
	v53 =	vadd.s32 $0xAAD80, v6;
	v49 =	vand.u32 $0x7F, v5  }
0x10d: {  	[tilespmem:$0x430] =	vst v11;
	v5 =	vadd.s32 $0xAAD80, v5;
	v11 =	vsel vm6, v2, v53;
	v2 =	vor.u32 v49, v48  }
0x10e: {  	v10 =	vsel vm7, v2, v5;
	v2 =	vadd.s32 v54, v0;
	v0 =	vld [tilespmem:$0x1FDF0];
	_ =	sdelay $0x2  }
0x10f: {  	v7 =	vld [tilespmem:$0x200];
	_ =	sdelay $0x1  }
0x110: {  	[tilespmem:$0x4E0] =	vst v2;
	v2 =	vadd.s32 v54, v0;
	v0 =	vld [tilespmem:$0x1FE00];
	_ =	sdelay $0x2  }
0x111: {  	[tilespmem:$0x4D0] =	vst v3;
	v3 =	vshll.u32 v7, $0x3  }
0x112: {  	[tilespmem:$0x4A0] =	vst v50;
	v50 =	vand.u32 $0x7F, v7;
	v3 =	vand.u32 $0xFFFFFC00, v3  }
0x113: {  	[tilespmem:$0x4F0] =	vst v2;
	v2 =	vor.u32 v50, v3;
	v3 =	vadd.s32 v54, v0;
	v0 =	vld [tilespmem:$0x1FE10];
	_ =	sdelay $0x2  }
0x114: {  	v4 =	vld [tilespmem:$0x210];
	_ =	sdelay $0x1  }
0x115: {  	v52 =	vadd.s32 v54, v0;
	v0 =	vld [tilespmem:$0x1FE20];
	_ =	sdelay $0x2  }
0x116: {  	v53 =	vshll.u32 v4, $0x3  }
0x117: {  	vm8 =	vlt.s32 v7, $0x18680;
	v48 =	vadd.s32 $0xAAD80, v7;
	v49 =	vand.u32 $0xFFFFFC00, v53  }
0x118: {  	v9 =	vsel vm8, v2, v48;
	v2 =	vld [tilespmem:$0x1FE30];
	[tilespmem:$0x500] =	vst v3;
	v3 =	vadd.s32 v54, v0;
	v0 =	vand.u32 $0x7F, v4  }
0x119: {  	vm9 =	vlt.s32 v4, $0x18680;
	v4 =	vadd.s32 $0xAAD80, v4;
	v0 =	vor.u32 v0, v49  }
0x11a: {  	v8 =	vsel vm9, v0, v4;
	v0 =	vld [tilespmem:$0x1FE50];
	_ =	sdelay $0x2  }
0x11b: {  	v2 =	vadd.s32 v54, v2  }
0x11c: {  	[tilespmem:$0x530] =	vst v2;
	v2 =	vld [tilespmem:$0x1FE40]  }
0x11d: {  	v6 =	vld [tilespmem:$0x220];
	v0 =	vadd.s32 v54, v0  }
0x11e: {  	[tilespmem:$0x550] =	vst v0;
	v0 =	vld [tilespmem:$0x1FE60];
	_ =	sdelay $0x2  }
0x11f: {  	v2 =	vadd.s32 v54, v2  }
0x120: {  	[tilespmem:$0x540] =	vst v2;
	v2 =	vshll.u32 v6, $0x3  }
0x121: {  	v50 =	vand.u32 $0x7F, v6;
	v2 =	vand.u32 $0xFFFFFC00, v2;
	v0 =	vadd.s32 v54, v0  }
0x122: {  	[tilespmem:$0x560] =	vst v0;
	v0 =	vor.u32 v50, v2;
	v2 =	vld [tilespmem:$0x1FE70];
	_ =	sdelay $0x4  }
0x123: {  	v2 =	vadd.s32 v54, v2  }
0x124: {  	[tilespmem:$0x570] =	vst v2;
	v2 =	vld [tilespmem:$0x1FE90];
	_ =	sdelay $0x3  }
0x125: {  	[tilespmem:$0x510] =	vst v52;
	v52 =	vld [tilespmem:$0x1FE80]  }
0x126: {  	[tilespmem:$0x520] =	vst v3;
	v3 =	vld [tilespmem:$0x230];
	v2 =	vadd.s32 v54, v2  }
0x127: {  	[tilespmem:$0x590] =	vst v2;
	v2 =	vld [tilespmem:$0x1FEA0];
	_ =	sdelay $0x2  }
0x128: {  	vm10 =	vlt.s32 v6, $0x18680;
	v4 =	vadd.s32 v54, v52  }
0x129: {  	v52 =	vadd.s32 $0xAAD80, v6;
	v53 =	vshll.u32 v3, $0x3;
	vm11 =	vlt.s32 v3, $0x18680  }
0x12a: {  	v48 =	vand.u32 $0xFFFFFC00, v53;
	v53 =	vand.u32 $0x7F, v3;
	v2 =	vadd.s32 v54, v2  }
0x12b: {  	v3 =	vadd.s32 $0xAAD80, v3;
	v7 =	vsel vm10, v0, v52;
	v0 =	vor.u32 v53, v48;
	[tilespmem:$0x5A0] =	vst v2;
	v2 =	vld [tilespmem:$0x1FEB0]  }
0x12c: {  	v6 =	vsel vm11, v0, v3;
	v0 =	vld [tilespmem:$0x1FEC0];
	_ =	sdelay $0x3  }
0x12d: {  	v2 =	vadd.s32 v54, v2  }
0x12e: {  	[tilespmem:$0x5B0] =	vst v2;
	v2 =	vadd.s32 v54, v0;
	v0 =	vld [tilespmem:$0x1FED0];
	_ =	sdelay $0x2  }
0x12f: {  	v5 =	vld [tilespmem:$0x240];
	_ =	sdelay $0x1  }
0x130: {  	[tilespmem:$0x5C0] =	vst v2;
	v2 =	vadd.s32 v54, v0;
	v0 =	vld [tilespmem:$0x1FEE0];
	_ =	sdelay $0x2  }
0x131: {  	v3 =	vshll.u32 v5, $0x3  }
0x132: {  	v52 =	vand.u32 $0x7F, v5;
	v3 =	vand.u32 $0xFFFFFC00, v3  }
0x133: {  	[tilespmem:$0x5D0] =	vst v2;
	v2 =	vor.u32 v52, v3;
	v3 =	vadd.s32 v54, v0;
	v0 =	vld [tilespmem:$0x1FEF0];
	_ =	sdelay $0x3  }
0x134: {  	v48 =	vld [tilespmem:$0x250]  }
0x135: {  	v53 =	vadd.s32 v54, v0;
	v0 =	vld [tilespmem:$0x1FF00];
	_ =	sdelay $0x3  }
0x136: {  	vm12 =	vlt.s32 v5, $0x18680  }
0x137: {  	v50 =	vadd.s32 $0xAAD80, v5;
	[tilespmem:$0x5E0] =	vst v3;
	v3 =	vadd.s32 v54, v0;
	v0 =	vshll.u32 v48, $0x3  }
0x138: {  	[tilespmem:$0x580] =	vst v4;
	v52 =	vand.u32 $0x7F, v48;
	v4 =	vsel vm12, v2, v50;
	v2 =	vld [tilespmem:$0x1FF10];
	v0 =	vand.u32 $0xFFFFFC00, v0  }
0x139: {  	vm13 =	vlt.s32 v48, $0x18680;
	[tilespmem:$0x600] =	vst v3;
	v3 =	vadd.s32 $0xAAD80, v48;
	v0 =	vor.u32 v52, v0  }
0x13a: {  	v3 =	vsel vm13, v0, v3;
	v0 =	vld [tilespmem:$0x1FF30];
	_ =	sdelay $0x2  }
0x13b: {  	v2 =	vadd.s32 v54, v2  }
0x13c: {  	[tilespmem:$0x610] =	vst v2;
	v2 =	vld [tilespmem:$0x1FF20]  }
0x13d: {  	v49 =	vld [tilespmem:$0x260];
	v0 =	vadd.s32 v54, v0  }
0x13e: {  	[tilespmem:$0x630] =	vst v0;
	v0 =	vld [tilespmem:$0x1FF40];
	_ =	sdelay $0x2  }
0x13f: {  	v2 =	vadd.s32 v54, v2  }
0x140: {  	[tilespmem:$0x620] =	vst v2;
	v2 =	vshll.u32 v49, $0x3  }
0x141: {  	[tilespmem:$0x5F0] =	vst v53;
	v53 =	vand.u32 $0x7F, v49;
	v2 =	vand.u32 $0xFFFFFC00, v2;
	v0 =	vadd.s32 v54, v0  }
0x142: {  	[tilespmem:$0x640] =	vst v0;
	v0 =	vor.u32 v53, v2;
	v2 =	vld [tilespmem:$0x1FF50];
	_ =	sdelay $0x3  }
0x143: {  	v52 =	vld [tilespmem:$0x1FF60]  }
0x144: {  	v5 =	vld [tilespmem:$0x270];
	v2 =	vadd.s32 v54, v2  }
0x145: {  	[tilespmem:$0x650] =	vst v2;
	v2 =	vld [tilespmem:$0x1FF70];
	_ =	sdelay $0x2  }
0x146: {  	v48 =	vadd.s32 v54, v52  }
0x147: {  	vm14 =	vlt.s32 v49, $0x18680;
	v50 =	vshll.u32 v5, $0x3;
	[tilespmem:$0x660] =	vst v48;
	v48 =	vadd.s32 $0xAAD80, v49  }
0x148: {  	v49 =	vand.u32 $0xFFFFFC00, v50;
	v53 =	vand.u32 $0x7F, v5;
	v2 =	vadd.s32 v54, v2  }
0x149: {  	[tilespmem:$0x670] =	vst v2;
	v2 =	vsel vm14, v0, v48;
	v0 =	vor.u32 v53, v49;
	v53 =	vld [tilespmem:$0x1FF80];
	_ =	sdelay $0x4  }
0x14a: {  	v48 =	vadd.s32 v54, v53;
	v53 =	vld [tilespmem:$0x1FF90];
	_ =	sdelay $0x4  }
0x14b: {  	[tilespmem:$0x680] =	vst v48;
	v48 =	vadd.s32 v54, v53;
	v53 =	vld [tilespmem:$0x1FFA0];
	_ =	sdelay $0x1  }
0x14c: {  	v44 =	vadd.s32 v54, v44;
	v42 =	vadd.s32 v54, v42  }
0x14d: {  	[tilespmem:$0x6D0] =	vst v44;
	v46 =	vadd.s32 v54, v46;
	v59 =	vadd.s32 v54, v59;
	v61 =	vadd.s32 v54, v61  }
0x14e: {  	[tilespmem:$0x6E0] =	vst v42;
	v60 =	vadd.s32 v54, v60;
	v51 =	vadd.s32 v54, v51;
	v40 =	vadd.s32 v1, v40;
	v52 =	vld [tilespmem:$0x280]  }
0x14f: {  	[tilespmem:$0x720] =	vst v46;
	v33 =	vadd.s32 v1, v33;
	v37 =	vadd.s32 v1, v37;
	v50 =	vadd.s32 v54, v53;
	v53 =	vld [tilespmem:$0x1FFB0]  }
0x150: {  	v35 =	vadd.s32 v1, v35;
	v28 =	vadd.s32 v1, v28;
	v29 =	vadd.s32 v1, v29;
	[tilespmem:$0x690] =	vst v48;
	v48 =	vld [tilespmem:$0x1FFC0]  }
0x151: {  	[tilespmem:$0x870] =	vst v35;
	v35 =	vadd.s32 v1, v25;
	v23 =	vadd.s32 v1, v23;
	v22 =	vadd.s32 v1, v22;
	v49 =	vld [tilespmem:$0x290]  }
0x152: {  	[tilespmem:$0x790] =	vst v59;
	v19 =	vadd.s32 v1, v19;
	v16 =	vadd.s32 v1, v16;
	v14 =	vadd.s32 v1, v14  }
0x153: {  	[tilespmem:$0x800] =	vst v40;
	vm15 =	vlt.s32 v5, $0x18680;
	vm4 =	vlt.s32 v52, $0x18680;
	v5 =	vadd.s32 $0xAAD80, v5  }
0x154: {  	v0 =	vsel vm15, v0, v5;
	[tilespmem:$0x6A0] =	vst v50;
	v50 =	vshll.u32 v52, $0x3;
	v53 =	vadd.s32 v54, v53  }
0x155: {  	v48 =	vadd.s32 v54, v48;
	v5 =	vand.u32 $0xFFFFFC00, v50;
	[tilespmem:$0x6B0] =	vst v53;
	v53 =	vand.u32 $0x7F, v52  }
0x156: {  	v40 =	vld [tilespmem:$0x310];
	[tilespmem:$0x6C0] =	vst v48;
	v48 =	vadd.s32 $0xAAD80, v52;
	v50 =	vshll.u32 v49, $0x3;
	v5 =	vor.u32 v53, v5  }
0x157: {  	[tilespmem:$0x7A0] =	vst v61;
	v50 =	vand.u32 $0xFFFFFC00, v50;
	v52 =	vand.u32 $0x7F, v49;
	v44 =	vsel vm4, v5, v48;
	v48 =	vld [tilespmem:$0x1FFD0]  }
0x158: {  	[tilespmem:$0x7E0] =	vst v60;
	v15 =	vadd.s32 v1, v15;
	v13 =	vadd.s32 v1, v13;
	v42 =	vor.u32 v52, v50;
	v50 =	vld [tilespmem:$0x1FFE0]  }
0x159: {  	[tilespmem:$0x7F0] =	vst v51;
	v12 =	vadd.s32 v1, v12;
	v11 =	vadd.s32 v1, v11;
	v10 =	vadd.s32 v1, v10;
	v52 =	vld [tilespmem:$0x1FFF0]  }
0x15a: {  	[tilespmem:$0x830] =	vst v33;
	v9 =	vadd.s32 v1, v9;
	v8 =	vadd.s32 v1, v8;
	v7 =	vadd.s32 v1, v7;
	v53 =	vld [tilespmem:$0x2A0]  }
0x15b: {  	[tilespmem:$0x860] =	vst v37;
	v6 =	vadd.s32 v1, v6;
	v4 =	vadd.s32 v1, v4;
	v0 =	vadd.s32 v1, v0  }
0x15c: {  	vm13 =	vlt.s32 v40, $0x18680;
	v3 =	vadd.s32 v1, v3;
	[tilespmem:$0xA70] =	vst v0;
	v5 =	vadd.s32 v54, v48  }
0x15d: {  	v2 =	vadd.s32 v1, v2;
	vm5 =	vlt.s32 v49, $0x18680;
	[tilespmem:$0x6F0] =	vst v5;
	v5 =	vadd.s32 v54, v50  }
0x15e: {  	v0 =	vadd.s32 v1, v44;
	v48 =	vld [tilespmem:$0x2B0];
	v50 =	vadd.s32 v54, v52;
	v52 =	vadd.s32 v54, v57;
	[tilespmem:$0x700] =	vst v5  }
0x15f: {  	v57 =	vadd.s32 v54, v58;
	v58 =	vshll.u32 v53, $0x3;
	v5 =	vadd.s32 v54, v45;
	[tilespmem:$0x710] =	vst v50  }
0x160: {  	v45 =	vadd.s32 $0xAAD80, v49;
	v49 =	vand.u32 $0xFFFFFC00, v58;
	v50 =	vand.u32 $0x7F, v53;
	[tilespmem:$0x750] =	vst v57  }
0x161: {  	vm6 =	vlt.s32 v53, $0x18680;
	v57 =	vadd.s32 v54, v55;
	[tilespmem:$0x730] =	vst v5;
	v5 =	vor.u32 v50, v49;
	v49 =	vld [tilespmem:$0x2C0]  }
0x162: {  	[tilespmem:$0x890] =	vst v28;
	v55 =	vadd.s32 v54, v41;
	v45 =	vsel vm5, v42, v45;
	v42 =	vadd.s32 $0xAAD80, v53  }
0x163: {  	[tilespmem:$0x8E0] =	vst v29;
	v53 =	vadd.s32 v54, v47;
	v46 =	vsel vm6, v5, v42;
	v58 =	vshll.u32 v48, $0x3  }
0x164: {  	[tilespmem:$0x760] =	vst v53;
	v53 =	vadd.s32 v54, v62;
	v50 =	vand.u32 $0xFFFFFC00, v58;
	v58 =	vand.u32 $0x7F, v48  }
0x165: {  	[tilespmem:$0x940] =	vst v22;
	v22 =	vadd.s32 v1, v45;
	vm7 =	vlt.s32 v48, $0x18680;
	v42 =	vor.u32 v58, v50  }
0x166: {  	[tilespmem:$0x770] =	vst v57;
	v50 =	vld [tilespmem:$0x2D0];
	v58 =	vadd.s32 v54, v56;
	v56 =	vadd.s32 $0xAAD80, v48;
	v57 =	vshll.u32 v49, $0x3  }
0x167: {  	v48 =	vld [tilespmem:$0x2E0];
	[tilespmem:$0x780] =	vst v58;
	v41 =	vsel vm7, v42, v56;
	v59 =	vand.u32 $0x7F, v49;
	v58 =	vand.u32 $0xFFFFFC00, v57  }
0x168: {  	[tilespmem:$0x8F0] =	vst v35;
	v62 =	vadd.s32 $0xAAD80, v49;
	vm8 =	vlt.s32 v49, $0x18680;
	v61 =	vor.u32 v59, v58  }
0x169: {  	[tilespmem:$0xA80] =	vst v0;
	v49 =	vld [tilespmem:$0x2F0];
	v0 =	vadd.s32 v1, v41;
	v58 =	vadd.s32 v54, v63;
	v47 =	vsel vm8, v61, v62  }
0x16a: {  	[tilespmem:$0x900] =	vst v23;
	v61 =	vadd.s32 v1, v43;
	v62 =	vadd.s32 v1, v36;
	v43 =	vadd.s32 v1, v27  }
0x16b: {  	[tilespmem:$0x740] =	vst v52;
	v52 =	vshll.u32 v50, $0x3;
	v57 =	vand.u32 $0x7F, v50;
	v63 =	vadd.s32 $0xAAD80, v50  }
0x16c: {  	[tilespmem:$0x7C0] =	vst v55;
	vm9 =	vlt.s32 v50, $0x18680;
	v55 =	vand.u32 $0x7F, v48;
	vm10 =	vlt.s32 v48, $0x18680  }
0x16d: {  	[tilespmem:$0x810] =	vst v61;
	v61 =	vadd.s32 v1, v39;
	v39 =	vadd.s32 $0xAAD80, v40;
	v25 =	vadd.s32 v1, v47  }
0x16e: {  	[tilespmem:$0x7D0] =	vst v58;
	v56 =	vand.u32 $0xFFFFFC00, v52;
	v52 =	vshll.u32 v48, $0x3;
	v58 =	vshll.u32 v49, $0x3  }
0x16f: {  	[tilespmem:$0x950] =	vst v19;
	v60 =	vand.u32 $0x7F, v49;
	vm11 =	vlt.s32 v49, $0x18680;
	v59 =	vor.u32 v57, v56  }
0x170: {  	[tilespmem:$0x7B0] =	vst v53;
	v53 =	vand.u32 $0xFFFFFC00, v52;
	v57 =	vadd.s32 $0xAAD80, v48;
	v42 =	vand.u32 $0xFFFFFC00, v58  }
0x171: {  	[tilespmem:$0x840] =	vst v61;
	v61 =	vld [tilespmem:$0x330];
	v48 =	vadd.s32 $0xAAD80, v49;
	v58 =	vand.u32 $0x7F, v40;
	v36 =	vsel vm9, v59, v63  }
0x172: {  	[tilespmem:$0x820] =	vst v62;
	v56 =	vor.u32 v55, v53;
	v62 =	vor.u32 v60, v42;
	v63 =	vadd.s32 v1, v38  }
0x173: {  	[tilespmem:$0x970] =	vst v16;
	v59 =	vld [tilespmem:$0x300];
	v42 =	vadd.s32 v1, v34;
	v33 =	vsel vm10, v56, v57;
	v56 =	vshll.u32 v40, $0x3  }
0x174: {  	[tilespmem:$0x980] =	vst v14;
	v27 =	vsel vm11, v62, v48;
	v62 =	vadd.s32 v1, v30;
	v37 =	vand.u32 $0xFFFFFC00, v56  }
0x175: {  	v38 =	vld [tilespmem:$0x370];
	[tilespmem:$0x850] =	vst v63;
	v63 =	vadd.s32 v1, v31;
	v60 =	vor.u32 v58, v37;
	v37 =	vadd.s32 v1, v20  }
0x176: {  	[tilespmem:$0x9B0] =	vst v15;
	v57 =	vld [tilespmem:$0x320];
	v50 =	vshll.u32 v61, $0x3;
	v58 =	vadd.s32 v1, v21;
	vm15 =	vlt.s32 v61, $0x18680  }
0x177: {  	v20 =	vsel vm13, v60, v39;
	v30 =	vand.u32 $0xFFFFFC00, v50;
	[tilespmem:$0x910] =	vst v37;
	v37 =	vadd.s32 v1, v18  }
0x178: {  	[tilespmem:$0x9C0] =	vst v13;
	v39 =	vadd.s32 v1, v17;
	v49 =	vshll.u32 v59, $0x3;
	v52 =	vand.u32 $0x7F, v59  }
0x179: {  	[tilespmem:$0x9D0] =	vst v12;
	v56 =	vld [tilespmem:$0x350];
	v55 =	vadd.s32 $0xAAD80, v59;
	vm12 =	vlt.s32 v59, $0x18680;
	v59 =	vadd.s32 v1, v32  }
0x17a: {  	[tilespmem:$0x960] =	vst v58;
	v58 =	vadd.s32 $0xAAD80, v38;
	vm7 =	vlt.s32 v38, $0x18680;
	v51 =	vand.u32 $0xFFFFFC00, v49  }
0x17b: {  	[tilespmem:$0x8A0] =	vst v43;
	v40 =	vshll.u32 v57, $0x3;
	v43 =	vand.u32 $0x7F, v57;
	v49 =	vadd.s32 $0xAAD80, v57  }
0x17c: {  	v21 =	vld [tilespmem:$0x3B0];
	[tilespmem:$0x8B0] =	vst v59;
	vm14 =	vlt.s32 v57, $0x18680;
	v57 =	vadd.s32 v1, v26;
	v59 =	vadd.s32 $0xAAD80, v61  }
0x17d: {  	[tilespmem:$0x880] =	vst v42;
	v26 =	vadd.s32 v1, v36;
	v53 =	vor.u32 v52, v51;
	v42 =	vand.u32 $0xFFFFFC00, v40  }
0x17e: {  	[tilespmem:$0x9E0] =	vst v11;
	v17 =	vld [tilespmem:$0x3A0];
	v52 =	vand.u32 $0x7F, v61;
	v35 =	vand.u32 $0x7F, v56;
	v40 =	vadd.s32 $0xAAD80, v56  }
0x17f: {  	[tilespmem:$0x9F0] =	vst v10;
	vm5 =	vlt.s32 v56, $0x18680;
	v28 =	vsel vm12, v53, v55;
	v48 =	vor.u32 v43, v42  }
0x180: {  	[tilespmem:$0xA00] =	vst v9;
	v32 =	vld [tilespmem:$0x360];
	v53 =	vadd.s32 v1, v24;
	v55 =	vor.u32 v52, v30;
	v30 =	vshll.u32 v56, $0x3  }
0x181: {  	[tilespmem:$0x990] =	vst v37;
	v24 =	vadd.s32 v1, v46;
	v37 =	vand.u32 $0x7F, v21;
	v45 =	vadd.s32 $0xAAD80, v21  }
0x182: {  	[tilespmem:$0xA10] =	vst v8;
	vm11 =	vlt.s32 v21, $0x18680;
	v23 =	vsel vm14, v48, v49;
	v19 =	vsel vm15, v55, v59  }
0x183: {  	[tilespmem:$0x9A0] =	vst v39;
	v39 =	vld [tilespmem:$0x3D0];
	v34 =	vand.u32 $0xFFFFFC00, v30;
	v55 =	vand.u32 $0x7F, v38;
	v30 =	vshll.u32 v17, $0x3  }
0x184: {  	[tilespmem:$0xA20] =	vst v7;
	vm10 =	vlt.s32 v17, $0x18680;
	v41 =	vadd.s32 v1, v28;
	v16 =	vor.u32 v35, v34  }
0x185: {  	[tilespmem:$0xA30] =	vst v6;
	v36 =	vld [tilespmem:$0x3C0];
	v42 =	vshll.u32 v32, $0x3;
	v48 =	vand.u32 $0x7F, v32;
	v50 =	vadd.s32 $0xAAD80, v32  }
0x186: {  	[tilespmem:$0xA40] =	vst v4;
	v51 =	vld [tilespmem:$0x340];
	vm6 =	vlt.s32 v32, $0x18680;
	v31 =	vand.u32 $0xFFFFFC00, v30;
	v32 =	vand.u32 $0x7F, v17  }
0x187: {  	[tilespmem:$0xA50] =	vst v3;
	v34 =	vadd.s32 $0xAAD80, v17;
	v35 =	vshll.u32 v21, $0x3;
	v44 =	vadd.s32 v1, v19  }
0x188: {  	[tilespmem:$0x930] =	vst v57;
	v57 =	vld [tilespmem:$0x390];
	vm13 =	vlt.s32 v39, $0x18680;
	v9 =	vadd.s32 $0xAAD80, v39;
	v13 =	vsel vm5, v16, v40  }
0x189: {  	[tilespmem:$0xAB0] =	vst v0;
	v43 =	vand.u32 $0xFFFFFC00, v42;
	v0 =	vor.u32 v32, v31;
	v8 =	vand.u32 $0xFFFFFC00, v35  }
0x18a: {  	[tilespmem:$0xA60] =	vst v2;
	v40 =	vadd.s32 v1, v27;
	v42 =	vadd.s32 v1, v20;
	v46 =	vshll.u32 v36, $0x3  }
0x18b: {  	[tilespmem:$0xA90] =	vst v22;
	v47 =	vand.u32 $0x7F, v36;
	vm12 =	vlt.s32 v36, $0x18680;
	v60 =	vshll.u32 v51, $0x3  }
0x18c: {  	[tilespmem:$0x8C0] =	vst v62;
	v52 =	vld [tilespmem:$0x380];
	v62 =	vand.u32 $0x7F, v51;
	v29 =	vadd.s32 $0xAAD80, v51;
	vm4 =	vlt.s32 v51, $0x18680  }
0x18d: {  	[tilespmem:$0xAC0] =	vst v25;
	v49 =	vor.u32 v48, v43;
	v51 =	vshll.u32 v38, $0x3;
	v15 =	vshll.u32 v57, $0x3  }
0x18e: {  	[tilespmem:$0x8D0] =	vst v63;
	v18 =	vand.u32 $0x7F, v57;
	vm9 =	vlt.s32 v57, $0x18680;
	v0 =	vsel vm10, v0, v34  }
0x18f: {  	[tilespmem:$0xAD0] =	vst v26;
	v38 =	vadd.s32 v1, v33;
	v8 =	vor.u32 v37, v8;
	v43 =	vadd.s32 v1, v23  }
0x190: {  	[tilespmem:$0x920] =	vst v53;
	v4 =	vand.u32 $0xFFFFFC00, v46;
	v48 =	vadd.s32 $0xAAD80, v36;
	v61 =	vand.u32 $0xFFFFFC00, v60  }
0x191: {  	[tilespmem:$0xAA0] =	vst v24;
	v53 =	vand.u32 $0xFFFFFC00, v51;
	v56 =	vsel vm6, v49, v50;
	v59 =	vshll.u32 v52, $0x3  }
0x192: {  	[tilespmem:$0xB00] =	vst v41;
	v14 =	vadd.s32 $0xAAD80, v52;
	vm8 =	vlt.s32 v52, $0x18680;
	v3 =	vand.u32 $0xFFFFFC00, v15  }
0x193: {  	[tilespmem:$0xB30] =	vst v44;
	v8 =	vsel vm11, v8, v45;
	v4 =	vor.u32 v47, v4;
	v49 =	vshll.u32 v39, $0x3  }
0x194: {  	[tilespmem:$0xAF0] =	vst v40;
	v51 =	vand.u32 $0x7F, v39;
	v0 =	vadd.s32 v1, v0;
	v63 =	vor.u32 v62, v61  }
0x195: {  	[tilespmem:$0xB10] =	vst v42;
	v11 =	vor.u32 v55, v53;
	v61 =	vand.u32 $0xFFFFFC00, v59;
	v62 =	vand.u32 $0x7F, v52  }
0x196: {  	[tilespmem:$0xAE0] =	vst v38;
	v50 =	vld [tilespmem:$0x3E0];
	v3 =	vor.u32 v18, v3;
	v4 =	vsel vm12, v4, v48;
	v52 =	vadd.s32 v1, v13  }
0x197: {  	[tilespmem:$0xB20] =	vst v43;
	v56 =	vadd.s32 v1, v56;
	v5 =	vsel vm4, v63, v29;
	v60 =	vsel vm7, v11, v58  }
0x198: {  	v55 =	vld [tilespmem:$0x3F0];
	[tilespmem:$0xBA0] =	vst v0;
	v63 =	vor.u32 v62, v61;
	v29 =	vadd.s32 $0xAAD80, v57;
	v11 =	vand.u32 $0xFFFFFC00, v49  }
0x199: {  	[tilespmem:$0xB50] =	vst v52;
	v2 =	vsel vm8, v63, v14;
	v3 =	vsel vm9, v3, v29;
	v53 =	vor.u32 v51, v11  }
0x19a: {  	[tilespmem:$0xB60] =	vst v56;
	v5 =	vadd.s32 v1, v5;
	v6 =	vadd.s32 v1, v60;
	v57 =	vsel vm13, v53, v9  }
0x19b: {  	[tilespmem:$0xB40] =	vst v5;
	v2 =	vadd.s32 v1, v2;
	v3 =	vadd.s32 v1, v3;
	v58 =	vshll.u32 v50, $0x3  }
0x19c: {  	[tilespmem:$0xB80] =	vst v2;
	v2 =	vadd.s32 v1, v8;
	v59 =	vand.u32 $0x7F, v50;
	v60 =	vadd.s32 $0xAAD80, v50  }
0x19d: {  	[tilespmem:$0xB70] =	vst v6;
	vm14 =	vlt.s32 v50, $0x18680;
	v6 =	vand.u32 $0xFFFFFC00, v58;
	v61 =	vshll.u32 v55, $0x3  }
0x19e: {  	[tilespmem:$0xB90] =	vst v3;
	v62 =	vand.u32 $0x7F, v55;
	vm15 =	vlt.s32 v55, $0x18680;
	v3 =	vor.u32 v59, v6  }
0x19f: {  	[tilespmem:$0xBB0] =	vst v2;
	v0 =	vand.u32 $0xFFFFFC00, v61;
	v2 =	vsel vm14, v3, v60;
	v3 =	vadd.s32 v1, v4  }
0x1a0: {  	s10 =	rddreg [dreg:$0x7];
	v63 =	vadd.s32 $0xAAD80, v55;
	v0 =	vor.u32 v62, v0;
	[tilespmem:$0xBC0] =	vst v3;
	v3 =	vadd.s32 v1, v57  }
0x1a1: {  	s8 =	rddreg [dreg:$0x8];
	v0 =	vsel vm15, v0, v63;
	v2 =	vadd.s32 v1, v2;
	[tilespmem:$0xBD0] =	vst v3  }
0x1a2: {  	s9 =	rddreg [dreg:$0x9];
	[tilespmem:$0xBE0] =	vst v2;
	v0 =	vadd.s32 v1, v0  }
0x1a3: {  	s2 =	rddreg [dreg:$0xa];
	[tilespmem:$0xBF0] =	vst v0  }
0x1a4: {  	[tilespmem:s7], [sflag:$0x1] =	stream.indirect.gather [hbm4b:s1+s6], $0x1, s10, s6, $0xb8;
	[tilespmem:$0x1400] =	vst v63  }
0x1a5: {  	s10 =	rddreg [dreg:$0xd]  }
0x1a6: {  	[tilespmem:s9], [sflag:$0x1] =	stream.indirect.gather [hbm4b:s1+s6], $0x1, s8, s6, $0xb8;
	[tilespmem:$0x1400] =	vst v63  }
0x1a7: {  	s8 =	rddreg [dreg:$0xb]  }
0x1a8: {  	[tilespmem:s8], [sflag:$0x1] =	stream.indirect.gather [hbm4b:s1+s6], $0x1, s2, s6, $0xb8;
	[tilespmem:$0x1400] =	vst v63  }
0x1a9: {  	s9 =	rddreg [dreg:$0xc]  }
0x1aa: {  	[tilespmem:s10], [sflag:$0x1] =	stream.indirect.gather [hbm4b:s1+s6], $0x1, s9, s6, $0xb8;
	[tilespmem:$0x1400] =	vst v63  }
0x1ab: {  	s8 =	rddreg [dreg:$0xe];
	s10 =	simm.s32 $0xE00  }
0x1ac: {  	[tilespmem:s10], [sflag:$0x1] =	stream.indirect.gather [hbm4b:s1+s6], $0x1, s8, s6, $0xb8;
	[tilespmem:$0x1400] =	vst v63  }
0x1ad: {  	s9 =	simm.s32 $0x680;
	s10 =	simm.s32 $0xE80  }
0x1ae: {  	[tilespmem:s10], [sflag:$0x1] =	stream.indirect.gather [hbm4b:s1+s6], $0x1, s9, s6, $0xb8;
	[tilespmem:$0x1400] =	vst v63  }
0x1af: {  	_ = 	snop  }
0x1b0: {  	[tilespmem:s12], [sflag:$0x1] =	stream.indirect.gather [hbm4b:s1+s6], $0x1, s11, s6, $0xb8;
	[tilespmem:$0x1400] =	vst v63  }
0x1b1: {  	_ = 	snop  }
0x1b2: {  	[tilespmem:s14], [sflag:$0x1] =	stream.indirect.gather [hbm4b:s1+s6], $0x1, s13, s6, $0xb8;
	[tilespmem:$0x1400] =	vst v63  }
0x1b3: {  	_ = 	snop  }
0x1b4: {  	[tilespmem:s16], [sflag:$0x1] =	stream.indirect.gather [hbm4b:s1+s6], $0x1, s15, s6, $0xb8;
	[tilespmem:$0x1400] =	vst v63  }
0x1b5: {  	_ = 	snop  }
0x1b6: {  	[tilespmem:s18], [sflag:$0x1] =	stream.indirect.gather [hbm4b:s1+s6], $0x1, s17, s6, $0xb8;
	[tilespmem:$0x1400] =	vst v63  }
0x1b7: {  	_ = 	snop  }
0x1b8: {  	[tilespmem:s20], [sflag:$0x1] =	stream.indirect.gather [hbm4b:s1+s6], $0x1, s19, s6, $0xb8;
	[tilespmem:$0x1400] =	vst v63  }
0x1b9: {  	_ = 	snop  }
0x1ba: {  	[tilespmem:s22], [sflag:$0x1] =	stream.indirect.gather [hbm4b:s1+s6], $0x1, s21, s6, $0xb8;
	[tilespmem:$0x1400] =	vst v63  }
0x1bb: {  	_ = 	snop  }
0x1bc: {  	[tilespmem:s24], [sflag:$0x1] =	stream.indirect.gather [hbm4b:s1+s6], $0x1, s23, s6, $0xb8;
	[tilespmem:$0x1400] =	vst v63  }
0x1bd: {  	_ = 	snop  }
0x1be: {  	[tilespmem:s26], [sflag:$0x1] =	stream.indirect.gather [hbm4b:s1+s6], $0x1, s25, s6, $0xb8;
	[tilespmem:$0x1400] =	vst v63  }
0x1bf: {  	_ = 	snop  }
0x1c0: {  	[tilespmem:s29], [sflag:$0x1] =	stream.indirect.gather [hbm4b:s1+s6], $0x1, s28, s6, $0xb8;
	[tilespmem:$0x1400] =	vst v63  }
0x1c1: {  	_ = 	snop  }
0x1c2: {  	[tilespmem:s31], [sflag:$0x1] =	stream.indirect.gather [hbm4b:s1+s6], $0x1, s30, s6, $0xb8;
	[tilespmem:$0x1400] =	vst v63  }
0x1c3: {  	_ =	swait.ge [sflag:s0], $0x80  }
0x1c4: {  	[sflag:s0] =	ssyncset.done $0x0  }
0x1c5: {  	[sflag:s0] =	ssyncadd.s32 $0xFFFFFF80  }
0x1c6: {  	_ =	swait.ge [sflag:s0], $0x80  }
0x1c7: {  	[sflag:s0] =	ssyncset.done $0x0  }
0x1c8: {  	[sflag:s0] =	ssyncadd.s32 $0xFFFFFF80  }
0x1c9: {  	_ =	swait.ge [sflag:s0], $0x80  }
0x1ca: {  	[sflag:s0] =	ssyncset.done $0x0  }
0x1cb: {  	[sflag:s0] =	ssyncadd.s32 $0xFFFFFF80  }
0x1cc: {  	_ =	swait.ge [sflag:s0], $0x80  }
0x1cd: {  	[sflag:s0] =	ssyncset.done $0x0  }
0x1ce: {  	[sflag:s0] =	ssyncadd.s32 $0xFFFFFF80  }
0x1cf: {  	_ =	swait.ge [sflag:s0], $0x80  }
0x1d0: {  	[sflag:s0] =	ssyncset.done $0x0  }
0x1d1: {  	[sflag:s0] =	ssyncadd.s32 $0xFFFFFF80  }
0x1d2: {  	_ =	swait.ge [sflag:s0], $0x80  }
0x1d3: {  	[sflag:s0] =	ssyncset.done $0x0  }
0x1d4: {  	[sflag:s0] =	ssyncadd.s32 $0xFFFFFF80  }
0x1d5: {  	_ =	swait.ge [sflag:s0], $0x80  }
0x1d6: {  	[sflag:s0] =	ssyncset.done $0x0  }
0x1d7: {  	[sflag:s0] =	ssyncadd.s32 $0xFFFFFF80  }
0x1d8: {  	_ =	swait.ge [sflag:s0], $0x80  }
0x1d9: {  	[sflag:s0] =	ssyncset.done $0x0  }
0x1da: {  	[sflag:s0] =	ssyncadd.s32 $0xFFFFFF80  }
0x1db: {  	_ =	swait.ge [sflag:s0], $0x80  }
0x1dc: {  	[sflag:s0] =	ssyncset.done $0x0  }
0x1dd: {  	[sflag:s0] =	ssyncadd.s32 $0xFFFFFF80  }
0x1de: {  	_ =	swait.ge [sflag:s0], $0x80  }
0x1df: {  	[sflag:s0] =	ssyncset.done $0x0  }
0x1e0: {  	[sflag:s0] =	ssyncadd.s32 $0xFFFFFF80  }
0x1e1: {  	_ =	swait.ge [sflag:s0], $0x80  }
0x1e2: {  	[sflag:s0] =	ssyncset.done $0x0  }
0x1e3: {  	[sflag:s0] =	ssyncadd.s32 $0xFFFFFF80  }
0x1e4: {  	_ =	swait.ge [sflag:s0], $0x80  }
0x1e5: {  	[sflag:s0] =	ssyncset.done $0x0  }
0x1e6: {  	[sflag:s0] =	ssyncadd.s32 $0xFFFFFF80  }
0x1e7: {  	_ =	swait.ge [sflag:s0], $0x80  }
0x1e8: {  	[sflag:s0] =	ssyncset.done $0x0  }
0x1e9: {  	[sflag:s0] =	ssyncadd.s32 $0xFFFFFF80  }
0x1ea: {  	_ =	swait.ge [sflag:s0], $0x80  }
0x1eb: {  	[sflag:s0] =	ssyncset.done $0x0  }
0x1ec: {  	[sflag:s0] =	ssyncadd.s32 $0xFFFFFF80  }
0x1ed: {  	_ =	swait.ge [sflag:s0], $0x80  }
0x1ee: {  	[sflag:s0] =	ssyncset.done $0x0  }
0x1ef: {  	[sflag:s0] =	ssyncadd.s32 $0xFFFFFF80  }
0x1f0: {  	_ =	swait.ge [sflag:s0], $0x80  }
0x1f1: {  	[sflag:s0] =	ssyncset.done $0x0  }
0x1f2: {  	s9 =	rddreg [dreg:$0x5];
	[sflag:s0] =	ssyncadd.s32 $0xFFFFFF80  }
0x1f3: {  	[hbm4b:s9+s3] =	stream.linear.scatter [tilespmem:s7], [sflag:$0x2], $0x400, $0x38;
	[tilespmem:$0x1400] =	vst v63  }
0x1f4: {  	_ =	swait.ge [sflag:s5], $0x400  }
0x1f5: {  	p0 =	sne.s32 s4, $0x1;
	[sflag:s5] =	ssyncset.done $0x0  }
.Ltmp0:
0x1f6: {  	s10 =	rddreg [dreg:$0x6];
	[sflag:s5] =	ssyncadd.s32 $0xFFFFFC00;
	(pc) =	sbr.rel @p0 .LBB2_1-.Ltmp0, $4  }
0x1f7: {  	[hbm4b:s10+s3] =	stream.linear.scatter [tilespmem:s16], [sflag:$0x2], $0x400, $0x38;
	[tilespmem:$0x1400] =	vst v63  }
0x1f8: {  	_ =	swait.ge [sflag:s5], $0x400  }
0x1f9: {  	[sflag:s5] =	ssyncset.done $0x0  }
0x1fa: {  	s4 =	sadd.s32 $0xFFFFFFFF, s4;
	[sflag:s5] =	ssyncadd.s32 $0xFFFFFC00  }
0x1fb: {  	_ =	sfence.sel $0x180000  }
0x1fc: {  	[bflag:$0x0] =	sbarrier.arrive $0xFFFF  }
0x1fd: {  	_ =	strace $0x90000047  }
0x1fe: {  	s0 =	stileid.u32;
	[bflag:$0x2] =	sbarrier.arrive $0xFFFF  }
0x1ff: {  	p0 =	sne.s32 s0, $0x0;
	s0 =	rddreg [dreg:$0x3]  }
0x200: {  	s0 =	sadd.s32 @!p0 $0x100000, s0  }
0x201: {  	[sflag:s0] =	ssyncadd.tile.s32 @!p0 $0x1;
	_ =	shalt  }
.Lfunc_end2:
_tile_overlayer_lowered:
.L_overlay_start_2:
0x202: {  	(tag) =	ssettag $0x2  }
0x203: {  	s0 =	rddreg [dreg:$0x0];
	s2 =	stileid.u32  }
0x204: {  	s1 =	rddreg [dreg:$0x1];
	p0 =	sne.s32 s2, $0x0  }
0x205: {  	s3 =	rddreg [dreg:$0x2];
	[bflag:$0x3] =	sbarrier.arrive $0xFFFF;
	s2 =	simm.s32 @!p0 $0x1C02  }
0x206: {  	[timem:s3], [sflag:s2] =	dma.local @!p0 [hbm:s0], s1  }
0x207: {  	s0 =	simm.s32 @!p0 $0x2  }
0x208: {  	_ =	swait.ge @!p0 [sflag:s0], s1  }
0x209: {  	s1 =	ssub.s32 @!p0 $0x0, s1;
	[sflag:s0] =	ssyncset.done @!p0 $0x0  }
0x20a: {  	[sflag:s0] =	ssyncadd.s32 @!p0 s1  }
0x20b: {  	[bflag:$0x3] =	sbarrier.arrive $0xFFFF  }
0x20c: {  	_ =	shalt  }

</sc_bundles>
